<compile_context>
chip_gen: v7x
topology: tpu7x:2x2x1
jax: 0.10.2.dev20260603
libtpu: 0.0.44.dev20260713+nightly
codegen_flags: <defaults>
</compile_context>

<pallas_src>
import functools

import jax
import jax.numpy as jnp
from jax import lax
from jax.experimental import pallas as pl
from jax.experimental.pallas import tpu as pltpu
from jax.experimental.pallas import tpu_sc as plsc

N_CLASS = 1000
BATCH = 16384
NC, NS = 2, 16
NW = NC * NS
NBT = BATCH // 128
BTW = NBT // NW
NCT = N_CLASS // 8
CCT = 2
NFULL = NCT // CCT
ZROW = BTW * 8
OROW = 2 * BTW


@functools.partial(
    pl.kernel,
    out_type=jax.ShapeDtypeStruct((N_CLASS, 2 * NBT, 128), jnp.float32),
    mesh=plsc.VectorSubcoreMesh(core_axis_name="c", subcore_axis_name="s"),
    scratch_types=[
        pltpu.VMEM((CCT, ZROW, 128), jnp.int32),
        pltpu.VMEM((CCT, ZROW, 128), jnp.int32),
        pltpu.VMEM((CCT * 8, OROW, 128), jnp.float32),
        pltpu.VMEM((CCT * 8, OROW, 128), jnp.float32),
        pltpu.VMEM((2 * N_CLASS,), jnp.float32),
        pltpu.VMEM((2 * N_CLASS,), jnp.float32),
        pltpu.SemaphoreType.DMA,
        pltpu.SemaphoreType.DMA,
        pltpu.SemaphoreType.DMA,
        pltpu.SemaphoreType.DMA,
    ],
)
def _zy_sc(z_hbm, u_hbm, v_hbm, out_hbm,
           z_v0, z_v1, out_v0, out_v1, u_v, v_v,
           zsem0, zsem1, osem0, osem1):
    wid = lax.axis_index("c") * NS + lax.axis_index("s")
    bt0 = wid * BTW

    pltpu.sync_copy(u_hbm, u_v)
    pltpu.sync_copy(v_hbm, v_v)

    zbufs = (z_v0, z_v1)
    obufs = (out_v0, out_v1)
    zsems = (zsem0, zsem1)
    osems = (osem0, osem1)

    def zslice(g):
        return z_hbm.at[pl.ds(CCT * g, CCT), pl.ds(bt0 * 8, ZROW)]

    def oslice(g):
        return out_hbm.at[pl.ds(8 * CCT * g, 8 * CCT), pl.ds(2 * bt0, OROW)]

    def group(ct, zv_ct, ov8):
        useg = u_v[pl.ds(16 * ct, 16)]
        vseg = v_v[pl.ds(16 * ct, 16)]

        @plsc.parallel_loop(0, 8 * BTW, 1)
        def body(i):
            s = i >> 2
            bt = i & 3
            lane = jnp.full((16,), 2 * s, dtype=jnp.int32)
            bu0 = jnp.take_along_axis(useg, lane, 0)
            bv0 = jnp.take_along_axis(vseg, lane, 0)
            bu1 = jnp.take_along_axis(useg, lane + 1, 0)
            bv1 = jnp.take_along_axis(vseg, lane + 1, 0)
            for v in range(8):
                zf = zv_ct[bt * 8 + s, pl.ds(16 * v, 16)].astype(jnp.float32)
                ov8[s, 2 * bt, pl.ds(16 * v, 16)] = zf * bu0 + bv0
                ov8[s, 2 * bt + 1, pl.ds(16 * v, 16)] = zf * bu1 + bv1

    def step(i, g, b):
        zv, ov = zbufs[b], obufs[b]
        zs, os = zsems[b], osems[b]
        pltpu.make_async_copy(zslice(g), zv, zs).wait()

        @pl.when(i > 0)
        def _():
            pltpu.make_async_copy(ov, oslice(g - 2), os).wait()

        for c in range(CCT):
            group(CCT * g + c, zv.at[c], ov.at[pl.ds(8 * c, 8)])
        pltpu.async_copy(ov, oslice(g), os)

        @pl.when(g + 2 < NFULL)
        def _():
            pltpu.async_copy(zslice(g + 2), zv, zs)

    pltpu.async_copy(zslice(0), z_v0, zsem0)
    pltpu.async_copy(zslice(1), z_v1, zsem1)

    def pair(i, _):
        step(i, 2 * i, 0)
        step(i, 2 * i + 1, 1)
        return 0

    lax.fori_loop(0, NFULL // 2, pair, 0)

    tz = z_hbm.at[pl.ds(NCT - 1, 1), pl.ds(bt0 * 8, ZROW)]
    to = out_hbm.at[pl.ds(8 * (NCT - 1), 8), pl.ds(2 * bt0, OROW)]
    pltpu.async_copy(tz, z_v0.at[pl.ds(0, 1)], zsem0)
    pltpu.make_async_copy(tz, z_v0.at[pl.ds(0, 1)], zsem0).wait()
    pltpu.make_async_copy(out_v0, oslice(NFULL - 2), osem0).wait()
    group(jnp.int32(NCT - 1), z_v0.at[0], out_v0.at[pl.ds(0, 8)])
    pltpu.async_copy(out_v0.at[pl.ds(0, 8)], to, osem0)

    pltpu.make_async_copy(out_v1, oslice(NFULL - 1), osem1).wait()
    pltpu.make_async_copy(out_v0.at[pl.ds(0, 8)], to, osem0).wait()


def kernel(z, phi, mask):
    pf = phi.reshape(-1)
    a = mask[1, 0] - mask[0, 0] - mask[1, 1] + mask[0, 1]
    b = mask[1, 1] - mask[0, 1]
    c = mask[0, 0] - mask[0, 1]
    d = mask[0, 1]
    u = a * pf + b
    v = c * pf + d
    z3 = (
        z.T.astype(jnp.int32)
        .reshape(NCT, 8, NBT, 128)
        .transpose(0, 2, 1, 3)
        .reshape(NCT, 8 * NBT, 128)
    )
    out3 = _zy_sc(z3, u, v)
    return (
        out3.reshape(N_CLASS, NBT, 2, 128)
        .transpose(1, 3, 0, 2)
        .reshape(BATCH, N_CLASS, 2)
    )

# --- scband reference (transcript-rebuilt; emitter-appended) ---
"""Pipeline reference for scband-z-y-66133906424468 (READ-ONLY COPY).

The authoritative reference and input builder live on the scoring server;
editing this copy changes nothing except your own understanding.
"""

import jax, jax.numpy as jnp
import numpy as np

N_CLASS = 1000
BATCH = 16384
INIT1, INIT2 = 1.0, 0.0
NA_INIT1, NA_INIT2 = 1.0, 0.0


def setup_inputs(seed: int = 0) -> dict:
    key = jax.random.key(seed)
    # z: binary indicator per (example, class), values in {0,1} index mask_z rows
    z = jax.random.randint(key, (BATCH, N_CLASS), 0, 2)
    # phi embedding weight [n_class, 2], frozen init per module __init__
    temp = np.tile(np.asarray([INIT1, INIT2], dtype=np.float32).reshape(1, 2), (N_CLASS, 1))
    temp[0, 0] = NA_INIT1
    temp[0, 1] = NA_INIT2
    phi = jnp.asarray(temp)
    # mask_z embedding weight [2, 2], frozen
    mask = jnp.asarray([[0.0, 1.0], [1.0, 0.0]], dtype=jnp.float32)
    return {"z": z, "phi": phi, "mask": mask}


def reference(z, phi, mask):
    z_y = phi                                  # [n_class, 2]
    _z_y = 1.0 - z_y                           # [n_class, 2]
    z_y_ = jnp.concatenate([z_y, _z_y], axis=1).reshape(-1, 2, 2)  # [n_class, 2, 2]
    # embedding lookup: mask_z(z) -> [B, n_class, 2]; unsqueeze(2) -> [B, n_class, 1, 2]
    musk = jnp.take(mask, z, axis=0)[..., None, :]
    # batched matmul [B, n_class, 1, 2] x [n_class, 2, 2] -> [B, n_class, 1, 2]
    out = jnp.matmul(musk, z_y_)
    return jnp.squeeze(out, axis=2)            # [B, n_class, 2]

if __name__ == "__main__":
    import jax
    _d = setup_inputs()
    print(jax.jit(kernel)(*tuple(_d.values())))

</pallas_src>

<mosaic_0001>
#map = affine_map<(d0, d1) -> (0, 0, 0)>
#map1 = affine_map<(d0, d1) -> (0)>
module attributes {stable_mosaic.version = 14 : i64} {
  func.func @_zy_sc(%arg0: i32, %arg1: i32, %arg2: memref<125x1024x128xi32, #tpu.memory_space<hbm>>, %arg3: memref<2000xf32, #tpu.memory_space<hbm>>, %arg4: memref<2000xf32, #tpu.memory_space<hbm>>, %arg5: memref<1000x256x128xf32, #tpu.memory_space<hbm>>, %arg6: memref<2x32x128xi32, #tpu.memory_space<vmem>>, %arg7: memref<2x32x128xi32, #tpu.memory_space<vmem>>, %arg8: memref<16x8x128xf32, #tpu.memory_space<vmem>>, %arg9: memref<16x8x128xf32, #tpu.memory_space<vmem>>, %arg10: memref<2000xf32, #tpu.memory_space<vmem>>, %arg11: memref<2000xf32, #tpu.memory_space<vmem>>, %arg12: memref<!tpu.dma_semaphore, #tpu.memory_space<semaphore_mem>>, %arg13: memref<!tpu.dma_semaphore, #tpu.memory_space<semaphore_mem>>, %arg14: memref<!tpu.dma_semaphore, #tpu.memory_space<semaphore_mem>>, %arg15: memref<!tpu.dma_semaphore, #tpu.memory_space<semaphore_mem>>) attributes {dimension_semantics = [#tpu.dimension_semantics<core_parallel>, #tpu.dimension_semantics<subcore_parallel>], iteration_bounds = array<i64: 2, 16>, scalar_prefetch = 0 : i64, scratch_operands = 10 : i64, tpu.core_type = #tpu.core_type<sc_vector_subcore>, window_params = [{transform_indices = #map}, {transform_indices = #map1}, {transform_indices = #map1}, {transform_indices = #map}]} {
    %mul3A = arith.constant 16 : i32
    %mul3A_0 = arith.muli %arg0, %mul3A : i32
    %add3A = arith.addi %mul3A_0, %arg1 : i32
    %mul3A_1 = arith.constant 4 : i32
    %mul3A_2 = arith.muli %add3A, %mul3A_1 : i32
    "tpu.region"() ({
      %run_scoped3A = tpu.sem_alloc : memref<!tpu.dma_semaphore, #tpu.memory_space<semaphore_mem>>
      tpu.enqueue_dma source(%arg3 : memref<2000xf32, #tpu.memory_space<hbm>>) target(%arg10 : memref<2000xf32, #tpu.memory_space<vmem>>) target_semaphore(%run_scoped3A : memref<!tpu.dma_semaphore, #tpu.memory_space<semaphore_mem>>)
      tpu.wait_dma2 semaphore(%run_scoped3A : memref<!tpu.dma_semaphore, #tpu.memory_space<semaphore_mem>>) src(%arg3 : memref<2000xf32, #tpu.memory_space<hbm>>) dst(%arg10 : memref<2000xf32, #tpu.memory_space<vmem>>)
      tpu.yield
    }) : () -> ()
    "tpu.region"() ({
      %run_scoped3A = tpu.sem_alloc : memref<!tpu.dma_semaphore, #tpu.memory_space<semaphore_mem>>
      tpu.enqueue_dma source(%arg4 : memref<2000xf32, #tpu.memory_space<hbm>>) target(%arg11 : memref<2000xf32, #tpu.memory_space<vmem>>) target_semaphore(%run_scoped3A : memref<!tpu.dma_semaphore, #tpu.memory_space<semaphore_mem>>)
      tpu.wait_dma2 semaphore(%run_scoped3A : memref<!tpu.dma_semaphore, #tpu.memory_space<semaphore_mem>>) src(%arg4 : memref<2000xf32, #tpu.memory_space<hbm>>) dst(%arg11 : memref<2000xf32, #tpu.memory_space<vmem>>)
      tpu.yield
    }) : () -> ()
    %mul3A_3 = arith.constant 8 : i32
    %mul3A_4 = arith.muli %mul3A_2, %mul3A_3 : i32
    %dma_start3A = arith.constant 0 : i32
    %dma_start3A_5 = arith.constant 0 : i32
    %dma_start3A_6 = tpu.memref_slice %arg2[%dma_start3A, %mul3A_4, %dma_start3A_5] : memref<125x1024x128xi32, #tpu.memory_space<hbm>> -> memref<2x32x128xi32, #tpu.memory_space<hbm>>
    %dma_start3A_7 = arith.constant 0 : i32
    %dma_start3A_8 = arith.constant 0 : i32
    %dma_start3A_9 = tpu.memref_slice %arg2[%dma_start3A_7, %mul3A_4, %dma_start3A_8] : memref<125x1024x128xi32, #tpu.memory_space<hbm>> -> memref<2x32x128xi32, #tpu.memory_space<hbm>>
    tpu.enqueue_dma source(%dma_start3A_9 : memref<2x32x128xi32, #tpu.memory_space<hbm>>) target(%arg6 : memref<2x32x128xi32, #tpu.memory_space<vmem>>) target_semaphore(%arg12 : memref<!tpu.dma_semaphore, #tpu.memory_space<semaphore_mem>>)
    %mul3A_10 = arith.constant 8 : i32
    %mul3A_11 = arith.muli %mul3A_2, %mul3A_10 : i32
    %dma_start3A_12 = arith.constant 2 : i32
    %dma_start3A_13 = arith.constant 0 : i32
    %dma_start3A_14 = tpu.memref_slice %arg2[%dma_start3A_12, %mul3A_11, %dma_start3A_13] : memref<125x1024x128xi32, #tpu.memory_space<hbm>> -> memref<2x32x128xi32, #tpu.memory_space<hbm>>
    %dma_start3A_15 = arith.constant 2 : i32
    %dma_start3A_16 = arith.constant 0 : i32
    %dma_start3A_17 = tpu.memref_slice %arg2[%dma_start3A_15, %mul3A_11, %dma_start3A_16] : memref<125x1024x128xi32, #tpu.memory_space<hbm>> -> memref<2x32x128xi32, #tpu.memory_space<hbm>>
    tpu.enqueue_dma source(%dma_start3A_17 : memref<2x32x128xi32, #tpu.memory_space<hbm>>) target(%arg7 : memref<2x32x128xi32, #tpu.memory_space<vmem>>) target_semaphore(%arg13 : memref<!tpu.dma_semaphore, #tpu.memory_space<semaphore_mem>>)
    %scan3A = arith.constant 0 : i32
    %scan3A_18 = arith.constant 0 : i32
    %scan3A_19 = arith.constant 31 : i32
    %scan3A_20 = arith.addi %scan3A_18, %scan3A_19 : i32
    %scan3A_21 = arith.constant 1 : i32
    %scan3A_22 = scf.for %scan3A_113 = %scan3A_18 to %scan3A_20 step %scan3A_21 iter_args(%scan3A_114 = %scan3A) -> (i32)  : i32 {
      %mul3A_115 = arith.constant 2 : i32
      %mul3A_116 = arith.muli %mul3A_115, %scan3A_113 : i32
      %mul3A_117 = arith.constant 2 : i32
      %mul3A_118 = arith.muli %mul3A_117, %mul3A_116 : i32
      %mul3A_119 = arith.constant 8 : i32
      %mul3A_120 = arith.muli %mul3A_2, %mul3A_119 : i32
      %dma_wait3A_121 = arith.constant 0 : i32
      %dma_wait3A_122 = tpu.memref_slice %arg2[%mul3A_118, %mul3A_120, %dma_wait3A_121] : memref<125x1024x128xi32, #tpu.memory_space<hbm>> -> memref<2x32x128xi32, #tpu.memory_space<hbm>>
      %dma_wait3A_123 = arith.constant 0 : i32
      %dma_wait3A_124 = tpu.memref_slice %arg2[%mul3A_118, %mul3A_120, %dma_wait3A_123] : memref<125x1024x128xi32, #tpu.memory_space<hbm>> -> memref<2x32x128xi32, #tpu.memory_space<hbm>>
      tpu.wait_dma2 semaphore(%arg12 : memref<!tpu.dma_semaphore, #tpu.memory_space<semaphore_mem>>) src(%dma_wait3A_124 : memref<2x32x128xi32, #tpu.memory_space<hbm>>) dst(%arg6 : memref<2x32x128xi32, #tpu.memory_space<vmem>>)
      %gt3A = arith.constant 0 : i32
      %gt3A_125 = arith.cmpi sgt, %scan3A_113, %gt3A : i32
      %convert_element_type3A = arith.extui %gt3A_125 : i1 to i32
      %cond3A = arith.constant 0 : i32
      %cond3A_126 = arith.cmpi ne, %convert_element_type3A, %cond3A : i32
      scf.if %cond3A_126 {
        %sub3A = arith.constant 2 : i32
        %sub3A_246 = arith.subi %mul3A_116, %sub3A : i32
        %mul3A_247 = arith.constant 16 : i32
        %mul3A_248 = arith.muli %mul3A_247, %sub3A_246 : i32
        %mul3A_249 = arith.constant 2 : i32
        %mul3A_250 = arith.muli %mul3A_249, %mul3A_2 : i32
        %dma_wait3A_251 = arith.constant 0 : i32
        %dma_wait3A_252 = tpu.memref_slice %arg5[%mul3A_248, %mul3A_250, %dma_wait3A_251] : memref<1000x256x128xf32, #tpu.memory_space<hbm>> -> memref<16x8x128xf32, #tpu.memory_space<hbm>>
        %dma_wait3A_253 = arith.constant 0 : i32
        %dma_wait3A_254 = tpu.memref_slice %arg5[%mul3A_248, %mul3A_250, %dma_wait3A_253] : memref<1000x256x128xf32, #tpu.memory_space<hbm>> -> memref<16x8x128xf32, #tpu.memory_space<hbm>>
        tpu.wait_dma2 semaphore(%arg14 : memref<!tpu.dma_semaphore, #tpu.memory_space<semaphore_mem>>) src(%arg8 : memref<16x8x128xf32, #tpu.memory_space<vmem>>) dst(%dma_wait3A_254 : memref<16x8x128xf32, #tpu.memory_space<hbm>>)
      } else {
      }
      %mul3A_127 = arith.constant 2 : i32
      %mul3A_128 = arith.muli %mul3A_127, %mul3A_116 : i32
      %add3A_129 = arith.constant 0 : i32
      %add3A_130 = arith.addi %mul3A_128, %add3A_129 : i32
      %mul3A_131 = arith.constant 16 : i32
      %mul3A_132 = arith.muli %mul3A_131, %add3A_130 : i32
      %get3A_133 = arith.index_cast %mul3A_132 : i32 to index
      %get3A_134 = tpu.vector_load %arg10[%get3A_133] {strides = array<i32>} : memref<2000xf32, #tpu.memory_space<vmem>>, vector<16xf32>,
      %get3A_135 = vector.shape_cast %get3A_134 : vector<16xf32> to vector<16xf32>
      %mul3A_136 = arith.constant 16 : i32
      %mul3A_137 = arith.muli %mul3A_136, %add3A_130 : i32
      %get3A_138 = arith.index_cast %mul3A_137 : i32 to index
      %get3A_139 = tpu.vector_load %arg11[%get3A_138] {strides = array<i32>} : memref<2000xf32, #tpu.memory_space<vmem>>, vector<16xf32>,
      %get3A_140 = vector.shape_cast %get3A_139 : vector<16xf32> to vector<16xf32>
      %parallel_loop3A_141 = arith.constant 0 : i32
      %parallel_loop3A_142 = arith.constant 32 : i32
      %parallel_loop3A_143 = arith.constant 1 : i32
      %parallel_loop3A_144 = arith.constant 0 : i32
      scf.for %parallel_loop3A_246 = %parallel_loop3A_141 to %parallel_loop3A_142 step %parallel_loop3A_143  : i32 {
        %parallel_loop3A_247 = arith.constant 2 : i32
        %parallel_loop3A_248 = arith.shrsi %parallel_loop3A_246, %parallel_loop3A_247 : i32
        %parallel_loop3A_249 = arith.constant 3 : i32
        %parallel_loop3A_250 = arith.andi %parallel_loop3A_246, %parallel_loop3A_249 : i32
        %parallel_loop3A_251 = arith.constant 2 : i32
        %parallel_loop3A_252 = arith.muli %parallel_loop3A_251, %parallel_loop3A_248 : i32
        %parallel_loop3A_253 = vector.broadcast %parallel_loop3A_252 : i32 to vector<16xi32>
        %parallel_loop3A_254 = arith.constant 0 : i32
        %parallel_loop3A_255 = vector.broadcast %parallel_loop3A_254 : i32 to vector<16xi32>
        %parallel_loop3A_256 = arith.cmpi slt, %parallel_loop3A_253, %parallel_loop3A_255 : vector<16xi32>
        %parallel_loop3A_257 = arith.constant 16 : i32
        %parallel_loop3A_258 = vector.broadcast %parallel_loop3A_257 : i32 to vector<16xi32>
        %parallel_loop3A_259 = arith.addi %parallel_loop3A_253, %parallel_loop3A_258 : vector<16xi32>
        %parallel_loop3A_260 = arith.select %parallel_loop3A_256, %parallel_loop3A_259, %parallel_loop3A_253 : vector<16xi1>, vector<16xi32>
        %parallel_loop3A_261 = vector.shape_cast %parallel_loop3A_260 : vector<16xi32> to vector<16x1xi32>
        %parallel_loop3A_262 = vector.shape_cast %parallel_loop3A_261 : vector<16x1xi32> to vector<16xi32>
        %parallel_loop3A_263 = tpu.dynamic_gather %get3A_135[%parallel_loop3A_262] in [0] : vector<16xf32>, vector<16xi32> -> vector<16xf32>
        %parallel_loop3A_264 = arith.constant 0 : i32
        %parallel_loop3A_265 = vector.broadcast %parallel_loop3A_264 : i32 to vector<16xi32>
        %parallel_loop3A_266 = arith.cmpi slt, %parallel_loop3A_253, %parallel_loop3A_265 : vector<16xi32>
        %parallel_loop3A_267 = arith.constant 16 : i32
        %parallel_loop3A_268 = vector.broadcast %parallel_loop3A_267 : i32 to vector<16xi32>
        %parallel_loop3A_269 = arith.addi %parallel_loop3A_253, %parallel_loop3A_268 : vector<16xi32>
        %parallel_loop3A_270 = arith.select %parallel_loop3A_266, %parallel_loop3A_269, %parallel_loop3A_253 : vector<16xi1>, vector<16xi32>
        %parallel_loop3A_271 = vector.shape_cast %parallel_loop3A_270 : vector<16xi32> to vector<16x1xi32>
        %parallel_loop3A_272 = vector.shape_cast %parallel_loop3A_271 : vector<16x1xi32> to vector<16xi32>
        %parallel_loop3A_273 = tpu.dynamic_gather %get3A_140[%parallel_loop3A_272] in [0] : vector<16xf32>, vector<16xi32> -> vector<16xf32>
        %parallel_loop3A_274 = arith.constant 1 : i32
        %parallel_loop3A_275 = vector.broadcast %parallel_loop3A_274 : i32 to vector<16xi32>
        %parallel_loop3A_276 = arith.addi %parallel_loop3A_253, %parallel_loop3A_275 : vector<16xi32>
        %parallel_loop3A_277 = arith.constant 0 : i32
        %parallel_loop3A_278 = vector.broadcast %parallel_loop3A_277 : i32 to vector<16xi32>
        %parallel_loop3A_279 = arith.cmpi slt, %parallel_loop3A_276, %parallel_loop3A_278 : vector<16xi32>
        %parallel_loop3A_280 = arith.constant 16 : i32
        %parallel_loop3A_281 = vector.broadcast %parallel_loop3A_280 : i32 to vector<16xi32>
        %parallel_loop3A_282 = arith.addi %parallel_loop3A_276, %parallel_loop3A_281 : vector<16xi32>
        %parallel_loop3A_283 = arith.select %parallel_loop3A_279, %parallel_loop3A_282, %parallel_loop3A_276 : vector<16xi1>, vector<16xi32>
        %parallel_loop3A_284 = vector.shape_cast %parallel_loop3A_283 : vector<16xi32> to vector<16x1xi32>
        %parallel_loop3A_285 = vector.shape_cast %parallel_loop3A_284 : vector<16x1xi32> to vector<16xi32>
        %parallel_loop3A_286 = tpu.dynamic_gather %get3A_135[%parallel_loop3A_285] in [0] : vector<16xf32>, vector<16xi32> -> vector<16xf32>
        %parallel_loop3A_287 = arith.constant 1 : i32
        %parallel_loop3A_288 = vector.broadcast %parallel_loop3A_287 : i32 to vector<16xi32>
        %parallel_loop3A_289 = arith.addi %parallel_loop3A_253, %parallel_loop3A_288 : vector<16xi32>
        %parallel_loop3A_290 = arith.constant 0 : i32
        %parallel_loop3A_291 = vector.broadcast %parallel_loop3A_290 : i32 to vector<16xi32>
        %parallel_loop3A_292 = arith.cmpi slt, %parallel_loop3A_289, %parallel_loop3A_291 : vector<16xi32>
        %parallel_loop3A_293 = arith.constant 16 : i32
        %parallel_loop3A_294 = vector.broadcast %parallel_loop3A_293 : i32 to vector<16xi32>
        %parallel_loop3A_295 = arith.addi %parallel_loop3A_289, %parallel_loop3A_294 : vector<16xi32>
        %parallel_loop3A_296 = arith.select %parallel_loop3A_292, %parallel_loop3A_295, %parallel_loop3A_289 : vector<16xi1>, vector<16xi32>
        %parallel_loop3A_297 = vector.shape_cast %parallel_loop3A_296 : vector<16xi32> to vector<16x1xi32>
        %parallel_loop3A_298 = vector.shape_cast %parallel_loop3A_297 : vector<16x1xi32> to vector<16xi32>
        %parallel_loop3A_299 = tpu.dynamic_gather %get3A_140[%parallel_loop3A_298] in [0] : vector<16xf32>, vector<16xi32> -> vector<16xf32>
        %parallel_loop3A_300 = arith.constant 8 : i32
        %parallel_loop3A_301 = arith.muli %parallel_loop3A_250, %parallel_loop3A_300 : i32
        %parallel_loop3A_302 = arith.addi %parallel_loop3A_301, %parallel_loop3A_248 : i32
        %parallel_loop3A_303 = arith.constant 0 : i32
        %parallel_loop3A_304 = arith.constant 0 : i32
        %parallel_loop3A_305 = tpu.memref_slice %arg6[%parallel_loop3A_144, %parallel_loop3A_303, %parallel_loop3A_304] : memref<2x32x128xi32, #tpu.memory_space<vmem>> -> memref<1x32x128xi32, #tpu.memory_space<vmem>>
        %parallel_loop3A_306 = tpu.memref_squeeze %parallel_loop3A_305 : memref<1x32x128xi32, #tpu.memory_space<vmem>> -> memref<32x128xi32, #tpu.memory_space<vmem>>
        %parallel_loop3A_307 = arith.index_cast %parallel_loop3A_302 : i32 to index
        %parallel_loop3A_308 = arith.constant 0 : index
        %parallel_loop3A_309 = tpu.vector_load %parallel_loop3A_306[%parallel_loop3A_307, %parallel_loop3A_308] {strides = array<i32>} : memref<32x128xi32, #tpu.memory_space<vmem>>, vector<1x16xi32>,
        %parallel_loop3A_310 = vector.shape_cast %parallel_loop3A_309 : vector<1x16xi32> to vector<16xi32>
        %parallel_loop3A_311 = arith.sitofp %parallel_loop3A_310 : vector<16xi32> to vector<16xf32>
        %parallel_loop3A_312 = arith.mulf %parallel_loop3A_311, %parallel_loop3A_263 : vector<16xf32>
        %parallel_loop3A_313 = arith.addf %parallel_loop3A_312, %parallel_loop3A_273 : vector<16xf32>
        %parallel_loop3A_314 = arith.constant 2 : i32
        %parallel_loop3A_315 = arith.muli %parallel_loop3A_314, %parallel_loop3A_250 : i32
        %parallel_loop3A_316 = arith.constant 0 : i32
        %parallel_loop3A_317 = arith.constant 0 : i32
        %parallel_loop3A_318 = arith.constant 0 : i32
        %parallel_loop3A_319 = tpu.memref_slice %arg8[%parallel_loop3A_316, %parallel_loop3A_317, %parallel_loop3A_318] : memref<16x8x128xf32, #tpu.memory_space<vmem>> -> memref<8x8x128xf32, #tpu.memory_space<vmem>>
        %parallel_loop3A_320 = arith.index_cast %parallel_loop3A_248 : i32 to index
        %parallel_loop3A_321 = arith.index_cast %parallel_loop3A_315 : i32 to index
        %parallel_loop3A_322 = arith.constant 0 : index
        %parallel_loop3A_323 = tpu.vector_load %parallel_loop3A_319[%parallel_loop3A_320, %parallel_loop3A_321, %parallel_loop3A_322] {strides = array<i32>} : memref<8x8x128xf32, #tpu.memory_space<vmem>>, vector<1x1x16xf32>,
        %parallel_loop3A_324 = vector.shape_cast %parallel_loop3A_323 : vector<1x1x16xf32> to vector<16xf32>
        %parallel_loop3A_325 = vector.shape_cast %parallel_loop3A_313 : vector<16xf32> to vector<1x1x16xf32>
        tpu.vector_store %parallel_loop3A_319[%parallel_loop3A_320, %parallel_loop3A_321, %parallel_loop3A_322], %parallel_loop3A_325 {strides = array<i32>} : memref<8x8x128xf32, #tpu.memory_space<vmem>>, vector<1x1x16xf32>,
        %parallel_loop3A_326 = arith.mulf %parallel_loop3A_311, %parallel_loop3A_286 : vector<16xf32>
        %parallel_loop3A_327 = arith.addf %parallel_loop3A_326, %parallel_loop3A_299 : vector<16xf32>
        %parallel_loop3A_328 = arith.constant 2 : i32
        %parallel_loop3A_329 = arith.muli %parallel_loop3A_328, %parallel_loop3A_250 : i32
        %parallel_loop3A_330 = arith.constant 1 : i32
        %parallel_loop3A_331 = arith.addi %parallel_loop3A_329, %parallel_loop3A_330 : i32
        %parallel_loop3A_332 = arith.constant 0 : i32
        %parallel_loop3A_333 = arith.constant 0 : i32
        %parallel_loop3A_334 = arith.constant 0 : i32
        %parallel_loop3A_335 = tpu.memref_slice %arg8[%parallel_loop3A_332, %parallel_loop3A_333, %parallel_loop3A_334] : memref<16x8x128xf32, #tpu.memory_space<vmem>> -> memref<8x8x128xf32, #tpu.memory_space<vmem>>
        %parallel_loop3A_336 = arith.index_cast %parallel_loop3A_248 : i32 to index
        %parallel_loop3A_337 = arith.index_cast %parallel_loop3A_331 : i32 to index
        %parallel_loop3A_338 = arith.constant 0 : index
        %parallel_loop3A_339 = tpu.vector_load %parallel_loop3A_335[%parallel_loop3A_336, %parallel_loop3A_337, %parallel_loop3A_338] {strides = array<i32>} : memref<8x8x128xf32, #tpu.memory_space<vmem>>, vector<1x1x16xf32>,
        %parallel_loop3A_340 = vector.shape_cast %parallel_loop3A_339 : vector<1x1x16xf32> to vector<16xf32>
        %parallel_loop3A_341 = vector.shape_cast %parallel_loop3A_327 : vector<16xf32> to vector<1x1x16xf32>
        tpu.vector_store %parallel_loop3A_335[%parallel_loop3A_336, %parallel_loop3A_337, %parallel_loop3A_338], %parallel_loop3A_341 {strides = array<i32>} : memref<8x8x128xf32, #tpu.memory_space<vmem>>, vector<1x1x16xf32>,
        %parallel_loop3A_342 = arith.constant 8 : i32
        %parallel_loop3A_343 = arith.muli %parallel_loop3A_250, %parallel_loop3A_342 : i32
        %parallel_loop3A_344 = arith.addi %parallel_loop3A_343, %parallel_loop3A_248 : i32
        %parallel_loop3A_345 = arith.constant 0 : i32
        %parallel_loop3A_346 = arith.constant 0 : i32
        %parallel_loop3A_347 = tpu.memref_slice %arg6[%parallel_loop3A_144, %parallel_loop3A_345, %parallel_loop3A_346] : memref<2x32x128xi32, #tpu.memory_space<vmem>> -> memref<1x32x128xi32, #tpu.memory_space<vmem>>
        %parallel_loop3A_348 = tpu.memref_squeeze %parallel_loop3A_347 : memref<1x32x128xi32, #tpu.memory_space<vmem>> -> memref<32x128xi32, #tpu.memory_space<vmem>>
        %parallel_loop3A_349 = arith.index_cast %parallel_loop3A_344 : i32 to index
        %parallel_loop3A_350 = arith.constant 16 : index
        %parallel_loop3A_351 = tpu.vector_load %parallel_loop3A_348[%parallel_loop3A_349, %parallel_loop3A_350] {strides = array<i32>} : memref<32x128xi32, #tpu.memory_space<vmem>>, vector<1x16xi32>,
        %parallel_loop3A_352 = vector.shape_cast %parallel_loop3A_351 : vector<1x16xi32> to vector<16xi32>
        %parallel_loop3A_353 = arith.sitofp %parallel_loop3A_352 : vector<16xi32> to vector<16xf32>
        %parallel_loop3A_354 = arith.mulf %parallel_loop3A_353, %parallel_loop3A_263 : vector<16xf32>
        %parallel_loop3A_355 = arith.addf %parallel_loop3A_354, %parallel_loop3A_273 : vector<16xf32>
        %parallel_loop3A_356 = arith.constant 2 : i32
        %parallel_loop3A_357 = arith.muli %parallel_loop3A_356, %parallel_loop3A_250 : i32
        %parallel_loop3A_358 = arith.constant 0 : i32
        %parallel_loop3A_359 = arith.constant 0 : i32
        %parallel_loop3A_360 = arith.constant 0 : i32
        %parallel_loop3A_361 = tpu.memref_slice %arg8[%parallel_loop3A_358, %parallel_loop3A_359, %parallel_loop3A_360] : memref<16x8x128xf32, #tpu.memory_space<vmem>> -> memref<8x8x128xf32, #tpu.memory_space<vmem>>
        %parallel_loop3A_362 = arith.index_cast %parallel_loop3A_248 : i32 to index
        %parallel_loop3A_363 = arith.index_cast %parallel_loop3A_357 : i32 to index
        %parallel_loop3A_364 = arith.constant 16 : index
        %parallel_loop3A_365 = tpu.vector_load %parallel_loop3A_361[%parallel_loop3A_362, %parallel_loop3A_363, %parallel_loop3A_364] {strides = array<i32>} : memref<8x8x128xf32, #tpu.memory_space<vmem>>, vector<1x1x16xf32>,
        %parallel_loop3A_366 = vector.shape_cast %parallel_loop3A_365 : vector<1x1x16xf32> to vector<16xf32>
        %parallel_loop3A_367 = vector.shape_cast %parallel_loop3A_355 : vector<16xf32> to vector<1x1x16xf32>
        tpu.vector_store %parallel_loop3A_361[%parallel_loop3A_362, %parallel_loop3A_363, %parallel_loop3A_364], %parallel_loop3A_367 {strides = array<i32>} : memref<8x8x128xf32, #tpu.memory_space<vmem>>, vector<1x1x16xf32>,
        %parallel_loop3A_368 = arith.mulf %parallel_loop3A_353, %parallel_loop3A_286 : vector<16xf32>
        %parallel_loop3A_369 = arith.addf %parallel_loop3A_368, %parallel_loop3A_299 : vector<16xf32>
        %parallel_loop3A_370 = arith.constant 2 : i32
        %parallel_loop3A_371 = arith.muli %parallel_loop3A_370, %parallel_loop3A_250 : i32
        %parallel_loop3A_372 = arith.constant 1 : i32
        %parallel_loop3A_373 = arith.addi %parallel_loop3A_371, %parallel_loop3A_372 : i32
        %parallel_loop3A_374 = arith.constant 0 : i32
        %parallel_loop3A_375 = arith.constant 0 : i32
        %parallel_loop3A_376 = arith.constant 0 : i32
        %parallel_loop3A_377 = tpu.memref_slice %arg8[%parallel_loop3A_374, %parallel_loop3A_375, %parallel_loop3A_376] : memref<16x8x128xf32, #tpu.memory_space<vmem>> -> memref<8x8x128xf32, #tpu.memory_space<vmem>>
        %parallel_loop3A_378 = arith.index_cast %parallel_loop3A_248 : i32 to index
        %parallel_loop3A_379 = arith.index_cast %parallel_loop3A_373 : i32 to index
        %parallel_loop3A_380 = arith.constant 16 : index
        %parallel_loop3A_381 = tpu.vector_load %parallel_loop3A_377[%parallel_loop3A_378, %parallel_loop3A_379, %parallel_loop3A_380] {strides = array<i32>} : memref<8x8x128xf32, #tpu.memory_space<vmem>>, vector<1x1x16xf32>,
        %parallel_loop3A_382 = vector.shape_cast %parallel_loop3A_381 : vector<1x1x16xf32> to vector<16xf32>
        %parallel_loop3A_383 = vector.shape_cast %parallel_loop3A_369 : vector<16xf32> to vector<1x1x16xf32>
        tpu.vector_store %parallel_loop3A_377[%parallel_loop3A_378, %parallel_loop3A_379, %parallel_loop3A_380], %parallel_loop3A_383 {strides = array<i32>} : memref<8x8x128xf32, #tpu.memory_space<vmem>>, vector<1x1x16xf32>,
        %parallel_loop3A_384 = arith.constant 8 : i32
        %parallel_loop3A_385 = arith.muli %parallel_loop3A_250, %parallel_loop3A_384 : i32
        %parallel_loop3A_386 = arith.addi %parallel_loop3A_385, %parallel_loop3A_248 : i32
        %parallel_loop3A_387 = arith.constant 0 : i32
        %parallel_loop3A_388 = arith.constant 0 : i32
        %parallel_loop3A_389 = tpu.memref_slice %arg6[%parallel_loop3A_144, %parallel_loop3A_387, %parallel_loop3A_388] : memref<2x32x128xi32, #tpu.memory_space<vmem>> -> memref<1x32x128xi32, #tpu.memory_space<vmem>>
        %parallel_loop3A_390 = tpu.memref_squeeze %parallel_loop3A_389 : memref<1x32x128xi32, #tpu.memory_space<vmem>> -> memref<32x128xi32, #tpu.memory_space<vmem>>
        %parallel_loop3A_391 = arith.index_cast %parallel_loop3A_386 : i32 to index
        %parallel_loop3A_392 = arith.constant 32 : index
        %parallel_loop3A_393 = tpu.vector_load %parallel_loop3A_390[%parallel_loop3A_391, %parallel_loop3A_392] {strides = array<i32>} : memref<32x128xi32, #tpu.memory_space<vmem>>, vector<1x16xi32>,
        %parallel_loop3A_394 = vector.shape_cast %parallel_loop3A_393 : vector<1x16xi32> to vector<16xi32>
        %parallel_loop3A_395 = arith.sitofp %parallel_loop3A_394 : vector<16xi32> to vector<16xf32>
        %parallel_loop3A_396 = arith.mulf %parallel_loop3A_395, %parallel_loop3A_263 : vector<16xf32>
        %parallel_loop3A_397 = arith.addf %parallel_loop3A_396, %parallel_loop3A_273 : vector<16xf32>
        %parallel_loop3A_398 = arith.constant 2 : i32
        %parallel_loop3A_399 = arith.muli %parallel_loop3A_398, %parallel_loop3A_250 : i32
        %parallel_loop3A_400 = arith.constant 0 : i32
        %parallel_loop3A_401 = arith.constant 0 : i32
        %parallel_loop3A_402 = arith.constant 0 : i32
        %parallel_loop3A_403 = tpu.memref_slice %arg8[%parallel_loop3A_400, %parallel_loop3A_401, %parallel_loop3A_402] : memref<16x8x128xf32, #tpu.memory_space<vmem>> -> memref<8x8x128xf32, #tpu.memory_space<vmem>>
        %parallel_loop3A_404 = arith.index_cast %parallel_loop3A_248 : i32 to index
        %parallel_loop3A_405 = arith.index_cast %parallel_loop3A_399 : i32 to index
        %parallel_loop3A_406 = arith.constant 32 : index
        %parallel_loop3A_407 = tpu.vector_load %parallel_loop3A_403[%parallel_loop3A_404, %parallel_loop3A_405, %parallel_loop3A_406] {strides = array<i32>} : memref<8x8x128xf32, #tpu.memory_space<vmem>>, vector<1x1x16xf32>,
        %parallel_loop3A_408 = vector.shape_cast %parallel_loop3A_407 : vector<1x1x16xf32> to vector<16xf32>
        %parallel_loop3A_409 = vector.shape_cast %parallel_loop3A_397 : vector<16xf32> to vector<1x1x16xf32>
        tpu.vector_store %parallel_loop3A_403[%parallel_loop3A_404, %parallel_loop3A_405, %parallel_loop3A_406], %parallel_loop3A_409 {strides = array<i32>} : memref<8x8x128xf32, #tpu.memory_space<vmem>>, vector<1x1x16xf32>,
        %parallel_loop3A_410 = arith.mulf %parallel_loop3A_395, %parallel_loop3A_286 : vector<16xf32>
        %parallel_loop3A_411 = arith.addf %parallel_loop3A_410, %parallel_loop3A_299 : vector<16xf32>
        %parallel_loop3A_412 = arith.constant 2 : i32
        %parallel_loop3A_413 = arith.muli %parallel_loop3A_412, %parallel_loop3A_250 : i32
        %parallel_loop3A_414 = arith.constant 1 : i32
        %parallel_loop3A_415 = arith.addi %parallel_loop3A_413, %parallel_loop3A_414 : i32
        %parallel_loop3A_416 = arith.constant 0 : i32
        %parallel_loop3A_417 = arith.constant 0 : i32
        %parallel_loop3A_418 = arith.constant 0 : i32
        %parallel_loop3A_419 = tpu.memref_slice %arg8[%parallel_loop3A_416, %parallel_loop3A_417, %parallel_loop3A_418] : memref<16x8x128xf32, #tpu.memory_space<vmem>> -> memref<8x8x128xf32, #tpu.memory_space<vmem>>
        %parallel_loop3A_420 = arith.index_cast %parallel_loop3A_248 : i32 to index
        %parallel_loop3A_421 = arith.index_cast %parallel_loop3A_415 : i32 to index
        %parallel_loop3A_422 = arith.constant 32 : index
        %parallel_loop3A_423 = tpu.vector_load %parallel_loop3A_419[%parallel_loop3A_420, %parallel_loop3A_421, %parallel_loop3A_422] {strides = array<i32>} : memref<8x8x128xf32, #tpu.memory_space<vmem>>, vector<1x1x16xf32>,
        %parallel_loop3A_424 = vector.shape_cast %parallel_loop3A_423 : vector<1x1x16xf32> to vector<16xf32>
        %parallel_loop3A_425 = vector.shape_cast %parallel_loop3A_411 : vector<16xf32> to vector<1x1x16xf32>
        tpu.vector_store %parallel_loop3A_419[%parallel_loop3A_420, %parallel_loop3A_421, %parallel_loop3A_422], %parallel_loop3A_425 {strides = array<i32>} : memref<8x8x128xf32, #tpu.memory_space<vmem>>, vector<1x1x16xf32>,
        %parallel_loop3A_426 = arith.constant 8 : i32
        %parallel_loop3A_427 = arith.muli %parallel_loop3A_250, %parallel_loop3A_426 : i32
        %parallel_loop3A_428 = arith.addi %parallel_loop3A_427, %parallel_loop3A_248 : i32
        %parallel_loop3A_429 = arith.constant 0 : i32
        %parallel_loop3A_430 = arith.constant 0 : i32
        %parallel_loop3A_431 = tpu.memref_slice %arg6[%parallel_loop3A_144, %parallel_loop3A_429, %parallel_loop3A_430] : memref<2x32x128xi32, #tpu.memory_space<vmem>> -> memref<1x32x128xi32, #tpu.memory_space<vmem>>
        %parallel_loop3A_432 = tpu.memref_squeeze %parallel_loop3A_431 : memref<1x32x128xi32, #tpu.memory_space<vmem>> -> memref<32x128xi32, #tpu.memory_space<vmem>>
        %parallel_loop3A_433 = arith.index_cast %parallel_loop3A_428 : i32 to index
        %parallel_loop3A_434 = arith.constant 48 : index
        %parallel_loop3A_435 = tpu.vector_load %parallel_loop3A_432[%parallel_loop3A_433, %parallel_loop3A_434] {strides = array<i32>} : memref<32x128xi32, #tpu.memory_space<vmem>>, vector<1x16xi32>,
        %parallel_loop3A_436 = vector.shape_cast %parallel_loop3A_435 : vector<1x16xi32> to vector<16xi32>
        %parallel_loop3A_437 = arith.sitofp %parallel_loop3A_436 : vector<16xi32> to vector<16xf32>
        %parallel_loop3A_438 = arith.mulf %parallel_loop3A_437, %parallel_loop3A_263 : vector<16xf32>
        %parallel_loop3A_439 = arith.addf %parallel_loop3A_438, %parallel_loop3A_273 : vector<16xf32>
        %parallel_loop3A_440 = arith.constant 2 : i32
        %parallel_loop3A_441 = arith.muli %parallel_loop3A_440, %parallel_loop3A_250 : i32
        %parallel_loop3A_442 = arith.constant 0 : i32
        %parallel_loop3A_443 = arith.constant 0 : i32
        %parallel_loop3A_444 = arith.constant 0 : i32
        %parallel_loop3A_445 = tpu.memref_slice %arg8[%parallel_loop3A_442, %parallel_loop3A_443, %parallel_loop3A_444] : memref<16x8x128xf32, #tpu.memory_space<vmem>> -> memref<8x8x128xf32, #tpu.memory_space<vmem>>
        %parallel_loop3A_446 = arith.index_cast %parallel_loop3A_248 : i32 to index
        %parallel_loop3A_447 = arith.index_cast %parallel_loop3A_441 : i32 to index
        %parallel_loop3A_448 = arith.constant 48 : index
        %parallel_loop3A_449 = tpu.vector_load %parallel_loop3A_445[%parallel_loop3A_446, %parallel_loop3A_447, %parallel_loop3A_448] {strides = array<i32>} : memref<8x8x128xf32, #tpu.memory_space<vmem>>, vector<1x1x16xf32>,
        %parallel_loop3A_450 = vector.shape_cast %parallel_loop3A_449 : vector<1x1x16xf32> to vector<16xf32>
        %parallel_loop3A_451 = vector.shape_cast %parallel_loop3A_439 : vector<16xf32> to vector<1x1x16xf32>
        tpu.vector_store %parallel_loop3A_445[%parallel_loop3A_446, %parallel_loop3A_447, %parallel_loop3A_448], %parallel_loop3A_451 {strides = array<i32>} : memref<8x8x128xf32, #tpu.memory_space<vmem>>, vector<1x1x16xf32>,
        %parallel_loop3A_452 = arith.mulf %parallel_loop3A_437, %parallel_loop3A_286 : vector<16xf32>
        %parallel_loop3A_453 = arith.addf %parallel_loop3A_452, %parallel_loop3A_299 : vector<16xf32>
        %parallel_loop3A_454 = arith.constant 2 : i32
        %parallel_loop3A_455 = arith.muli %parallel_loop3A_454, %parallel_loop3A_250 : i32
        %parallel_loop3A_456 = arith.constant 1 : i32
        %parallel_loop3A_457 = arith.addi %parallel_loop3A_455, %parallel_loop3A_456 : i32
        %parallel_loop3A_458 = arith.constant 0 : i32
        %parallel_loop3A_459 = arith.constant 0 : i32
        %parallel_loop3A_460 = arith.constant 0 : i32
        %parallel_loop3A_461 = tpu.memref_slice %arg8[%parallel_loop3A_458, %parallel_loop3A_459, %parallel_loop3A_460] : memref<16x8x128xf32, #tpu.memory_space<vmem>> -> memref<8x8x128xf32, #tpu.memory_space<vmem>>
        %parallel_loop3A_462 = arith.index_cast %parallel_loop3A_248 : i32 to index
        %parallel_loop3A_463 = arith.index_cast %parallel_loop3A_457 : i32 to index
        %parallel_loop3A_464 = arith.constant 48 : index
        %parallel_loop3A_465 = tpu.vector_load %parallel_loop3A_461[%parallel_loop3A_462, %parallel_loop3A_463, %parallel_loop3A_464] {strides = array<i32>} : memref<8x8x128xf32, #tpu.memory_space<vmem>>, vector<1x1x16xf32>,
        %parallel_loop3A_466 = vector.shape_cast %parallel_loop3A_465 : vector<1x1x16xf32> to vector<16xf32>
        %parallel_loop3A_467 = vector.shape_cast %parallel_loop3A_453 : vector<16xf32> to vector<1x1x16xf32>
        tpu.vector_store %parallel_loop3A_461[%parallel_loop3A_462, %parallel_loop3A_463, %parallel_loop3A_464], %parallel_loop3A_467 {strides = array<i32>} : memref<8x8x128xf32, #tpu.memory_space<vmem>>, vector<1x1x16xf32>,
        %parallel_loop3A_468 = arith.constant 8 : i32
        %parallel_loop3A_469 = arith.muli %parallel_loop3A_250, %parallel_loop3A_468 : i32
        %parallel_loop3A_470 = arith.addi %parallel_loop3A_469, %parallel_loop3A_248 : i32
        %parallel_loop3A_471 = arith.constant 0 : i32
        %parallel_loop3A_472 = arith.constant 0 : i32
        %parallel_loop3A_473 = tpu.memref_slice %arg6[%parallel_loop3A_144, %parallel_loop3A_471, %parallel_loop3A_472] : memref<2x32x128xi32, #tpu.memory_space<vmem>> -> memref<1x32x128xi32, #tpu.memory_space<vmem>>
        %parallel_loop3A_474 = tpu.memref_squeeze %parallel_loop3A_473 : memref<1x32x128xi32, #tpu.memory_space<vmem>> -> memref<32x128xi32, #tpu.memory_space<vmem>>
        %parallel_loop3A_475 = arith.index_cast %parallel_loop3A_470 : i32 to index
        %parallel_loop3A_476 = arith.constant 64 : index
        %parallel_loop3A_477 = tpu.vector_load %parallel_loop3A_474[%parallel_loop3A_475, %parallel_loop3A_476] {strides = array<i32>} : memref<32x128xi32, #tpu.memory_space<vmem>>, vector<1x16xi32>,
        %parallel_loop3A_478 = vector.shape_cast %parallel_loop3A_477 : vector<1x16xi32> to vector<16xi32>
        %parallel_loop3A_479 = arith.sitofp %parallel_loop3A_478 : vector<16xi32> to vector<16xf32>
        %parallel_loop3A_480 = arith.mulf %parallel_loop3A_479, %parallel_loop3A_263 : vector<16xf32>
        %parallel_loop3A_481 = arith.addf %parallel_loop3A_480, %parallel_loop3A_273 : vector<16xf32>
        %parallel_loop3A_482 = arith.constant 2 : i32
        %parallel_loop3A_483 = arith.muli %parallel_loop3A_482, %parallel_loop3A_250 : i32
        %parallel_loop3A_484 = arith.constant 0 : i32
        %parallel_loop3A_485 = arith.constant 0 : i32
        %parallel_loop3A_486 = arith.constant 0 : i32
        %parallel_loop3A_487 = tpu.memref_slice %arg8[%parallel_loop3A_484, %parallel_loop3A_485, %parallel_loop3A_486] : memref<16x8x128xf32, #tpu.memory_space<vmem>> -> memref<8x8x128xf32, #tpu.memory_space<vmem>>
        %parallel_loop3A_488 = arith.index_cast %parallel_loop3A_248 : i32 to index
        %parallel_loop3A_489 = arith.index_cast %parallel_loop3A_483 : i32 to index
        %parallel_loop3A_490 = arith.constant 64 : index
        %parallel_loop3A_491 = tpu.vector_load %parallel_loop3A_487[%parallel_loop3A_488, %parallel_loop3A_489, %parallel_loop3A_490] {strides = array<i32>} : memref<8x8x128xf32, #tpu.memory_space<vmem>>, vector<1x1x16xf32>,
        %parallel_loop3A_492 = vector.shape_cast %parallel_loop3A_491 : vector<1x1x16xf32> to vector<16xf32>
        %parallel_loop3A_493 = vector.shape_cast %parallel_loop3A_481 : vector<16xf32> to vector<1x1x16xf32>
        tpu.vector_store %parallel_loop3A_487[%parallel_loop3A_488, %parallel_loop3A_489, %parallel_loop3A_490], %parallel_loop3A_493 {strides = array<i32>} : memref<8x8x128xf32, #tpu.memory_space<vmem>>, vector<1x1x16xf32>,
        %parallel_loop3A_494 = arith.mulf %parallel_loop3A_479, %parallel_loop3A_286 : vector<16xf32>
        %parallel_loop3A_495 = arith.addf %parallel_loop3A_494, %parallel_loop3A_299 : vector<16xf32>
        %parallel_loop3A_496 = arith.constant 2 : i32
        %parallel_loop3A_497 = arith.muli %parallel_loop3A_496, %parallel_loop3A_250 : i32
        %parallel_loop3A_498 = arith.constant 1 : i32
        %parallel_loop3A_499 = arith.addi %parallel_loop3A_497, %parallel_loop3A_498 : i32
        %parallel_loop3A_500 = arith.constant 0 : i32
        %parallel_loop3A_501 = arith.constant 0 : i32
        %parallel_loop3A_502 = arith.constant 0 : i32
        %parallel_loop3A_503 = tpu.memref_slice %arg8[%parallel_loop3A_500, %parallel_loop3A_501, %parallel_loop3A_502] : memref<16x8x128xf32, #tpu.memory_space<vmem>> -> memref<8x8x128xf32, #tpu.memory_space<vmem>>
        %parallel_loop3A_504 = arith.index_cast %parallel_loop3A_248 : i32 to index
        %parallel_loop3A_505 = arith.index_cast %parallel_loop3A_499 : i32 to index
        %parallel_loop3A_506 = arith.constant 64 : index
        %parallel_loop3A_507 = tpu.vector_load %parallel_loop3A_503[%parallel_loop3A_504, %parallel_loop3A_505, %parallel_loop3A_506] {strides = array<i32>} : memref<8x8x128xf32, #tpu.memory_space<vmem>>, vector<1x1x16xf32>,
        %parallel_loop3A_508 = vector.shape_cast %parallel_loop3A_507 : vector<1x1x16xf32> to vector<16xf32>
        %parallel_loop3A_509 = vector.shape_cast %parallel_loop3A_495 : vector<16xf32> to vector<1x1x16xf32>
        tpu.vector_store %parallel_loop3A_503[%parallel_loop3A_504, %parallel_loop3A_505, %parallel_loop3A_506], %parallel_loop3A_509 {strides = array<i32>} : memref<8x8x128xf32, #tpu.memory_space<vmem>>, vector<1x1x16xf32>,
        %parallel_loop3A_510 = arith.constant 8 : i32
        %parallel_loop3A_511 = arith.muli %parallel_loop3A_250, %parallel_loop3A_510 : i32
        %parallel_loop3A_512 = arith.addi %parallel_loop3A_511, %parallel_loop3A_248 : i32
        %parallel_loop3A_513 = arith.constant 0 : i32
        %parallel_loop3A_514 = arith.constant 0 : i32
        %parallel_loop3A_515 = tpu.memref_slice %arg6[%parallel_loop3A_144, %parallel_loop3A_513, %parallel_loop3A_514] : memref<2x32x128xi32, #tpu.memory_space<vmem>> -> memref<1x32x128xi32, #tpu.memory_space<vmem>>
        %parallel_loop3A_516 = tpu.memref_squeeze %parallel_loop3A_515 : memref<1x32x128xi32, #tpu.memory_space<vmem>> -> memref<32x128xi32, #tpu.memory_space<vmem>>
        %parallel_loop3A_517 = arith.index_cast %parallel_loop3A_512 : i32 to index
        %parallel_loop3A_518 = arith.constant 80 : index
        %parallel_loop3A_519 = tpu.vector_load %parallel_loop3A_516[%parallel_loop3A_517, %parallel_loop3A_518] {strides = array<i32>} : memref<32x128xi32, #tpu.memory_space<vmem>>, vector<1x16xi32>,
        %parallel_loop3A_520 = vector.shape_cast %parallel_loop3A_519 : vector<1x16xi32> to vector<16xi32>
        %parallel_loop3A_521 = arith.sitofp %parallel_loop3A_520 : vector<16xi32> to vector<16xf32>
        %parallel_loop3A_522 = arith.mulf %parallel_loop3A_521, %parallel_loop3A_263 : vector<16xf32>
        %parallel_loop3A_523 = arith.addf %parallel_loop3A_522, %parallel_loop3A_273 : vector<16xf32>
        %parallel_loop3A_524 = arith.constant 2 : i32
        %parallel_loop3A_525 = arith.muli %parallel_loop3A_524, %parallel_loop3A_250 : i32
        %parallel_loop3A_526 = arith.constant 0 : i32
        %parallel_loop3A_527 = arith.constant 0 : i32
        %parallel_loop3A_528 = arith.constant 0 : i32
        %parallel_loop3A_529 = tpu.memref_slice %arg8[%parallel_loop3A_526, %parallel_loop3A_527, %parallel_loop3A_528] : memref<16x8x128xf32, #tpu.memory_space<vmem>> -> memref<8x8x128xf32, #tpu.memory_space<vmem>>
        %parallel_loop3A_530 = arith.index_cast %parallel_loop3A_248 : i32 to index
        %parallel_loop3A_531 = arith.index_cast %parallel_loop3A_525 : i32 to index
        %parallel_loop3A_532 = arith.constant 80 : index
        %parallel_loop3A_533 = tpu.vector_load %parallel_loop3A_529[%parallel_loop3A_530, %parallel_loop3A_531, %parallel_loop3A_532] {strides = array<i32>} : memref<8x8x128xf32, #tpu.memory_space<vmem>>, vector<1x1x16xf32>,
        %parallel_loop3A_534 = vector.shape_cast %parallel_loop3A_533 : vector<1x1x16xf32> to vector<16xf32>
        %parallel_loop3A_535 = vector.shape_cast %parallel_loop3A_523 : vector<16xf32> to vector<1x1x16xf32>
        tpu.vector_store %parallel_loop3A_529[%parallel_loop3A_530, %parallel_loop3A_531, %parallel_loop3A_532], %parallel_loop3A_535 {strides = array<i32>} : memref<8x8x128xf32, #tpu.memory_space<vmem>>, vector<1x1x16xf32>,
        %parallel_loop3A_536 = arith.mulf %parallel_loop3A_521, %parallel_loop3A_286 : vector<16xf32>
        %parallel_loop3A_537 = arith.addf %parallel_loop3A_536, %parallel_loop3A_299 : vector<16xf32>
        %parallel_loop3A_538 = arith.constant 2 : i32
        %parallel_loop3A_539 = arith.muli %parallel_loop3A_538, %parallel_loop3A_250 : i32
        %parallel_loop3A_540 = arith.constant 1 : i32
        %parallel_loop3A_541 = arith.addi %parallel_loop3A_539, %parallel_loop3A_540 : i32
        %parallel_loop3A_542 = arith.constant 0 : i32
        %parallel_loop3A_543 = arith.constant 0 : i32
        %parallel_loop3A_544 = arith.constant 0 : i32
        %parallel_loop3A_545 = tpu.memref_slice %arg8[%parallel_loop3A_542, %parallel_loop3A_543, %parallel_loop3A_544] : memref<16x8x128xf32, #tpu.memory_space<vmem>> -> memref<8x8x128xf32, #tpu.memory_space<vmem>>
        %parallel_loop3A_546 = arith.index_cast %parallel_loop3A_248 : i32 to index
        %parallel_loop3A_547 = arith.index_cast %parallel_loop3A_541 : i32 to index
        %parallel_loop3A_548 = arith.constant 80 : index
        %parallel_loop3A_549 = tpu.vector_load %parallel_loop3A_545[%parallel_loop3A_546, %parallel_loop3A_547, %parallel_loop3A_548] {strides = array<i32>} : memref<8x8x128xf32, #tpu.memory_space<vmem>>, vector<1x1x16xf32>,
        %parallel_loop3A_550 = vector.shape_cast %parallel_loop3A_549 : vector<1x1x16xf32> to vector<16xf32>
        %parallel_loop3A_551 = vector.shape_cast %parallel_loop3A_537 : vector<16xf32> to vector<1x1x16xf32>
        tpu.vector_store %parallel_loop3A_545[%parallel_loop3A_546, %parallel_loop3A_547, %parallel_loop3A_548], %parallel_loop3A_551 {strides = array<i32>} : memref<8x8x128xf32, #tpu.memory_space<vmem>>, vector<1x1x16xf32>,
        %parallel_loop3A_552 = arith.constant 8 : i32
        %parallel_loop3A_553 = arith.muli %parallel_loop3A_250, %parallel_loop3A_552 : i32
        %parallel_loop3A_554 = arith.addi %parallel_loop3A_553, %parallel_loop3A_248 : i32
        %parallel_loop3A_555 = arith.constant 0 : i32
        %parallel_loop3A_556 = arith.constant 0 : i32
        %parallel_loop3A_557 = tpu.memref_slice %arg6[%parallel_loop3A_144, %parallel_loop3A_555, %parallel_loop3A_556] : memref<2x32x128xi32, #tpu.memory_space<vmem>> -> memref<1x32x128xi32, #tpu.memory_space<vmem>>
        %parallel_loop3A_558 = tpu.memref_squeeze %parallel_loop3A_557 : memref<1x32x128xi32, #tpu.memory_space<vmem>> -> memref<32x128xi32, #tpu.memory_space<vmem>>
        %parallel_loop3A_559 = arith.index_cast %parallel_loop3A_554 : i32 to index
        %parallel_loop3A_560 = arith.constant 96 : index
        %parallel_loop3A_561 = tpu.vector_load %parallel_loop3A_558[%parallel_loop3A_559, %parallel_loop3A_560] {strides = array<i32>} : memref<32x128xi32, #tpu.memory_space<vmem>>, vector<1x16xi32>,
        %parallel_loop3A_562 = vector.shape_cast %parallel_loop3A_561 : vector<1x16xi32> to vector<16xi32>
        %parallel_loop3A_563 = arith.sitofp %parallel_loop3A_562 : vector<16xi32> to vector<16xf32>
        %parallel_loop3A_564 = arith.mulf %parallel_loop3A_563, %parallel_loop3A_263 : vector<16xf32>
        %parallel_loop3A_565 = arith.addf %parallel_loop3A_564, %parallel_loop3A_273 : vector<16xf32>
        %parallel_loop3A_566 = arith.constant 2 : i32
        %parallel_loop3A_567 = arith.muli %parallel_loop3A_566, %parallel_loop3A_250 : i32
        %parallel_loop3A_568 = arith.constant 0 : i32
        %parallel_loop3A_569 = arith.constant 0 : i32
        %parallel_loop3A_570 = arith.constant 0 : i32
        %parallel_loop3A_571 = tpu.memref_slice %arg8[%parallel_loop3A_568, %parallel_loop3A_569, %parallel_loop3A_570] : memref<16x8x128xf32, #tpu.memory_space<vmem>> -> memref<8x8x128xf32, #tpu.memory_space<vmem>>
        %parallel_loop3A_572 = arith.index_cast %parallel_loop3A_248 : i32 to index
        %parallel_loop3A_573 = arith.index_cast %parallel_loop3A_567 : i32 to index
        %parallel_loop3A_574 = arith.constant 96 : index
        %parallel_loop3A_575 = tpu.vector_load %parallel_loop3A_571[%parallel_loop3A_572, %parallel_loop3A_573, %parallel_loop3A_574] {strides = array<i32>} : memref<8x8x128xf32, #tpu.memory_space<vmem>>, vector<1x1x16xf32>,
        %parallel_loop3A_576 = vector.shape_cast %parallel_loop3A_575 : vector<1x1x16xf32> to vector<16xf32>
        %parallel_loop3A_577 = vector.shape_cast %parallel_loop3A_565 : vector<16xf32> to vector<1x1x16xf32>
        tpu.vector_store %parallel_loop3A_571[%parallel_loop3A_572, %parallel_loop3A_573, %parallel_loop3A_574], %parallel_loop3A_577 {strides = array<i32>} : memref<8x8x128xf32, #tpu.memory_space<vmem>>, vector<1x1x16xf32>,
        %parallel_loop3A_578 = arith.mulf %parallel_loop3A_563, %parallel_loop3A_286 : vector<16xf32>
        %parallel_loop3A_579 = arith.addf %parallel_loop3A_578, %parallel_loop3A_299 : vector<16xf32>
        %parallel_loop3A_580 = arith.constant 2 : i32
        %parallel_loop3A_581 = arith.muli %parallel_loop3A_580, %parallel_loop3A_250 : i32
        %parallel_loop3A_582 = arith.constant 1 : i32
        %parallel_loop3A_583 = arith.addi %parallel_loop3A_581, %parallel_loop3A_582 : i32
        %parallel_loop3A_584 = arith.constant 0 : i32
        %parallel_loop3A_585 = arith.constant 0 : i32
        %parallel_loop3A_586 = arith.constant 0 : i32
        %parallel_loop3A_587 = tpu.memref_slice %arg8[%parallel_loop3A_584, %parallel_loop3A_585, %parallel_loop3A_586] : memref<16x8x128xf32, #tpu.memory_space<vmem>> -> memref<8x8x128xf32, #tpu.memory_space<vmem>>
        %parallel_loop3A_588 = arith.index_cast %parallel_loop3A_248 : i32 to index
        %parallel_loop3A_589 = arith.index_cast %parallel_loop3A_583 : i32 to index
        %parallel_loop3A_590 = arith.constant 96 : index
        %parallel_loop3A_591 = tpu.vector_load %parallel_loop3A_587[%parallel_loop3A_588, %parallel_loop3A_589, %parallel_loop3A_590] {strides = array<i32>} : memref<8x8x128xf32, #tpu.memory_space<vmem>>, vector<1x1x16xf32>,
        %parallel_loop3A_592 = vector.shape_cast %parallel_loop3A_591 : vector<1x1x16xf32> to vector<16xf32>
        %parallel_loop3A_593 = vector.shape_cast %parallel_loop3A_579 : vector<16xf32> to vector<1x1x16xf32>
        tpu.vector_store %parallel_loop3A_587[%parallel_loop3A_588, %parallel_loop3A_589, %parallel_loop3A_590], %parallel_loop3A_593 {strides = array<i32>} : memref<8x8x128xf32, #tpu.memory_space<vmem>>, vector<1x1x16xf32>,
        %parallel_loop3A_594 = arith.constant 8 : i32
        %parallel_loop3A_595 = arith.muli %parallel_loop3A_250, %parallel_loop3A_594 : i32
        %parallel_loop3A_596 = arith.addi %parallel_loop3A_595, %parallel_loop3A_248 : i32
        %parallel_loop3A_597 = arith.constant 0 : i32
        %parallel_loop3A_598 = arith.constant 0 : i32
        %parallel_loop3A_599 = tpu.memref_slice %arg6[%parallel_loop3A_144, %parallel_loop3A_597, %parallel_loop3A_598] : memref<2x32x128xi32, #tpu.memory_space<vmem>> -> memref<1x32x128xi32, #tpu.memory_space<vmem>>
        %parallel_loop3A_600 = tpu.memref_squeeze %parallel_loop3A_599 : memref<1x32x128xi32, #tpu.memory_space<vmem>> -> memref<32x128xi32, #tpu.memory_space<vmem>>
        %parallel_loop3A_601 = arith.index_cast %parallel_loop3A_596 : i32 to index
        %parallel_loop3A_602 = arith.constant 112 : index
        %parallel_loop3A_603 = tpu.vector_load %parallel_loop3A_600[%parallel_loop3A_601, %parallel_loop3A_602] {strides = array<i32>} : memref<32x128xi32, #tpu.memory_space<vmem>>, vector<1x16xi32>,
        %parallel_loop3A_604 = vector.shape_cast %parallel_loop3A_603 : vector<1x16xi32> to vector<16xi32>
        %parallel_loop3A_605 = arith.sitofp %parallel_loop3A_604 : vector<16xi32> to vector<16xf32>
        %parallel_loop3A_606 = arith.mulf %parallel_loop3A_605, %parallel_loop3A_263 : vector<16xf32>
        %parallel_loop3A_607 = arith.addf %parallel_loop3A_606, %parallel_loop3A_273 : vector<16xf32>
        %parallel_loop3A_608 = arith.constant 2 : i32
        %parallel_loop3A_609 = arith.muli %parallel_loop3A_608, %parallel_loop3A_250 : i32
        %parallel_loop3A_610 = arith.constant 0 : i32
        %parallel_loop3A_611 = arith.constant 0 : i32
        %parallel_loop3A_612 = arith.constant 0 : i32
        %parallel_loop3A_613 = tpu.memref_slice %arg8[%parallel_loop3A_610, %parallel_loop3A_611, %parallel_loop3A_612] : memref<16x8x128xf32, #tpu.memory_space<vmem>> -> memref<8x8x128xf32, #tpu.memory_space<vmem>>
        %parallel_loop3A_614 = arith.index_cast %parallel_loop3A_248 : i32 to index
        %parallel_loop3A_615 = arith.index_cast %parallel_loop3A_609 : i32 to index
        %parallel_loop3A_616 = arith.constant 112 : index
        %parallel_loop3A_617 = tpu.vector_load %parallel_loop3A_613[%parallel_loop3A_614, %parallel_loop3A_615, %parallel_loop3A_616] {strides = array<i32>} : memref<8x8x128xf32, #tpu.memory_space<vmem>>, vector<1x1x16xf32>,
        %parallel_loop3A_618 = vector.shape_cast %parallel_loop3A_617 : vector<1x1x16xf32> to vector<16xf32>
        %parallel_loop3A_619 = vector.shape_cast %parallel_loop3A_607 : vector<16xf32> to vector<1x1x16xf32>
        tpu.vector_store %parallel_loop3A_613[%parallel_loop3A_614, %parallel_loop3A_615, %parallel_loop3A_616], %parallel_loop3A_619 {strides = array<i32>} : memref<8x8x128xf32, #tpu.memory_space<vmem>>, vector<1x1x16xf32>,
        %parallel_loop3A_620 = arith.mulf %parallel_loop3A_605, %parallel_loop3A_286 : vector<16xf32>
        %parallel_loop3A_621 = arith.addf %parallel_loop3A_620, %parallel_loop3A_299 : vector<16xf32>
        %parallel_loop3A_622 = arith.constant 2 : i32
        %parallel_loop3A_623 = arith.muli %parallel_loop3A_622, %parallel_loop3A_250 : i32
        %parallel_loop3A_624 = arith.constant 1 : i32
        %parallel_loop3A_625 = arith.addi %parallel_loop3A_623, %parallel_loop3A_624 : i32
        %parallel_loop3A_626 = arith.constant 0 : i32
        %parallel_loop3A_627 = arith.constant 0 : i32
        %parallel_loop3A_628 = arith.constant 0 : i32
        %parallel_loop3A_629 = tpu.memref_slice %arg8[%parallel_loop3A_626, %parallel_loop3A_627, %parallel_loop3A_628] : memref<16x8x128xf32, #tpu.memory_space<vmem>> -> memref<8x8x128xf32, #tpu.memory_space<vmem>>
        %parallel_loop3A_630 = arith.index_cast %parallel_loop3A_248 : i32 to index
        %parallel_loop3A_631 = arith.index_cast %parallel_loop3A_625 : i32 to index
        %parallel_loop3A_632 = arith.constant 112 : index
        %parallel_loop3A_633 = tpu.vector_load %parallel_loop3A_629[%parallel_loop3A_630, %parallel_loop3A_631, %parallel_loop3A_632] {strides = array<i32>} : memref<8x8x128xf32, #tpu.memory_space<vmem>>, vector<1x1x16xf32>,
        %parallel_loop3A_634 = vector.shape_cast %parallel_loop3A_633 : vector<1x1x16xf32> to vector<16xf32>
        %parallel_loop3A_635 = vector.shape_cast %parallel_loop3A_621 : vector<16xf32> to vector<1x1x16xf32>
        tpu.vector_store %parallel_loop3A_629[%parallel_loop3A_630, %parallel_loop3A_631, %parallel_loop3A_632], %parallel_loop3A_635 {strides = array<i32>} : memref<8x8x128xf32, #tpu.memory_space<vmem>>, vector<1x1x16xf32>,
      } {sc.loop_unroll_factor = 1 : i64, sc.parallel_access}
      %mul3A_145 = arith.constant 2 : i32
      %mul3A_146 = arith.muli %mul3A_145, %mul3A_116 : i32
      %add3A_147 = arith.constant 1 : i32
      %add3A_148 = arith.addi %mul3A_146, %add3A_147 : i32
      %mul3A_149 = arith.constant 16 : i32
      %mul3A_150 = arith.muli %mul3A_149, %add3A_148 : i32
      %get3A_151 = arith.index_cast %mul3A_150 : i32 to index
      %get3A_152 = tpu.vector_load %arg10[%get3A_151] {strides = array<i32>} : memref<2000xf32, #tpu.memory_space<vmem>>, vector<16xf32>,
      %get3A_153 = vector.shape_cast %get3A_152 : vector<16xf32> to vector<16xf32>
      %mul3A_154 = arith.constant 16 : i32
      %mul3A_155 = arith.muli %mul3A_154, %add3A_148 : i32
      %get3A_156 = arith.index_cast %mul3A_155 : i32 to index
      %get3A_157 = tpu.vector_load %arg11[%get3A_156] {strides = array<i32>} : memref<2000xf32, #tpu.memory_space<vmem>>, vector<16xf32>,
      %get3A_158 = vector.shape_cast %get3A_157 : vector<16xf32> to vector<16xf32>
      %parallel_loop3A_159 = arith.constant 0 : i32
      %parallel_loop3A_160 = arith.constant 32 : i32
      %parallel_loop3A_161 = arith.constant 1 : i32
      %parallel_loop3A_162 = arith.constant 1 : i32
      scf.for %parallel_loop3A_246 = %parallel_loop3A_159 to %parallel_loop3A_160 step %parallel_loop3A_161  : i32 {
        %parallel_loop3A_247 = arith.constant 2 : i32
        %parallel_loop3A_248 = arith.shrsi %parallel_loop3A_246, %parallel_loop3A_247 : i32
        %parallel_loop3A_249 = arith.constant 3 : i32
        %parallel_loop3A_250 = arith.andi %parallel_loop3A_246, %parallel_loop3A_249 : i32
        %parallel_loop3A_251 = arith.constant 2 : i32
        %parallel_loop3A_252 = arith.muli %parallel_loop3A_251, %parallel_loop3A_248 : i32
        %parallel_loop3A_253 = vector.broadcast %parallel_loop3A_252 : i32 to vector<16xi32>
        %parallel_loop3A_254 = arith.constant 0 : i32
        %parallel_loop3A_255 = vector.broadcast %parallel_loop3A_254 : i32 to vector<16xi32>
        %parallel_loop3A_256 = arith.cmpi slt, %parallel_loop3A_253, %parallel_loop3A_255 : vector<16xi32>
        %parallel_loop3A_257 = arith.constant 16 : i32
        %parallel_loop3A_258 = vector.broadcast %parallel_loop3A_257 : i32 to vector<16xi32>
        %parallel_loop3A_259 = arith.addi %parallel_loop3A_253, %parallel_loop3A_258 : vector<16xi32>
        %parallel_loop3A_260 = arith.select %parallel_loop3A_256, %parallel_loop3A_259, %parallel_loop3A_253 : vector<16xi1>, vector<16xi32>
        %parallel_loop3A_261 = vector.shape_cast %parallel_loop3A_260 : vector<16xi32> to vector<16x1xi32>
        %parallel_loop3A_262 = vector.shape_cast %parallel_loop3A_261 : vector<16x1xi32> to vector<16xi32>
        %parallel_loop3A_263 = tpu.dynamic_gather %get3A_153[%parallel_loop3A_262] in [0] : vector<16xf32>, vector<16xi32> -> vector<16xf32>
        %parallel_loop3A_264 = arith.constant 0 : i32
        %parallel_loop3A_265 = vector.broadcast %parallel_loop3A_264 : i32 to vector<16xi32>
        %parallel_loop3A_266 = arith.cmpi slt, %parallel_loop3A_253, %parallel_loop3A_265 : vector<16xi32>
        %parallel_loop3A_267 = arith.constant 16 : i32
        %parallel_loop3A_268 = vector.broadcast %parallel_loop3A_267 : i32 to vector<16xi32>
        %parallel_loop3A_269 = arith.addi %parallel_loop3A_253, %parallel_loop3A_268 : vector<16xi32>
        %parallel_loop3A_270 = arith.select %parallel_loop3A_266, %parallel_loop3A_269, %parallel_loop3A_253 : vector<16xi1>, vector<16xi32>
        %parallel_loop3A_271 = vector.shape_cast %parallel_loop3A_270 : vector<16xi32> to vector<16x1xi32>
        %parallel_loop3A_272 = vector.shape_cast %parallel_loop3A_271 : vector<16x1xi32> to vector<16xi32>
        %parallel_loop3A_273 = tpu.dynamic_gather %get3A_158[%parallel_loop3A_272] in [0] : vector<16xf32>, vector<16xi32> -> vector<16xf32>
        %parallel_loop3A_274 = arith.constant 1 : i32
        %parallel_loop3A_275 = vector.broadcast %parallel_loop3A_274 : i32 to vector<16xi32>
        %parallel_loop3A_276 = arith.addi %parallel_loop3A_253, %parallel_loop3A_275 : vector<16xi32>
        %parallel_loop3A_277 = arith.constant 0 : i32
        %parallel_loop3A_278 = vector.broadcast %parallel_loop3A_277 : i32 to vector<16xi32>
        %parallel_loop3A_279 = arith.cmpi slt, %parallel_loop3A_276, %parallel_loop3A_278 : vector<16xi32>
        %parallel_loop3A_280 = arith.constant 16 : i32
        %parallel_loop3A_281 = vector.broadcast %parallel_loop3A_280 : i32 to vector<16xi32>
        %parallel_loop3A_282 = arith.addi %parallel_loop3A_276, %parallel_loop3A_281 : vector<16xi32>
        %parallel_loop3A_283 = arith.select %parallel_loop3A_279, %parallel_loop3A_282, %parallel_loop3A_276 : vector<16xi1>, vector<16xi32>
        %parallel_loop3A_284 = vector.shape_cast %parallel_loop3A_283 : vector<16xi32> to vector<16x1xi32>
        %parallel_loop3A_285 = vector.shape_cast %parallel_loop3A_284 : vector<16x1xi32> to vector<16xi32>
        %parallel_loop3A_286 = tpu.dynamic_gather %get3A_153[%parallel_loop3A_285] in [0] : vector<16xf32>, vector<16xi32> -> vector<16xf32>
        %parallel_loop3A_287 = arith.constant 1 : i32
        %parallel_loop3A_288 = vector.broadcast %parallel_loop3A_287 : i32 to vector<16xi32>
        %parallel_loop3A_289 = arith.addi %parallel_loop3A_253, %parallel_loop3A_288 : vector<16xi32>
        %parallel_loop3A_290 = arith.constant 0 : i32
        %parallel_loop3A_291 = vector.broadcast %parallel_loop3A_290 : i32 to vector<16xi32>
        %parallel_loop3A_292 = arith.cmpi slt, %parallel_loop3A_289, %parallel_loop3A_291 : vector<16xi32>
        %parallel_loop3A_293 = arith.constant 16 : i32
        %parallel_loop3A_294 = vector.broadcast %parallel_loop3A_293 : i32 to vector<16xi32>
        %parallel_loop3A_295 = arith.addi %parallel_loop3A_289, %parallel_loop3A_294 : vector<16xi32>
        %parallel_loop3A_296 = arith.select %parallel_loop3A_292, %parallel_loop3A_295, %parallel_loop3A_289 : vector<16xi1>, vector<16xi32>
        %parallel_loop3A_297 = vector.shape_cast %parallel_loop3A_296 : vector<16xi32> to vector<16x1xi32>
        %parallel_loop3A_298 = vector.shape_cast %parallel_loop3A_297 : vector<16x1xi32> to vector<16xi32>
        %parallel_loop3A_299 = tpu.dynamic_gather %get3A_158[%parallel_loop3A_298] in [0] : vector<16xf32>, vector<16xi32> -> vector<16xf32>
        %parallel_loop3A_300 = arith.constant 8 : i32
        %parallel_loop3A_301 = arith.muli %parallel_loop3A_250, %parallel_loop3A_300 : i32
        %parallel_loop3A_302 = arith.addi %parallel_loop3A_301, %parallel_loop3A_248 : i32
        %parallel_loop3A_303 = arith.constant 0 : i32
        %parallel_loop3A_304 = arith.constant 0 : i32
        %parallel_loop3A_305 = tpu.memref_slice %arg6[%parallel_loop3A_162, %parallel_loop3A_303, %parallel_loop3A_304] : memref<2x32x128xi32, #tpu.memory_space<vmem>> -> memref<1x32x128xi32, #tpu.memory_space<vmem>>
        %parallel_loop3A_306 = tpu.memref_squeeze %parallel_loop3A_305 : memref<1x32x128xi32, #tpu.memory_space<vmem>> -> memref<32x128xi32, #tpu.memory_space<vmem>>
        %parallel_loop3A_307 = arith.index_cast %parallel_loop3A_302 : i32 to index
        %parallel_loop3A_308 = arith.constant 0 : index
        %parallel_loop3A_309 = tpu.vector_load %parallel_loop3A_306[%parallel_loop3A_307, %parallel_loop3A_308] {strides = array<i32>} : memref<32x128xi32, #tpu.memory_space<vmem>>, vector<1x16xi32>,
        %parallel_loop3A_310 = vector.shape_cast %parallel_loop3A_309 : vector<1x16xi32> to vector<16xi32>
        %parallel_loop3A_311 = arith.sitofp %parallel_loop3A_310 : vector<16xi32> to vector<16xf32>
        %parallel_loop3A_312 = arith.mulf %parallel_loop3A_311, %parallel_loop3A_263 : vector<16xf32>
        %parallel_loop3A_313 = arith.addf %parallel_loop3A_312, %parallel_loop3A_273 : vector<16xf32>
        %parallel_loop3A_314 = arith.constant 2 : i32
        %parallel_loop3A_315 = arith.muli %parallel_loop3A_314, %parallel_loop3A_250 : i32
        %parallel_loop3A_316 = arith.constant 8 : i32
        %parallel_loop3A_317 = arith.constant 0 : i32
        %parallel_loop3A_318 = arith.constant 0 : i32
        %parallel_loop3A_319 = tpu.memref_slice %arg8[%parallel_loop3A_316, %parallel_loop3A_317, %parallel_loop3A_318] : memref<16x8x128xf32, #tpu.memory_space<vmem>> -> memref<8x8x128xf32, #tpu.memory_space<vmem>>
        %parallel_loop3A_320 = arith.index_cast %parallel_loop3A_248 : i32 to index
        %parallel_loop3A_321 = arith.index_cast %parallel_loop3A_315 : i32 to index
        %parallel_loop3A_322 = arith.constant 0 : index
        %parallel_loop3A_323 = tpu.vector_load %parallel_loop3A_319[%parallel_loop3A_320, %parallel_loop3A_321, %parallel_loop3A_322] {strides = array<i32>} : memref<8x8x128xf32, #tpu.memory_space<vmem>>, vector<1x1x16xf32>,
        %parallel_loop3A_324 = vector.shape_cast %parallel_loop3A_323 : vector<1x1x16xf32> to vector<16xf32>
        %parallel_loop3A_325 = vector.shape_cast %parallel_loop3A_313 : vector<16xf32> to vector<1x1x16xf32>
        tpu.vector_store %parallel_loop3A_319[%parallel_loop3A_320, %parallel_loop3A_321, %parallel_loop3A_322], %parallel_loop3A_325 {strides = array<i32>} : memref<8x8x128xf32, #tpu.memory_space<vmem>>, vector<1x1x16xf32>,
        %parallel_loop3A_326 = arith.mulf %parallel_loop3A_311, %parallel_loop3A_286 : vector<16xf32>
        %parallel_loop3A_327 = arith.addf %parallel_loop3A_326, %parallel_loop3A_299 : vector<16xf32>
        %parallel_loop3A_328 = arith.constant 2 : i32
        %parallel_loop3A_329 = arith.muli %parallel_loop3A_328, %parallel_loop3A_250 : i32
        %parallel_loop3A_330 = arith.constant 1 : i32
        %parallel_loop3A_331 = arith.addi %parallel_loop3A_329, %parallel_loop3A_330 : i32
        %parallel_loop3A_332 = arith.constant 8 : i32
        %parallel_loop3A_333 = arith.constant 0 : i32
        %parallel_loop3A_334 = arith.constant 0 : i32
        %parallel_loop3A_335 = tpu.memref_slice %arg8[%parallel_loop3A_332, %parallel_loop3A_333, %parallel_loop3A_334] : memref<16x8x128xf32, #tpu.memory_space<vmem>> -> memref<8x8x128xf32, #tpu.memory_space<vmem>>
        %parallel_loop3A_336 = arith.index_cast %parallel_loop3A_248 : i32 to index
        %parallel_loop3A_337 = arith.index_cast %parallel_loop3A_331 : i32 to index
        %parallel_loop3A_338 = arith.constant 0 : index
        %parallel_loop3A_339 = tpu.vector_load %parallel_loop3A_335[%parallel_loop3A_336, %parallel_loop3A_337, %parallel_loop3A_338] {strides = array<i32>} : memref<8x8x128xf32, #tpu.memory_space<vmem>>, vector<1x1x16xf32>,
        %parallel_loop3A_340 = vector.shape_cast %parallel_loop3A_339 : vector<1x1x16xf32> to vector<16xf32>
        %parallel_loop3A_341 = vector.shape_cast %parallel_loop3A_327 : vector<16xf32> to vector<1x1x16xf32>
        tpu.vector_store %parallel_loop3A_335[%parallel_loop3A_336, %parallel_loop3A_337, %parallel_loop3A_338], %parallel_loop3A_341 {strides = array<i32>} : memref<8x8x128xf32, #tpu.memory_space<vmem>>, vector<1x1x16xf32>,
        %parallel_loop3A_342 = arith.constant 8 : i32
        %parallel_loop3A_343 = arith.muli %parallel_loop3A_250, %parallel_loop3A_342 : i32
        %parallel_loop3A_344 = arith.addi %parallel_loop3A_343, %parallel_loop3A_248 : i32
        %parallel_loop3A_345 = arith.constant 0 : i32
        %parallel_loop3A_346 = arith.constant 0 : i32
        %parallel_loop3A_347 = tpu.memref_slice %arg6[%parallel_loop3A_162, %parallel_loop3A_345, %parallel_loop3A_346] : memref<2x32x128xi32, #tpu.memory_space<vmem>> -> memref<1x32x128xi32, #tpu.memory_space<vmem>>
        %parallel_loop3A_348 = tpu.memref_squeeze %parallel_loop3A_347 : memref<1x32x128xi32, #tpu.memory_space<vmem>> -> memref<32x128xi32, #tpu.memory_space<vmem>>
        %parallel_loop3A_349 = arith.index_cast %parallel_loop3A_344 : i32 to index
        %parallel_loop3A_350 = arith.constant 16 : index
        %parallel_loop3A_351 = tpu.vector_load %parallel_loop3A_348[%parallel_loop3A_349, %parallel_loop3A_350] {strides = array<i32>} : memref<32x128xi32, #tpu.memory_space<vmem>>, vector<1x16xi32>,
        %parallel_loop3A_352 = vector.shape_cast %parallel_loop3A_351 : vector<1x16xi32> to vector<16xi32>
        %parallel_loop3A_353 = arith.sitofp %parallel_loop3A_352 : vector<16xi32> to vector<16xf32>
        %parallel_loop3A_354 = arith.mulf %parallel_loop3A_353, %parallel_loop3A_263 : vector<16xf32>
        %parallel_loop3A_355 = arith.addf %parallel_loop3A_354, %parallel_loop3A_273 : vector<16xf32>
        %parallel_loop3A_356 = arith.constant 2 : i32
        %parallel_loop3A_357 = arith.muli %parallel_loop3A_356, %parallel_loop3A_250 : i32
        %parallel_loop3A_358 = arith.constant 8 : i32
        %parallel_loop3A_359 = arith.constant 0 : i32
        %parallel_loop3A_360 = arith.constant 0 : i32
        %parallel_loop3A_361 = tpu.memref_slice %arg8[%parallel_loop3A_358, %parallel_loop3A_359, %parallel_loop3A_360] : memref<16x8x128xf32, #tpu.memory_space<vmem>> -> memref<8x8x128xf32, #tpu.memory_space<vmem>>
        %parallel_loop3A_362 = arith.index_cast %parallel_loop3A_248 : i32 to index
        %parallel_loop3A_363 = arith.index_cast %parallel_loop3A_357 : i32 to index
        %parallel_loop3A_364 = arith.constant 16 : index
        %parallel_loop3A_365 = tpu.vector_load %parallel_loop3A_361[%parallel_loop3A_362, %parallel_loop3A_363, %parallel_loop3A_364] {strides = array<i32>} : memref<8x8x128xf32, #tpu.memory_space<vmem>>, vector<1x1x16xf32>,
        %parallel_loop3A_366 = vector.shape_cast %parallel_loop3A_365 : vector<1x1x16xf32> to vector<16xf32>
        %parallel_loop3A_367 = vector.shape_cast %parallel_loop3A_355 : vector<16xf32> to vector<1x1x16xf32>
        tpu.vector_store %parallel_loop3A_361[%parallel_loop3A_362, %parallel_loop3A_363, %parallel_loop3A_364], %parallel_loop3A_367 {strides = array<i32>} : memref<8x8x128xf32, #tpu.memory_space<vmem>>, vector<1x1x16xf32>,
        %parallel_loop3A_368 = arith.mulf %parallel_loop3A_353, %parallel_loop3A_286 : vector<16xf32>
        %parallel_loop3A_369 = arith.addf %parallel_loop3A_368, %parallel_loop3A_299 : vector<16xf32>
        %parallel_loop3A_370 = arith.constant 2 : i32
        %parallel_loop3A_371 = arith.muli %parallel_loop3A_370, %parallel_loop3A_250 : i32
        %parallel_loop3A_372 = arith.constant 1 : i32
        %parallel_loop3A_373 = arith.addi %parallel_loop3A_371, %parallel_loop3A_372 : i32
        %parallel_loop3A_374 = arith.constant 8 : i32
        %parallel_loop3A_375 = arith.constant 0 : i32
        %parallel_loop3A_376 = arith.constant 0 : i32
        %parallel_loop3A_377 = tpu.memref_slice %arg8[%parallel_loop3A_374, %parallel_loop3A_375, %parallel_loop3A_376] : memref<16x8x128xf32, #tpu.memory_space<vmem>> -> memref<8x8x128xf32, #tpu.memory_space<vmem>>
        %parallel_loop3A_378 = arith.index_cast %parallel_loop3A_248 : i32 to index
        %parallel_loop3A_379 = arith.index_cast %parallel_loop3A_373 : i32 to index
        %parallel_loop3A_380 = arith.constant 16 : index
        %parallel_loop3A_381 = tpu.vector_load %parallel_loop3A_377[%parallel_loop3A_378, %parallel_loop3A_379, %parallel_loop3A_380] {strides = array<i32>} : memref<8x8x128xf32, #tpu.memory_space<vmem>>, vector<1x1x16xf32>,
        %parallel_loop3A_382 = vector.shape_cast %parallel_loop3A_381 : vector<1x1x16xf32> to vector<16xf32>
        %parallel_loop3A_383 = vector.shape_cast %parallel_loop3A_369 : vector<16xf32> to vector<1x1x16xf32>
        tpu.vector_store %parallel_loop3A_377[%parallel_loop3A_378, %parallel_loop3A_379, %parallel_loop3A_380], %parallel_loop3A_383 {strides = array<i32>} : memref<8x8x128xf32, #tpu.memory_space<vmem>>, vector<1x1x16xf32>,
        %parallel_loop3A_384 = arith.constant 8 : i32
        %parallel_loop3A_385 = arith.muli %parallel_loop3A_250, %parallel_loop3A_384 : i32
        %parallel_loop3A_386 = arith.addi %parallel_loop3A_385, %parallel_loop3A_248 : i32
        %parallel_loop3A_387 = arith.constant 0 : i32
        %parallel_loop3A_388 = arith.constant 0 : i32
        %parallel_loop3A_389 = tpu.memref_slice %arg6[%parallel_loop3A_162, %parallel_loop3A_387, %parallel_loop3A_388] : memref<2x32x128xi32, #tpu.memory_space<vmem>> -> memref<1x32x128xi32, #tpu.memory_space<vmem>>
        %parallel_loop3A_390 = tpu.memref_squeeze %parallel_loop3A_389 : memref<1x32x128xi32, #tpu.memory_space<vmem>> -> memref<32x128xi32, #tpu.memory_space<vmem>>
        %parallel_loop3A_391 = arith.index_cast %parallel_loop3A_386 : i32 to index
        %parallel_loop3A_392 = arith.constant 32 : index
        %parallel_loop3A_393 = tpu.vector_load %parallel_loop3A_390[%parallel_loop3A_391, %parallel_loop3A_392] {strides = array<i32>} : memref<32x128xi32, #tpu.memory_space<vmem>>, vector<1x16xi32>,
        %parallel_loop3A_394 = vector.shape_cast %parallel_loop3A_393 : vector<1x16xi32> to vector<16xi32>
        %parallel_loop3A_395 = arith.sitofp %parallel_loop3A_394 : vector<16xi32> to vector<16xf32>
        %parallel_loop3A_396 = arith.mulf %parallel_loop3A_395, %parallel_loop3A_263 : vector<16xf32>
        %parallel_loop3A_397 = arith.addf %parallel_loop3A_396, %parallel_loop3A_273 : vector<16xf32>
        %parallel_loop3A_398 = arith.constant 2 : i32
        %parallel_loop3A_399 = arith.muli %parallel_loop3A_398, %parallel_loop3A_250 : i32
        %parallel_loop3A_400 = arith.constant 8 : i32
        %parallel_loop3A_401 = arith.constant 0 : i32
        %parallel_loop3A_402 = arith.constant 0 : i32
        %parallel_loop3A_403 = tpu.memref_slice %arg8[%parallel_loop3A_400, %parallel_loop3A_401, %parallel_loop3A_402] : memref<16x8x128xf32, #tpu.memory_space<vmem>> -> memref<8x8x128xf32, #tpu.memory_space<vmem>>
        %parallel_loop3A_404 = arith.index_cast %parallel_loop3A_248 : i32 to index
        %parallel_loop3A_405 = arith.index_cast %parallel_loop3A_399 : i32 to index
        %parallel_loop3A_406 = arith.constant 32 : index
        %parallel_loop3A_407 = tpu.vector_load %parallel_loop3A_403[%parallel_loop3A_404, %parallel_loop3A_405, %parallel_loop3A_406] {strides = array<i32>} : memref<8x8x128xf32, #tpu.memory_space<vmem>>, vector<1x1x16xf32>,
        %parallel_loop3A_408 = vector.shape_cast %parallel_loop3A_407 : vector<1x1x16xf32> to vector<16xf32>
        %parallel_loop3A_409 = vector.shape_cast %parallel_loop3A_397 : vector<16xf32> to vector<1x1x16xf32>
        tpu.vector_store %parallel_loop3A_403[%parallel_loop3A_404, %parallel_loop3A_405, %parallel_loop3A_406], %parallel_loop3A_409 {strides = array<i32>} : memref<8x8x128xf32, #tpu.memory_space<vmem>>, vector<1x1x16xf32>,
        %parallel_loop3A_410 = arith.mulf %parallel_loop3A_395, %parallel_loop3A_286 : vector<16xf32>
        %parallel_loop3A_411 = arith.addf %parallel_loop3A_410, %parallel_loop3A_299 : vector<16xf32>
        %parallel_loop3A_412 = arith.constant 2 : i32
        %parallel_loop3A_413 = arith.muli %parallel_loop3A_412, %parallel_loop3A_250 : i32
        %parallel_loop3A_414 = arith.constant 1 : i32
        %parallel_loop3A_415 = arith.addi %parallel_loop3A_413, %parallel_loop3A_414 : i32
        %parallel_loop3A_416 = arith.constant 8 : i32
        %parallel_loop3A_417 = arith.constant 0 : i32
        %parallel_loop3A_418 = arith.constant 0 : i32
        %parallel_loop3A_419 = tpu.memref_slice %arg8[%parallel_loop3A_416, %parallel_loop3A_417, %parallel_loop3A_418] : memref<16x8x128xf32, #tpu.memory_space<vmem>> -> memref<8x8x128xf32, #tpu.memory_space<vmem>>
        %parallel_loop3A_420 = arith.index_cast %parallel_loop3A_248 : i32 to index
        %parallel_loop3A_421 = arith.index_cast %parallel_loop3A_415 : i32 to index
        %parallel_loop3A_422 = arith.constant 32 : index
        %parallel_loop3A_423 = tpu.vector_load %parallel_loop3A_419[%parallel_loop3A_420, %parallel_loop3A_421, %parallel_loop3A_422] {strides = array<i32>} : memref<8x8x128xf32, #tpu.memory_space<vmem>>, vector<1x1x16xf32>,
        %parallel_loop3A_424 = vector.shape_cast %parallel_loop3A_423 : vector<1x1x16xf32> to vector<16xf32>
        %parallel_loop3A_425 = vector.shape_cast %parallel_loop3A_411 : vector<16xf32> to vector<1x1x16xf32>
        tpu.vector_store %parallel_loop3A_419[%parallel_loop3A_420, %parallel_loop3A_421, %parallel_loop3A_422], %parallel_loop3A_425 {strides = array<i32>} : memref<8x8x128xf32, #tpu.memory_space<vmem>>, vector<1x1x16xf32>,
        %parallel_loop3A_426 = arith.constant 8 : i32
        %parallel_loop3A_427 = arith.muli %parallel_loop3A_250, %parallel_loop3A_426 : i32
        %parallel_loop3A_428 = arith.addi %parallel_loop3A_427, %parallel_loop3A_248 : i32
        %parallel_loop3A_429 = arith.constant 0 : i32
        %parallel_loop3A_430 = arith.constant 0 : i32
        %parallel_loop3A_431 = tpu.memref_slice %arg6[%parallel_loop3A_162, %parallel_loop3A_429, %parallel_loop3A_430] : memref<2x32x128xi32, #tpu.memory_space<vmem>> -> memref<1x32x128xi32, #tpu.memory_space<vmem>>
        %parallel_loop3A_432 = tpu.memref_squeeze %parallel_loop3A_431 : memref<1x32x128xi32, #tpu.memory_space<vmem>> -> memref<32x128xi32, #tpu.memory_space<vmem>>
        %parallel_loop3A_433 = arith.index_cast %parallel_loop3A_428 : i32 to index
        %parallel_loop3A_434 = arith.constant 48 : index
        %parallel_loop3A_435 = tpu.vector_load %parallel_loop3A_432[%parallel_loop3A_433, %parallel_loop3A_434] {strides = array<i32>} : memref<32x128xi32, #tpu.memory_space<vmem>>, vector<1x16xi32>,
        %parallel_loop3A_436 = vector.shape_cast %parallel_loop3A_435 : vector<1x16xi32> to vector<16xi32>
        %parallel_loop3A_437 = arith.sitofp %parallel_loop3A_436 : vector<16xi32> to vector<16xf32>
        %parallel_loop3A_438 = arith.mulf %parallel_loop3A_437, %parallel_loop3A_263 : vector<16xf32>
        %parallel_loop3A_439 = arith.addf %parallel_loop3A_438, %parallel_loop3A_273 : vector<16xf32>
        %parallel_loop3A_440 = arith.constant 2 : i32
        %parallel_loop3A_441 = arith.muli %parallel_loop3A_440, %parallel_loop3A_250 : i32
        %parallel_loop3A_442 = arith.constant 8 : i32
        %parallel_loop3A_443 = arith.constant 0 : i32
        %parallel_loop3A_444 = arith.constant 0 : i32
        %parallel_loop3A_445 = tpu.memref_slice %arg8[%parallel_loop3A_442, %parallel_loop3A_443, %parallel_loop3A_444] : memref<16x8x128xf32, #tpu.memory_space<vmem>> -> memref<8x8x128xf32, #tpu.memory_space<vmem>>
        %parallel_loop3A_446 = arith.index_cast %parallel_loop3A_248 : i32 to index
        %parallel_loop3A_447 = arith.index_cast %parallel_loop3A_441 : i32 to index
        %parallel_loop3A_448 = arith.constant 48 : index
        %parallel_loop3A_449 = tpu.vector_load %parallel_loop3A_445[%parallel_loop3A_446, %parallel_loop3A_447, %parallel_loop3A_448] {strides = array<i32>} : memref<8x8x128xf32, #tpu.memory_space<vmem>>, vector<1x1x16xf32>,
        %parallel_loop3A_450 = vector.shape_cast %parallel_loop3A_449 : vector<1x1x16xf32> to vector<16xf32>
        %parallel_loop3A_451 = vector.shape_cast %parallel_loop3A_439 : vector<16xf32> to vector<1x1x16xf32>
        tpu.vector_store %parallel_loop3A_445[%parallel_loop3A_446, %parallel_loop3A_447, %parallel_loop3A_448], %parallel_loop3A_451 {strides = array<i32>} : memref<8x8x128xf32, #tpu.memory_space<vmem>>, vector<1x1x16xf32>,
        %parallel_loop3A_452 = arith.mulf %parallel_loop3A_437, %parallel_loop3A_286 : vector<16xf32>
        %parallel_loop3A_453 = arith.addf %parallel_loop3A_452, %parallel_loop3A_299 : vector<16xf32>
        %parallel_loop3A_454 = arith.constant 2 : i32
        %parallel_loop3A_455 = arith.muli %parallel_loop3A_454, %parallel_loop3A_250 : i32
        %parallel_loop3A_456 = arith.constant 1 : i32
        %parallel_loop3A_457 = arith.addi %parallel_loop3A_455, %parallel_loop3A_456 : i32
        %parallel_loop3A_458 = arith.constant 8 : i32
        %parallel_loop3A_459 = arith.constant 0 : i32
        %parallel_loop3A_460 = arith.constant 0 : i32
        %parallel_loop3A_461 = tpu.memref_slice %arg8[%parallel_loop3A_458, %parallel_loop3A_459, %parallel_loop3A_460] : memref<16x8x128xf32, #tpu.memory_space<vmem>> -> memref<8x8x128xf32, #tpu.memory_space<vmem>>
        %parallel_loop3A_462 = arith.index_cast %parallel_loop3A_248 : i32 to index
        %parallel_loop3A_463 = arith.index_cast %parallel_loop3A_457 : i32 to index
        %parallel_loop3A_464 = arith.constant 48 : index
        %parallel_loop3A_465 = tpu.vector_load %parallel_loop3A_461[%parallel_loop3A_462, %parallel_loop3A_463, %parallel_loop3A_464] {strides = array<i32>} : memref<8x8x128xf32, #tpu.memory_space<vmem>>, vector<1x1x16xf32>,
        %parallel_loop3A_466 = vector.shape_cast %parallel_loop3A_465 : vector<1x1x16xf32> to vector<16xf32>
        %parallel_loop3A_467 = vector.shape_cast %parallel_loop3A_453 : vector<16xf32> to vector<1x1x16xf32>
        tpu.vector_store %parallel_loop3A_461[%parallel_loop3A_462, %parallel_loop3A_463, %parallel_loop3A_464], %parallel_loop3A_467 {strides = array<i32>} : memref<8x8x128xf32, #tpu.memory_space<vmem>>, vector<1x1x16xf32>,
        %parallel_loop3A_468 = arith.constant 8 : i32
        %parallel_loop3A_469 = arith.muli %parallel_loop3A_250, %parallel_loop3A_468 : i32
        %parallel_loop3A_470 = arith.addi %parallel_loop3A_469, %parallel_loop3A_248 : i32
        %parallel_loop3A_471 = arith.constant 0 : i32
        %parallel_loop3A_472 = arith.constant 0 : i32
        %parallel_loop3A_473 = tpu.memref_slice %arg6[%parallel_loop3A_162, %parallel_loop3A_471, %parallel_loop3A_472] : memref<2x32x128xi32, #tpu.memory_space<vmem>> -> memref<1x32x128xi32, #tpu.memory_space<vmem>>
        %parallel_loop3A_474 = tpu.memref_squeeze %parallel_loop3A_473 : memref<1x32x128xi32, #tpu.memory_space<vmem>> -> memref<32x128xi32, #tpu.memory_space<vmem>>
        %parallel_loop3A_475 = arith.index_cast %parallel_loop3A_470 : i32 to index
        %parallel_loop3A_476 = arith.constant 64 : index
        %parallel_loop3A_477 = tpu.vector_load %parallel_loop3A_474[%parallel_loop3A_475, %parallel_loop3A_476] {strides = array<i32>} : memref<32x128xi32, #tpu.memory_space<vmem>>, vector<1x16xi32>,
        %parallel_loop3A_478 = vector.shape_cast %parallel_loop3A_477 : vector<1x16xi32> to vector<16xi32>
        %parallel_loop3A_479 = arith.sitofp %parallel_loop3A_478 : vector<16xi32> to vector<16xf32>
        %parallel_loop3A_480 = arith.mulf %parallel_loop3A_479, %parallel_loop3A_263 : vector<16xf32>
        %parallel_loop3A_481 = arith.addf %parallel_loop3A_480, %parallel_loop3A_273 : vector<16xf32>
        %parallel_loop3A_482 = arith.constant 2 : i32
        %parallel_loop3A_483 = arith.muli %parallel_loop3A_482, %parallel_loop3A_250 : i32
        %parallel_loop3A_484 = arith.constant 8 : i32
        %parallel_loop3A_485 = arith.constant 0 : i32
        %parallel_loop3A_486 = arith.constant 0 : i32
        %parallel_loop3A_487 = tpu.memref_slice %arg8[%parallel_loop3A_484, %parallel_loop3A_485, %parallel_loop3A_486] : memref<16x8x128xf32, #tpu.memory_space<vmem>> -> memref<8x8x128xf32, #tpu.memory_space<vmem>>
        %parallel_loop3A_488 = arith.index_cast %parallel_loop3A_248 : i32 to index
        %parallel_loop3A_489 = arith.index_cast %parallel_loop3A_483 : i32 to index
        %parallel_loop3A_490 = arith.constant 64 : index
        %parallel_loop3A_491 = tpu.vector_load %parallel_loop3A_487[%parallel_loop3A_488, %parallel_loop3A_489, %parallel_loop3A_490] {strides = array<i32>} : memref<8x8x128xf32, #tpu.memory_space<vmem>>, vector<1x1x16xf32>,
        %parallel_loop3A_492 = vector.shape_cast %parallel_loop3A_491 : vector<1x1x16xf32> to vector<16xf32>
        %parallel_loop3A_493 = vector.shape_cast %parallel_loop3A_481 : vector<16xf32> to vector<1x1x16xf32>
        tpu.vector_store %parallel_loop3A_487[%parallel_loop3A_488, %parallel_loop3A_489, %parallel_loop3A_490], %parallel_loop3A_493 {strides = array<i32>} : memref<8x8x128xf32, #tpu.memory_space<vmem>>, vector<1x1x16xf32>,
        %parallel_loop3A_494 = arith.mulf %parallel_loop3A_479, %parallel_loop3A_286 : vector<16xf32>
        %parallel_loop3A_495 = arith.addf %parallel_loop3A_494, %parallel_loop3A_299 : vector<16xf32>
        %parallel_loop3A_496 = arith.constant 2 : i32
        %parallel_loop3A_497 = arith.muli %parallel_loop3A_496, %parallel_loop3A_250 : i32
        %parallel_loop3A_498 = arith.constant 1 : i32
        %parallel_loop3A_499 = arith.addi %parallel_loop3A_497, %parallel_loop3A_498 : i32
        %parallel_loop3A_500 = arith.constant 8 : i32
        %parallel_loop3A_501 = arith.constant 0 : i32
        %parallel_loop3A_502 = arith.constant 0 : i32
        %parallel_loop3A_503 = tpu.memref_slice %arg8[%parallel_loop3A_500, %parallel_loop3A_501, %parallel_loop3A_502] : memref<16x8x128xf32, #tpu.memory_space<vmem>> -> memref<8x8x128xf32, #tpu.memory_space<vmem>>
        %parallel_loop3A_504 = arith.index_cast %parallel_loop3A_248 : i32 to index
        %parallel_loop3A_505 = arith.index_cast %parallel_loop3A_499 : i32 to index
        %parallel_loop3A_506 = arith.constant 64 : index
        %parallel_loop3A_507 = tpu.vector_load %parallel_loop3A_503[%parallel_loop3A_504, %parallel_loop3A_505, %parallel_loop3A_506] {strides = array<i32>} : memref<8x8x128xf32, #tpu.memory_space<vmem>>, vector<1x1x16xf32>,
        %parallel_loop3A_508 = vector.shape_cast %parallel_loop3A_507 : vector<1x1x16xf32> to vector<16xf32>
        %parallel_loop3A_509 = vector.shape_cast %parallel_loop3A_495 : vector<16xf32> to vector<1x1x16xf32>
        tpu.vector_store %parallel_loop3A_503[%parallel_loop3A_504, %parallel_loop3A_505, %parallel_loop3A_506], %parallel_loop3A_509 {strides = array<i32>} : memref<8x8x128xf32, #tpu.memory_space<vmem>>, vector<1x1x16xf32>,
        %parallel_loop3A_510 = arith.constant 8 : i32
        %parallel_loop3A_511 = arith.muli %parallel_loop3A_250, %parallel_loop3A_510 : i32
        %parallel_loop3A_512 = arith.addi %parallel_loop3A_511, %parallel_loop3A_248 : i32
        %parallel_loop3A_513 = arith.constant 0 : i32
        %parallel_loop3A_514 = arith.constant 0 : i32
        %parallel_loop3A_515 = tpu.memref_slice %arg6[%parallel_loop3A_162, %parallel_loop3A_513, %parallel_loop3A_514] : memref<2x32x128xi32, #tpu.memory_space<vmem>> -> memref<1x32x128xi32, #tpu.memory_space<vmem>>
        %parallel_loop3A_516 = tpu.memref_squeeze %parallel_loop3A_515 : memref<1x32x128xi32, #tpu.memory_space<vmem>> -> memref<32x128xi32, #tpu.memory_space<vmem>>
        %parallel_loop3A_517 = arith.index_cast %parallel_loop3A_512 : i32 to index
        %parallel_loop3A_518 = arith.constant 80 : index
        %parallel_loop3A_519 = tpu.vector_load %parallel_loop3A_516[%parallel_loop3A_517, %parallel_loop3A_518] {strides = array<i32>} : memref<32x128xi32, #tpu.memory_space<vmem>>, vector<1x16xi32>,
        %parallel_loop3A_520 = vector.shape_cast %parallel_loop3A_519 : vector<1x16xi32> to vector<16xi32>
        %parallel_loop3A_521 = arith.sitofp %parallel_loop3A_520 : vector<16xi32> to vector<16xf32>
        %parallel_loop3A_522 = arith.mulf %parallel_loop3A_521, %parallel_loop3A_263 : vector<16xf32>
        %parallel_loop3A_523 = arith.addf %parallel_loop3A_522, %parallel_loop3A_273 : vector<16xf32>
        %parallel_loop3A_524 = arith.constant 2 : i32
        %parallel_loop3A_525 = arith.muli %parallel_loop3A_524, %parallel_loop3A_250 : i32
        %parallel_loop3A_526 = arith.constant 8 : i32
        %parallel_loop3A_527 = arith.constant 0 : i32
        %parallel_loop3A_528 = arith.constant 0 : i32
        %parallel_loop3A_529 = tpu.memref_slice %arg8[%parallel_loop3A_526, %parallel_loop3A_527, %parallel_loop3A_528] : memref<16x8x128xf32, #tpu.memory_space<vmem>> -> memref<8x8x128xf32, #tpu.memory_space<vmem>>
        %parallel_loop3A_530 = arith.index_cast %parallel_loop3A_248 : i32 to index
        %parallel_loop3A_531 = arith.index_cast %parallel_loop3A_525 : i32 to index
        %parallel_loop3A_532 = arith.constant 80 : index
        %parallel_loop3A_533 = tpu.vector_load %parallel_loop3A_529[%parallel_loop3A_530, %parallel_loop3A_531, %parallel_loop3A_532] {strides = array<i32>} : memref<8x8x128xf32, #tpu.memory_space<vmem>>, vector<1x1x16xf32>,
        %parallel_loop3A_534 = vector.shape_cast %parallel_loop3A_533 : vector<1x1x16xf32> to vector<16xf32>
        %parallel_loop3A_535 = vector.shape_cast %parallel_loop3A_523 : vector<16xf32> to vector<1x1x16xf32>
        tpu.vector_store %parallel_loop3A_529[%parallel_loop3A_530, %parallel_loop3A_531, %parallel_loop3A_532], %parallel_loop3A_535 {strides = array<i32>} : memref<8x8x128xf32, #tpu.memory_space<vmem>>, vector<1x1x16xf32>,
        %parallel_loop3A_536 = arith.mulf %parallel_loop3A_521, %parallel_loop3A_286 : vector<16xf32>
        %parallel_loop3A_537 = arith.addf %parallel_loop3A_536, %parallel_loop3A_299 : vector<16xf32>
        %parallel_loop3A_538 = arith.constant 2 : i32
        %parallel_loop3A_539 = arith.muli %parallel_loop3A_538, %parallel_loop3A_250 : i32
        %parallel_loop3A_540 = arith.constant 1 : i32
        %parallel_loop3A_541 = arith.addi %parallel_loop3A_539, %parallel_loop3A_540 : i32
        %parallel_loop3A_542 = arith.constant 8 : i32
        %parallel_loop3A_543 = arith.constant 0 : i32
        %parallel_loop3A_544 = arith.constant 0 : i32
        %parallel_loop3A_545 = tpu.memref_slice %arg8[%parallel_loop3A_542, %parallel_loop3A_543, %parallel_loop3A_544] : memref<16x8x128xf32, #tpu.memory_space<vmem>> -> memref<8x8x128xf32, #tpu.memory_space<vmem>>
        %parallel_loop3A_546 = arith.index_cast %parallel_loop3A_248 : i32 to index
        %parallel_loop3A_547 = arith.index_cast %parallel_loop3A_541 : i32 to index
        %parallel_loop3A_548 = arith.constant 80 : index
        %parallel_loop3A_549 = tpu.vector_load %parallel_loop3A_545[%parallel_loop3A_546, %parallel_loop3A_547, %parallel_loop3A_548] {strides = array<i32>} : memref<8x8x128xf32, #tpu.memory_space<vmem>>, vector<1x1x16xf32>,
        %parallel_loop3A_550 = vector.shape_cast %parallel_loop3A_549 : vector<1x1x16xf32> to vector<16xf32>
        %parallel_loop3A_551 = vector.shape_cast %parallel_loop3A_537 : vector<16xf32> to vector<1x1x16xf32>
        tpu.vector_store %parallel_loop3A_545[%parallel_loop3A_546, %parallel_loop3A_547, %parallel_loop3A_548], %parallel_loop3A_551 {strides = array<i32>} : memref<8x8x128xf32, #tpu.memory_space<vmem>>, vector<1x1x16xf32>,
        %parallel_loop3A_552 = arith.constant 8 : i32
        %parallel_loop3A_553 = arith.muli %parallel_loop3A_250, %parallel_loop3A_552 : i32
        %parallel_loop3A_554 = arith.addi %parallel_loop3A_553, %parallel_loop3A_248 : i32
        %parallel_loop3A_555 = arith.constant 0 : i32
        %parallel_loop3A_556 = arith.constant 0 : i32
        %parallel_loop3A_557 = tpu.memref_slice %arg6[%parallel_loop3A_162, %parallel_loop3A_555, %parallel_loop3A_556] : memref<2x32x128xi32, #tpu.memory_space<vmem>> -> memref<1x32x128xi32, #tpu.memory_space<vmem>>
        %parallel_loop3A_558 = tpu.memref_squeeze %parallel_loop3A_557 : memref<1x32x128xi32, #tpu.memory_space<vmem>> -> memref<32x128xi32, #tpu.memory_space<vmem>>
        %parallel_loop3A_559 = arith.index_cast %parallel_loop3A_554 : i32 to index
        %parallel_loop3A_560 = arith.constant 96 : index
        %parallel_loop3A_561 = tpu.vector_load %parallel_loop3A_558[%parallel_loop3A_559, %parallel_loop3A_560] {strides = array<i32>} : memref<32x128xi32, #tpu.memory_space<vmem>>, vector<1x16xi32>,
        %parallel_loop3A_562 = vector.shape_cast %parallel_loop3A_561 : vector<1x16xi32> to vector<16xi32>
        %parallel_loop3A_563 = arith.sitofp %parallel_loop3A_562 : vector<16xi32> to vector<16xf32>
        %parallel_loop3A_564 = arith.mulf %parallel_loop3A_563, %parallel_loop3A_263 : vector<16xf32>
        %parallel_loop3A_565 = arith.addf %parallel_loop3A_564, %parallel_loop3A_273 : vector<16xf32>
        %parallel_loop3A_566 = arith.constant 2 : i32
        %parallel_loop3A_567 = arith.muli %parallel_loop3A_566, %parallel_loop3A_250 : i32
        %parallel_loop3A_568 = arith.constant 8 : i32
        %parallel_loop3A_569 = arith.constant 0 : i32
        %parallel_loop3A_570 = arith.constant 0 : i32
        %parallel_loop3A_571 = tpu.memref_slice %arg8[%parallel_loop3A_568, %parallel_loop3A_569, %parallel_loop3A_570] : memref<16x8x128xf32, #tpu.memory_space<vmem>> -> memref<8x8x128xf32, #tpu.memory_space<vmem>>
        %parallel_loop3A_572 = arith.index_cast %parallel_loop3A_248 : i32 to index
        %parallel_loop3A_573 = arith.index_cast %parallel_loop3A_567 : i32 to index
        %parallel_loop3A_574 = arith.constant 96 : index
        %parallel_loop3A_575 = tpu.vector_load %parallel_loop3A_571[%parallel_loop3A_572, %parallel_loop3A_573, %parallel_loop3A_574] {strides = array<i32>} : memref<8x8x128xf32, #tpu.memory_space<vmem>>, vector<1x1x16xf32>,
        %parallel_loop3A_576 = vector.shape_cast %parallel_loop3A_575 : vector<1x1x16xf32> to vector<16xf32>
        %parallel_loop3A_577 = vector.shape_cast %parallel_loop3A_565 : vector<16xf32> to vector<1x1x16xf32>
        tpu.vector_store %parallel_loop3A_571[%parallel_loop3A_572, %parallel_loop3A_573, %parallel_loop3A_574], %parallel_loop3A_577 {strides = array<i32>} : memref<8x8x128xf32, #tpu.memory_space<vmem>>, vector<1x1x16xf32>,
        %parallel_loop3A_578 = arith.mulf %parallel_loop3A_563, %parallel_loop3A_286 : vector<16xf32>
        %parallel_loop3A_579 = arith.addf %parallel_loop3A_578, %parallel_loop3A_299 : vector<16xf32>
        %parallel_loop3A_580 = arith.constant 2 : i32
        %parallel_loop3A_581 = arith.muli %parallel_loop3A_580, %parallel_loop3A_250 : i32
        %parallel_loop3A_582 = arith.constant 1 : i32
        %parallel_loop3A_583 = arith.addi %parallel_loop3A_581, %parallel_loop3A_582 : i32
        %parallel_loop3A_584 = arith.constant 8 : i32
        %parallel_loop3A_585 = arith.constant 0 : i32
        %parallel_loop3A_586 = arith.constant 0 : i32
        %parallel_loop3A_587 = tpu.memref_slice %arg8[%parallel_loop3A_584, %parallel_loop3A_585, %parallel_loop3A_586] : memref<16x8x128xf32, #tpu.memory_space<vmem>> -> memref<8x8x128xf32, #tpu.memory_space<vmem>>
        %parallel_loop3A_588 = arith.index_cast %parallel_loop3A_248 : i32 to index
        %parallel_loop3A_589 = arith.index_cast %parallel_loop3A_583 : i32 to index
        %parallel_loop3A_590 = arith.constant 96 : index
        %parallel_loop3A_591 = tpu.vector_load %parallel_loop3A_587[%parallel_loop3A_588, %parallel_loop3A_589, %parallel_loop3A_590] {strides = array<i32>} : memref<8x8x128xf32, #tpu.memory_space<vmem>>, vector<1x1x16xf32>,
        %parallel_loop3A_592 = vector.shape_cast %parallel_loop3A_591 : vector<1x1x16xf32> to vector<16xf32>
        %parallel_loop3A_593 = vector.shape_cast %parallel_loop3A_579 : vector<16xf32> to vector<1x1x16xf32>
        tpu.vector_store %parallel_loop3A_587[%parallel_loop3A_588, %parallel_loop3A_589, %parallel_loop3A_590], %parallel_loop3A_593 {strides = array<i32>} : memref<8x8x128xf32, #tpu.memory_space<vmem>>, vector<1x1x16xf32>,
        %parallel_loop3A_594 = arith.constant 8 : i32
        %parallel_loop3A_595 = arith.muli %parallel_loop3A_250, %parallel_loop3A_594 : i32
        %parallel_loop3A_596 = arith.addi %parallel_loop3A_595, %parallel_loop3A_248 : i32
        %parallel_loop3A_597 = arith.constant 0 : i32
        %parallel_loop3A_598 = arith.constant 0 : i32
        %parallel_loop3A_599 = tpu.memref_slice %arg6[%parallel_loop3A_162, %parallel_loop3A_597, %parallel_loop3A_598] : memref<2x32x128xi32, #tpu.memory_space<vmem>> -> memref<1x32x128xi32, #tpu.memory_space<vmem>>
        %parallel_loop3A_600 = tpu.memref_squeeze %parallel_loop3A_599 : memref<1x32x128xi32, #tpu.memory_space<vmem>> -> memref<32x128xi32, #tpu.memory_space<vmem>>
        %parallel_loop3A_601 = arith.index_cast %parallel_loop3A_596 : i32 to index
        %parallel_loop3A_602 = arith.constant 112 : index
        %parallel_loop3A_603 = tpu.vector_load %parallel_loop3A_600[%parallel_loop3A_601, %parallel_loop3A_602] {strides = array<i32>} : memref<32x128xi32, #tpu.memory_space<vmem>>, vector<1x16xi32>,
        %parallel_loop3A_604 = vector.shape_cast %parallel_loop3A_603 : vector<1x16xi32> to vector<16xi32>
        %parallel_loop3A_605 = arith.sitofp %parallel_loop3A_604 : vector<16xi32> to vector<16xf32>
        %parallel_loop3A_606 = arith.mulf %parallel_loop3A_605, %parallel_loop3A_263 : vector<16xf32>
        %parallel_loop3A_607 = arith.addf %parallel_loop3A_606, %parallel_loop3A_273 : vector<16xf32>
        %parallel_loop3A_608 = arith.constant 2 : i32
        %parallel_loop3A_609 = arith.muli %parallel_loop3A_608, %parallel_loop3A_250 : i32
        %parallel_loop3A_610 = arith.constant 8 : i32
        %parallel_loop3A_611 = arith.constant 0 : i32
        %parallel_loop3A_612 = arith.constant 0 : i32
        %parallel_loop3A_613 = tpu.memref_slice %arg8[%parallel_loop3A_610, %parallel_loop3A_611, %parallel_loop3A_612] : memref<16x8x128xf32, #tpu.memory_space<vmem>> -> memref<8x8x128xf32, #tpu.memory_space<vmem>>
        %parallel_loop3A_614 = arith.index_cast %parallel_loop3A_248 : i32 to index
        %parallel_loop3A_615 = arith.index_cast %parallel_loop3A_609 : i32 to index
        %parallel_loop3A_616 = arith.constant 112 : index
        %parallel_loop3A_617 = tpu.vector_load %parallel_loop3A_613[%parallel_loop3A_614, %parallel_loop3A_615, %parallel_loop3A_616] {strides = array<i32>} : memref<8x8x128xf32, #tpu.memory_space<vmem>>, vector<1x1x16xf32>,
        %parallel_loop3A_618 = vector.shape_cast %parallel_loop3A_617 : vector<1x1x16xf32> to vector<16xf32>
        %parallel_loop3A_619 = vector.shape_cast %parallel_loop3A_607 : vector<16xf32> to vector<1x1x16xf32>
        tpu.vector_store %parallel_loop3A_613[%parallel_loop3A_614, %parallel_loop3A_615, %parallel_loop3A_616], %parallel_loop3A_619 {strides = array<i32>} : memref<8x8x128xf32, #tpu.memory_space<vmem>>, vector<1x1x16xf32>,
        %parallel_loop3A_620 = arith.mulf %parallel_loop3A_605, %parallel_loop3A_286 : vector<16xf32>
        %parallel_loop3A_621 = arith.addf %parallel_loop3A_620, %parallel_loop3A_299 : vector<16xf32>
        %parallel_loop3A_622 = arith.constant 2 : i32
        %parallel_loop3A_623 = arith.muli %parallel_loop3A_622, %parallel_loop3A_250 : i32
        %parallel_loop3A_624 = arith.constant 1 : i32
        %parallel_loop3A_625 = arith.addi %parallel_loop3A_623, %parallel_loop3A_624 : i32
        %parallel_loop3A_626 = arith.constant 8 : i32
        %parallel_loop3A_627 = arith.constant 0 : i32
        %parallel_loop3A_628 = arith.constant 0 : i32
        %parallel_loop3A_629 = tpu.memref_slice %arg8[%parallel_loop3A_626, %parallel_loop3A_627, %parallel_loop3A_628] : memref<16x8x128xf32, #tpu.memory_space<vmem>> -> memref<8x8x128xf32, #tpu.memory_space<vmem>>
        %parallel_loop3A_630 = arith.index_cast %parallel_loop3A_248 : i32 to index
        %parallel_loop3A_631 = arith.index_cast %parallel_loop3A_625 : i32 to index
        %parallel_loop3A_632 = arith.constant 112 : index
        %parallel_loop3A_633 = tpu.vector_load %parallel_loop3A_629[%parallel_loop3A_630, %parallel_loop3A_631, %parallel_loop3A_632] {strides = array<i32>} : memref<8x8x128xf32, #tpu.memory_space<vmem>>, vector<1x1x16xf32>,
        %parallel_loop3A_634 = vector.shape_cast %parallel_loop3A_633 : vector<1x1x16xf32> to vector<16xf32>
        %parallel_loop3A_635 = vector.shape_cast %parallel_loop3A_621 : vector<16xf32> to vector<1x1x16xf32>
        tpu.vector_store %parallel_loop3A_629[%parallel_loop3A_630, %parallel_loop3A_631, %parallel_loop3A_632], %parallel_loop3A_635 {strides = array<i32>} : memref<8x8x128xf32, #tpu.memory_space<vmem>>, vector<1x1x16xf32>,
      } {sc.loop_unroll_factor = 1 : i64, sc.parallel_access}
      %mul3A_163 = arith.constant 16 : i32
      %mul3A_164 = arith.muli %mul3A_163, %mul3A_116 : i32
      %mul3A_165 = arith.constant 2 : i32
      %mul3A_166 = arith.muli %mul3A_165, %mul3A_2 : i32
      %dma_start3A_167 = arith.constant 0 : i32
      %dma_start3A_168 = tpu.memref_slice %arg5[%mul3A_164, %mul3A_166, %dma_start3A_167] : memref<1000x256x128xf32, #tpu.memory_space<hbm>> -> memref<16x8x128xf32, #tpu.memory_space<hbm>>
      %dma_start3A_169 = arith.constant 0 : i32
      %dma_start3A_170 = tpu.memref_slice %arg5[%mul3A_164, %mul3A_166, %dma_start3A_169] : memref<1000x256x128xf32, #tpu.memory_space<hbm>> -> memref<16x8x128xf32, #tpu.memory_space<hbm>>
      tpu.enqueue_dma source(%arg8 : memref<16x8x128xf32, #tpu.memory_space<vmem>>) target(%dma_start3A_170 : memref<16x8x128xf32, #tpu.memory_space<hbm>>) target_semaphore(%arg14 : memref<!tpu.dma_semaphore, #tpu.memory_space<semaphore_mem>>)
      %add3A_171 = arith.constant 2 : i32
      %add3A_172 = arith.addi %mul3A_116, %add3A_171 : i32
      %lt3A = arith.constant 62 : i32
      %lt3A_173 = arith.cmpi slt, %add3A_172, %lt3A : i32
      %convert_element_type3A_174 = arith.extui %lt3A_173 : i1 to i32
      %cond3A_175 = arith.constant 0 : i32
      %cond3A_176 = arith.cmpi ne, %convert_element_type3A_174, %cond3A_175 : i32
      scf.if %cond3A_176 {
        %add3A_246 = arith.constant 2 : i32
        %add3A_247 = arith.addi %mul3A_116, %add3A_246 : i32
        %mul3A_248 = arith.constant 2 : i32
        %mul3A_249 = arith.muli %mul3A_248, %add3A_247 : i32
        %mul3A_250 = arith.constant 8 : i32
        %mul3A_251 = arith.muli %mul3A_2, %mul3A_250 : i32
        %dma_start3A_252 = arith.constant 0 : i32
        %dma_start3A_253 = tpu.memref_slice %arg2[%mul3A_249, %mul3A_251, %dma_start3A_252] : memref<125x1024x128xi32, #tpu.memory_space<hbm>> -> memref<2x32x128xi32, #tpu.memory_space<hbm>>
        %dma_start3A_254 = arith.constant 0 : i32
        %dma_start3A_255 = tpu.memref_slice %arg2[%mul3A_249, %mul3A_251, %dma_start3A_254] : memref<125x1024x128xi32, #tpu.memory_space<hbm>> -> memref<2x32x128xi32, #tpu.memory_space<hbm>>
        tpu.enqueue_dma source(%dma_start3A_255 : memref<2x32x128xi32, #tpu.memory_space<hbm>>) target(%arg6 : memref<2x32x128xi32, #tpu.memory_space<vmem>>) target_semaphore(%arg12 : memref<!tpu.dma_semaphore, #tpu.memory_space<semaphore_mem>>)
      } else {
      }
      %mul3A_177 = arith.constant 2 : i32
      %mul3A_178 = arith.muli %mul3A_177, %scan3A_113 : i32
      %add3A_179 = arith.constant 1 : i32
      %add3A_180 = arith.addi %mul3A_178, %add3A_179 : i32
      %mul3A_181 = arith.constant 2 : i32
      %mul3A_182 = arith.muli %mul3A_181, %add3A_180 : i32
      %mul3A_183 = arith.constant 8 : i32
      %mul3A_184 = arith.muli %mul3A_2, %mul3A_183 : i32
      %dma_wait3A_185 = arith.constant 0 : i32
      %dma_wait3A_186 = tpu.memref_slice %arg2[%mul3A_182, %mul3A_184, %dma_wait3A_185] : memref<125x1024x128xi32, #tpu.memory_space<hbm>> -> memref<2x32x128xi32, #tpu.memory_space<hbm>>
      %dma_wait3A_187 = arith.constant 0 : i32
      %dma_wait3A_188 = tpu.memref_slice %arg2[%mul3A_182, %mul3A_184, %dma_wait3A_187] : memref<125x1024x128xi32, #tpu.memory_space<hbm>> -> memref<2x32x128xi32, #tpu.memory_space<hbm>>
      tpu.wait_dma2 semaphore(%arg13 : memref<!tpu.dma_semaphore, #tpu.memory_space<semaphore_mem>>) src(%dma_wait3A_188 : memref<2x32x128xi32, #tpu.memory_space<hbm>>) dst(%arg7 : memref<2x32x128xi32, #tpu.memory_space<vmem>>)
      %gt3A_189 = arith.constant 0 : i32
      %gt3A_190 = arith.cmpi sgt, %scan3A_113, %gt3A_189 : i32
      %convert_element_type3A_191 = arith.extui %gt3A_190 : i1 to i32
      %cond3A_192 = arith.constant 0 : i32
      %cond3A_193 = arith.cmpi ne, %convert_element_type3A_191, %cond3A_192 : i32
      scf.if %cond3A_193 {
        %sub3A = arith.constant 2 : i32
        %sub3A_246 = arith.subi %add3A_180, %sub3A : i32
        %mul3A_247 = arith.constant 16 : i32
        %mul3A_248 = arith.muli %mul3A_247, %sub3A_246 : i32
        %mul3A_249 = arith.constant 2 : i32
        %mul3A_250 = arith.muli %mul3A_249, %mul3A_2 : i32
        %dma_wait3A_251 = arith.constant 0 : i32
        %dma_wait3A_252 = tpu.memref_slice %arg5[%mul3A_248, %mul3A_250, %dma_wait3A_251] : memref<1000x256x128xf32, #tpu.memory_space<hbm>> -> memref<16x8x128xf32, #tpu.memory_space<hbm>>
        %dma_wait3A_253 = arith.constant 0 : i32
        %dma_wait3A_254 = tpu.memref_slice %arg5[%mul3A_248, %mul3A_250, %dma_wait3A_253] : memref<1000x256x128xf32, #tpu.memory_space<hbm>> -> memref<16x8x128xf32, #tpu.memory_space<hbm>>
        tpu.wait_dma2 semaphore(%arg15 : memref<!tpu.dma_semaphore, #tpu.memory_space<semaphore_mem>>) src(%arg9 : memref<16x8x128xf32, #tpu.memory_space<vmem>>) dst(%dma_wait3A_254 : memref<16x8x128xf32, #tpu.memory_space<hbm>>)
      } else {
      }
      %mul3A_194 = arith.constant 2 : i32
      %mul3A_195 = arith.muli %mul3A_194, %add3A_180 : i32
      %add3A_196 = arith.constant 0 : i32
      %add3A_197 = arith.addi %mul3A_195, %add3A_196 : i32
      %mul3A_198 = arith.constant 16 : i32
      %mul3A_199 = arith.muli %mul3A_198, %add3A_197 : i32
      %get3A_200 = arith.index_cast %mul3A_199 : i32 to index
      %get3A_201 = tpu.vector_load %arg10[%get3A_200] {strides = array<i32>} : memref<2000xf32, #tpu.memory_space<vmem>>, vector<16xf32>,
      %get3A_202 = vector.shape_cast %get3A_201 : vector<16xf32> to vector<16xf32>
      %mul3A_203 = arith.constant 16 : i32
      %mul3A_204 = arith.muli %mul3A_203, %add3A_197 : i32
      %get3A_205 = arith.index_cast %mul3A_204 : i32 to index
      %get3A_206 = tpu.vector_load %arg11[%get3A_205] {strides = array<i32>} : memref<2000xf32, #tpu.memory_space<vmem>>, vector<16xf32>,
      %get3A_207 = vector.shape_cast %get3A_206 : vector<16xf32> to vector<16xf32>
      %parallel_loop3A_208 = arith.constant 0 : i32
      %parallel_loop3A_209 = arith.constant 32 : i32
      %parallel_loop3A_210 = arith.constant 1 : i32
      %parallel_loop3A_211 = arith.constant 0 : i32
      scf.for %parallel_loop3A_246 = %parallel_loop3A_208 to %parallel_loop3A_209 step %parallel_loop3A_210  : i32 {
        %parallel_loop3A_247 = arith.constant 2 : i32
        %parallel_loop3A_248 = arith.shrsi %parallel_loop3A_246, %parallel_loop3A_247 : i32
        %parallel_loop3A_249 = arith.constant 3 : i32
        %parallel_loop3A_250 = arith.andi %parallel_loop3A_246, %parallel_loop3A_249 : i32
        %parallel_loop3A_251 = arith.constant 2 : i32
        %parallel_loop3A_252 = arith.muli %parallel_loop3A_251, %parallel_loop3A_248 : i32
        %parallel_loop3A_253 = vector.broadcast %parallel_loop3A_252 : i32 to vector<16xi32>
        %parallel_loop3A_254 = arith.constant 0 : i32
        %parallel_loop3A_255 = vector.broadcast %parallel_loop3A_254 : i32 to vector<16xi32>
        %parallel_loop3A_256 = arith.cmpi slt, %parallel_loop3A_253, %parallel_loop3A_255 : vector<16xi32>
        %parallel_loop3A_257 = arith.constant 16 : i32
        %parallel_loop3A_258 = vector.broadcast %parallel_loop3A_257 : i32 to vector<16xi32>
        %parallel_loop3A_259 = arith.addi %parallel_loop3A_253, %parallel_loop3A_258 : vector<16xi32>
        %parallel_loop3A_260 = arith.select %parallel_loop3A_256, %parallel_loop3A_259, %parallel_loop3A_253 : vector<16xi1>, vector<16xi32>
        %parallel_loop3A_261 = vector.shape_cast %parallel_loop3A_260 : vector<16xi32> to vector<16x1xi32>
        %parallel_loop3A_262 = vector.shape_cast %parallel_loop3A_261 : vector<16x1xi32> to vector<16xi32>
        %parallel_loop3A_263 = tpu.dynamic_gather %get3A_202[%parallel_loop3A_262] in [0] : vector<16xf32>, vector<16xi32> -> vector<16xf32>
        %parallel_loop3A_264 = arith.constant 0 : i32
        %parallel_loop3A_265 = vector.broadcast %parallel_loop3A_264 : i32 to vector<16xi32>
        %parallel_loop3A_266 = arith.cmpi slt, %parallel_loop3A_253, %parallel_loop3A_265 : vector<16xi32>
        %parallel_loop3A_267 = arith.constant 16 : i32
        %parallel_loop3A_268 = vector.broadcast %parallel_loop3A_267 : i32 to vector<16xi32>
        %parallel_loop3A_269 = arith.addi %parallel_loop3A_253, %parallel_loop3A_268 : vector<16xi32>
        %parallel_loop3A_270 = arith.select %parallel_loop3A_266, %parallel_loop3A_269, %parallel_loop3A_253 : vector<16xi1>, vector<16xi32>
        %parallel_loop3A_271 = vector.shape_cast %parallel_loop3A_270 : vector<16xi32> to vector<16x1xi32>
        %parallel_loop3A_272 = vector.shape_cast %parallel_loop3A_271 : vector<16x1xi32> to vector<16xi32>
        %parallel_loop3A_273 = tpu.dynamic_gather %get3A_207[%parallel_loop3A_272] in [0] : vector<16xf32>, vector<16xi32> -> vector<16xf32>
        %parallel_loop3A_274 = arith.constant 1 : i32
        %parallel_loop3A_275 = vector.broadcast %parallel_loop3A_274 : i32 to vector<16xi32>
        %parallel_loop3A_276 = arith.addi %parallel_loop3A_253, %parallel_loop3A_275 : vector<16xi32>
        %parallel_loop3A_277 = arith.constant 0 : i32
        %parallel_loop3A_278 = vector.broadcast %parallel_loop3A_277 : i32 to vector<16xi32>
        %parallel_loop3A_279 = arith.cmpi slt, %parallel_loop3A_276, %parallel_loop3A_278 : vector<16xi32>
        %parallel_loop3A_280 = arith.constant 16 : i32
        %parallel_loop3A_281 = vector.broadcast %parallel_loop3A_280 : i32 to vector<16xi32>
        %parallel_loop3A_282 = arith.addi %parallel_loop3A_276, %parallel_loop3A_281 : vector<16xi32>
        %parallel_loop3A_283 = arith.select %parallel_loop3A_279, %parallel_loop3A_282, %parallel_loop3A_276 : vector<16xi1>, vector<16xi32>
        %parallel_loop3A_284 = vector.shape_cast %parallel_loop3A_283 : vector<16xi32> to vector<16x1xi32>
        %parallel_loop3A_285 = vector.shape_cast %parallel_loop3A_284 : vector<16x1xi32> to vector<16xi32>
        %parallel_loop3A_286 = tpu.dynamic_gather %get3A_202[%parallel_loop3A_285] in [0] : vector<16xf32>, vector<16xi32> -> vector<16xf32>
        %parallel_loop3A_287 = arith.constant 1 : i32
        %parallel_loop3A_288 = vector.broadcast %parallel_loop3A_287 : i32 to vector<16xi32>
        %parallel_loop3A_289 = arith.addi %parallel_loop3A_253, %parallel_loop3A_288 : vector<16xi32>
        %parallel_loop3A_290 = arith.constant 0 : i32
        %parallel_loop3A_291 = vector.broadcast %parallel_loop3A_290 : i32 to vector<16xi32>
        %parallel_loop3A_292 = arith.cmpi slt, %parallel_loop3A_289, %parallel_loop3A_291 : vector<16xi32>
        %parallel_loop3A_293 = arith.constant 16 : i32
        %parallel_loop3A_294 = vector.broadcast %parallel_loop3A_293 : i32 to vector<16xi32>
        %parallel_loop3A_295 = arith.addi %parallel_loop3A_289, %parallel_loop3A_294 : vector<16xi32>
        %parallel_loop3A_296 = arith.select %parallel_loop3A_292, %parallel_loop3A_295, %parallel_loop3A_289 : vector<16xi1>, vector<16xi32>
        %parallel_loop3A_297 = vector.shape_cast %parallel_loop3A_296 : vector<16xi32> to vector<16x1xi32>
        %parallel_loop3A_298 = vector.shape_cast %parallel_loop3A_297 : vector<16x1xi32> to vector<16xi32>
        %parallel_loop3A_299 = tpu.dynamic_gather %get3A_207[%parallel_loop3A_298] in [0] : vector<16xf32>, vector<16xi32> -> vector<16xf32>
        %parallel_loop3A_300 = arith.constant 8 : i32
        %parallel_loop3A_301 = arith.muli %parallel_loop3A_250, %parallel_loop3A_300 : i32
        %parallel_loop3A_302 = arith.addi %parallel_loop3A_301, %parallel_loop3A_248 : i32
        %parallel_loop3A_303 = arith.constant 0 : i32
        %parallel_loop3A_304 = arith.constant 0 : i32
        %parallel_loop3A_305 = tpu.memref_slice %arg7[%parallel_loop3A_211, %parallel_loop3A_303, %parallel_loop3A_304] : memref<2x32x128xi32, #tpu.memory_space<vmem>> -> memref<1x32x128xi32, #tpu.memory_space<vmem>>
        %parallel_loop3A_306 = tpu.memref_squeeze %parallel_loop3A_305 : memref<1x32x128xi32, #tpu.memory_space<vmem>> -> memref<32x128xi32, #tpu.memory_space<vmem>>
        %parallel_loop3A_307 = arith.index_cast %parallel_loop3A_302 : i32 to index
        %parallel_loop3A_308 = arith.constant 0 : index
        %parallel_loop3A_309 = tpu.vector_load %parallel_loop3A_306[%parallel_loop3A_307, %parallel_loop3A_308] {strides = array<i32>} : memref<32x128xi32, #tpu.memory_space<vmem>>, vector<1x16xi32>,
        %parallel_loop3A_310 = vector.shape_cast %parallel_loop3A_309 : vector<1x16xi32> to vector<16xi32>
        %parallel_loop3A_311 = arith.sitofp %parallel_loop3A_310 : vector<16xi32> to vector<16xf32>
        %parallel_loop3A_312 = arith.mulf %parallel_loop3A_311, %parallel_loop3A_263 : vector<16xf32>
        %parallel_loop3A_313 = arith.addf %parallel_loop3A_312, %parallel_loop3A_273 : vector<16xf32>
        %parallel_loop3A_314 = arith.constant 2 : i32
        %parallel_loop3A_315 = arith.muli %parallel_loop3A_314, %parallel_loop3A_250 : i32
        %parallel_loop3A_316 = arith.constant 0 : i32
        %parallel_loop3A_317 = arith.constant 0 : i32
        %parallel_loop3A_318 = arith.constant 0 : i32
        %parallel_loop3A_319 = tpu.memref_slice %arg9[%parallel_loop3A_316, %parallel_loop3A_317, %parallel_loop3A_318] : memref<16x8x128xf32, #tpu.memory_space<vmem>> -> memref<8x8x128xf32, #tpu.memory_space<vmem>>
        %parallel_loop3A_320 = arith.index_cast %parallel_loop3A_248 : i32 to index
        %parallel_loop3A_321 = arith.index_cast %parallel_loop3A_315 : i32 to index
        %parallel_loop3A_322 = arith.constant 0 : index
        %parallel_loop3A_323 = tpu.vector_load %parallel_loop3A_319[%parallel_loop3A_320, %parallel_loop3A_321, %parallel_loop3A_322] {strides = array<i32>} : memref<8x8x128xf32, #tpu.memory_space<vmem>>, vector<1x1x16xf32>,
        %parallel_loop3A_324 = vector.shape_cast %parallel_loop3A_323 : vector<1x1x16xf32> to vector<16xf32>
        %parallel_loop3A_325 = vector.shape_cast %parallel_loop3A_313 : vector<16xf32> to vector<1x1x16xf32>
        tpu.vector_store %parallel_loop3A_319[%parallel_loop3A_320, %parallel_loop3A_321, %parallel_loop3A_322], %parallel_loop3A_325 {strides = array<i32>} : memref<8x8x128xf32, #tpu.memory_space<vmem>>, vector<1x1x16xf32>,
        %parallel_loop3A_326 = arith.mulf %parallel_loop3A_311, %parallel_loop3A_286 : vector<16xf32>
        %parallel_loop3A_327 = arith.addf %parallel_loop3A_326, %parallel_loop3A_299 : vector<16xf32>
        %parallel_loop3A_328 = arith.constant 2 : i32
        %parallel_loop3A_329 = arith.muli %parallel_loop3A_328, %parallel_loop3A_250 : i32
        %parallel_loop3A_330 = arith.constant 1 : i32
        %parallel_loop3A_331 = arith.addi %parallel_loop3A_329, %parallel_loop3A_330 : i32
        %parallel_loop3A_332 = arith.constant 0 : i32
        %parallel_loop3A_333 = arith.constant 0 : i32
        %parallel_loop3A_334 = arith.constant 0 : i32
        %parallel_loop3A_335 = tpu.memref_slice %arg9[%parallel_loop3A_332, %parallel_loop3A_333, %parallel_loop3A_334] : memref<16x8x128xf32, #tpu.memory_space<vmem>> -> memref<8x8x128xf32, #tpu.memory_space<vmem>>
        %parallel_loop3A_336 = arith.index_cast %parallel_loop3A_248 : i32 to index
        %parallel_loop3A_337 = arith.index_cast %parallel_loop3A_331 : i32 to index
        %parallel_loop3A_338 = arith.constant 0 : index
        %parallel_loop3A_339 = tpu.vector_load %parallel_loop3A_335[%parallel_loop3A_336, %parallel_loop3A_337, %parallel_loop3A_338] {strides = array<i32>} : memref<8x8x128xf32, #tpu.memory_space<vmem>>, vector<1x1x16xf32>,
        %parallel_loop3A_340 = vector.shape_cast %parallel_loop3A_339 : vector<1x1x16xf32> to vector<16xf32>
        %parallel_loop3A_341 = vector.shape_cast %parallel_loop3A_327 : vector<16xf32> to vector<1x1x16xf32>
        tpu.vector_store %parallel_loop3A_335[%parallel_loop3A_336, %parallel_loop3A_337, %parallel_loop3A_338], %parallel_loop3A_341 {strides = array<i32>} : memref<8x8x128xf32, #tpu.memory_space<vmem>>, vector<1x1x16xf32>,
        %parallel_loop3A_342 = arith.constant 8 : i32
        %parallel_loop3A_343 = arith.muli %parallel_loop3A_250, %parallel_loop3A_342 : i32
        %parallel_loop3A_344 = arith.addi %parallel_loop3A_343, %parallel_loop3A_248 : i32
        %parallel_loop3A_345 = arith.constant 0 : i32
        %parallel_loop3A_346 = arith.constant 0 : i32
        %parallel_loop3A_347 = tpu.memref_slice %arg7[%parallel_loop3A_211, %parallel_loop3A_345, %parallel_loop3A_346] : memref<2x32x128xi32, #tpu.memory_space<vmem>> -> memref<1x32x128xi32, #tpu.memory_space<vmem>>
        %parallel_loop3A_348 = tpu.memref_squeeze %parallel_loop3A_347 : memref<1x32x128xi32, #tpu.memory_space<vmem>> -> memref<32x128xi32, #tpu.memory_space<vmem>>
        %parallel_loop3A_349 = arith.index_cast %parallel_loop3A_344 : i32 to index
        %parallel_loop3A_350 = arith.constant 16 : index
        %parallel_loop3A_351 = tpu.vector_load %parallel_loop3A_348[%parallel_loop3A_349, %parallel_loop3A_350] {strides = array<i32>} : memref<32x128xi32, #tpu.memory_space<vmem>>, vector<1x16xi32>,
        %parallel_loop3A_352 = vector.shape_cast %parallel_loop3A_351 : vector<1x16xi32> to vector<16xi32>
        %parallel_loop3A_353 = arith.sitofp %parallel_loop3A_352 : vector<16xi32> to vector<16xf32>
        %parallel_loop3A_354 = arith.mulf %parallel_loop3A_353, %parallel_loop3A_263 : vector<16xf32>
        %parallel_loop3A_355 = arith.addf %parallel_loop3A_354, %parallel_loop3A_273 : vector<16xf32>
        %parallel_loop3A_356 = arith.constant 2 : i32
        %parallel_loop3A_357 = arith.muli %parallel_loop3A_356, %parallel_loop3A_250 : i32
        %parallel_loop3A_358 = arith.constant 0 : i32
        %parallel_loop3A_359 = arith.constant 0 : i32
        %parallel_loop3A_360 = arith.constant 0 : i32
        %parallel_loop3A_361 = tpu.memref_slice %arg9[%parallel_loop3A_358, %parallel_loop3A_359, %parallel_loop3A_360] : memref<16x8x128xf32, #tpu.memory_space<vmem>> -> memref<8x8x128xf32, #tpu.memory_space<vmem>>
        %parallel_loop3A_362 = arith.index_cast %parallel_loop3A_248 : i32 to index
        %parallel_loop3A_363 = arith.index_cast %parallel_loop3A_357 : i32 to index
        %parallel_loop3A_364 = arith.constant 16 : index
        %parallel_loop3A_365 = tpu.vector_load %parallel_loop3A_361[%parallel_loop3A_362, %parallel_loop3A_363, %parallel_loop3A_364] {strides = array<i32>} : memref<8x8x128xf32, #tpu.memory_space<vmem>>, vector<1x1x16xf32>,
        %parallel_loop3A_366 = vector.shape_cast %parallel_loop3A_365 : vector<1x1x16xf32> to vector<16xf32>
        %parallel_loop3A_367 = vector.shape_cast %parallel_loop3A_355 : vector<16xf32> to vector<1x1x16xf32>
        tpu.vector_store %parallel_loop3A_361[%parallel_loop3A_362, %parallel_loop3A_363, %parallel_loop3A_364], %parallel_loop3A_367 {strides = array<i32>} : memref<8x8x128xf32, #tpu.memory_space<vmem>>, vector<1x1x16xf32>,
        %parallel_loop3A_368 = arith.mulf %parallel_loop3A_353, %parallel_loop3A_286 : vector<16xf32>
        %parallel_loop3A_369 = arith.addf %parallel_loop3A_368, %parallel_loop3A_299 : vector<16xf32>
        %parallel_loop3A_370 = arith.constant 2 : i32
        %parallel_loop3A_371 = arith.muli %parallel_loop3A_370, %parallel_loop3A_250 : i32
        %parallel_loop3A_372 = arith.constant 1 : i32
        %parallel_loop3A_373 = arith.addi %parallel_loop3A_371, %parallel_loop3A_372 : i32
        %parallel_loop3A_374 = arith.constant 0 : i32
        %parallel_loop3A_375 = arith.constant 0 : i32
        %parallel_loop3A_376 = arith.constant 0 : i32
        %parallel_loop3A_377 = tpu.memref_slice %arg9[%parallel_loop3A_374, %parallel_loop3A_375, %parallel_loop3A_376] : memref<16x8x128xf32, #tpu.memory_space<vmem>> -> memref<8x8x128xf32, #tpu.memory_space<vmem>>
        %parallel_loop3A_378 = arith.index_cast %parallel_loop3A_248 : i32 to index
        %parallel_loop3A_379 = arith.index_cast %parallel_loop3A_373 : i32 to index
        %parallel_loop3A_380 = arith.constant 16 : index
        %parallel_loop3A_381 = tpu.vector_load %parallel_loop3A_377[%parallel_loop3A_378, %parallel_loop3A_379, %parallel_loop3A_380] {strides = array<i32>} : memref<8x8x128xf32, #tpu.memory_space<vmem>>, vector<1x1x16xf32>,
        %parallel_loop3A_382 = vector.shape_cast %parallel_loop3A_381 : vector<1x1x16xf32> to vector<16xf32>
        %parallel_loop3A_383 = vector.shape_cast %parallel_loop3A_369 : vector<16xf32> to vector<1x1x16xf32>
        tpu.vector_store %parallel_loop3A_377[%parallel_loop3A_378, %parallel_loop3A_379, %parallel_loop3A_380], %parallel_loop3A_383 {strides = array<i32>} : memref<8x8x128xf32, #tpu.memory_space<vmem>>, vector<1x1x16xf32>,
        %parallel_loop3A_384 = arith.constant 8 : i32
        %parallel_loop3A_385 = arith.muli %parallel_loop3A_250, %parallel_loop3A_384 : i32
        %parallel_loop3A_386 = arith.addi %parallel_loop3A_385, %parallel_loop3A_248 : i32
        %parallel_loop3A_387 = arith.constant 0 : i32
        %parallel_loop3A_388 = arith.constant 0 : i32
        %parallel_loop3A_389 = tpu.memref_slice %arg7[%parallel_loop3A_211, %parallel_loop3A_387, %parallel_loop3A_388] : memref<2x32x128xi32, #tpu.memory_space<vmem>> -> memref<1x32x128xi32, #tpu.memory_space<vmem>>
        %parallel_loop3A_390 = tpu.memref_squeeze %parallel_loop3A_389 : memref<1x32x128xi32, #tpu.memory_space<vmem>> -> memref<32x128xi32, #tpu.memory_space<vmem>>
        %parallel_loop3A_391 = arith.index_cast %parallel_loop3A_386 : i32 to index
        %parallel_loop3A_392 = arith.constant 32 : index
        %parallel_loop3A_393 = tpu.vector_load %parallel_loop3A_390[%parallel_loop3A_391, %parallel_loop3A_392] {strides = array<i32>} : memref<32x128xi32, #tpu.memory_space<vmem>>, vector<1x16xi32>,
        %parallel_loop3A_394 = vector.shape_cast %parallel_loop3A_393 : vector<1x16xi32> to vector<16xi32>
        %parallel_loop3A_395 = arith.sitofp %parallel_loop3A_394 : vector<16xi32> to vector<16xf32>
        %parallel_loop3A_396 = arith.mulf %parallel_loop3A_395, %parallel_loop3A_263 : vector<16xf32>
        %parallel_loop3A_397 = arith.addf %parallel_loop3A_396, %parallel_loop3A_273 : vector<16xf32>
        %parallel_loop3A_398 = arith.constant 2 : i32
        %parallel_loop3A_399 = arith.muli %parallel_loop3A_398, %parallel_loop3A_250 : i32
        %parallel_loop3A_400 = arith.constant 0 : i32
        %parallel_loop3A_401 = arith.constant 0 : i32
        %parallel_loop3A_402 = arith.constant 0 : i32
        %parallel_loop3A_403 = tpu.memref_slice %arg9[%parallel_loop3A_400, %parallel_loop3A_401, %parallel_loop3A_402] : memref<16x8x128xf32, #tpu.memory_space<vmem>> -> memref<8x8x128xf32, #tpu.memory_space<vmem>>
        %parallel_loop3A_404 = arith.index_cast %parallel_loop3A_248 : i32 to index
        %parallel_loop3A_405 = arith.index_cast %parallel_loop3A_399 : i32 to index
        %parallel_loop3A_406 = arith.constant 32 : index
        %parallel_loop3A_407 = tpu.vector_load %parallel_loop3A_403[%parallel_loop3A_404, %parallel_loop3A_405, %parallel_loop3A_406] {strides = array<i32>} : memref<8x8x128xf32, #tpu.memory_space<vmem>>, vector<1x1x16xf32>,
        %parallel_loop3A_408 = vector.shape_cast %parallel_loop3A_407 : vector<1x1x16xf32> to vector<16xf32>
        %parallel_loop3A_409 = vector.shape_cast %parallel_loop3A_397 : vector<16xf32> to vector<1x1x16xf32>
        tpu.vector_store %parallel_loop3A_403[%parallel_loop3A_404, %parallel_loop3A_405, %parallel_loop3A_406], %parallel_loop3A_409 {strides = array<i32>} : memref<8x8x128xf32, #tpu.memory_space<vmem>>, vector<1x1x16xf32>,
        %parallel_loop3A_410 = arith.mulf %parallel_loop3A_395, %parallel_loop3A_286 : vector<16xf32>
        %parallel_loop3A_411 = arith.addf %parallel_loop3A_410, %parallel_loop3A_299 : vector<16xf32>
        %parallel_loop3A_412 = arith.constant 2 : i32
        %parallel_loop3A_413 = arith.muli %parallel_loop3A_412, %parallel_loop3A_250 : i32
        %parallel_loop3A_414 = arith.constant 1 : i32
        %parallel_loop3A_415 = arith.addi %parallel_loop3A_413, %parallel_loop3A_414 : i32
        %parallel_loop3A_416 = arith.constant 0 : i32
        %parallel_loop3A_417 = arith.constant 0 : i32
        %parallel_loop3A_418 = arith.constant 0 : i32
        %parallel_loop3A_419 = tpu.memref_slice %arg9[%parallel_loop3A_416, %parallel_loop3A_417, %parallel_loop3A_418] : memref<16x8x128xf32, #tpu.memory_space<vmem>> -> memref<8x8x128xf32, #tpu.memory_space<vmem>>
        %parallel_loop3A_420 = arith.index_cast %parallel_loop3A_248 : i32 to index
        %parallel_loop3A_421 = arith.index_cast %parallel_loop3A_415 : i32 to index
        %parallel_loop3A_422 = arith.constant 32 : index
        %parallel_loop3A_423 = tpu.vector_load %parallel_loop3A_419[%parallel_loop3A_420, %parallel_loop3A_421, %parallel_loop3A_422] {strides = array<i32>} : memref<8x8x128xf32, #tpu.memory_space<vmem>>, vector<1x1x16xf32>,
        %parallel_loop3A_424 = vector.shape_cast %parallel_loop3A_423 : vector<1x1x16xf32> to vector<16xf32>
        %parallel_loop3A_425 = vector.shape_cast %parallel_loop3A_411 : vector<16xf32> to vector<1x1x16xf32>
        tpu.vector_store %parallel_loop3A_419[%parallel_loop3A_420, %parallel_loop3A_421, %parallel_loop3A_422], %parallel_loop3A_425 {strides = array<i32>} : memref<8x8x128xf32, #tpu.memory_space<vmem>>, vector<1x1x16xf32>,
        %parallel_loop3A_426 = arith.constant 8 : i32
        %parallel_loop3A_427 = arith.muli %parallel_loop3A_250, %parallel_loop3A_426 : i32
        %parallel_loop3A_428 = arith.addi %parallel_loop3A_427, %parallel_loop3A_248 : i32
        %parallel_loop3A_429 = arith.constant 0 : i32
        %parallel_loop3A_430 = arith.constant 0 : i32
        %parallel_loop3A_431 = tpu.memref_slice %arg7[%parallel_loop3A_211, %parallel_loop3A_429, %parallel_loop3A_430] : memref<2x32x128xi32, #tpu.memory_space<vmem>> -> memref<1x32x128xi32, #tpu.memory_space<vmem>>
        %parallel_loop3A_432 = tpu.memref_squeeze %parallel_loop3A_431 : memref<1x32x128xi32, #tpu.memory_space<vmem>> -> memref<32x128xi32, #tpu.memory_space<vmem>>
        %parallel_loop3A_433 = arith.index_cast %parallel_loop3A_428 : i32 to index
        %parallel_loop3A_434 = arith.constant 48 : index
        %parallel_loop3A_435 = tpu.vector_load %parallel_loop3A_432[%parallel_loop3A_433, %parallel_loop3A_434] {strides = array<i32>} : memref<32x128xi32, #tpu.memory_space<vmem>>, vector<1x16xi32>,
        %parallel_loop3A_436 = vector.shape_cast %parallel_loop3A_435 : vector<1x16xi32> to vector<16xi32>
        %parallel_loop3A_437 = arith.sitofp %parallel_loop3A_436 : vector<16xi32> to vector<16xf32>
        %parallel_loop3A_438 = arith.mulf %parallel_loop3A_437, %parallel_loop3A_263 : vector<16xf32>
        %parallel_loop3A_439 = arith.addf %parallel_loop3A_438, %parallel_loop3A_273 : vector<16xf32>
        %parallel_loop3A_440 = arith.constant 2 : i32
        %parallel_loop3A_441 = arith.muli %parallel_loop3A_440, %parallel_loop3A_250 : i32
        %parallel_loop3A_442 = arith.constant 0 : i32
        %parallel_loop3A_443 = arith.constant 0 : i32
        %parallel_loop3A_444 = arith.constant 0 : i32
        %parallel_loop3A_445 = tpu.memref_slice %arg9[%parallel_loop3A_442, %parallel_loop3A_443, %parallel_loop3A_444] : memref<16x8x128xf32, #tpu.memory_space<vmem>> -> memref<8x8x128xf32, #tpu.memory_space<vmem>>
        %parallel_loop3A_446 = arith.index_cast %parallel_loop3A_248 : i32 to index
        %parallel_loop3A_447 = arith.index_cast %parallel_loop3A_441 : i32 to index
        %parallel_loop3A_448 = arith.constant 48 : index
        %parallel_loop3A_449 = tpu.vector_load %parallel_loop3A_445[%parallel_loop3A_446, %parallel_loop3A_447, %parallel_loop3A_448] {strides = array<i32>} : memref<8x8x128xf32, #tpu.memory_space<vmem>>, vector<1x1x16xf32>,
        %parallel_loop3A_450 = vector.shape_cast %parallel_loop3A_449 : vector<1x1x16xf32> to vector<16xf32>
        %parallel_loop3A_451 = vector.shape_cast %parallel_loop3A_439 : vector<16xf32> to vector<1x1x16xf32>
        tpu.vector_store %parallel_loop3A_445[%parallel_loop3A_446, %parallel_loop3A_447, %parallel_loop3A_448], %parallel_loop3A_451 {strides = array<i32>} : memref<8x8x128xf32, #tpu.memory_space<vmem>>, vector<1x1x16xf32>,
        %parallel_loop3A_452 = arith.mulf %parallel_loop3A_437, %parallel_loop3A_286 : vector<16xf32>
        %parallel_loop3A_453 = arith.addf %parallel_loop3A_452, %parallel_loop3A_299 : vector<16xf32>
        %parallel_loop3A_454 = arith.constant 2 : i32
        %parallel_loop3A_455 = arith.muli %parallel_loop3A_454, %parallel_loop3A_250 : i32
        %parallel_loop3A_456 = arith.constant 1 : i32
        %parallel_loop3A_457 = arith.addi %parallel_loop3A_455, %parallel_loop3A_456 : i32
        %parallel_loop3A_458 = arith.constant 0 : i32
        %parallel_loop3A_459 = arith.constant 0 : i32
        %parallel_loop3A_460 = arith.constant 0 : i32
        %parallel_loop3A_461 = tpu.memref_slice %arg9[%parallel_loop3A_458, %parallel_loop3A_459, %parallel_loop3A_460] : memref<16x8x128xf32, #tpu.memory_space<vmem>> -> memref<8x8x128xf32, #tpu.memory_space<vmem>>
        %parallel_loop3A_462 = arith.index_cast %parallel_loop3A_248 : i32 to index
        %parallel_loop3A_463 = arith.index_cast %parallel_loop3A_457 : i32 to index
        %parallel_loop3A_464 = arith.constant 48 : index
        %parallel_loop3A_465 = tpu.vector_load %parallel_loop3A_461[%parallel_loop3A_462, %parallel_loop3A_463, %parallel_loop3A_464] {strides = array<i32>} : memref<8x8x128xf32, #tpu.memory_space<vmem>>, vector<1x1x16xf32>,
        %parallel_loop3A_466 = vector.shape_cast %parallel_loop3A_465 : vector<1x1x16xf32> to vector<16xf32>
        %parallel_loop3A_467 = vector.shape_cast %parallel_loop3A_453 : vector<16xf32> to vector<1x1x16xf32>
        tpu.vector_store %parallel_loop3A_461[%parallel_loop3A_462, %parallel_loop3A_463, %parallel_loop3A_464], %parallel_loop3A_467 {strides = array<i32>} : memref<8x8x128xf32, #tpu.memory_space<vmem>>, vector<1x1x16xf32>,
        %parallel_loop3A_468 = arith.constant 8 : i32
        %parallel_loop3A_469 = arith.muli %parallel_loop3A_250, %parallel_loop3A_468 : i32
        %parallel_loop3A_470 = arith.addi %parallel_loop3A_469, %parallel_loop3A_248 : i32
        %parallel_loop3A_471 = arith.constant 0 : i32
        %parallel_loop3A_472 = arith.constant 0 : i32
        %parallel_loop3A_473 = tpu.memref_slice %arg7[%parallel_loop3A_211, %parallel_loop3A_471, %parallel_loop3A_472] : memref<2x32x128xi32, #tpu.memory_space<vmem>> -> memref<1x32x128xi32, #tpu.memory_space<vmem>>
        %parallel_loop3A_474 = tpu.memref_squeeze %parallel_loop3A_473 : memref<1x32x128xi32, #tpu.memory_space<vmem>> -> memref<32x128xi32, #tpu.memory_space<vmem>>
        %parallel_loop3A_475 = arith.index_cast %parallel_loop3A_470 : i32 to index
        %parallel_loop3A_476 = arith.constant 64 : index
        %parallel_loop3A_477 = tpu.vector_load %parallel_loop3A_474[%parallel_loop3A_475, %parallel_loop3A_476] {strides = array<i32>} : memref<32x128xi32, #tpu.memory_space<vmem>>, vector<1x16xi32>,
        %parallel_loop3A_478 = vector.shape_cast %parallel_loop3A_477 : vector<1x16xi32> to vector<16xi32>
        %parallel_loop3A_479 = arith.sitofp %parallel_loop3A_478 : vector<16xi32> to vector<16xf32>
        %parallel_loop3A_480 = arith.mulf %parallel_loop3A_479, %parallel_loop3A_263 : vector<16xf32>
        %parallel_loop3A_481 = arith.addf %parallel_loop3A_480, %parallel_loop3A_273 : vector<16xf32>
        %parallel_loop3A_482 = arith.constant 2 : i32
        %parallel_loop3A_483 = arith.muli %parallel_loop3A_482, %parallel_loop3A_250 : i32
        %parallel_loop3A_484 = arith.constant 0 : i32
        %parallel_loop3A_485 = arith.constant 0 : i32
        %parallel_loop3A_486 = arith.constant 0 : i32
        %parallel_loop3A_487 = tpu.memref_slice %arg9[%parallel_loop3A_484, %parallel_loop3A_485, %parallel_loop3A_486] : memref<16x8x128xf32, #tpu.memory_space<vmem>> -> memref<8x8x128xf32, #tpu.memory_space<vmem>>
        %parallel_loop3A_488 = arith.index_cast %parallel_loop3A_248 : i32 to index
        %parallel_loop3A_489 = arith.index_cast %parallel_loop3A_483 : i32 to index
        %parallel_loop3A_490 = arith.constant 64 : index
        %parallel_loop3A_491 = tpu.vector_load %parallel_loop3A_487[%parallel_loop3A_488, %parallel_loop3A_489, %parallel_loop3A_490] {strides = array<i32>} : memref<8x8x128xf32, #tpu.memory_space<vmem>>, vector<1x1x16xf32>,
        %parallel_loop3A_492 = vector.shape_cast %parallel_loop3A_491 : vector<1x1x16xf32> to vector<16xf32>
        %parallel_loop3A_493 = vector.shape_cast %parallel_loop3A_481 : vector<16xf32> to vector<1x1x16xf32>
        tpu.vector_store %parallel_loop3A_487[%parallel_loop3A_488, %parallel_loop3A_489, %parallel_loop3A_490], %parallel_loop3A_493 {strides = array<i32>} : memref<8x8x128xf32, #tpu.memory_space<vmem>>, vector<1x1x16xf32>,
        %parallel_loop3A_494 = arith.mulf %parallel_loop3A_479, %parallel_loop3A_286 : vector<16xf32>
        %parallel_loop3A_495 = arith.addf %parallel_loop3A_494, %parallel_loop3A_299 : vector<16xf32>
        %parallel_loop3A_496 = arith.constant 2 : i32
        %parallel_loop3A_497 = arith.muli %parallel_loop3A_496, %parallel_loop3A_250 : i32
        %parallel_loop3A_498 = arith.constant 1 : i32
        %parallel_loop3A_499 = arith.addi %parallel_loop3A_497, %parallel_loop3A_498 : i32
        %parallel_loop3A_500 = arith.constant 0 : i32
        %parallel_loop3A_501 = arith.constant 0 : i32
        %parallel_loop3A_502 = arith.constant 0 : i32
        %parallel_loop3A_503 = tpu.memref_slice %arg9[%parallel_loop3A_500, %parallel_loop3A_501, %parallel_loop3A_502] : memref<16x8x128xf32, #tpu.memory_space<vmem>> -> memref<8x8x128xf32, #tpu.memory_space<vmem>>
        %parallel_loop3A_504 = arith.index_cast %parallel_loop3A_248 : i32 to index
        %parallel_loop3A_505 = arith.index_cast %parallel_loop3A_499 : i32 to index
        %parallel_loop3A_506 = arith.constant 64 : index
        %parallel_loop3A_507 = tpu.vector_load %parallel_loop3A_503[%parallel_loop3A_504, %parallel_loop3A_505, %parallel_loop3A_506] {strides = array<i32>} : memref<8x8x128xf32, #tpu.memory_space<vmem>>, vector<1x1x16xf32>,
        %parallel_loop3A_508 = vector.shape_cast %parallel_loop3A_507 : vector<1x1x16xf32> to vector<16xf32>
        %parallel_loop3A_509 = vector.shape_cast %parallel_loop3A_495 : vector<16xf32> to vector<1x1x16xf32>
        tpu.vector_store %parallel_loop3A_503[%parallel_loop3A_504, %parallel_loop3A_505, %parallel_loop3A_506], %parallel_loop3A_509 {strides = array<i32>} : memref<8x8x128xf32, #tpu.memory_space<vmem>>, vector<1x1x16xf32>,
        %parallel_loop3A_510 = arith.constant 8 : i32
        %parallel_loop3A_511 = arith.muli %parallel_loop3A_250, %parallel_loop3A_510 : i32
        %parallel_loop3A_512 = arith.addi %parallel_loop3A_511, %parallel_loop3A_248 : i32
        %parallel_loop3A_513 = arith.constant 0 : i32
        %parallel_loop3A_514 = arith.constant 0 : i32
        %parallel_loop3A_515 = tpu.memref_slice %arg7[%parallel_loop3A_211, %parallel_loop3A_513, %parallel_loop3A_514] : memref<2x32x128xi32, #tpu.memory_space<vmem>> -> memref<1x32x128xi32, #tpu.memory_space<vmem>>
        %parallel_loop3A_516 = tpu.memref_squeeze %parallel_loop3A_515 : memref<1x32x128xi32, #tpu.memory_space<vmem>> -> memref<32x128xi32, #tpu.memory_space<vmem>>
        %parallel_loop3A_517 = arith.index_cast %parallel_loop3A_512 : i32 to index
        %parallel_loop3A_518 = arith.constant 80 : index
        %parallel_loop3A_519 = tpu.vector_load %parallel_loop3A_516[%parallel_loop3A_517, %parallel_loop3A_518] {strides = array<i32>} : memref<32x128xi32, #tpu.memory_space<vmem>>, vector<1x16xi32>,
        %parallel_loop3A_520 = vector.shape_cast %parallel_loop3A_519 : vector<1x16xi32> to vector<16xi32>
        %parallel_loop3A_521 = arith.sitofp %parallel_loop3A_520 : vector<16xi32> to vector<16xf32>
        %parallel_loop3A_522 = arith.mulf %parallel_loop3A_521, %parallel_loop3A_263 : vector<16xf32>
        %parallel_loop3A_523 = arith.addf %parallel_loop3A_522, %parallel_loop3A_273 : vector<16xf32>
        %parallel_loop3A_524 = arith.constant 2 : i32
        %parallel_loop3A_525 = arith.muli %parallel_loop3A_524, %parallel_loop3A_250 : i32
        %parallel_loop3A_526 = arith.constant 0 : i32
        %parallel_loop3A_527 = arith.constant 0 : i32
        %parallel_loop3A_528 = arith.constant 0 : i32
        %parallel_loop3A_529 = tpu.memref_slice %arg9[%parallel_loop3A_526, %parallel_loop3A_527, %parallel_loop3A_528] : memref<16x8x128xf32, #tpu.memory_space<vmem>> -> memref<8x8x128xf32, #tpu.memory_space<vmem>>
        %parallel_loop3A_530 = arith.index_cast %parallel_loop3A_248 : i32 to index
        %parallel_loop3A_531 = arith.index_cast %parallel_loop3A_525 : i32 to index
        %parallel_loop3A_532 = arith.constant 80 : index
        %parallel_loop3A_533 = tpu.vector_load %parallel_loop3A_529[%parallel_loop3A_530, %parallel_loop3A_531, %parallel_loop3A_532] {strides = array<i32>} : memref<8x8x128xf32, #tpu.memory_space<vmem>>, vector<1x1x16xf32>,
        %parallel_loop3A_534 = vector.shape_cast %parallel_loop3A_533 : vector<1x1x16xf32> to vector<16xf32>
        %parallel_loop3A_535 = vector.shape_cast %parallel_loop3A_523 : vector<16xf32> to vector<1x1x16xf32>
        tpu.vector_store %parallel_loop3A_529[%parallel_loop3A_530, %parallel_loop3A_531, %parallel_loop3A_532], %parallel_loop3A_535 {strides = array<i32>} : memref<8x8x128xf32, #tpu.memory_space<vmem>>, vector<1x1x16xf32>,
        %parallel_loop3A_536 = arith.mulf %parallel_loop3A_521, %parallel_loop3A_286 : vector<16xf32>
        %parallel_loop3A_537 = arith.addf %parallel_loop3A_536, %parallel_loop3A_299 : vector<16xf32>
        %parallel_loop3A_538 = arith.constant 2 : i32
        %parallel_loop3A_539 = arith.muli %parallel_loop3A_538, %parallel_loop3A_250 : i32
        %parallel_loop3A_540 = arith.constant 1 : i32
        %parallel_loop3A_541 = arith.addi %parallel_loop3A_539, %parallel_loop3A_540 : i32
        %parallel_loop3A_542 = arith.constant 0 : i32
        %parallel_loop3A_543 = arith.constant 0 : i32
        %parallel_loop3A_544 = arith.constant 0 : i32
        %parallel_loop3A_545 = tpu.memref_slice %arg9[%parallel_loop3A_542, %parallel_loop3A_543, %parallel_loop3A_544] : memref<16x8x128xf32, #tpu.memory_space<vmem>> -> memref<8x8x128xf32, #tpu.memory_space<vmem>>
        %parallel_loop3A_546 = arith.index_cast %parallel_loop3A_248 : i32 to index
        %parallel_loop3A_547 = arith.index_cast %parallel_loop3A_541 : i32 to index
        %parallel_loop3A_548 = arith.constant 80 : index
        %parallel_loop3A_549 = tpu.vector_load %parallel_loop3A_545[%parallel_loop3A_546, %parallel_loop3A_547, %parallel_loop3A_548] {strides = array<i32>} : memref<8x8x128xf32, #tpu.memory_space<vmem>>, vector<1x1x16xf32>,
        %parallel_loop3A_550 = vector.shape_cast %parallel_loop3A_549 : vector<1x1x16xf32> to vector<16xf32>
        %parallel_loop3A_551 = vector.shape_cast %parallel_loop3A_537 : vector<16xf32> to vector<1x1x16xf32>
        tpu.vector_store %parallel_loop3A_545[%parallel_loop3A_546, %parallel_loop3A_547, %parallel_loop3A_548], %parallel_loop3A_551 {strides = array<i32>} : memref<8x8x128xf32, #tpu.memory_space<vmem>>, vector<1x1x16xf32>,
        %parallel_loop3A_552 = arith.constant 8 : i32
        %parallel_loop3A_553 = arith.muli %parallel_loop3A_250, %parallel_loop3A_552 : i32
        %parallel_loop3A_554 = arith.addi %parallel_loop3A_553, %parallel_loop3A_248 : i32
        %parallel_loop3A_555 = arith.constant 0 : i32
        %parallel_loop3A_556 = arith.constant 0 : i32
        %parallel_loop3A_557 = tpu.memref_slice %arg7[%parallel_loop3A_211, %parallel_loop3A_555, %parallel_loop3A_556] : memref<2x32x128xi32, #tpu.memory_space<vmem>> -> memref<1x32x128xi32, #tpu.memory_space<vmem>>
        %parallel_loop3A_558 = tpu.memref_squeeze %parallel_loop3A_557 : memref<1x32x128xi32, #tpu.memory_space<vmem>> -> memref<32x128xi32, #tpu.memory_space<vmem>>
        %parallel_loop3A_559 = arith.index_cast %parallel_loop3A_554 : i32 to index
        %parallel_loop3A_560 = arith.constant 96 : index
        %parallel_loop3A_561 = tpu.vector_load %parallel_loop3A_558[%parallel_loop3A_559, %parallel_loop3A_560] {strides = array<i32>} : memref<32x128xi32, #tpu.memory_space<vmem>>, vector<1x16xi32>,
        %parallel_loop3A_562 = vector.shape_cast %parallel_loop3A_561 : vector<1x16xi32> to vector<16xi32>
        %parallel_loop3A_563 = arith.sitofp %parallel_loop3A_562 : vector<16xi32> to vector<16xf32>
        %parallel_loop3A_564 = arith.mulf %parallel_loop3A_563, %parallel_loop3A_263 : vector<16xf32>
        %parallel_loop3A_565 = arith.addf %parallel_loop3A_564, %parallel_loop3A_273 : vector<16xf32>
        %parallel_loop3A_566 = arith.constant 2 : i32
        %parallel_loop3A_567 = arith.muli %parallel_loop3A_566, %parallel_loop3A_250 : i32
        %parallel_loop3A_568 = arith.constant 0 : i32
        %parallel_loop3A_569 = arith.constant 0 : i32
        %parallel_loop3A_570 = arith.constant 0 : i32
        %parallel_loop3A_571 = tpu.memref_slice %arg9[%parallel_loop3A_568, %parallel_loop3A_569, %parallel_loop3A_570] : memref<16x8x128xf32, #tpu.memory_space<vmem>> -> memref<8x8x128xf32, #tpu.memory_space<vmem>>
        %parallel_loop3A_572 = arith.index_cast %parallel_loop3A_248 : i32 to index
        %parallel_loop3A_573 = arith.index_cast %parallel_loop3A_567 : i32 to index
        %parallel_loop3A_574 = arith.constant 96 : index
        %parallel_loop3A_575 = tpu.vector_load %parallel_loop3A_571[%parallel_loop3A_572, %parallel_loop3A_573, %parallel_loop3A_574] {strides = array<i32>} : memref<8x8x128xf32, #tpu.memory_space<vmem>>, vector<1x1x16xf32>,
        %parallel_loop3A_576 = vector.shape_cast %parallel_loop3A_575 : vector<1x1x16xf32> to vector<16xf32>
        %parallel_loop3A_577 = vector.shape_cast %parallel_loop3A_565 : vector<16xf32> to vector<1x1x16xf32>
        tpu.vector_store %parallel_loop3A_571[%parallel_loop3A_572, %parallel_loop3A_573, %parallel_loop3A_574], %parallel_loop3A_577 {strides = array<i32>} : memref<8x8x128xf32, #tpu.memory_space<vmem>>, vector<1x1x16xf32>,
        %parallel_loop3A_578 = arith.mulf %parallel_loop3A_563, %parallel_loop3A_286 : vector<16xf32>
        %parallel_loop3A_579 = arith.addf %parallel_loop3A_578, %parallel_loop3A_299 : vector<16xf32>
        %parallel_loop3A_580 = arith.constant 2 : i32
        %parallel_loop3A_581 = arith.muli %parallel_loop3A_580, %parallel_loop3A_250 : i32
        %parallel_loop3A_582 = arith.constant 1 : i32
        %parallel_loop3A_583 = arith.addi %parallel_loop3A_581, %parallel_loop3A_582 : i32
        %parallel_loop3A_584 = arith.constant 0 : i32
        %parallel_loop3A_585 = arith.constant 0 : i32
        %parallel_loop3A_586 = arith.constant 0 : i32
        %parallel_loop3A_587 = tpu.memref_slice %arg9[%parallel_loop3A_584, %parallel_loop3A_585, %parallel_loop3A_586] : memref<16x8x128xf32, #tpu.memory_space<vmem>> -> memref<8x8x128xf32, #tpu.memory_space<vmem>>
        %parallel_loop3A_588 = arith.index_cast %parallel_loop3A_248 : i32 to index
        %parallel_loop3A_589 = arith.index_cast %parallel_loop3A_583 : i32 to index
        %parallel_loop3A_590 = arith.constant 96 : index
        %parallel_loop3A_591 = tpu.vector_load %parallel_loop3A_587[%parallel_loop3A_588, %parallel_loop3A_589, %parallel_loop3A_590] {strides = array<i32>} : memref<8x8x128xf32, #tpu.memory_space<vmem>>, vector<1x1x16xf32>,
        %parallel_loop3A_592 = vector.shape_cast %parallel_loop3A_591 : vector<1x1x16xf32> to vector<16xf32>
        %parallel_loop3A_593 = vector.shape_cast %parallel_loop3A_579 : vector<16xf32> to vector<1x1x16xf32>
        tpu.vector_store %parallel_loop3A_587[%parallel_loop3A_588, %parallel_loop3A_589, %parallel_loop3A_590], %parallel_loop3A_593 {strides = array<i32>} : memref<8x8x128xf32, #tpu.memory_space<vmem>>, vector<1x1x16xf32>,
        %parallel_loop3A_594 = arith.constant 8 : i32
        %parallel_loop3A_595 = arith.muli %parallel_loop3A_250, %parallel_loop3A_594 : i32
        %parallel_loop3A_596 = arith.addi %parallel_loop3A_595, %parallel_loop3A_248 : i32
        %parallel_loop3A_597 = arith.constant 0 : i32
        %parallel_loop3A_598 = arith.constant 0 : i32
        %parallel_loop3A_599 = tpu.memref_slice %arg7[%parallel_loop3A_211, %parallel_loop3A_597, %parallel_loop3A_598] : memref<2x32x128xi32, #tpu.memory_space<vmem>> -> memref<1x32x128xi32, #tpu.memory_space<vmem>>
        %parallel_loop3A_600 = tpu.memref_squeeze %parallel_loop3A_599 : memref<1x32x128xi32, #tpu.memory_space<vmem>> -> memref<32x128xi32, #tpu.memory_space<vmem>>
        %parallel_loop3A_601 = arith.index_cast %parallel_loop3A_596 : i32 to index
        %parallel_loop3A_602 = arith.constant 112 : index
        %parallel_loop3A_603 = tpu.vector_load %parallel_loop3A_600[%parallel_loop3A_601, %parallel_loop3A_602] {strides = array<i32>} : memref<32x128xi32, #tpu.memory_space<vmem>>, vector<1x16xi32>,
        %parallel_loop3A_604 = vector.shape_cast %parallel_loop3A_603 : vector<1x16xi32> to vector<16xi32>
        %parallel_loop3A_605 = arith.sitofp %parallel_loop3A_604 : vector<16xi32> to vector<16xf32>
        %parallel_loop3A_606 = arith.mulf %parallel_loop3A_605, %parallel_loop3A_263 : vector<16xf32>
        %parallel_loop3A_607 = arith.addf %parallel_loop3A_606, %parallel_loop3A_273 : vector<16xf32>
        %parallel_loop3A_608 = arith.constant 2 : i32
        %parallel_loop3A_609 = arith.muli %parallel_loop3A_608, %parallel_loop3A_250 : i32
        %parallel_loop3A_610 = arith.constant 0 : i32
        %parallel_loop3A_611 = arith.constant 0 : i32
        %parallel_loop3A_612 = arith.constant 0 : i32
        %parallel_loop3A_613 = tpu.memref_slice %arg9[%parallel_loop3A_610, %parallel_loop3A_611, %parallel_loop3A_612] : memref<16x8x128xf32, #tpu.memory_space<vmem>> -> memref<8x8x128xf32, #tpu.memory_space<vmem>>
        %parallel_loop3A_614 = arith.index_cast %parallel_loop3A_248 : i32 to index
        %parallel_loop3A_615 = arith.index_cast %parallel_loop3A_609 : i32 to index
        %parallel_loop3A_616 = arith.constant 112 : index
        %parallel_loop3A_617 = tpu.vector_load %parallel_loop3A_613[%parallel_loop3A_614, %parallel_loop3A_615, %parallel_loop3A_616] {strides = array<i32>} : memref<8x8x128xf32, #tpu.memory_space<vmem>>, vector<1x1x16xf32>,
        %parallel_loop3A_618 = vector.shape_cast %parallel_loop3A_617 : vector<1x1x16xf32> to vector<16xf32>
        %parallel_loop3A_619 = vector.shape_cast %parallel_loop3A_607 : vector<16xf32> to vector<1x1x16xf32>
        tpu.vector_store %parallel_loop3A_613[%parallel_loop3A_614, %parallel_loop3A_615, %parallel_loop3A_616], %parallel_loop3A_619 {strides = array<i32>} : memref<8x8x128xf32, #tpu.memory_space<vmem>>, vector<1x1x16xf32>,
        %parallel_loop3A_620 = arith.mulf %parallel_loop3A_605, %parallel_loop3A_286 : vector<16xf32>
        %parallel_loop3A_621 = arith.addf %parallel_loop3A_620, %parallel_loop3A_299 : vector<16xf32>
        %parallel_loop3A_622 = arith.constant 2 : i32
        %parallel_loop3A_623 = arith.muli %parallel_loop3A_622, %parallel_loop3A_250 : i32
        %parallel_loop3A_624 = arith.constant 1 : i32
        %parallel_loop3A_625 = arith.addi %parallel_loop3A_623, %parallel_loop3A_624 : i32
        %parallel_loop3A_626 = arith.constant 0 : i32
        %parallel_loop3A_627 = arith.constant 0 : i32
        %parallel_loop3A_628 = arith.constant 0 : i32
        %parallel_loop3A_629 = tpu.memref_slice %arg9[%parallel_loop3A_626, %parallel_loop3A_627, %parallel_loop3A_628] : memref<16x8x128xf32, #tpu.memory_space<vmem>> -> memref<8x8x128xf32, #tpu.memory_space<vmem>>
        %parallel_loop3A_630 = arith.index_cast %parallel_loop3A_248 : i32 to index
        %parallel_loop3A_631 = arith.index_cast %parallel_loop3A_625 : i32 to index
        %parallel_loop3A_632 = arith.constant 112 : index
        %parallel_loop3A_633 = tpu.vector_load %parallel_loop3A_629[%parallel_loop3A_630, %parallel_loop3A_631, %parallel_loop3A_632] {strides = array<i32>} : memref<8x8x128xf32, #tpu.memory_space<vmem>>, vector<1x1x16xf32>,
        %parallel_loop3A_634 = vector.shape_cast %parallel_loop3A_633 : vector<1x1x16xf32> to vector<16xf32>
        %parallel_loop3A_635 = vector.shape_cast %parallel_loop3A_621 : vector<16xf32> to vector<1x1x16xf32>
        tpu.vector_store %parallel_loop3A_629[%parallel_loop3A_630, %parallel_loop3A_631, %parallel_loop3A_632], %parallel_loop3A_635 {strides = array<i32>} : memref<8x8x128xf32, #tpu.memory_space<vmem>>, vector<1x1x16xf32>,
      } {sc.loop_unroll_factor = 1 : i64, sc.parallel_access}
      %mul3A_212 = arith.constant 2 : i32
      %mul3A_213 = arith.muli %mul3A_212, %add3A_180 : i32
      %add3A_214 = arith.constant 1 : i32
      %add3A_215 = arith.addi %mul3A_213, %add3A_214 : i32
      %mul3A_216 = arith.constant 16 : i32
      %mul3A_217 = arith.muli %mul3A_216, %add3A_215 : i32
      %get3A_218 = arith.index_cast %mul3A_217 : i32 to index
      %get3A_219 = tpu.vector_load %arg10[%get3A_218] {strides = array<i32>} : memref<2000xf32, #tpu.memory_space<vmem>>, vector<16xf32>,
      %get3A_220 = vector.shape_cast %get3A_219 : vector<16xf32> to vector<16xf32>
      %mul3A_221 = arith.constant 16 : i32
      %mul3A_222 = arith.muli %mul3A_221, %add3A_215 : i32
      %get3A_223 = arith.index_cast %mul3A_222 : i32 to index
      %get3A_224 = tpu.vector_load %arg11[%get3A_223] {strides = array<i32>} : memref<2000xf32, #tpu.memory_space<vmem>>, vector<16xf32>,
      %get3A_225 = vector.shape_cast %get3A_224 : vector<16xf32> to vector<16xf32>
      %parallel_loop3A_226 = arith.constant 0 : i32
      %parallel_loop3A_227 = arith.constant 32 : i32
      %parallel_loop3A_228 = arith.constant 1 : i32
      %parallel_loop3A_229 = arith.constant 1 : i32
      scf.for %parallel_loop3A_246 = %parallel_loop3A_226 to %parallel_loop3A_227 step %parallel_loop3A_228  : i32 {
        %parallel_loop3A_247 = arith.constant 2 : i32
        %parallel_loop3A_248 = arith.shrsi %parallel_loop3A_246, %parallel_loop3A_247 : i32
        %parallel_loop3A_249 = arith.constant 3 : i32
        %parallel_loop3A_250 = arith.andi %parallel_loop3A_246, %parallel_loop3A_249 : i32
        %parallel_loop3A_251 = arith.constant 2 : i32
        %parallel_loop3A_252 = arith.muli %parallel_loop3A_251, %parallel_loop3A_248 : i32
        %parallel_loop3A_253 = vector.broadcast %parallel_loop3A_252 : i32 to vector<16xi32>
        %parallel_loop3A_254 = arith.constant 0 : i32
        %parallel_loop3A_255 = vector.broadcast %parallel_loop3A_254 : i32 to vector<16xi32>
        %parallel_loop3A_256 = arith.cmpi slt, %parallel_loop3A_253, %parallel_loop3A_255 : vector<16xi32>
        %parallel_loop3A_257 = arith.constant 16 : i32
        %parallel_loop3A_258 = vector.broadcast %parallel_loop3A_257 : i32 to vector<16xi32>
        %parallel_loop3A_259 = arith.addi %parallel_loop3A_253, %parallel_loop3A_258 : vector<16xi32>
        %parallel_loop3A_260 = arith.select %parallel_loop3A_256, %parallel_loop3A_259, %parallel_loop3A_253 : vector<16xi1>, vector<16xi32>
        %parallel_loop3A_261 = vector.shape_cast %parallel_loop3A_260 : vector<16xi32> to vector<16x1xi32>
        %parallel_loop3A_262 = vector.shape_cast %parallel_loop3A_261 : vector<16x1xi32> to vector<16xi32>
        %parallel_loop3A_263 = tpu.dynamic_gather %get3A_220[%parallel_loop3A_262] in [0] : vector<16xf32>, vector<16xi32> -> vector<16xf32>
        %parallel_loop3A_264 = arith.constant 0 : i32
        %parallel_loop3A_265 = vector.broadcast %parallel_loop3A_264 : i32 to vector<16xi32>
        %parallel_loop3A_266 = arith.cmpi slt, %parallel_loop3A_253, %parallel_loop3A_265 : vector<16xi32>
        %parallel_loop3A_267 = arith.constant 16 : i32
        %parallel_loop3A_268 = vector.broadcast %parallel_loop3A_267 : i32 to vector<16xi32>
        %parallel_loop3A_269 = arith.addi %parallel_loop3A_253, %parallel_loop3A_268 : vector<16xi32>
        %parallel_loop3A_270 = arith.select %parallel_loop3A_266, %parallel_loop3A_269, %parallel_loop3A_253 : vector<16xi1>, vector<16xi32>
        %parallel_loop3A_271 = vector.shape_cast %parallel_loop3A_270 : vector<16xi32> to vector<16x1xi32>
        %parallel_loop3A_272 = vector.shape_cast %parallel_loop3A_271 : vector<16x1xi32> to vector<16xi32>
        %parallel_loop3A_273 = tpu.dynamic_gather %get3A_225[%parallel_loop3A_272] in [0] : vector<16xf32>, vector<16xi32> -> vector<16xf32>
        %parallel_loop3A_274 = arith.constant 1 : i32
        %parallel_loop3A_275 = vector.broadcast %parallel_loop3A_274 : i32 to vector<16xi32>
        %parallel_loop3A_276 = arith.addi %parallel_loop3A_253, %parallel_loop3A_275 : vector<16xi32>
        %parallel_loop3A_277 = arith.constant 0 : i32
        %parallel_loop3A_278 = vector.broadcast %parallel_loop3A_277 : i32 to vector<16xi32>
        %parallel_loop3A_279 = arith.cmpi slt, %parallel_loop3A_276, %parallel_loop3A_278 : vector<16xi32>
        %parallel_loop3A_280 = arith.constant 16 : i32
        %parallel_loop3A_281 = vector.broadcast %parallel_loop3A_280 : i32 to vector<16xi32>
        %parallel_loop3A_282 = arith.addi %parallel_loop3A_276, %parallel_loop3A_281 : vector<16xi32>
        %parallel_loop3A_283 = arith.select %parallel_loop3A_279, %parallel_loop3A_282, %parallel_loop3A_276 : vector<16xi1>, vector<16xi32>
        %parallel_loop3A_284 = vector.shape_cast %parallel_loop3A_283 : vector<16xi32> to vector<16x1xi32>
        %parallel_loop3A_285 = vector.shape_cast %parallel_loop3A_284 : vector<16x1xi32> to vector<16xi32>
        %parallel_loop3A_286 = tpu.dynamic_gather %get3A_220[%parallel_loop3A_285] in [0] : vector<16xf32>, vector<16xi32> -> vector<16xf32>
        %parallel_loop3A_287 = arith.constant 1 : i32
        %parallel_loop3A_288 = vector.broadcast %parallel_loop3A_287 : i32 to vector<16xi32>
        %parallel_loop3A_289 = arith.addi %parallel_loop3A_253, %parallel_loop3A_288 : vector<16xi32>
        %parallel_loop3A_290 = arith.constant 0 : i32
        %parallel_loop3A_291 = vector.broadcast %parallel_loop3A_290 : i32 to vector<16xi32>
        %parallel_loop3A_292 = arith.cmpi slt, %parallel_loop3A_289, %parallel_loop3A_291 : vector<16xi32>
        %parallel_loop3A_293 = arith.constant 16 : i32
        %parallel_loop3A_294 = vector.broadcast %parallel_loop3A_293 : i32 to vector<16xi32>
        %parallel_loop3A_295 = arith.addi %parallel_loop3A_289, %parallel_loop3A_294 : vector<16xi32>
        %parallel_loop3A_296 = arith.select %parallel_loop3A_292, %parallel_loop3A_295, %parallel_loop3A_289 : vector<16xi1>, vector<16xi32>
        %parallel_loop3A_297 = vector.shape_cast %parallel_loop3A_296 : vector<16xi32> to vector<16x1xi32>
        %parallel_loop3A_298 = vector.shape_cast %parallel_loop3A_297 : vector<16x1xi32> to vector<16xi32>
        %parallel_loop3A_299 = tpu.dynamic_gather %get3A_225[%parallel_loop3A_298] in [0] : vector<16xf32>, vector<16xi32> -> vector<16xf32>
        %parallel_loop3A_300 = arith.constant 8 : i32
        %parallel_loop3A_301 = arith.muli %parallel_loop3A_250, %parallel_loop3A_300 : i32
        %parallel_loop3A_302 = arith.addi %parallel_loop3A_301, %parallel_loop3A_248 : i32
        %parallel_loop3A_303 = arith.constant 0 : i32
        %parallel_loop3A_304 = arith.constant 0 : i32
        %parallel_loop3A_305 = tpu.memref_slice %arg7[%parallel_loop3A_229, %parallel_loop3A_303, %parallel_loop3A_304] : memref<2x32x128xi32, #tpu.memory_space<vmem>> -> memref<1x32x128xi32, #tpu.memory_space<vmem>>
        %parallel_loop3A_306 = tpu.memref_squeeze %parallel_loop3A_305 : memref<1x32x128xi32, #tpu.memory_space<vmem>> -> memref<32x128xi32, #tpu.memory_space<vmem>>
        %parallel_loop3A_307 = arith.index_cast %parallel_loop3A_302 : i32 to index
        %parallel_loop3A_308 = arith.constant 0 : index
        %parallel_loop3A_309 = tpu.vector_load %parallel_loop3A_306[%parallel_loop3A_307, %parallel_loop3A_308] {strides = array<i32>} : memref<32x128xi32, #tpu.memory_space<vmem>>, vector<1x16xi32>,
        %parallel_loop3A_310 = vector.shape_cast %parallel_loop3A_309 : vector<1x16xi32> to vector<16xi32>
        %parallel_loop3A_311 = arith.sitofp %parallel_loop3A_310 : vector<16xi32> to vector<16xf32>
        %parallel_loop3A_312 = arith.mulf %parallel_loop3A_311, %parallel_loop3A_263 : vector<16xf32>
        %parallel_loop3A_313 = arith.addf %parallel_loop3A_312, %parallel_loop3A_273 : vector<16xf32>
        %parallel_loop3A_314 = arith.constant 2 : i32
        %parallel_loop3A_315 = arith.muli %parallel_loop3A_314, %parallel_loop3A_250 : i32
        %parallel_loop3A_316 = arith.constant 8 : i32
        %parallel_loop3A_317 = arith.constant 0 : i32
        %parallel_loop3A_318 = arith.constant 0 : i32
        %parallel_loop3A_319 = tpu.memref_slice %arg9[%parallel_loop3A_316, %parallel_loop3A_317, %parallel_loop3A_318] : memref<16x8x128xf32, #tpu.memory_space<vmem>> -> memref<8x8x128xf32, #tpu.memory_space<vmem>>
        %parallel_loop3A_320 = arith.index_cast %parallel_loop3A_248 : i32 to index
        %parallel_loop3A_321 = arith.index_cast %parallel_loop3A_315 : i32 to index
        %parallel_loop3A_322 = arith.constant 0 : index
        %parallel_loop3A_323 = tpu.vector_load %parallel_loop3A_319[%parallel_loop3A_320, %parallel_loop3A_321, %parallel_loop3A_322] {strides = array<i32>} : memref<8x8x128xf32, #tpu.memory_space<vmem>>, vector<1x1x16xf32>,
        %parallel_loop3A_324 = vector.shape_cast %parallel_loop3A_323 : vector<1x1x16xf32> to vector<16xf32>
        %parallel_loop3A_325 = vector.shape_cast %parallel_loop3A_313 : vector<16xf32> to vector<1x1x16xf32>
        tpu.vector_store %parallel_loop3A_319[%parallel_loop3A_320, %parallel_loop3A_321, %parallel_loop3A_322], %parallel_loop3A_325 {strides = array<i32>} : memref<8x8x128xf32, #tpu.memory_space<vmem>>, vector<1x1x16xf32>,
        %parallel_loop3A_326 = arith.mulf %parallel_loop3A_311, %parallel_loop3A_286 : vector<16xf32>
        %parallel_loop3A_327 = arith.addf %parallel_loop3A_326, %parallel_loop3A_299 : vector<16xf32>
        %parallel_loop3A_328 = arith.constant 2 : i32
        %parallel_loop3A_329 = arith.muli %parallel_loop3A_328, %parallel_loop3A_250 : i32
        %parallel_loop3A_330 = arith.constant 1 : i32
        %parallel_loop3A_331 = arith.addi %parallel_loop3A_329, %parallel_loop3A_330 : i32
        %parallel_loop3A_332 = arith.constant 8 : i32
        %parallel_loop3A_333 = arith.constant 0 : i32
        %parallel_loop3A_334 = arith.constant 0 : i32
        %parallel_loop3A_335 = tpu.memref_slice %arg9[%parallel_loop3A_332, %parallel_loop3A_333, %parallel_loop3A_334] : memref<16x8x128xf32, #tpu.memory_space<vmem>> -> memref<8x8x128xf32, #tpu.memory_space<vmem>>
        %parallel_loop3A_336 = arith.index_cast %parallel_loop3A_248 : i32 to index
        %parallel_loop3A_337 = arith.index_cast %parallel_loop3A_331 : i32 to index
        %parallel_loop3A_338 = arith.constant 0 : index
        %parallel_loop3A_339 = tpu.vector_load %parallel_loop3A_335[%parallel_loop3A_336, %parallel_loop3A_337, %parallel_loop3A_338] {strides = array<i32>} : memref<8x8x128xf32, #tpu.memory_space<vmem>>, vector<1x1x16xf32>,
        %parallel_loop3A_340 = vector.shape_cast %parallel_loop3A_339 : vector<1x1x16xf32> to vector<16xf32>
        %parallel_loop3A_341 = vector.shape_cast %parallel_loop3A_327 : vector<16xf32> to vector<1x1x16xf32>
        tpu.vector_store %parallel_loop3A_335[%parallel_loop3A_336, %parallel_loop3A_337, %parallel_loop3A_338], %parallel_loop3A_341 {strides = array<i32>} : memref<8x8x128xf32, #tpu.memory_space<vmem>>, vector<1x1x16xf32>,
        %parallel_loop3A_342 = arith.constant 8 : i32
        %parallel_loop3A_343 = arith.muli %parallel_loop3A_250, %parallel_loop3A_342 : i32
        %parallel_loop3A_344 = arith.addi %parallel_loop3A_343, %parallel_loop3A_248 : i32
        %parallel_loop3A_345 = arith.constant 0 : i32
        %parallel_loop3A_346 = arith.constant 0 : i32
        %parallel_loop3A_347 = tpu.memref_slice %arg7[%parallel_loop3A_229, %parallel_loop3A_345, %parallel_loop3A_346] : memref<2x32x128xi32, #tpu.memory_space<vmem>> -> memref<1x32x128xi32, #tpu.memory_space<vmem>>
        %parallel_loop3A_348 = tpu.memref_squeeze %parallel_loop3A_347 : memref<1x32x128xi32, #tpu.memory_space<vmem>> -> memref<32x128xi32, #tpu.memory_space<vmem>>
        %parallel_loop3A_349 = arith.index_cast %parallel_loop3A_344 : i32 to index
        %parallel_loop3A_350 = arith.constant 16 : index
        %parallel_loop3A_351 = tpu.vector_load %parallel_loop3A_348[%parallel_loop3A_349, %parallel_loop3A_350] {strides = array<i32>} : memref<32x128xi32, #tpu.memory_space<vmem>>, vector<1x16xi32>,
        %parallel_loop3A_352 = vector.shape_cast %parallel_loop3A_351 : vector<1x16xi32> to vector<16xi32>
        %parallel_loop3A_353 = arith.sitofp %parallel_loop3A_352 : vector<16xi32> to vector<16xf32>
        %parallel_loop3A_354 = arith.mulf %parallel_loop3A_353, %parallel_loop3A_263 : vector<16xf32>
        %parallel_loop3A_355 = arith.addf %parallel_loop3A_354, %parallel_loop3A_273 : vector<16xf32>
        %parallel_loop3A_356 = arith.constant 2 : i32
        %parallel_loop3A_357 = arith.muli %parallel_loop3A_356, %parallel_loop3A_250 : i32
        %parallel_loop3A_358 = arith.constant 8 : i32
        %parallel_loop3A_359 = arith.constant 0 : i32
        %parallel_loop3A_360 = arith.constant 0 : i32
        %parallel_loop3A_361 = tpu.memref_slice %arg9[%parallel_loop3A_358, %parallel_loop3A_359, %parallel_loop3A_360] : memref<16x8x128xf32, #tpu.memory_space<vmem>> -> memref<8x8x128xf32, #tpu.memory_space<vmem>>
        %parallel_loop3A_362 = arith.index_cast %parallel_loop3A_248 : i32 to index
        %parallel_loop3A_363 = arith.index_cast %parallel_loop3A_357 : i32 to index
        %parallel_loop3A_364 = arith.constant 16 : index
        %parallel_loop3A_365 = tpu.vector_load %parallel_loop3A_361[%parallel_loop3A_362, %parallel_loop3A_363, %parallel_loop3A_364] {strides = array<i32>} : memref<8x8x128xf32, #tpu.memory_space<vmem>>, vector<1x1x16xf32>,
        %parallel_loop3A_366 = vector.shape_cast %parallel_loop3A_365 : vector<1x1x16xf32> to vector<16xf32>
        %parallel_loop3A_367 = vector.shape_cast %parallel_loop3A_355 : vector<16xf32> to vector<1x1x16xf32>
        tpu.vector_store %parallel_loop3A_361[%parallel_loop3A_362, %parallel_loop3A_363, %parallel_loop3A_364], %parallel_loop3A_367 {strides = array<i32>} : memref<8x8x128xf32, #tpu.memory_space<vmem>>, vector<1x1x16xf32>,
        %parallel_loop3A_368 = arith.mulf %parallel_loop3A_353, %parallel_loop3A_286 : vector<16xf32>
        %parallel_loop3A_369 = arith.addf %parallel_loop3A_368, %parallel_loop3A_299 : vector<16xf32>
        %parallel_loop3A_370 = arith.constant 2 : i32
        %parallel_loop3A_371 = arith.muli %parallel_loop3A_370, %parallel_loop3A_250 : i32
        %parallel_loop3A_372 = arith.constant 1 : i32
        %parallel_loop3A_373 = arith.addi %parallel_loop3A_371, %parallel_loop3A_372 : i32
        %parallel_loop3A_374 = arith.constant 8 : i32
        %parallel_loop3A_375 = arith.constant 0 : i32
        %parallel_loop3A_376 = arith.constant 0 : i32
        %parallel_loop3A_377 = tpu.memref_slice %arg9[%parallel_loop3A_374, %parallel_loop3A_375, %parallel_loop3A_376] : memref<16x8x128xf32, #tpu.memory_space<vmem>> -> memref<8x8x128xf32, #tpu.memory_space<vmem>>
        %parallel_loop3A_378 = arith.index_cast %parallel_loop3A_248 : i32 to index
        %parallel_loop3A_379 = arith.index_cast %parallel_loop3A_373 : i32 to index
        %parallel_loop3A_380 = arith.constant 16 : index
        %parallel_loop3A_381 = tpu.vector_load %parallel_loop3A_377[%parallel_loop3A_378, %parallel_loop3A_379, %parallel_loop3A_380] {strides = array<i32>} : memref<8x8x128xf32, #tpu.memory_space<vmem>>, vector<1x1x16xf32>,
        %parallel_loop3A_382 = vector.shape_cast %parallel_loop3A_381 : vector<1x1x16xf32> to vector<16xf32>
        %parallel_loop3A_383 = vector.shape_cast %parallel_loop3A_369 : vector<16xf32> to vector<1x1x16xf32>
        tpu.vector_store %parallel_loop3A_377[%parallel_loop3A_378, %parallel_loop3A_379, %parallel_loop3A_380], %parallel_loop3A_383 {strides = array<i32>} : memref<8x8x128xf32, #tpu.memory_space<vmem>>, vector<1x1x16xf32>,
        %parallel_loop3A_384 = arith.constant 8 : i32
        %parallel_loop3A_385 = arith.muli %parallel_loop3A_250, %parallel_loop3A_384 : i32
        %parallel_loop3A_386 = arith.addi %parallel_loop3A_385, %parallel_loop3A_248 : i32
        %parallel_loop3A_387 = arith.constant 0 : i32
        %parallel_loop3A_388 = arith.constant 0 : i32
        %parallel_loop3A_389 = tpu.memref_slice %arg7[%parallel_loop3A_229, %parallel_loop3A_387, %parallel_loop3A_388] : memref<2x32x128xi32, #tpu.memory_space<vmem>> -> memref<1x32x128xi32, #tpu.memory_space<vmem>>
        %parallel_loop3A_390 = tpu.memref_squeeze %parallel_loop3A_389 : memref<1x32x128xi32, #tpu.memory_space<vmem>> -> memref<32x128xi32, #tpu.memory_space<vmem>>
        %parallel_loop3A_391 = arith.index_cast %parallel_loop3A_386 : i32 to index
        %parallel_loop3A_392 = arith.constant 32 : index
        %parallel_loop3A_393 = tpu.vector_load %parallel_loop3A_390[%parallel_loop3A_391, %parallel_loop3A_392] {strides = array<i32>} : memref<32x128xi32, #tpu.memory_space<vmem>>, vector<1x16xi32>,
        %parallel_loop3A_394 = vector.shape_cast %parallel_loop3A_393 : vector<1x16xi32> to vector<16xi32>
        %parallel_loop3A_395 = arith.sitofp %parallel_loop3A_394 : vector<16xi32> to vector<16xf32>
        %parallel_loop3A_396 = arith.mulf %parallel_loop3A_395, %parallel_loop3A_263 : vector<16xf32>
        %parallel_loop3A_397 = arith.addf %parallel_loop3A_396, %parallel_loop3A_273 : vector<16xf32>
        %parallel_loop3A_398 = arith.constant 2 : i32
        %parallel_loop3A_399 = arith.muli %parallel_loop3A_398, %parallel_loop3A_250 : i32
        %parallel_loop3A_400 = arith.constant 8 : i32
        %parallel_loop3A_401 = arith.constant 0 : i32
        %parallel_loop3A_402 = arith.constant 0 : i32
        %parallel_loop3A_403 = tpu.memref_slice %arg9[%parallel_loop3A_400, %parallel_loop3A_401, %parallel_loop3A_402] : memref<16x8x128xf32, #tpu.memory_space<vmem>> -> memref<8x8x128xf32, #tpu.memory_space<vmem>>
        %parallel_loop3A_404 = arith.index_cast %parallel_loop3A_248 : i32 to index
        %parallel_loop3A_405 = arith.index_cast %parallel_loop3A_399 : i32 to index
        %parallel_loop3A_406 = arith.constant 32 : index
        %parallel_loop3A_407 = tpu.vector_load %parallel_loop3A_403[%parallel_loop3A_404, %parallel_loop3A_405, %parallel_loop3A_406] {strides = array<i32>} : memref<8x8x128xf32, #tpu.memory_space<vmem>>, vector<1x1x16xf32>,
        %parallel_loop3A_408 = vector.shape_cast %parallel_loop3A_407 : vector<1x1x16xf32> to vector<16xf32>
        %parallel_loop3A_409 = vector.shape_cast %parallel_loop3A_397 : vector<16xf32> to vector<1x1x16xf32>
        tpu.vector_store %parallel_loop3A_403[%parallel_loop3A_404, %parallel_loop3A_405, %parallel_loop3A_406], %parallel_loop3A_409 {strides = array<i32>} : memref<8x8x128xf32, #tpu.memory_space<vmem>>, vector<1x1x16xf32>,
        %parallel_loop3A_410 = arith.mulf %parallel_loop3A_395, %parallel_loop3A_286 : vector<16xf32>
        %parallel_loop3A_411 = arith.addf %parallel_loop3A_410, %parallel_loop3A_299 : vector<16xf32>
        %parallel_loop3A_412 = arith.constant 2 : i32
        %parallel_loop3A_413 = arith.muli %parallel_loop3A_412, %parallel_loop3A_250 : i32
        %parallel_loop3A_414 = arith.constant 1 : i32
        %parallel_loop3A_415 = arith.addi %parallel_loop3A_413, %parallel_loop3A_414 : i32
        %parallel_loop3A_416 = arith.constant 8 : i32
        %parallel_loop3A_417 = arith.constant 0 : i32
        %parallel_loop3A_418 = arith.constant 0 : i32
        %parallel_loop3A_419 = tpu.memref_slice %arg9[%parallel_loop3A_416, %parallel_loop3A_417, %parallel_loop3A_418] : memref<16x8x128xf32, #tpu.memory_space<vmem>> -> memref<8x8x128xf32, #tpu.memory_space<vmem>>
        %parallel_loop3A_420 = arith.index_cast %parallel_loop3A_248 : i32 to index
        %parallel_loop3A_421 = arith.index_cast %parallel_loop3A_415 : i32 to index
        %parallel_loop3A_422 = arith.constant 32 : index
        %parallel_loop3A_423 = tpu.vector_load %parallel_loop3A_419[%parallel_loop3A_420, %parallel_loop3A_421, %parallel_loop3A_422] {strides = array<i32>} : memref<8x8x128xf32, #tpu.memory_space<vmem>>, vector<1x1x16xf32>,
        %parallel_loop3A_424 = vector.shape_cast %parallel_loop3A_423 : vector<1x1x16xf32> to vector<16xf32>
        %parallel_loop3A_425 = vector.shape_cast %parallel_loop3A_411 : vector<16xf32> to vector<1x1x16xf32>
        tpu.vector_store %parallel_loop3A_419[%parallel_loop3A_420, %parallel_loop3A_421, %parallel_loop3A_422], %parallel_loop3A_425 {strides = array<i32>} : memref<8x8x128xf32, #tpu.memory_space<vmem>>, vector<1x1x16xf32>,
        %parallel_loop3A_426 = arith.constant 8 : i32
        %parallel_loop3A_427 = arith.muli %parallel_loop3A_250, %parallel_loop3A_426 : i32
        %parallel_loop3A_428 = arith.addi %parallel_loop3A_427, %parallel_loop3A_248 : i32
        %parallel_loop3A_429 = arith.constant 0 : i32
        %parallel_loop3A_430 = arith.constant 0 : i32
        %parallel_loop3A_431 = tpu.memref_slice %arg7[%parallel_loop3A_229, %parallel_loop3A_429, %parallel_loop3A_430] : memref<2x32x128xi32, #tpu.memory_space<vmem>> -> memref<1x32x128xi32, #tpu.memory_space<vmem>>
        %parallel_loop3A_432 = tpu.memref_squeeze %parallel_loop3A_431 : memref<1x32x128xi32, #tpu.memory_space<vmem>> -> memref<32x128xi32, #tpu.memory_space<vmem>>
        %parallel_loop3A_433 = arith.index_cast %parallel_loop3A_428 : i32 to index
        %parallel_loop3A_434 = arith.constant 48 : index
        %parallel_loop3A_435 = tpu.vector_load %parallel_loop3A_432[%parallel_loop3A_433, %parallel_loop3A_434] {strides = array<i32>} : memref<32x128xi32, #tpu.memory_space<vmem>>, vector<1x16xi32>,
        %parallel_loop3A_436 = vector.shape_cast %parallel_loop3A_435 : vector<1x16xi32> to vector<16xi32>
        %parallel_loop3A_437 = arith.sitofp %parallel_loop3A_436 : vector<16xi32> to vector<16xf32>
        %parallel_loop3A_438 = arith.mulf %parallel_loop3A_437, %parallel_loop3A_263 : vector<16xf32>
        %parallel_loop3A_439 = arith.addf %parallel_loop3A_438, %parallel_loop3A_273 : vector<16xf32>
        %parallel_loop3A_440 = arith.constant 2 : i32
        %parallel_loop3A_441 = arith.muli %parallel_loop3A_440, %parallel_loop3A_250 : i32
        %parallel_loop3A_442 = arith.constant 8 : i32
        %parallel_loop3A_443 = arith.constant 0 : i32
        %parallel_loop3A_444 = arith.constant 0 : i32
        %parallel_loop3A_445 = tpu.memref_slice %arg9[%parallel_loop3A_442, %parallel_loop3A_443, %parallel_loop3A_444] : memref<16x8x128xf32, #tpu.memory_space<vmem>> -> memref<8x8x128xf32, #tpu.memory_space<vmem>>
        %parallel_loop3A_446 = arith.index_cast %parallel_loop3A_248 : i32 to index
        %parallel_loop3A_447 = arith.index_cast %parallel_loop3A_441 : i32 to index
        %parallel_loop3A_448 = arith.constant 48 : index
        %parallel_loop3A_449 = tpu.vector_load %parallel_loop3A_445[%parallel_loop3A_446, %parallel_loop3A_447, %parallel_loop3A_448] {strides = array<i32>} : memref<8x8x128xf32, #tpu.memory_space<vmem>>, vector<1x1x16xf32>,
        %parallel_loop3A_450 = vector.shape_cast %parallel_loop3A_449 : vector<1x1x16xf32> to vector<16xf32>
        %parallel_loop3A_451 = vector.shape_cast %parallel_loop3A_439 : vector<16xf32> to vector<1x1x16xf32>
        tpu.vector_store %parallel_loop3A_445[%parallel_loop3A_446, %parallel_loop3A_447, %parallel_loop3A_448], %parallel_loop3A_451 {strides = array<i32>} : memref<8x8x128xf32, #tpu.memory_space<vmem>>, vector<1x1x16xf32>,
        %parallel_loop3A_452 = arith.mulf %parallel_loop3A_437, %parallel_loop3A_286 : vector<16xf32>
        %parallel_loop3A_453 = arith.addf %parallel_loop3A_452, %parallel_loop3A_299 : vector<16xf32>
        %parallel_loop3A_454 = arith.constant 2 : i32
        %parallel_loop3A_455 = arith.muli %parallel_loop3A_454, %parallel_loop3A_250 : i32
        %parallel_loop3A_456 = arith.constant 1 : i32
        %parallel_loop3A_457 = arith.addi %parallel_loop3A_455, %parallel_loop3A_456 : i32
        %parallel_loop3A_458 = arith.constant 8 : i32
        %parallel_loop3A_459 = arith.constant 0 : i32
        %parallel_loop3A_460 = arith.constant 0 : i32
        %parallel_loop3A_461 = tpu.memref_slice %arg9[%parallel_loop3A_458, %parallel_loop3A_459, %parallel_loop3A_460] : memref<16x8x128xf32, #tpu.memory_space<vmem>> -> memref<8x8x128xf32, #tpu.memory_space<vmem>>
        %parallel_loop3A_462 = arith.index_cast %parallel_loop3A_248 : i32 to index
        %parallel_loop3A_463 = arith.index_cast %parallel_loop3A_457 : i32 to index
        %parallel_loop3A_464 = arith.constant 48 : index
        %parallel_loop3A_465 = tpu.vector_load %parallel_loop3A_461[%parallel_loop3A_462, %parallel_loop3A_463, %parallel_loop3A_464] {strides = array<i32>} : memref<8x8x128xf32, #tpu.memory_space<vmem>>, vector<1x1x16xf32>,
        %parallel_loop3A_466 = vector.shape_cast %parallel_loop3A_465 : vector<1x1x16xf32> to vector<16xf32>
        %parallel_loop3A_467 = vector.shape_cast %parallel_loop3A_453 : vector<16xf32> to vector<1x1x16xf32>
        tpu.vector_store %parallel_loop3A_461[%parallel_loop3A_462, %parallel_loop3A_463, %parallel_loop3A_464], %parallel_loop3A_467 {strides = array<i32>} : memref<8x8x128xf32, #tpu.memory_space<vmem>>, vector<1x1x16xf32>,
        %parallel_loop3A_468 = arith.constant 8 : i32
        %parallel_loop3A_469 = arith.muli %parallel_loop3A_250, %parallel_loop3A_468 : i32
        %parallel_loop3A_470 = arith.addi %parallel_loop3A_469, %parallel_loop3A_248 : i32
        %parallel_loop3A_471 = arith.constant 0 : i32
        %parallel_loop3A_472 = arith.constant 0 : i32
        %parallel_loop3A_473 = tpu.memref_slice %arg7[%parallel_loop3A_229, %parallel_loop3A_471, %parallel_loop3A_472] : memref<2x32x128xi32, #tpu.memory_space<vmem>> -> memref<1x32x128xi32, #tpu.memory_space<vmem>>
        %parallel_loop3A_474 = tpu.memref_squeeze %parallel_loop3A_473 : memref<1x32x128xi32, #tpu.memory_space<vmem>> -> memref<32x128xi32, #tpu.memory_space<vmem>>
        %parallel_loop3A_475 = arith.index_cast %parallel_loop3A_470 : i32 to index
        %parallel_loop3A_476 = arith.constant 64 : index
        %parallel_loop3A_477 = tpu.vector_load %parallel_loop3A_474[%parallel_loop3A_475, %parallel_loop3A_476] {strides = array<i32>} : memref<32x128xi32, #tpu.memory_space<vmem>>, vector<1x16xi32>,
        %parallel_loop3A_478 = vector.shape_cast %parallel_loop3A_477 : vector<1x16xi32> to vector<16xi32>
        %parallel_loop3A_479 = arith.sitofp %parallel_loop3A_478 : vector<16xi32> to vector<16xf32>
        %parallel_loop3A_480 = arith.mulf %parallel_loop3A_479, %parallel_loop3A_263 : vector<16xf32>
        %parallel_loop3A_481 = arith.addf %parallel_loop3A_480, %parallel_loop3A_273 : vector<16xf32>
        %parallel_loop3A_482 = arith.constant 2 : i32
        %parallel_loop3A_483 = arith.muli %parallel_loop3A_482, %parallel_loop3A_250 : i32
        %parallel_loop3A_484 = arith.constant 8 : i32
        %parallel_loop3A_485 = arith.constant 0 : i32
        %parallel_loop3A_486 = arith.constant 0 : i32
        %parallel_loop3A_487 = tpu.memref_slice %arg9[%parallel_loop3A_484, %parallel_loop3A_485, %parallel_loop3A_486] : memref<16x8x128xf32, #tpu.memory_space<vmem>> -> memref<8x8x128xf32, #tpu.memory_space<vmem>>
        %parallel_loop3A_488 = arith.index_cast %parallel_loop3A_248 : i32 to index
        %parallel_loop3A_489 = arith.index_cast %parallel_loop3A_483 : i32 to index
        %parallel_loop3A_490 = arith.constant 64 : index
        %parallel_loop3A_491 = tpu.vector_load %parallel_loop3A_487[%parallel_loop3A_488, %parallel_loop3A_489, %parallel_loop3A_490] {strides = array<i32>} : memref<8x8x128xf32, #tpu.memory_space<vmem>>, vector<1x1x16xf32>,
        %parallel_loop3A_492 = vector.shape_cast %parallel_loop3A_491 : vector<1x1x16xf32> to vector<16xf32>
        %parallel_loop3A_493 = vector.shape_cast %parallel_loop3A_481 : vector<16xf32> to vector<1x1x16xf32>
        tpu.vector_store %parallel_loop3A_487[%parallel_loop3A_488, %parallel_loop3A_489, %parallel_loop3A_490], %parallel_loop3A_493 {strides = array<i32>} : memref<8x8x128xf32, #tpu.memory_space<vmem>>, vector<1x1x16xf32>,
        %parallel_loop3A_494 = arith.mulf %parallel_loop3A_479, %parallel_loop3A_286 : vector<16xf32>
        %parallel_loop3A_495 = arith.addf %parallel_loop3A_494, %parallel_loop3A_299 : vector<16xf32>
        %parallel_loop3A_496 = arith.constant 2 : i32
        %parallel_loop3A_497 = arith.muli %parallel_loop3A_496, %parallel_loop3A_250 : i32
        %parallel_loop3A_498 = arith.constant 1 : i32
        %parallel_loop3A_499 = arith.addi %parallel_loop3A_497, %parallel_loop3A_498 : i32
        %parallel_loop3A_500 = arith.constant 8 : i32
        %parallel_loop3A_501 = arith.constant 0 : i32
        %parallel_loop3A_502 = arith.constant 0 : i32
        %parallel_loop3A_503 = tpu.memref_slice %arg9[%parallel_loop3A_500, %parallel_loop3A_501, %parallel_loop3A_502] : memref<16x8x128xf32, #tpu.memory_space<vmem>> -> memref<8x8x128xf32, #tpu.memory_space<vmem>>
        %parallel_loop3A_504 = arith.index_cast %parallel_loop3A_248 : i32 to index
        %parallel_loop3A_505 = arith.index_cast %parallel_loop3A_499 : i32 to index
        %parallel_loop3A_506 = arith.constant 64 : index
        %parallel_loop3A_507 = tpu.vector_load %parallel_loop3A_503[%parallel_loop3A_504, %parallel_loop3A_505, %parallel_loop3A_506] {strides = array<i32>} : memref<8x8x128xf32, #tpu.memory_space<vmem>>, vector<1x1x16xf32>,
        %parallel_loop3A_508 = vector.shape_cast %parallel_loop3A_507 : vector<1x1x16xf32> to vector<16xf32>
        %parallel_loop3A_509 = vector.shape_cast %parallel_loop3A_495 : vector<16xf32> to vector<1x1x16xf32>
        tpu.vector_store %parallel_loop3A_503[%parallel_loop3A_504, %parallel_loop3A_505, %parallel_loop3A_506], %parallel_loop3A_509 {strides = array<i32>} : memref<8x8x128xf32, #tpu.memory_space<vmem>>, vector<1x1x16xf32>,
        %parallel_loop3A_510 = arith.constant 8 : i32
        %parallel_loop3A_511 = arith.muli %parallel_loop3A_250, %parallel_loop3A_510 : i32
        %parallel_loop3A_512 = arith.addi %parallel_loop3A_511, %parallel_loop3A_248 : i32
        %parallel_loop3A_513 = arith.constant 0 : i32
        %parallel_loop3A_514 = arith.constant 0 : i32
        %parallel_loop3A_515 = tpu.memref_slice %arg7[%parallel_loop3A_229, %parallel_loop3A_513, %parallel_loop3A_514] : memref<2x32x128xi32, #tpu.memory_space<vmem>> -> memref<1x32x128xi32, #tpu.memory_space<vmem>>
        %parallel_loop3A_516 = tpu.memref_squeeze %parallel_loop3A_515 : memref<1x32x128xi32, #tpu.memory_space<vmem>> -> memref<32x128xi32, #tpu.memory_space<vmem>>
        %parallel_loop3A_517 = arith.index_cast %parallel_loop3A_512 : i32 to index
        %parallel_loop3A_518 = arith.constant 80 : index
        %parallel_loop3A_519 = tpu.vector_load %parallel_loop3A_516[%parallel_loop3A_517, %parallel_loop3A_518] {strides = array<i32>} : memref<32x128xi32, #tpu.memory_space<vmem>>, vector<1x16xi32>,
        %parallel_loop3A_520 = vector.shape_cast %parallel_loop3A_519 : vector<1x16xi32> to vector<16xi32>
        %parallel_loop3A_521 = arith.sitofp %parallel_loop3A_520 : vector<16xi32> to vector<16xf32>
        %parallel_loop3A_522 = arith.mulf %parallel_loop3A_521, %parallel_loop3A_263 : vector<16xf32>
        %parallel_loop3A_523 = arith.addf %parallel_loop3A_522, %parallel_loop3A_273 : vector<16xf32>
        %parallel_loop3A_524 = arith.constant 2 : i32
        %parallel_loop3A_525 = arith.muli %parallel_loop3A_524, %parallel_loop3A_250 : i32
        %parallel_loop3A_526 = arith.constant 8 : i32
        %parallel_loop3A_527 = arith.constant 0 : i32
        %parallel_loop3A_528 = arith.constant 0 : i32
        %parallel_loop3A_529 = tpu.memref_slice %arg9[%parallel_loop3A_526, %parallel_loop3A_527, %parallel_loop3A_528] : memref<16x8x128xf32, #tpu.memory_space<vmem>> -> memref<8x8x128xf32, #tpu.memory_space<vmem>>
        %parallel_loop3A_530 = arith.index_cast %parallel_loop3A_248 : i32 to index
        %parallel_loop3A_531 = arith.index_cast %parallel_loop3A_525 : i32 to index
        %parallel_loop3A_532 = arith.constant 80 : index
        %parallel_loop3A_533 = tpu.vector_load %parallel_loop3A_529[%parallel_loop3A_530, %parallel_loop3A_531, %parallel_loop3A_532] {strides = array<i32>} : memref<8x8x128xf32, #tpu.memory_space<vmem>>, vector<1x1x16xf32>,
        %parallel_loop3A_534 = vector.shape_cast %parallel_loop3A_533 : vector<1x1x16xf32> to vector<16xf32>
        %parallel_loop3A_535 = vector.shape_cast %parallel_loop3A_523 : vector<16xf32> to vector<1x1x16xf32>
        tpu.vector_store %parallel_loop3A_529[%parallel_loop3A_530, %parallel_loop3A_531, %parallel_loop3A_532], %parallel_loop3A_535 {strides = array<i32>} : memref<8x8x128xf32, #tpu.memory_space<vmem>>, vector<1x1x16xf32>,
        %parallel_loop3A_536 = arith.mulf %parallel_loop3A_521, %parallel_loop3A_286 : vector<16xf32>
        %parallel_loop3A_537 = arith.addf %parallel_loop3A_536, %parallel_loop3A_299 : vector<16xf32>
        %parallel_loop3A_538 = arith.constant 2 : i32
        %parallel_loop3A_539 = arith.muli %parallel_loop3A_538, %parallel_loop3A_250 : i32
        %parallel_loop3A_540 = arith.constant 1 : i32
        %parallel_loop3A_541 = arith.addi %parallel_loop3A_539, %parallel_loop3A_540 : i32
        %parallel_loop3A_542 = arith.constant 8 : i32
        %parallel_loop3A_543 = arith.constant 0 : i32
        %parallel_loop3A_544 = arith.constant 0 : i32
        %parallel_loop3A_545 = tpu.memref_slice %arg9[%parallel_loop3A_542, %parallel_loop3A_543, %parallel_loop3A_544] : memref<16x8x128xf32, #tpu.memory_space<vmem>> -> memref<8x8x128xf32, #tpu.memory_space<vmem>>
        %parallel_loop3A_546 = arith.index_cast %parallel_loop3A_248 : i32 to index
        %parallel_loop3A_547 = arith.index_cast %parallel_loop3A_541 : i32 to index
        %parallel_loop3A_548 = arith.constant 80 : index
        %parallel_loop3A_549 = tpu.vector_load %parallel_loop3A_545[%parallel_loop3A_546, %parallel_loop3A_547, %parallel_loop3A_548] {strides = array<i32>} : memref<8x8x128xf32, #tpu.memory_space<vmem>>, vector<1x1x16xf32>,
        %parallel_loop3A_550 = vector.shape_cast %parallel_loop3A_549 : vector<1x1x16xf32> to vector<16xf32>
        %parallel_loop3A_551 = vector.shape_cast %parallel_loop3A_537 : vector<16xf32> to vector<1x1x16xf32>
        tpu.vector_store %parallel_loop3A_545[%parallel_loop3A_546, %parallel_loop3A_547, %parallel_loop3A_548], %parallel_loop3A_551 {strides = array<i32>} : memref<8x8x128xf32, #tpu.memory_space<vmem>>, vector<1x1x16xf32>,
        %parallel_loop3A_552 = arith.constant 8 : i32
        %parallel_loop3A_553 = arith.muli %parallel_loop3A_250, %parallel_loop3A_552 : i32
        %parallel_loop3A_554 = arith.addi %parallel_loop3A_553, %parallel_loop3A_248 : i32
        %parallel_loop3A_555 = arith.constant 0 : i32
        %parallel_loop3A_556 = arith.constant 0 : i32
        %parallel_loop3A_557 = tpu.memref_slice %arg7[%parallel_loop3A_229, %parallel_loop3A_555, %parallel_loop3A_556] : memref<2x32x128xi32, #tpu.memory_space<vmem>> -> memref<1x32x128xi32, #tpu.memory_space<vmem>>
        %parallel_loop3A_558 = tpu.memref_squeeze %parallel_loop3A_557 : memref<1x32x128xi32, #tpu.memory_space<vmem>> -> memref<32x128xi32, #tpu.memory_space<vmem>>
        %parallel_loop3A_559 = arith.index_cast %parallel_loop3A_554 : i32 to index
        %parallel_loop3A_560 = arith.constant 96 : index
        %parallel_loop3A_561 = tpu.vector_load %parallel_loop3A_558[%parallel_loop3A_559, %parallel_loop3A_560] {strides = array<i32>} : memref<32x128xi32, #tpu.memory_space<vmem>>, vector<1x16xi32>,
        %parallel_loop3A_562 = vector.shape_cast %parallel_loop3A_561 : vector<1x16xi32> to vector<16xi32>
        %parallel_loop3A_563 = arith.sitofp %parallel_loop3A_562 : vector<16xi32> to vector<16xf32>
        %parallel_loop3A_564 = arith.mulf %parallel_loop3A_563, %parallel_loop3A_263 : vector<16xf32>
        %parallel_loop3A_565 = arith.addf %parallel_loop3A_564, %parallel_loop3A_273 : vector<16xf32>
        %parallel_loop3A_566 = arith.constant 2 : i32
        %parallel_loop3A_567 = arith.muli %parallel_loop3A_566, %parallel_loop3A_250 : i32
        %parallel_loop3A_568 = arith.constant 8 : i32
        %parallel_loop3A_569 = arith.constant 0 : i32
        %parallel_loop3A_570 = arith.constant 0 : i32
        %parallel_loop3A_571 = tpu.memref_slice %arg9[%parallel_loop3A_568, %parallel_loop3A_569, %parallel_loop3A_570] : memref<16x8x128xf32, #tpu.memory_space<vmem>> -> memref<8x8x128xf32, #tpu.memory_space<vmem>>
        %parallel_loop3A_572 = arith.index_cast %parallel_loop3A_248 : i32 to index
        %parallel_loop3A_573 = arith.index_cast %parallel_loop3A_567 : i32 to index
        %parallel_loop3A_574 = arith.constant 96 : index
        %parallel_loop3A_575 = tpu.vector_load %parallel_loop3A_571[%parallel_loop3A_572, %parallel_loop3A_573, %parallel_loop3A_574] {strides = array<i32>} : memref<8x8x128xf32, #tpu.memory_space<vmem>>, vector<1x1x16xf32>,
        %parallel_loop3A_576 = vector.shape_cast %parallel_loop3A_575 : vector<1x1x16xf32> to vector<16xf32>
        %parallel_loop3A_577 = vector.shape_cast %parallel_loop3A_565 : vector<16xf32> to vector<1x1x16xf32>
        tpu.vector_store %parallel_loop3A_571[%parallel_loop3A_572, %parallel_loop3A_573, %parallel_loop3A_574], %parallel_loop3A_577 {strides = array<i32>} : memref<8x8x128xf32, #tpu.memory_space<vmem>>, vector<1x1x16xf32>,
        %parallel_loop3A_578 = arith.mulf %parallel_loop3A_563, %parallel_loop3A_286 : vector<16xf32>
        %parallel_loop3A_579 = arith.addf %parallel_loop3A_578, %parallel_loop3A_299 : vector<16xf32>
        %parallel_loop3A_580 = arith.constant 2 : i32
        %parallel_loop3A_581 = arith.muli %parallel_loop3A_580, %parallel_loop3A_250 : i32
        %parallel_loop3A_582 = arith.constant 1 : i32
        %parallel_loop3A_583 = arith.addi %parallel_loop3A_581, %parallel_loop3A_582 : i32
        %parallel_loop3A_584 = arith.constant 8 : i32
        %parallel_loop3A_585 = arith.constant 0 : i32
        %parallel_loop3A_586 = arith.constant 0 : i32
        %parallel_loop3A_587 = tpu.memref_slice %arg9[%parallel_loop3A_584, %parallel_loop3A_585, %parallel_loop3A_586] : memref<16x8x128xf32, #tpu.memory_space<vmem>> -> memref<8x8x128xf32, #tpu.memory_space<vmem>>
        %parallel_loop3A_588 = arith.index_cast %parallel_loop3A_248 : i32 to index
        %parallel_loop3A_589 = arith.index_cast %parallel_loop3A_583 : i32 to index
        %parallel_loop3A_590 = arith.constant 96 : index
        %parallel_loop3A_591 = tpu.vector_load %parallel_loop3A_587[%parallel_loop3A_588, %parallel_loop3A_589, %parallel_loop3A_590] {strides = array<i32>} : memref<8x8x128xf32, #tpu.memory_space<vmem>>, vector<1x1x16xf32>,
        %parallel_loop3A_592 = vector.shape_cast %parallel_loop3A_591 : vector<1x1x16xf32> to vector<16xf32>
        %parallel_loop3A_593 = vector.shape_cast %parallel_loop3A_579 : vector<16xf32> to vector<1x1x16xf32>
        tpu.vector_store %parallel_loop3A_587[%parallel_loop3A_588, %parallel_loop3A_589, %parallel_loop3A_590], %parallel_loop3A_593 {strides = array<i32>} : memref<8x8x128xf32, #tpu.memory_space<vmem>>, vector<1x1x16xf32>,
        %parallel_loop3A_594 = arith.constant 8 : i32
        %parallel_loop3A_595 = arith.muli %parallel_loop3A_250, %parallel_loop3A_594 : i32
        %parallel_loop3A_596 = arith.addi %parallel_loop3A_595, %parallel_loop3A_248 : i32
        %parallel_loop3A_597 = arith.constant 0 : i32
        %parallel_loop3A_598 = arith.constant 0 : i32
        %parallel_loop3A_599 = tpu.memref_slice %arg7[%parallel_loop3A_229, %parallel_loop3A_597, %parallel_loop3A_598] : memref<2x32x128xi32, #tpu.memory_space<vmem>> -> memref<1x32x128xi32, #tpu.memory_space<vmem>>
        %parallel_loop3A_600 = tpu.memref_squeeze %parallel_loop3A_599 : memref<1x32x128xi32, #tpu.memory_space<vmem>> -> memref<32x128xi32, #tpu.memory_space<vmem>>
        %parallel_loop3A_601 = arith.index_cast %parallel_loop3A_596 : i32 to index
        %parallel_loop3A_602 = arith.constant 112 : index
        %parallel_loop3A_603 = tpu.vector_load %parallel_loop3A_600[%parallel_loop3A_601, %parallel_loop3A_602] {strides = array<i32>} : memref<32x128xi32, #tpu.memory_space<vmem>>, vector<1x16xi32>,
        %parallel_loop3A_604 = vector.shape_cast %parallel_loop3A_603 : vector<1x16xi32> to vector<16xi32>
        %parallel_loop3A_605 = arith.sitofp %parallel_loop3A_604 : vector<16xi32> to vector<16xf32>
        %parallel_loop3A_606 = arith.mulf %parallel_loop3A_605, %parallel_loop3A_263 : vector<16xf32>
        %parallel_loop3A_607 = arith.addf %parallel_loop3A_606, %parallel_loop3A_273 : vector<16xf32>
        %parallel_loop3A_608 = arith.constant 2 : i32
        %parallel_loop3A_609 = arith.muli %parallel_loop3A_608, %parallel_loop3A_250 : i32
        %parallel_loop3A_610 = arith.constant 8 : i32
        %parallel_loop3A_611 = arith.constant 0 : i32
        %parallel_loop3A_612 = arith.constant 0 : i32
        %parallel_loop3A_613 = tpu.memref_slice %arg9[%parallel_loop3A_610, %parallel_loop3A_611, %parallel_loop3A_612] : memref<16x8x128xf32, #tpu.memory_space<vmem>> -> memref<8x8x128xf32, #tpu.memory_space<vmem>>
        %parallel_loop3A_614 = arith.index_cast %parallel_loop3A_248 : i32 to index
        %parallel_loop3A_615 = arith.index_cast %parallel_loop3A_609 : i32 to index
        %parallel_loop3A_616 = arith.constant 112 : index
        %parallel_loop3A_617 = tpu.vector_load %parallel_loop3A_613[%parallel_loop3A_614, %parallel_loop3A_615, %parallel_loop3A_616] {strides = array<i32>} : memref<8x8x128xf32, #tpu.memory_space<vmem>>, vector<1x1x16xf32>,
        %parallel_loop3A_618 = vector.shape_cast %parallel_loop3A_617 : vector<1x1x16xf32> to vector<16xf32>
        %parallel_loop3A_619 = vector.shape_cast %parallel_loop3A_607 : vector<16xf32> to vector<1x1x16xf32>
        tpu.vector_store %parallel_loop3A_613[%parallel_loop3A_614, %parallel_loop3A_615, %parallel_loop3A_616], %parallel_loop3A_619 {strides = array<i32>} : memref<8x8x128xf32, #tpu.memory_space<vmem>>, vector<1x1x16xf32>,
        %parallel_loop3A_620 = arith.mulf %parallel_loop3A_605, %parallel_loop3A_286 : vector<16xf32>
        %parallel_loop3A_621 = arith.addf %parallel_loop3A_620, %parallel_loop3A_299 : vector<16xf32>
        %parallel_loop3A_622 = arith.constant 2 : i32
        %parallel_loop3A_623 = arith.muli %parallel_loop3A_622, %parallel_loop3A_250 : i32
        %parallel_loop3A_624 = arith.constant 1 : i32
        %parallel_loop3A_625 = arith.addi %parallel_loop3A_623, %parallel_loop3A_624 : i32
        %parallel_loop3A_626 = arith.constant 8 : i32
        %parallel_loop3A_627 = arith.constant 0 : i32
        %parallel_loop3A_628 = arith.constant 0 : i32
        %parallel_loop3A_629 = tpu.memref_slice %arg9[%parallel_loop3A_626, %parallel_loop3A_627, %parallel_loop3A_628] : memref<16x8x128xf32, #tpu.memory_space<vmem>> -> memref<8x8x128xf32, #tpu.memory_space<vmem>>
        %parallel_loop3A_630 = arith.index_cast %parallel_loop3A_248 : i32 to index
        %parallel_loop3A_631 = arith.index_cast %parallel_loop3A_625 : i32 to index
        %parallel_loop3A_632 = arith.constant 112 : index
        %parallel_loop3A_633 = tpu.vector_load %parallel_loop3A_629[%parallel_loop3A_630, %parallel_loop3A_631, %parallel_loop3A_632] {strides = array<i32>} : memref<8x8x128xf32, #tpu.memory_space<vmem>>, vector<1x1x16xf32>,
        %parallel_loop3A_634 = vector.shape_cast %parallel_loop3A_633 : vector<1x1x16xf32> to vector<16xf32>
        %parallel_loop3A_635 = vector.shape_cast %parallel_loop3A_621 : vector<16xf32> to vector<1x1x16xf32>
        tpu.vector_store %parallel_loop3A_629[%parallel_loop3A_630, %parallel_loop3A_631, %parallel_loop3A_632], %parallel_loop3A_635 {strides = array<i32>} : memref<8x8x128xf32, #tpu.memory_space<vmem>>, vector<1x1x16xf32>,
      } {sc.loop_unroll_factor = 1 : i64, sc.parallel_access}
      %mul3A_230 = arith.constant 16 : i32
      %mul3A_231 = arith.muli %mul3A_230, %add3A_180 : i32
      %mul3A_232 = arith.constant 2 : i32
      %mul3A_233 = arith.muli %mul3A_232, %mul3A_2 : i32
      %dma_start3A_234 = arith.constant 0 : i32
      %dma_start3A_235 = tpu.memref_slice %arg5[%mul3A_231, %mul3A_233, %dma_start3A_234] : memref<1000x256x128xf32, #tpu.memory_space<hbm>> -> memref<16x8x128xf32, #tpu.memory_space<hbm>>
      %dma_start3A_236 = arith.constant 0 : i32
      %dma_start3A_237 = tpu.memref_slice %arg5[%mul3A_231, %mul3A_233, %dma_start3A_236] : memref<1000x256x128xf32, #tpu.memory_space<hbm>> -> memref<16x8x128xf32, #tpu.memory_space<hbm>>
      tpu.enqueue_dma source(%arg9 : memref<16x8x128xf32, #tpu.memory_space<vmem>>) target(%dma_start3A_237 : memref<16x8x128xf32, #tpu.memory_space<hbm>>) target_semaphore(%arg15 : memref<!tpu.dma_semaphore, #tpu.memory_space<semaphore_mem>>)
      %add3A_238 = arith.constant 2 : i32
      %add3A_239 = arith.addi %add3A_180, %add3A_238 : i32
      %lt3A_240 = arith.constant 62 : i32
      %lt3A_241 = arith.cmpi slt, %add3A_239, %lt3A_240 : i32
      %convert_element_type3A_242 = arith.extui %lt3A_241 : i1 to i32
      %cond3A_243 = arith.constant 0 : i32
      %cond3A_244 = arith.cmpi ne, %convert_element_type3A_242, %cond3A_243 : i32
      scf.if %cond3A_244 {
        %add3A_246 = arith.constant 2 : i32
        %add3A_247 = arith.addi %add3A_180, %add3A_246 : i32
        %mul3A_248 = arith.constant 2 : i32
        %mul3A_249 = arith.muli %mul3A_248, %add3A_247 : i32
        %mul3A_250 = arith.constant 8 : i32
        %mul3A_251 = arith.muli %mul3A_2, %mul3A_250 : i32
        %dma_start3A_252 = arith.constant 0 : i32
        %dma_start3A_253 = tpu.memref_slice %arg2[%mul3A_249, %mul3A_251, %dma_start3A_252] : memref<125x1024x128xi32, #tpu.memory_space<hbm>> -> memref<2x32x128xi32, #tpu.memory_space<hbm>>
        %dma_start3A_254 = arith.constant 0 : i32
        %dma_start3A_255 = tpu.memref_slice %arg2[%mul3A_249, %mul3A_251, %dma_start3A_254] : memref<125x1024x128xi32, #tpu.memory_space<hbm>> -> memref<2x32x128xi32, #tpu.memory_space<hbm>>
        tpu.enqueue_dma source(%dma_start3A_255 : memref<2x32x128xi32, #tpu.memory_space<hbm>>) target(%arg7 : memref<2x32x128xi32, #tpu.memory_space<vmem>>) target_semaphore(%arg13 : memref<!tpu.dma_semaphore, #tpu.memory_space<semaphore_mem>>)
      } else {
      }
      %scan3A_245 = arith.constant 0 : i32
      scf.yield %scan3A_245 : i32
    }
    %scan3A_23 = arith.constant 31 : i32
    %mul3A_24 = arith.constant 8 : i32
    %mul3A_25 = arith.muli %mul3A_2, %mul3A_24 : i32
    %mul3A_26 = arith.constant 2 : i32
    %mul3A_27 = arith.muli %mul3A_26, %mul3A_2 : i32
    %dma_start3A_28 = arith.constant 0 : i32
    %dma_start3A_29 = arith.constant 0 : i32
    %dma_start3A_30 = arith.constant 0 : i32
    %dma_start3A_31 = tpu.memref_slice %arg6[%dma_start3A_28, %dma_start3A_29, %dma_start3A_30] : memref<2x32x128xi32, #tpu.memory_space<vmem>> -> memref<1x32x128xi32, #tpu.memory_space<vmem>>
    %dma_start3A_32 = arith.constant 124 : i32
    %dma_start3A_33 = arith.constant 0 : i32
    %dma_start3A_34 = tpu.memref_slice %arg2[%dma_start3A_32, %mul3A_25, %dma_start3A_33] : memref<125x1024x128xi32, #tpu.memory_space<hbm>> -> memref<1x32x128xi32, #tpu.memory_space<hbm>>
    %dma_start3A_35 = arith.constant 0 : i32
    %dma_start3A_36 = arith.constant 0 : i32
    %dma_start3A_37 = arith.constant 0 : i32
    %dma_start3A_38 = tpu.memref_slice %arg6[%dma_start3A_35, %dma_start3A_36, %dma_start3A_37] : memref<2x32x128xi32, #tpu.memory_space<vmem>> -> memref<1x32x128xi32, #tpu.memory_space<vmem>>
    %dma_start3A_39 = arith.constant 124 : i32
    %dma_start3A_40 = arith.constant 0 : i32
    %dma_start3A_41 = tpu.memref_slice %arg2[%dma_start3A_39, %mul3A_25, %dma_start3A_40] : memref<125x1024x128xi32, #tpu.memory_space<hbm>> -> memref<1x32x128xi32, #tpu.memory_space<hbm>>
    tpu.enqueue_dma source(%dma_start3A_41 : memref<1x32x128xi32, #tpu.memory_space<hbm>>) target(%dma_start3A_38 : memref<1x32x128xi32, #tpu.memory_space<vmem>>) target_semaphore(%arg12 : memref<!tpu.dma_semaphore, #tpu.memory_space<semaphore_mem>>)
    %dma_wait3A = arith.constant 0 : i32
    %dma_wait3A_42 = arith.constant 0 : i32
    %dma_wait3A_43 = arith.constant 0 : i32
    %dma_wait3A_44 = tpu.memref_slice %arg6[%dma_wait3A, %dma_wait3A_42, %dma_wait3A_43] : memref<2x32x128xi32, #tpu.memory_space<vmem>> -> memref<1x32x128xi32, #tpu.memory_space<vmem>>
    %dma_wait3A_45 = arith.constant 124 : i32
    %dma_wait3A_46 = arith.constant 0 : i32
    %dma_wait3A_47 = tpu.memref_slice %arg2[%dma_wait3A_45, %mul3A_25, %dma_wait3A_46] : memref<125x1024x128xi32, #tpu.memory_space<hbm>> -> memref<1x32x128xi32, #tpu.memory_space<hbm>>
    %dma_wait3A_48 = arith.constant 0 : i32
    %dma_wait3A_49 = arith.constant 0 : i32
    %dma_wait3A_50 = arith.constant 0 : i32
    %dma_wait3A_51 = tpu.memref_slice %arg6[%dma_wait3A_48, %dma_wait3A_49, %dma_wait3A_50] : memref<2x32x128xi32, #tpu.memory_space<vmem>> -> memref<1x32x128xi32, #tpu.memory_space<vmem>>
    %dma_wait3A_52 = arith.constant 124 : i32
    %dma_wait3A_53 = arith.constant 0 : i32
    %dma_wait3A_54 = tpu.memref_slice %arg2[%dma_wait3A_52, %mul3A_25, %dma_wait3A_53] : memref<125x1024x128xi32, #tpu.memory_space<hbm>> -> memref<1x32x128xi32, #tpu.memory_space<hbm>>
    tpu.wait_dma2 semaphore(%arg12 : memref<!tpu.dma_semaphore, #tpu.memory_space<semaphore_mem>>) src(%dma_wait3A_54 : memref<1x32x128xi32, #tpu.memory_space<hbm>>) dst(%dma_wait3A_51 : memref<1x32x128xi32, #tpu.memory_space<vmem>>)
    %mul3A_55 = arith.constant 2 : i32
    %mul3A_56 = arith.muli %mul3A_55, %mul3A_2 : i32
    %dma_wait3A_57 = arith.constant 960 : i32
    %dma_wait3A_58 = arith.constant 0 : i32
    %dma_wait3A_59 = tpu.memref_slice %arg5[%dma_wait3A_57, %mul3A_56, %dma_wait3A_58] : memref<1000x256x128xf32, #tpu.memory_space<hbm>> -> memref<16x8x128xf32, #tpu.memory_space<hbm>>
    %dma_wait3A_60 = arith.constant 960 : i32
    %dma_wait3A_61 = arith.constant 0 : i32
    %dma_wait3A_62 = tpu.memref_slice %arg5[%dma_wait3A_60, %mul3A_56, %dma_wait3A_61] : memref<1000x256x128xf32, #tpu.memory_space<hbm>> -> memref<16x8x128xf32, #tpu.memory_space<hbm>>
    tpu.wait_dma2 semaphore(%arg14 : memref<!tpu.dma_semaphore, #tpu.memory_space<semaphore_mem>>) src(%arg8 : memref<16x8x128xf32, #tpu.memory_space<vmem>>) dst(%dma_wait3A_62 : memref<16x8x128xf32, #tpu.memory_space<hbm>>)
    %mul3A_63 = arith.constant 16 : i32
    %mul3A_64 = arith.constant 124 : i32
    %mul3A_65 = arith.muli %mul3A_63, %mul3A_64 : i32
    %get3A = arith.index_cast %mul3A_65 : i32 to index
    %get3A_66 = tpu.vector_load %arg10[%get3A] {strides = array<i32>} : memref<2000xf32, #tpu.memory_space<vmem>>, vector<16xf32>,
    %get3A_67 = vector.shape_cast %get3A_66 : vector<16xf32> to vector<16xf32>
    %mul3A_68 = arith.constant 16 : i32
    %mul3A_69 = arith.constant 124 : i32
    %mul3A_70 = arith.muli %mul3A_68, %mul3A_69 : i32
    %get3A_71 = arith.index_cast %mul3A_70 : i32 to index
    %get3A_72 = tpu.vector_load %arg11[%get3A_71] {strides = array<i32>} : memref<2000xf32, #tpu.memory_space<vmem>>, vector<16xf32>,
    %get3A_73 = vector.shape_cast %get3A_72 : vector<16xf32> to vector<16xf32>
    %parallel_loop3A = arith.constant 0 : i32
    %parallel_loop3A_74 = arith.constant 32 : i32
    %parallel_loop3A_75 = arith.constant 1 : i32
    %parallel_loop3A_76 = arith.constant 0 : i32
    scf.for %parallel_loop3A_113 = %parallel_loop3A to %parallel_loop3A_74 step %parallel_loop3A_75  : i32 {
      %parallel_loop3A_114 = arith.constant 2 : i32
      %parallel_loop3A_115 = arith.shrsi %parallel_loop3A_113, %parallel_loop3A_114 : i32
      %parallel_loop3A_116 = arith.constant 3 : i32
      %parallel_loop3A_117 = arith.andi %parallel_loop3A_113, %parallel_loop3A_116 : i32
      %parallel_loop3A_118 = arith.constant 2 : i32
      %parallel_loop3A_119 = arith.muli %parallel_loop3A_118, %parallel_loop3A_115 : i32
      %parallel_loop3A_120 = vector.broadcast %parallel_loop3A_119 : i32 to vector<16xi32>
      %parallel_loop3A_121 = arith.constant 0 : i32
      %parallel_loop3A_122 = vector.broadcast %parallel_loop3A_121 : i32 to vector<16xi32>
      %parallel_loop3A_123 = arith.cmpi slt, %parallel_loop3A_120, %parallel_loop3A_122 : vector<16xi32>
      %parallel_loop3A_124 = arith.constant 16 : i32
      %parallel_loop3A_125 = vector.broadcast %parallel_loop3A_124 : i32 to vector<16xi32>
      %parallel_loop3A_126 = arith.addi %parallel_loop3A_120, %parallel_loop3A_125 : vector<16xi32>
      %parallel_loop3A_127 = arith.select %parallel_loop3A_123, %parallel_loop3A_126, %parallel_loop3A_120 : vector<16xi1>, vector<16xi32>
      %parallel_loop3A_128 = vector.shape_cast %parallel_loop3A_127 : vector<16xi32> to vector<16x1xi32>
      %parallel_loop3A_129 = vector.shape_cast %parallel_loop3A_128 : vector<16x1xi32> to vector<16xi32>
      %parallel_loop3A_130 = tpu.dynamic_gather %get3A_67[%parallel_loop3A_129] in [0] : vector<16xf32>, vector<16xi32> -> vector<16xf32>
      %parallel_loop3A_131 = arith.constant 0 : i32
      %parallel_loop3A_132 = vector.broadcast %parallel_loop3A_131 : i32 to vector<16xi32>
      %parallel_loop3A_133 = arith.cmpi slt, %parallel_loop3A_120, %parallel_loop3A_132 : vector<16xi32>
      %parallel_loop3A_134 = arith.constant 16 : i32
      %parallel_loop3A_135 = vector.broadcast %parallel_loop3A_134 : i32 to vector<16xi32>
      %parallel_loop3A_136 = arith.addi %parallel_loop3A_120, %parallel_loop3A_135 : vector<16xi32>
      %parallel_loop3A_137 = arith.select %parallel_loop3A_133, %parallel_loop3A_136, %parallel_loop3A_120 : vector<16xi1>, vector<16xi32>
      %parallel_loop3A_138 = vector.shape_cast %parallel_loop3A_137 : vector<16xi32> to vector<16x1xi32>
      %parallel_loop3A_139 = vector.shape_cast %parallel_loop3A_138 : vector<16x1xi32> to vector<16xi32>
      %parallel_loop3A_140 = tpu.dynamic_gather %get3A_73[%parallel_loop3A_139] in [0] : vector<16xf32>, vector<16xi32> -> vector<16xf32>
      %parallel_loop3A_141 = arith.constant 1 : i32
      %parallel_loop3A_142 = vector.broadcast %parallel_loop3A_141 : i32 to vector<16xi32>
      %parallel_loop3A_143 = arith.addi %parallel_loop3A_120, %parallel_loop3A_142 : vector<16xi32>
      %parallel_loop3A_144 = arith.constant 0 : i32
      %parallel_loop3A_145 = vector.broadcast %parallel_loop3A_144 : i32 to vector<16xi32>
      %parallel_loop3A_146 = arith.cmpi slt, %parallel_loop3A_143, %parallel_loop3A_145 : vector<16xi32>
      %parallel_loop3A_147 = arith.constant 16 : i32
      %parallel_loop3A_148 = vector.broadcast %parallel_loop3A_147 : i32 to vector<16xi32>
      %parallel_loop3A_149 = arith.addi %parallel_loop3A_143, %parallel_loop3A_148 : vector<16xi32>
      %parallel_loop3A_150 = arith.select %parallel_loop3A_146, %parallel_loop3A_149, %parallel_loop3A_143 : vector<16xi1>, vector<16xi32>
      %parallel_loop3A_151 = vector.shape_cast %parallel_loop3A_150 : vector<16xi32> to vector<16x1xi32>
      %parallel_loop3A_152 = vector.shape_cast %parallel_loop3A_151 : vector<16x1xi32> to vector<16xi32>
      %parallel_loop3A_153 = tpu.dynamic_gather %get3A_67[%parallel_loop3A_152] in [0] : vector<16xf32>, vector<16xi32> -> vector<16xf32>
      %parallel_loop3A_154 = arith.constant 1 : i32
      %parallel_loop3A_155 = vector.broadcast %parallel_loop3A_154 : i32 to vector<16xi32>
      %parallel_loop3A_156 = arith.addi %parallel_loop3A_120, %parallel_loop3A_155 : vector<16xi32>
      %parallel_loop3A_157 = arith.constant 0 : i32
      %parallel_loop3A_158 = vector.broadcast %parallel_loop3A_157 : i32 to vector<16xi32>
      %parallel_loop3A_159 = arith.cmpi slt, %parallel_loop3A_156, %parallel_loop3A_158 : vector<16xi32>
      %parallel_loop3A_160 = arith.constant 16 : i32
      %parallel_loop3A_161 = vector.broadcast %parallel_loop3A_160 : i32 to vector<16xi32>
      %parallel_loop3A_162 = arith.addi %parallel_loop3A_156, %parallel_loop3A_161 : vector<16xi32>
      %parallel_loop3A_163 = arith.select %parallel_loop3A_159, %parallel_loop3A_162, %parallel_loop3A_156 : vector<16xi1>, vector<16xi32>
      %parallel_loop3A_164 = vector.shape_cast %parallel_loop3A_163 : vector<16xi32> to vector<16x1xi32>
      %parallel_loop3A_165 = vector.shape_cast %parallel_loop3A_164 : vector<16x1xi32> to vector<16xi32>
      %parallel_loop3A_166 = tpu.dynamic_gather %get3A_73[%parallel_loop3A_165] in [0] : vector<16xf32>, vector<16xi32> -> vector<16xf32>
      %parallel_loop3A_167 = arith.constant 8 : i32
      %parallel_loop3A_168 = arith.muli %parallel_loop3A_117, %parallel_loop3A_167 : i32
      %parallel_loop3A_169 = arith.addi %parallel_loop3A_168, %parallel_loop3A_115 : i32
      %parallel_loop3A_170 = arith.constant 0 : i32
      %parallel_loop3A_171 = arith.constant 0 : i32
      %parallel_loop3A_172 = tpu.memref_slice %arg6[%parallel_loop3A_76, %parallel_loop3A_170, %parallel_loop3A_171] : memref<2x32x128xi32, #tpu.memory_space<vmem>> -> memref<1x32x128xi32, #tpu.memory_space<vmem>>
      %parallel_loop3A_173 = tpu.memref_squeeze %parallel_loop3A_172 : memref<1x32x128xi32, #tpu.memory_space<vmem>> -> memref<32x128xi32, #tpu.memory_space<vmem>>
      %parallel_loop3A_174 = arith.index_cast %parallel_loop3A_169 : i32 to index
      %parallel_loop3A_175 = arith.constant 0 : index
      %parallel_loop3A_176 = tpu.vector_load %parallel_loop3A_173[%parallel_loop3A_174, %parallel_loop3A_175] {strides = array<i32>} : memref<32x128xi32, #tpu.memory_space<vmem>>, vector<1x16xi32>,
      %parallel_loop3A_177 = vector.shape_cast %parallel_loop3A_176 : vector<1x16xi32> to vector<16xi32>
      %parallel_loop3A_178 = arith.sitofp %parallel_loop3A_177 : vector<16xi32> to vector<16xf32>
      %parallel_loop3A_179 = arith.mulf %parallel_loop3A_178, %parallel_loop3A_130 : vector<16xf32>
      %parallel_loop3A_180 = arith.addf %parallel_loop3A_179, %parallel_loop3A_140 : vector<16xf32>
      %parallel_loop3A_181 = arith.constant 2 : i32
      %parallel_loop3A_182 = arith.muli %parallel_loop3A_181, %parallel_loop3A_117 : i32
      %parallel_loop3A_183 = arith.constant 0 : i32
      %parallel_loop3A_184 = arith.constant 0 : i32
      %parallel_loop3A_185 = arith.constant 0 : i32
      %parallel_loop3A_186 = tpu.memref_slice %arg8[%parallel_loop3A_183, %parallel_loop3A_184, %parallel_loop3A_185] : memref<16x8x128xf32, #tpu.memory_space<vmem>> -> memref<8x8x128xf32, #tpu.memory_space<vmem>>
      %parallel_loop3A_187 = arith.index_cast %parallel_loop3A_115 : i32 to index
      %parallel_loop3A_188 = arith.index_cast %parallel_loop3A_182 : i32 to index
      %parallel_loop3A_189 = arith.constant 0 : index
      %parallel_loop3A_190 = tpu.vector_load %parallel_loop3A_186[%parallel_loop3A_187, %parallel_loop3A_188, %parallel_loop3A_189] {strides = array<i32>} : memref<8x8x128xf32, #tpu.memory_space<vmem>>, vector<1x1x16xf32>,
      %parallel_loop3A_191 = vector.shape_cast %parallel_loop3A_190 : vector<1x1x16xf32> to vector<16xf32>
      %parallel_loop3A_192 = vector.shape_cast %parallel_loop3A_180 : vector<16xf32> to vector<1x1x16xf32>
      tpu.vector_store %parallel_loop3A_186[%parallel_loop3A_187, %parallel_loop3A_188, %parallel_loop3A_189], %parallel_loop3A_192 {strides = array<i32>} : memref<8x8x128xf32, #tpu.memory_space<vmem>>, vector<1x1x16xf32>,
      %parallel_loop3A_193 = arith.mulf %parallel_loop3A_178, %parallel_loop3A_153 : vector<16xf32>
      %parallel_loop3A_194 = arith.addf %parallel_loop3A_193, %parallel_loop3A_166 : vector<16xf32>
      %parallel_loop3A_195 = arith.constant 2 : i32
      %parallel_loop3A_196 = arith.muli %parallel_loop3A_195, %parallel_loop3A_117 : i32
      %parallel_loop3A_197 = arith.constant 1 : i32
      %parallel_loop3A_198 = arith.addi %parallel_loop3A_196, %parallel_loop3A_197 : i32
      %parallel_loop3A_199 = arith.constant 0 : i32
      %parallel_loop3A_200 = arith.constant 0 : i32
      %parallel_loop3A_201 = arith.constant 0 : i32
      %parallel_loop3A_202 = tpu.memref_slice %arg8[%parallel_loop3A_199, %parallel_loop3A_200, %parallel_loop3A_201] : memref<16x8x128xf32, #tpu.memory_space<vmem>> -> memref<8x8x128xf32, #tpu.memory_space<vmem>>
      %parallel_loop3A_203 = arith.index_cast %parallel_loop3A_115 : i32 to index
      %parallel_loop3A_204 = arith.index_cast %parallel_loop3A_198 : i32 to index
      %parallel_loop3A_205 = arith.constant 0 : index
      %parallel_loop3A_206 = tpu.vector_load %parallel_loop3A_202[%parallel_loop3A_203, %parallel_loop3A_204, %parallel_loop3A_205] {strides = array<i32>} : memref<8x8x128xf32, #tpu.memory_space<vmem>>, vector<1x1x16xf32>,
      %parallel_loop3A_207 = vector.shape_cast %parallel_loop3A_206 : vector<1x1x16xf32> to vector<16xf32>
      %parallel_loop3A_208 = vector.shape_cast %parallel_loop3A_194 : vector<16xf32> to vector<1x1x16xf32>
      tpu.vector_store %parallel_loop3A_202[%parallel_loop3A_203, %parallel_loop3A_204, %parallel_loop3A_205], %parallel_loop3A_208 {strides = array<i32>} : memref<8x8x128xf32, #tpu.memory_space<vmem>>, vector<1x1x16xf32>,
      %parallel_loop3A_209 = arith.constant 8 : i32
      %parallel_loop3A_210 = arith.muli %parallel_loop3A_117, %parallel_loop3A_209 : i32
      %parallel_loop3A_211 = arith.addi %parallel_loop3A_210, %parallel_loop3A_115 : i32
      %parallel_loop3A_212 = arith.constant 0 : i32
      %parallel_loop3A_213 = arith.constant 0 : i32
      %parallel_loop3A_214 = tpu.memref_slice %arg6[%parallel_loop3A_76, %parallel_loop3A_212, %parallel_loop3A_213] : memref<2x32x128xi32, #tpu.memory_space<vmem>> -> memref<1x32x128xi32, #tpu.memory_space<vmem>>
      %parallel_loop3A_215 = tpu.memref_squeeze %parallel_loop3A_214 : memref<1x32x128xi32, #tpu.memory_space<vmem>> -> memref<32x128xi32, #tpu.memory_space<vmem>>
      %parallel_loop3A_216 = arith.index_cast %parallel_loop3A_211 : i32 to index
      %parallel_loop3A_217 = arith.constant 16 : index
      %parallel_loop3A_218 = tpu.vector_load %parallel_loop3A_215[%parallel_loop3A_216, %parallel_loop3A_217] {strides = array<i32>} : memref<32x128xi32, #tpu.memory_space<vmem>>, vector<1x16xi32>,
      %parallel_loop3A_219 = vector.shape_cast %parallel_loop3A_218 : vector<1x16xi32> to vector<16xi32>
      %parallel_loop3A_220 = arith.sitofp %parallel_loop3A_219 : vector<16xi32> to vector<16xf32>
      %parallel_loop3A_221 = arith.mulf %parallel_loop3A_220, %parallel_loop3A_130 : vector<16xf32>
      %parallel_loop3A_222 = arith.addf %parallel_loop3A_221, %parallel_loop3A_140 : vector<16xf32>
      %parallel_loop3A_223 = arith.constant 2 : i32
      %parallel_loop3A_224 = arith.muli %parallel_loop3A_223, %parallel_loop3A_117 : i32
      %parallel_loop3A_225 = arith.constant 0 : i32
      %parallel_loop3A_226 = arith.constant 0 : i32
      %parallel_loop3A_227 = arith.constant 0 : i32
      %parallel_loop3A_228 = tpu.memref_slice %arg8[%parallel_loop3A_225, %parallel_loop3A_226, %parallel_loop3A_227] : memref<16x8x128xf32, #tpu.memory_space<vmem>> -> memref<8x8x128xf32, #tpu.memory_space<vmem>>
      %parallel_loop3A_229 = arith.index_cast %parallel_loop3A_115 : i32 to index
      %parallel_loop3A_230 = arith.index_cast %parallel_loop3A_224 : i32 to index
      %parallel_loop3A_231 = arith.constant 16 : index
      %parallel_loop3A_232 = tpu.vector_load %parallel_loop3A_228[%parallel_loop3A_229, %parallel_loop3A_230, %parallel_loop3A_231] {strides = array<i32>} : memref<8x8x128xf32, #tpu.memory_space<vmem>>, vector<1x1x16xf32>,
      %parallel_loop3A_233 = vector.shape_cast %parallel_loop3A_232 : vector<1x1x16xf32> to vector<16xf32>
      %parallel_loop3A_234 = vector.shape_cast %parallel_loop3A_222 : vector<16xf32> to vector<1x1x16xf32>
      tpu.vector_store %parallel_loop3A_228[%parallel_loop3A_229, %parallel_loop3A_230, %parallel_loop3A_231], %parallel_loop3A_234 {strides = array<i32>} : memref<8x8x128xf32, #tpu.memory_space<vmem>>, vector<1x1x16xf32>,
      %parallel_loop3A_235 = arith.mulf %parallel_loop3A_220, %parallel_loop3A_153 : vector<16xf32>
      %parallel_loop3A_236 = arith.addf %parallel_loop3A_235, %parallel_loop3A_166 : vector<16xf32>
      %parallel_loop3A_237 = arith.constant 2 : i32
      %parallel_loop3A_238 = arith.muli %parallel_loop3A_237, %parallel_loop3A_117 : i32
      %parallel_loop3A_239 = arith.constant 1 : i32
      %parallel_loop3A_240 = arith.addi %parallel_loop3A_238, %parallel_loop3A_239 : i32
      %parallel_loop3A_241 = arith.constant 0 : i32
      %parallel_loop3A_242 = arith.constant 0 : i32
      %parallel_loop3A_243 = arith.constant 0 : i32
      %parallel_loop3A_244 = tpu.memref_slice %arg8[%parallel_loop3A_241, %parallel_loop3A_242, %parallel_loop3A_243] : memref<16x8x128xf32, #tpu.memory_space<vmem>> -> memref<8x8x128xf32, #tpu.memory_space<vmem>>
      %parallel_loop3A_245 = arith.index_cast %parallel_loop3A_115 : i32 to index
      %parallel_loop3A_246 = arith.index_cast %parallel_loop3A_240 : i32 to index
      %parallel_loop3A_247 = arith.constant 16 : index
      %parallel_loop3A_248 = tpu.vector_load %parallel_loop3A_244[%parallel_loop3A_245, %parallel_loop3A_246, %parallel_loop3A_247] {strides = array<i32>} : memref<8x8x128xf32, #tpu.memory_space<vmem>>, vector<1x1x16xf32>,
      %parallel_loop3A_249 = vector.shape_cast %parallel_loop3A_248 : vector<1x1x16xf32> to vector<16xf32>
      %parallel_loop3A_250 = vector.shape_cast %parallel_loop3A_236 : vector<16xf32> to vector<1x1x16xf32>
      tpu.vector_store %parallel_loop3A_244[%parallel_loop3A_245, %parallel_loop3A_246, %parallel_loop3A_247], %parallel_loop3A_250 {strides = array<i32>} : memref<8x8x128xf32, #tpu.memory_space<vmem>>, vector<1x1x16xf32>,
      %parallel_loop3A_251 = arith.constant 8 : i32
      %parallel_loop3A_252 = arith.muli %parallel_loop3A_117, %parallel_loop3A_251 : i32
      %parallel_loop3A_253 = arith.addi %parallel_loop3A_252, %parallel_loop3A_115 : i32
      %parallel_loop3A_254 = arith.constant 0 : i32
      %parallel_loop3A_255 = arith.constant 0 : i32
      %parallel_loop3A_256 = tpu.memref_slice %arg6[%parallel_loop3A_76, %parallel_loop3A_254, %parallel_loop3A_255] : memref<2x32x128xi32, #tpu.memory_space<vmem>> -> memref<1x32x128xi32, #tpu.memory_space<vmem>>
      %parallel_loop3A_257 = tpu.memref_squeeze %parallel_loop3A_256 : memref<1x32x128xi32, #tpu.memory_space<vmem>> -> memref<32x128xi32, #tpu.memory_space<vmem>>
      %parallel_loop3A_258 = arith.index_cast %parallel_loop3A_253 : i32 to index
      %parallel_loop3A_259 = arith.constant 32 : index
      %parallel_loop3A_260 = tpu.vector_load %parallel_loop3A_257[%parallel_loop3A_258, %parallel_loop3A_259] {strides = array<i32>} : memref<32x128xi32, #tpu.memory_space<vmem>>, vector<1x16xi32>,
      %parallel_loop3A_261 = vector.shape_cast %parallel_loop3A_260 : vector<1x16xi32> to vector<16xi32>
      %parallel_loop3A_262 = arith.sitofp %parallel_loop3A_261 : vector<16xi32> to vector<16xf32>
      %parallel_loop3A_263 = arith.mulf %parallel_loop3A_262, %parallel_loop3A_130 : vector<16xf32>
      %parallel_loop3A_264 = arith.addf %parallel_loop3A_263, %parallel_loop3A_140 : vector<16xf32>
      %parallel_loop3A_265 = arith.constant 2 : i32
      %parallel_loop3A_266 = arith.muli %parallel_loop3A_265, %parallel_loop3A_117 : i32
      %parallel_loop3A_267 = arith.constant 0 : i32
      %parallel_loop3A_268 = arith.constant 0 : i32
      %parallel_loop3A_269 = arith.constant 0 : i32
      %parallel_loop3A_270 = tpu.memref_slice %arg8[%parallel_loop3A_267, %parallel_loop3A_268, %parallel_loop3A_269] : memref<16x8x128xf32, #tpu.memory_space<vmem>> -> memref<8x8x128xf32, #tpu.memory_space<vmem>>
      %parallel_loop3A_271 = arith.index_cast %parallel_loop3A_115 : i32 to index
      %parallel_loop3A_272 = arith.index_cast %parallel_loop3A_266 : i32 to index
      %parallel_loop3A_273 = arith.constant 32 : index
      %parallel_loop3A_274 = tpu.vector_load %parallel_loop3A_270[%parallel_loop3A_271, %parallel_loop3A_272, %parallel_loop3A_273] {strides = array<i32>} : memref<8x8x128xf32, #tpu.memory_space<vmem>>, vector<1x1x16xf32>,
      %parallel_loop3A_275 = vector.shape_cast %parallel_loop3A_274 : vector<1x1x16xf32> to vector<16xf32>
      %parallel_loop3A_276 = vector.shape_cast %parallel_loop3A_264 : vector<16xf32> to vector<1x1x16xf32>
      tpu.vector_store %parallel_loop3A_270[%parallel_loop3A_271, %parallel_loop3A_272, %parallel_loop3A_273], %parallel_loop3A_276 {strides = array<i32>} : memref<8x8x128xf32, #tpu.memory_space<vmem>>, vector<1x1x16xf32>,
      %parallel_loop3A_277 = arith.mulf %parallel_loop3A_262, %parallel_loop3A_153 : vector<16xf32>
      %parallel_loop3A_278 = arith.addf %parallel_loop3A_277, %parallel_loop3A_166 : vector<16xf32>
      %parallel_loop3A_279 = arith.constant 2 : i32
      %parallel_loop3A_280 = arith.muli %parallel_loop3A_279, %parallel_loop3A_117 : i32
      %parallel_loop3A_281 = arith.constant 1 : i32
      %parallel_loop3A_282 = arith.addi %parallel_loop3A_280, %parallel_loop3A_281 : i32
      %parallel_loop3A_283 = arith.constant 0 : i32
      %parallel_loop3A_284 = arith.constant 0 : i32
      %parallel_loop3A_285 = arith.constant 0 : i32
      %parallel_loop3A_286 = tpu.memref_slice %arg8[%parallel_loop3A_283, %parallel_loop3A_284, %parallel_loop3A_285] : memref<16x8x128xf32, #tpu.memory_space<vmem>> -> memref<8x8x128xf32, #tpu.memory_space<vmem>>
      %parallel_loop3A_287 = arith.index_cast %parallel_loop3A_115 : i32 to index
      %parallel_loop3A_288 = arith.index_cast %parallel_loop3A_282 : i32 to index
      %parallel_loop3A_289 = arith.constant 32 : index
      %parallel_loop3A_290 = tpu.vector_load %parallel_loop3A_286[%parallel_loop3A_287, %parallel_loop3A_288, %parallel_loop3A_289] {strides = array<i32>} : memref<8x8x128xf32, #tpu.memory_space<vmem>>, vector<1x1x16xf32>,
      %parallel_loop3A_291 = vector.shape_cast %parallel_loop3A_290 : vector<1x1x16xf32> to vector<16xf32>
      %parallel_loop3A_292 = vector.shape_cast %parallel_loop3A_278 : vector<16xf32> to vector<1x1x16xf32>
      tpu.vector_store %parallel_loop3A_286[%parallel_loop3A_287, %parallel_loop3A_288, %parallel_loop3A_289], %parallel_loop3A_292 {strides = array<i32>} : memref<8x8x128xf32, #tpu.memory_space<vmem>>, vector<1x1x16xf32>,
      %parallel_loop3A_293 = arith.constant 8 : i32
      %parallel_loop3A_294 = arith.muli %parallel_loop3A_117, %parallel_loop3A_293 : i32
      %parallel_loop3A_295 = arith.addi %parallel_loop3A_294, %parallel_loop3A_115 : i32
      %parallel_loop3A_296 = arith.constant 0 : i32
      %parallel_loop3A_297 = arith.constant 0 : i32
      %parallel_loop3A_298 = tpu.memref_slice %arg6[%parallel_loop3A_76, %parallel_loop3A_296, %parallel_loop3A_297] : memref<2x32x128xi32, #tpu.memory_space<vmem>> -> memref<1x32x128xi32, #tpu.memory_space<vmem>>
      %parallel_loop3A_299 = tpu.memref_squeeze %parallel_loop3A_298 : memref<1x32x128xi32, #tpu.memory_space<vmem>> -> memref<32x128xi32, #tpu.memory_space<vmem>>
      %parallel_loop3A_300 = arith.index_cast %parallel_loop3A_295 : i32 to index
      %parallel_loop3A_301 = arith.constant 48 : index
      %parallel_loop3A_302 = tpu.vector_load %parallel_loop3A_299[%parallel_loop3A_300, %parallel_loop3A_301] {strides = array<i32>} : memref<32x128xi32, #tpu.memory_space<vmem>>, vector<1x16xi32>,
      %parallel_loop3A_303 = vector.shape_cast %parallel_loop3A_302 : vector<1x16xi32> to vector<16xi32>
      %parallel_loop3A_304 = arith.sitofp %parallel_loop3A_303 : vector<16xi32> to vector<16xf32>
      %parallel_loop3A_305 = arith.mulf %parallel_loop3A_304, %parallel_loop3A_130 : vector<16xf32>
      %parallel_loop3A_306 = arith.addf %parallel_loop3A_305, %parallel_loop3A_140 : vector<16xf32>
      %parallel_loop3A_307 = arith.constant 2 : i32
      %parallel_loop3A_308 = arith.muli %parallel_loop3A_307, %parallel_loop3A_117 : i32
      %parallel_loop3A_309 = arith.constant 0 : i32
      %parallel_loop3A_310 = arith.constant 0 : i32
      %parallel_loop3A_311 = arith.constant 0 : i32
      %parallel_loop3A_312 = tpu.memref_slice %arg8[%parallel_loop3A_309, %parallel_loop3A_310, %parallel_loop3A_311] : memref<16x8x128xf32, #tpu.memory_space<vmem>> -> memref<8x8x128xf32, #tpu.memory_space<vmem>>
      %parallel_loop3A_313 = arith.index_cast %parallel_loop3A_115 : i32 to index
      %parallel_loop3A_314 = arith.index_cast %parallel_loop3A_308 : i32 to index
      %parallel_loop3A_315 = arith.constant 48 : index
      %parallel_loop3A_316 = tpu.vector_load %parallel_loop3A_312[%parallel_loop3A_313, %parallel_loop3A_314, %parallel_loop3A_315] {strides = array<i32>} : memref<8x8x128xf32, #tpu.memory_space<vmem>>, vector<1x1x16xf32>,
      %parallel_loop3A_317 = vector.shape_cast %parallel_loop3A_316 : vector<1x1x16xf32> to vector<16xf32>
      %parallel_loop3A_318 = vector.shape_cast %parallel_loop3A_306 : vector<16xf32> to vector<1x1x16xf32>
      tpu.vector_store %parallel_loop3A_312[%parallel_loop3A_313, %parallel_loop3A_314, %parallel_loop3A_315], %parallel_loop3A_318 {strides = array<i32>} : memref<8x8x128xf32, #tpu.memory_space<vmem>>, vector<1x1x16xf32>,
      %parallel_loop3A_319 = arith.mulf %parallel_loop3A_304, %parallel_loop3A_153 : vector<16xf32>
      %parallel_loop3A_320 = arith.addf %parallel_loop3A_319, %parallel_loop3A_166 : vector<16xf32>
      %parallel_loop3A_321 = arith.constant 2 : i32
      %parallel_loop3A_322 = arith.muli %parallel_loop3A_321, %parallel_loop3A_117 : i32
      %parallel_loop3A_323 = arith.constant 1 : i32
      %parallel_loop3A_324 = arith.addi %parallel_loop3A_322, %parallel_loop3A_323 : i32
      %parallel_loop3A_325 = arith.constant 0 : i32
      %parallel_loop3A_326 = arith.constant 0 : i32
      %parallel_loop3A_327 = arith.constant 0 : i32
      %parallel_loop3A_328 = tpu.memref_slice %arg8[%parallel_loop3A_325, %parallel_loop3A_326, %parallel_loop3A_327] : memref<16x8x128xf32, #tpu.memory_space<vmem>> -> memref<8x8x128xf32, #tpu.memory_space<vmem>>
      %parallel_loop3A_329 = arith.index_cast %parallel_loop3A_115 : i32 to index
      %parallel_loop3A_330 = arith.index_cast %parallel_loop3A_324 : i32 to index
      %parallel_loop3A_331 = arith.constant 48 : index
      %parallel_loop3A_332 = tpu.vector_load %parallel_loop3A_328[%parallel_loop3A_329, %parallel_loop3A_330, %parallel_loop3A_331] {strides = array<i32>} : memref<8x8x128xf32, #tpu.memory_space<vmem>>, vector<1x1x16xf32>,
      %parallel_loop3A_333 = vector.shape_cast %parallel_loop3A_332 : vector<1x1x16xf32> to vector<16xf32>
      %parallel_loop3A_334 = vector.shape_cast %parallel_loop3A_320 : vector<16xf32> to vector<1x1x16xf32>
      tpu.vector_store %parallel_loop3A_328[%parallel_loop3A_329, %parallel_loop3A_330, %parallel_loop3A_331], %parallel_loop3A_334 {strides = array<i32>} : memref<8x8x128xf32, #tpu.memory_space<vmem>>, vector<1x1x16xf32>,
      %parallel_loop3A_335 = arith.constant 8 : i32
      %parallel_loop3A_336 = arith.muli %parallel_loop3A_117, %parallel_loop3A_335 : i32
      %parallel_loop3A_337 = arith.addi %parallel_loop3A_336, %parallel_loop3A_115 : i32
      %parallel_loop3A_338 = arith.constant 0 : i32
      %parallel_loop3A_339 = arith.constant 0 : i32
      %parallel_loop3A_340 = tpu.memref_slice %arg6[%parallel_loop3A_76, %parallel_loop3A_338, %parallel_loop3A_339] : memref<2x32x128xi32, #tpu.memory_space<vmem>> -> memref<1x32x128xi32, #tpu.memory_space<vmem>>
      %parallel_loop3A_341 = tpu.memref_squeeze %parallel_loop3A_340 : memref<1x32x128xi32, #tpu.memory_space<vmem>> -> memref<32x128xi32, #tpu.memory_space<vmem>>
      %parallel_loop3A_342 = arith.index_cast %parallel_loop3A_337 : i32 to index
      %parallel_loop3A_343 = arith.constant 64 : index
      %parallel_loop3A_344 = tpu.vector_load %parallel_loop3A_341[%parallel_loop3A_342, %parallel_loop3A_343] {strides = array<i32>} : memref<32x128xi32, #tpu.memory_space<vmem>>, vector<1x16xi32>,
      %parallel_loop3A_345 = vector.shape_cast %parallel_loop3A_344 : vector<1x16xi32> to vector<16xi32>
      %parallel_loop3A_346 = arith.sitofp %parallel_loop3A_345 : vector<16xi32> to vector<16xf32>
      %parallel_loop3A_347 = arith.mulf %parallel_loop3A_346, %parallel_loop3A_130 : vector<16xf32>
      %parallel_loop3A_348 = arith.addf %parallel_loop3A_347, %parallel_loop3A_140 : vector<16xf32>
      %parallel_loop3A_349 = arith.constant 2 : i32
      %parallel_loop3A_350 = arith.muli %parallel_loop3A_349, %parallel_loop3A_117 : i32
      %parallel_loop3A_351 = arith.constant 0 : i32
      %parallel_loop3A_352 = arith.constant 0 : i32
      %parallel_loop3A_353 = arith.constant 0 : i32
      %parallel_loop3A_354 = tpu.memref_slice %arg8[%parallel_loop3A_351, %parallel_loop3A_352, %parallel_loop3A_353] : memref<16x8x128xf32, #tpu.memory_space<vmem>> -> memref<8x8x128xf32, #tpu.memory_space<vmem>>
      %parallel_loop3A_355 = arith.index_cast %parallel_loop3A_115 : i32 to index
      %parallel_loop3A_356 = arith.index_cast %parallel_loop3A_350 : i32 to index
      %parallel_loop3A_357 = arith.constant 64 : index
      %parallel_loop3A_358 = tpu.vector_load %parallel_loop3A_354[%parallel_loop3A_355, %parallel_loop3A_356, %parallel_loop3A_357] {strides = array<i32>} : memref<8x8x128xf32, #tpu.memory_space<vmem>>, vector<1x1x16xf32>,
      %parallel_loop3A_359 = vector.shape_cast %parallel_loop3A_358 : vector<1x1x16xf32> to vector<16xf32>
      %parallel_loop3A_360 = vector.shape_cast %parallel_loop3A_348 : vector<16xf32> to vector<1x1x16xf32>
      tpu.vector_store %parallel_loop3A_354[%parallel_loop3A_355, %parallel_loop3A_356, %parallel_loop3A_357], %parallel_loop3A_360 {strides = array<i32>} : memref<8x8x128xf32, #tpu.memory_space<vmem>>, vector<1x1x16xf32>,
      %parallel_loop3A_361 = arith.mulf %parallel_loop3A_346, %parallel_loop3A_153 : vector<16xf32>
      %parallel_loop3A_362 = arith.addf %parallel_loop3A_361, %parallel_loop3A_166 : vector<16xf32>
      %parallel_loop3A_363 = arith.constant 2 : i32
      %parallel_loop3A_364 = arith.muli %parallel_loop3A_363, %parallel_loop3A_117 : i32
      %parallel_loop3A_365 = arith.constant 1 : i32
      %parallel_loop3A_366 = arith.addi %parallel_loop3A_364, %parallel_loop3A_365 : i32
      %parallel_loop3A_367 = arith.constant 0 : i32
      %parallel_loop3A_368 = arith.constant 0 : i32
      %parallel_loop3A_369 = arith.constant 0 : i32
      %parallel_loop3A_370 = tpu.memref_slice %arg8[%parallel_loop3A_367, %parallel_loop3A_368, %parallel_loop3A_369] : memref<16x8x128xf32, #tpu.memory_space<vmem>> -> memref<8x8x128xf32, #tpu.memory_space<vmem>>
      %parallel_loop3A_371 = arith.index_cast %parallel_loop3A_115 : i32 to index
      %parallel_loop3A_372 = arith.index_cast %parallel_loop3A_366 : i32 to index
      %parallel_loop3A_373 = arith.constant 64 : index
      %parallel_loop3A_374 = tpu.vector_load %parallel_loop3A_370[%parallel_loop3A_371, %parallel_loop3A_372, %parallel_loop3A_373] {strides = array<i32>} : memref<8x8x128xf32, #tpu.memory_space<vmem>>, vector<1x1x16xf32>,
      %parallel_loop3A_375 = vector.shape_cast %parallel_loop3A_374 : vector<1x1x16xf32> to vector<16xf32>
      %parallel_loop3A_376 = vector.shape_cast %parallel_loop3A_362 : vector<16xf32> to vector<1x1x16xf32>
      tpu.vector_store %parallel_loop3A_370[%parallel_loop3A_371, %parallel_loop3A_372, %parallel_loop3A_373], %parallel_loop3A_376 {strides = array<i32>} : memref<8x8x128xf32, #tpu.memory_space<vmem>>, vector<1x1x16xf32>,
      %parallel_loop3A_377 = arith.constant 8 : i32
      %parallel_loop3A_378 = arith.muli %parallel_loop3A_117, %parallel_loop3A_377 : i32
      %parallel_loop3A_379 = arith.addi %parallel_loop3A_378, %parallel_loop3A_115 : i32
      %parallel_loop3A_380 = arith.constant 0 : i32
      %parallel_loop3A_381 = arith.constant 0 : i32
      %parallel_loop3A_382 = tpu.memref_slice %arg6[%parallel_loop3A_76, %parallel_loop3A_380, %parallel_loop3A_381] : memref<2x32x128xi32, #tpu.memory_space<vmem>> -> memref<1x32x128xi32, #tpu.memory_space<vmem>>
      %parallel_loop3A_383 = tpu.memref_squeeze %parallel_loop3A_382 : memref<1x32x128xi32, #tpu.memory_space<vmem>> -> memref<32x128xi32, #tpu.memory_space<vmem>>
      %parallel_loop3A_384 = arith.index_cast %parallel_loop3A_379 : i32 to index
      %parallel_loop3A_385 = arith.constant 80 : index
      %parallel_loop3A_386 = tpu.vector_load %parallel_loop3A_383[%parallel_loop3A_384, %parallel_loop3A_385] {strides = array<i32>} : memref<32x128xi32, #tpu.memory_space<vmem>>, vector<1x16xi32>,
      %parallel_loop3A_387 = vector.shape_cast %parallel_loop3A_386 : vector<1x16xi32> to vector<16xi32>
      %parallel_loop3A_388 = arith.sitofp %parallel_loop3A_387 : vector<16xi32> to vector<16xf32>
      %parallel_loop3A_389 = arith.mulf %parallel_loop3A_388, %parallel_loop3A_130 : vector<16xf32>
      %parallel_loop3A_390 = arith.addf %parallel_loop3A_389, %parallel_loop3A_140 : vector<16xf32>
      %parallel_loop3A_391 = arith.constant 2 : i32
      %parallel_loop3A_392 = arith.muli %parallel_loop3A_391, %parallel_loop3A_117 : i32
      %parallel_loop3A_393 = arith.constant 0 : i32
      %parallel_loop3A_394 = arith.constant 0 : i32
      %parallel_loop3A_395 = arith.constant 0 : i32
      %parallel_loop3A_396 = tpu.memref_slice %arg8[%parallel_loop3A_393, %parallel_loop3A_394, %parallel_loop3A_395] : memref<16x8x128xf32, #tpu.memory_space<vmem>> -> memref<8x8x128xf32, #tpu.memory_space<vmem>>
      %parallel_loop3A_397 = arith.index_cast %parallel_loop3A_115 : i32 to index
      %parallel_loop3A_398 = arith.index_cast %parallel_loop3A_392 : i32 to index
      %parallel_loop3A_399 = arith.constant 80 : index
      %parallel_loop3A_400 = tpu.vector_load %parallel_loop3A_396[%parallel_loop3A_397, %parallel_loop3A_398, %parallel_loop3A_399] {strides = array<i32>} : memref<8x8x128xf32, #tpu.memory_space<vmem>>, vector<1x1x16xf32>,
      %parallel_loop3A_401 = vector.shape_cast %parallel_loop3A_400 : vector<1x1x16xf32> to vector<16xf32>
      %parallel_loop3A_402 = vector.shape_cast %parallel_loop3A_390 : vector<16xf32> to vector<1x1x16xf32>
      tpu.vector_store %parallel_loop3A_396[%parallel_loop3A_397, %parallel_loop3A_398, %parallel_loop3A_399], %parallel_loop3A_402 {strides = array<i32>} : memref<8x8x128xf32, #tpu.memory_space<vmem>>, vector<1x1x16xf32>,
      %parallel_loop3A_403 = arith.mulf %parallel_loop3A_388, %parallel_loop3A_153 : vector<16xf32>
      %parallel_loop3A_404 = arith.addf %parallel_loop3A_403, %parallel_loop3A_166 : vector<16xf32>
      %parallel_loop3A_405 = arith.constant 2 : i32
      %parallel_loop3A_406 = arith.muli %parallel_loop3A_405, %parallel_loop3A_117 : i32
      %parallel_loop3A_407 = arith.constant 1 : i32
      %parallel_loop3A_408 = arith.addi %parallel_loop3A_406, %parallel_loop3A_407 : i32
      %parallel_loop3A_409 = arith.constant 0 : i32
      %parallel_loop3A_410 = arith.constant 0 : i32
      %parallel_loop3A_411 = arith.constant 0 : i32
      %parallel_loop3A_412 = tpu.memref_slice %arg8[%parallel_loop3A_409, %parallel_loop3A_410, %parallel_loop3A_411] : memref<16x8x128xf32, #tpu.memory_space<vmem>> -> memref<8x8x128xf32, #tpu.memory_space<vmem>>
      %parallel_loop3A_413 = arith.index_cast %parallel_loop3A_115 : i32 to index
      %parallel_loop3A_414 = arith.index_cast %parallel_loop3A_408 : i32 to index
      %parallel_loop3A_415 = arith.constant 80 : index
      %parallel_loop3A_416 = tpu.vector_load %parallel_loop3A_412[%parallel_loop3A_413, %parallel_loop3A_414, %parallel_loop3A_415] {strides = array<i32>} : memref<8x8x128xf32, #tpu.memory_space<vmem>>, vector<1x1x16xf32>,
      %parallel_loop3A_417 = vector.shape_cast %parallel_loop3A_416 : vector<1x1x16xf32> to vector<16xf32>
      %parallel_loop3A_418 = vector.shape_cast %parallel_loop3A_404 : vector<16xf32> to vector<1x1x16xf32>
      tpu.vector_store %parallel_loop3A_412[%parallel_loop3A_413, %parallel_loop3A_414, %parallel_loop3A_415], %parallel_loop3A_418 {strides = array<i32>} : memref<8x8x128xf32, #tpu.memory_space<vmem>>, vector<1x1x16xf32>,
      %parallel_loop3A_419 = arith.constant 8 : i32
      %parallel_loop3A_420 = arith.muli %parallel_loop3A_117, %parallel_loop3A_419 : i32
      %parallel_loop3A_421 = arith.addi %parallel_loop3A_420, %parallel_loop3A_115 : i32
      %parallel_loop3A_422 = arith.constant 0 : i32
      %parallel_loop3A_423 = arith.constant 0 : i32
      %parallel_loop3A_424 = tpu.memref_slice %arg6[%parallel_loop3A_76, %parallel_loop3A_422, %parallel_loop3A_423] : memref<2x32x128xi32, #tpu.memory_space<vmem>> -> memref<1x32x128xi32, #tpu.memory_space<vmem>>
      %parallel_loop3A_425 = tpu.memref_squeeze %parallel_loop3A_424 : memref<1x32x128xi32, #tpu.memory_space<vmem>> -> memref<32x128xi32, #tpu.memory_space<vmem>>
      %parallel_loop3A_426 = arith.index_cast %parallel_loop3A_421 : i32 to index
      %parallel_loop3A_427 = arith.constant 96 : index
      %parallel_loop3A_428 = tpu.vector_load %parallel_loop3A_425[%parallel_loop3A_426, %parallel_loop3A_427] {strides = array<i32>} : memref<32x128xi32, #tpu.memory_space<vmem>>, vector<1x16xi32>,
      %parallel_loop3A_429 = vector.shape_cast %parallel_loop3A_428 : vector<1x16xi32> to vector<16xi32>
      %parallel_loop3A_430 = arith.sitofp %parallel_loop3A_429 : vector<16xi32> to vector<16xf32>
      %parallel_loop3A_431 = arith.mulf %parallel_loop3A_430, %parallel_loop3A_130 : vector<16xf32>
      %parallel_loop3A_432 = arith.addf %parallel_loop3A_431, %parallel_loop3A_140 : vector<16xf32>
      %parallel_loop3A_433 = arith.constant 2 : i32
      %parallel_loop3A_434 = arith.muli %parallel_loop3A_433, %parallel_loop3A_117 : i32
      %parallel_loop3A_435 = arith.constant 0 : i32
      %parallel_loop3A_436 = arith.constant 0 : i32
      %parallel_loop3A_437 = arith.constant 0 : i32
      %parallel_loop3A_438 = tpu.memref_slice %arg8[%parallel_loop3A_435, %parallel_loop3A_436, %parallel_loop3A_437] : memref<16x8x128xf32, #tpu.memory_space<vmem>> -> memref<8x8x128xf32, #tpu.memory_space<vmem>>
      %parallel_loop3A_439 = arith.index_cast %parallel_loop3A_115 : i32 to index
      %parallel_loop3A_440 = arith.index_cast %parallel_loop3A_434 : i32 to index
      %parallel_loop3A_441 = arith.constant 96 : index
      %parallel_loop3A_442 = tpu.vector_load %parallel_loop3A_438[%parallel_loop3A_439, %parallel_loop3A_440, %parallel_loop3A_441] {strides = array<i32>} : memref<8x8x128xf32, #tpu.memory_space<vmem>>, vector<1x1x16xf32>,
      %parallel_loop3A_443 = vector.shape_cast %parallel_loop3A_442 : vector<1x1x16xf32> to vector<16xf32>
      %parallel_loop3A_444 = vector.shape_cast %parallel_loop3A_432 : vector<16xf32> to vector<1x1x16xf32>
      tpu.vector_store %parallel_loop3A_438[%parallel_loop3A_439, %parallel_loop3A_440, %parallel_loop3A_441], %parallel_loop3A_444 {strides = array<i32>} : memref<8x8x128xf32, #tpu.memory_space<vmem>>, vector<1x1x16xf32>,
      %parallel_loop3A_445 = arith.mulf %parallel_loop3A_430, %parallel_loop3A_153 : vector<16xf32>
      %parallel_loop3A_446 = arith.addf %parallel_loop3A_445, %parallel_loop3A_166 : vector<16xf32>
      %parallel_loop3A_447 = arith.constant 2 : i32
      %parallel_loop3A_448 = arith.muli %parallel_loop3A_447, %parallel_loop3A_117 : i32
      %parallel_loop3A_449 = arith.constant 1 : i32
      %parallel_loop3A_450 = arith.addi %parallel_loop3A_448, %parallel_loop3A_449 : i32
      %parallel_loop3A_451 = arith.constant 0 : i32
      %parallel_loop3A_452 = arith.constant 0 : i32
      %parallel_loop3A_453 = arith.constant 0 : i32
      %parallel_loop3A_454 = tpu.memref_slice %arg8[%parallel_loop3A_451, %parallel_loop3A_452, %parallel_loop3A_453] : memref<16x8x128xf32, #tpu.memory_space<vmem>> -> memref<8x8x128xf32, #tpu.memory_space<vmem>>
      %parallel_loop3A_455 = arith.index_cast %parallel_loop3A_115 : i32 to index
      %parallel_loop3A_456 = arith.index_cast %parallel_loop3A_450 : i32 to index
      %parallel_loop3A_457 = arith.constant 96 : index
      %parallel_loop3A_458 = tpu.vector_load %parallel_loop3A_454[%parallel_loop3A_455, %parallel_loop3A_456, %parallel_loop3A_457] {strides = array<i32>} : memref<8x8x128xf32, #tpu.memory_space<vmem>>, vector<1x1x16xf32>,
      %parallel_loop3A_459 = vector.shape_cast %parallel_loop3A_458 : vector<1x1x16xf32> to vector<16xf32>
      %parallel_loop3A_460 = vector.shape_cast %parallel_loop3A_446 : vector<16xf32> to vector<1x1x16xf32>
      tpu.vector_store %parallel_loop3A_454[%parallel_loop3A_455, %parallel_loop3A_456, %parallel_loop3A_457], %parallel_loop3A_460 {strides = array<i32>} : memref<8x8x128xf32, #tpu.memory_space<vmem>>, vector<1x1x16xf32>,
      %parallel_loop3A_461 = arith.constant 8 : i32
      %parallel_loop3A_462 = arith.muli %parallel_loop3A_117, %parallel_loop3A_461 : i32
      %parallel_loop3A_463 = arith.addi %parallel_loop3A_462, %parallel_loop3A_115 : i32
      %parallel_loop3A_464 = arith.constant 0 : i32
      %parallel_loop3A_465 = arith.constant 0 : i32
      %parallel_loop3A_466 = tpu.memref_slice %arg6[%parallel_loop3A_76, %parallel_loop3A_464, %parallel_loop3A_465] : memref<2x32x128xi32, #tpu.memory_space<vmem>> -> memref<1x32x128xi32, #tpu.memory_space<vmem>>
      %parallel_loop3A_467 = tpu.memref_squeeze %parallel_loop3A_466 : memref<1x32x128xi32, #tpu.memory_space<vmem>> -> memref<32x128xi32, #tpu.memory_space<vmem>>
      %parallel_loop3A_468 = arith.index_cast %parallel_loop3A_463 : i32 to index
      %parallel_loop3A_469 = arith.constant 112 : index
      %parallel_loop3A_470 = tpu.vector_load %parallel_loop3A_467[%parallel_loop3A_468, %parallel_loop3A_469] {strides = array<i32>} : memref<32x128xi32, #tpu.memory_space<vmem>>, vector<1x16xi32>,
      %parallel_loop3A_471 = vector.shape_cast %parallel_loop3A_470 : vector<1x16xi32> to vector<16xi32>
      %parallel_loop3A_472 = arith.sitofp %parallel_loop3A_471 : vector<16xi32> to vector<16xf32>
      %parallel_loop3A_473 = arith.mulf %parallel_loop3A_472, %parallel_loop3A_130 : vector<16xf32>
      %parallel_loop3A_474 = arith.addf %parallel_loop3A_473, %parallel_loop3A_140 : vector<16xf32>
      %parallel_loop3A_475 = arith.constant 2 : i32
      %parallel_loop3A_476 = arith.muli %parallel_loop3A_475, %parallel_loop3A_117 : i32
      %parallel_loop3A_477 = arith.constant 0 : i32
      %parallel_loop3A_478 = arith.constant 0 : i32
      %parallel_loop3A_479 = arith.constant 0 : i32
      %parallel_loop3A_480 = tpu.memref_slice %arg8[%parallel_loop3A_477, %parallel_loop3A_478, %parallel_loop3A_479] : memref<16x8x128xf32, #tpu.memory_space<vmem>> -> memref<8x8x128xf32, #tpu.memory_space<vmem>>
      %parallel_loop3A_481 = arith.index_cast %parallel_loop3A_115 : i32 to index
      %parallel_loop3A_482 = arith.index_cast %parallel_loop3A_476 : i32 to index
      %parallel_loop3A_483 = arith.constant 112 : index
      %parallel_loop3A_484 = tpu.vector_load %parallel_loop3A_480[%parallel_loop3A_481, %parallel_loop3A_482, %parallel_loop3A_483] {strides = array<i32>} : memref<8x8x128xf32, #tpu.memory_space<vmem>>, vector<1x1x16xf32>,
      %parallel_loop3A_485 = vector.shape_cast %parallel_loop3A_484 : vector<1x1x16xf32> to vector<16xf32>
      %parallel_loop3A_486 = vector.shape_cast %parallel_loop3A_474 : vector<16xf32> to vector<1x1x16xf32>
      tpu.vector_store %parallel_loop3A_480[%parallel_loop3A_481, %parallel_loop3A_482, %parallel_loop3A_483], %parallel_loop3A_486 {strides = array<i32>} : memref<8x8x128xf32, #tpu.memory_space<vmem>>, vector<1x1x16xf32>,
      %parallel_loop3A_487 = arith.mulf %parallel_loop3A_472, %parallel_loop3A_153 : vector<16xf32>
      %parallel_loop3A_488 = arith.addf %parallel_loop3A_487, %parallel_loop3A_166 : vector<16xf32>
      %parallel_loop3A_489 = arith.constant 2 : i32
      %parallel_loop3A_490 = arith.muli %parallel_loop3A_489, %parallel_loop3A_117 : i32
      %parallel_loop3A_491 = arith.constant 1 : i32
      %parallel_loop3A_492 = arith.addi %parallel_loop3A_490, %parallel_loop3A_491 : i32
      %parallel_loop3A_493 = arith.constant 0 : i32
      %parallel_loop3A_494 = arith.constant 0 : i32
      %parallel_loop3A_495 = arith.constant 0 : i32
      %parallel_loop3A_496 = tpu.memref_slice %arg8[%parallel_loop3A_493, %parallel_loop3A_494, %parallel_loop3A_495] : memref<16x8x128xf32, #tpu.memory_space<vmem>> -> memref<8x8x128xf32, #tpu.memory_space<vmem>>
      %parallel_loop3A_497 = arith.index_cast %parallel_loop3A_115 : i32 to index
      %parallel_loop3A_498 = arith.index_cast %parallel_loop3A_492 : i32 to index
      %parallel_loop3A_499 = arith.constant 112 : index
      %parallel_loop3A_500 = tpu.vector_load %parallel_loop3A_496[%parallel_loop3A_497, %parallel_loop3A_498, %parallel_loop3A_499] {strides = array<i32>} : memref<8x8x128xf32, #tpu.memory_space<vmem>>, vector<1x1x16xf32>,
      %parallel_loop3A_501 = vector.shape_cast %parallel_loop3A_500 : vector<1x1x16xf32> to vector<16xf32>
      %parallel_loop3A_502 = vector.shape_cast %parallel_loop3A_488 : vector<16xf32> to vector<1x1x16xf32>
      tpu.vector_store %parallel_loop3A_496[%parallel_loop3A_497, %parallel_loop3A_498, %parallel_loop3A_499], %parallel_loop3A_502 {strides = array<i32>} : memref<8x8x128xf32, #tpu.memory_space<vmem>>, vector<1x1x16xf32>,
    } {sc.loop_unroll_factor = 1 : i64, sc.parallel_access}
    %dma_start3A_77 = arith.constant 0 : i32
    %dma_start3A_78 = arith.constant 0 : i32
    %dma_start3A_79 = arith.constant 0 : i32
    %dma_start3A_80 = tpu.memref_slice %arg8[%dma_start3A_77, %dma_start3A_78, %dma_start3A_79] : memref<16x8x128xf32, #tpu.memory_space<vmem>> -> memref<8x8x128xf32, #tpu.memory_space<vmem>>
    %dma_start3A_81 = arith.constant 992 : i32
    %dma_start3A_82 = arith.constant 0 : i32
    %dma_start3A_83 = tpu.memref_slice %arg5[%dma_start3A_81, %mul3A_27, %dma_start3A_82] : memref<1000x256x128xf32, #tpu.memory_space<hbm>> -> memref<8x8x128xf32, #tpu.memory_space<hbm>>
    %dma_start3A_84 = arith.constant 992 : i32
    %dma_start3A_85 = arith.constant 0 : i32
    %dma_start3A_86 = tpu.memref_slice %arg5[%dma_start3A_84, %mul3A_27, %dma_start3A_85] : memref<1000x256x128xf32, #tpu.memory_space<hbm>> -> memref<8x8x128xf32, #tpu.memory_space<hbm>>
    %dma_start3A_87 = arith.constant 0 : i32
    %dma_start3A_88 = arith.constant 0 : i32
    %dma_start3A_89 = arith.constant 0 : i32
    %dma_start3A_90 = tpu.memref_slice %arg8[%dma_start3A_87, %dma_start3A_88, %dma_start3A_89] : memref<16x8x128xf32, #tpu.memory_space<vmem>> -> memref<8x8x128xf32, #tpu.memory_space<vmem>>
    tpu.enqueue_dma source(%dma_start3A_90 : memref<8x8x128xf32, #tpu.memory_space<vmem>>) target(%dma_start3A_86 : memref<8x8x128xf32, #tpu.memory_space<hbm>>) target_semaphore(%arg14 : memref<!tpu.dma_semaphore, #tpu.memory_space<semaphore_mem>>)
    %mul3A_91 = arith.constant 2 : i32
    %mul3A_92 = arith.muli %mul3A_91, %mul3A_2 : i32
    %dma_wait3A_93 = arith.constant 976 : i32
    %dma_wait3A_94 = arith.constant 0 : i32
    %dma_wait3A_95 = tpu.memref_slice %arg5[%dma_wait3A_93, %mul3A_92, %dma_wait3A_94] : memref<1000x256x128xf32, #tpu.memory_space<hbm>> -> memref<16x8x128xf32, #tpu.memory_space<hbm>>
    %dma_wait3A_96 = arith.constant 976 : i32
    %dma_wait3A_97 = arith.constant 0 : i32
    %dma_wait3A_98 = tpu.memref_slice %arg5[%dma_wait3A_96, %mul3A_92, %dma_wait3A_97] : memref<1000x256x128xf32, #tpu.memory_space<hbm>> -> memref<16x8x128xf32, #tpu.memory_space<hbm>>
    tpu.wait_dma2 semaphore(%arg15 : memref<!tpu.dma_semaphore, #tpu.memory_space<semaphore_mem>>) src(%arg9 : memref<16x8x128xf32, #tpu.memory_space<vmem>>) dst(%dma_wait3A_98 : memref<16x8x128xf32, #tpu.memory_space<hbm>>)
    %dma_wait3A_99 = arith.constant 0 : i32
    %dma_wait3A_100 = arith.constant 0 : i32
    %dma_wait3A_101 = arith.constant 0 : i32
    %dma_wait3A_102 = tpu.memref_slice %arg8[%dma_wait3A_99, %dma_wait3A_100, %dma_wait3A_101] : memref<16x8x128xf32, #tpu.memory_space<vmem>> -> memref<8x8x128xf32, #tpu.memory_space<vmem>>
    %dma_wait3A_103 = arith.constant 992 : i32
    %dma_wait3A_104 = arith.constant 0 : i32
    %dma_wait3A_105 = tpu.memref_slice %arg5[%dma_wait3A_103, %mul3A_27, %dma_wait3A_104] : memref<1000x256x128xf32, #tpu.memory_space<hbm>> -> memref<8x8x128xf32, #tpu.memory_space<hbm>>
    %dma_wait3A_106 = arith.constant 992 : i32
    %dma_wait3A_107 = arith.constant 0 : i32
    %dma_wait3A_108 = tpu.memref_slice %arg5[%dma_wait3A_106, %mul3A_27, %dma_wait3A_107] : memref<1000x256x128xf32, #tpu.memory_space<hbm>> -> memref<8x8x128xf32, #tpu.memory_space<hbm>>
    %dma_wait3A_109 = arith.constant 0 : i32
    %dma_wait3A_110 = arith.constant 0 : i32
    %dma_wait3A_111 = arith.constant 0 : i32
    %dma_wait3A_112 = tpu.memref_slice %arg8[%dma_wait3A_109, %dma_wait3A_110, %dma_wait3A_111] : memref<16x8x128xf32, #tpu.memory_space<vmem>> -> memref<8x8x128xf32, #tpu.memory_space<vmem>>
    tpu.wait_dma2 semaphore(%arg14 : memref<!tpu.dma_semaphore, #tpu.memory_space<semaphore_mem>>) src(%dma_wait3A_112 : memref<8x8x128xf32, #tpu.memory_space<vmem>>) dst(%dma_wait3A_108 : memref<8x8x128xf32, #tpu.memory_space<hbm>>)
    return
  }
}

</mosaic_0001>

<sc_bundles>
// kernel: kernel.3.cloned.1.call-start
scs
__scs_entry_jumppad:
0x0: {  	(pc) =	sbr.rel $0x88, $3  }
0x1: {  	(tag) =	ssettag $0x0;
	lr =	simm.s32 $0x1  }
0x2: {  	[smem:$0x3F9E] =	sst lr;
	_ =	strace $0xD0000000  }
0x3: {  	_ = 	snop  }
0x4: {  	_ = 	snop  }
0x5: {  	_ = 	snop  }
0x6: {  	_ = 	snop  }
0x7: {  	_ = 	snop  }
__scs_overlays_trampoline_lowered:
0x8: {  	[smem:$0x3FAD] =	sst s0  }
0x9: {  	[smem:$0x3FAE] =	sst s1  }
0xa: {  	[smem:$0x3FAF] =	sst s2  }
0xb: {  	[smem:$0x3FB0] =	sst s3  }
0xc: {  	[smem:$0x3FB1] =	sst s4  }
0xd: {  	[smem:$0x3FB2] =	sst s5  }
0xe: {  	[smem:$0x3FB3] =	sst s6  }
0xf: {  	[smem:$0x3FB4] =	sst s7  }
0x10: {  	[smem:$0x3FB5] =	sst s8  }
0x11: {  	[smem:$0x3FB6] =	sst s9;
	s0 =	simm.s32 @!p0 $0x0  }
0x12: {  	s1 =	sld [smem:$0x3F9C];
	s0 =	simm.s32 @p0 $0x1  }
0x13: {  	[smem:$0x3FB7] =	sst s0;
	s0 =	simm.s32 @!p1 $0x0  }
0x14: {  	s2 =	sld [smem:$0x3F9B];
	s0 =	simm.s32 @p1 $0x1  }
0x15: {  	[smem:$0x3FB8] =	sst s0;
	s0 =	simm.s32 @!p2 $0x0  }
0x16: {  	s3 =	sld [smem:$0x3FDB];
	s0 =	simm.s32 @p2 $0x1  }
0x17: {  	s4 =	simm.s32 $0x1BF5;
	[smem:$0x3FBA] =	sst s0  }
0x18: {  	s0 =	sld [smem:$0x3F9D];
	_ =	swait.ge [sflag:s4], $0x0  }
0x19: {  	s7 =	sld [smem:$0x3F9E]  }
0x1a: {  	s8 =	sadd.s32 $0xFFFFE003, lr  }
0x1b: {  	s9 =	sadd.s32 $0xFFFFFEF7, lr;
	s5 =	simm.s32 $0xFFFFFFFF;
	p2 =	slt.u32 s8, $0xFFFFF086  }
0x1c: {  	p1 =	slt.u32 s9, $0xF7A;
	s5 =	simm.s32 @!p2 $0x0  }
0x1d: {  	s5 =	simm.s32 @p1 $0x1;
	p0 =	seq.s32 s7, s2  }
0x1e: {  	s7 =	smul.u32 @!p0 $0xF7A, s2;
	p2 =	seq.s32 @!p0 s5, $0x0  }
0x1f: {  	s9 =	smul.u32 $0xF7A, s1;
	s8 =	simm.s32 @!p0 $0x1BF5;
	p2 =	por !p2, p0  }
0x20: {  	[sflag:s8] =	ssyncset.s32 @!p0 $0xFFFFF086;
	s6 =	sadd.s32 @!p0 s3, s7;
	s7 =	simm.s32 @!p0 $0x108  }
0x21: {  	s3 =	sadd.s32 s3, s9;
	s6 =	sadd.s32 @!p0 $0x88, s6;
	s7 =	simm.s32 @p2 $0x1082  }
0x22: {  	[simem:s7], [sflag:s8] =	dma.local @!p0 [hbm:s6], $0xF7A  }
0x23: {  	s9 =	sor.u32 $0xD0000000, s2;
	s6 =	simm.s32 $0x108;
	_ =	swait.ge @!p0 [sflag:s8], $0x0  }
0x24: {  	s3 =	sadd.s32 $0x88, s3;
	s6 =	simm.s32 @!p1 $0x1082;
	[sflag:s4] =	ssyncset.s32 $0xFFFFF086  }
0x25: {  	[simem:s6], [sflag:s4] =	dma.local [hbm:s3], $0xF7A  }
0x26: {  	[smem:$0x3F9E] =	sst s1;
	(tag) =	ssettag s2;
	_ =	strace s9  }
0x27: {  	s1 =	sld [smem:$0x3FAE]  }
0x28: {  	s2 =	sld [smem:$0x3FAF]  }
0x29: {  	s4 =	sld [smem:$0x3FB1]  }
0x2a: {  	p0 =	seq.s32 s5, $0x0;
	s5 =	sld [smem:$0x3FB2]  }
0x2b: {  	s6 =	sld [smem:$0x3FB3]  }
0x2c: {  	s7 =	sld [smem:$0x3FB4]  }
0x2d: {  	s3 =	simm.s32 $0x108;
	s8 =	sld [smem:$0x3FB5]  }
0x2e: {  	s3 =	simm.s32 @!p0 $0x1082;
	s9 =	sld [smem:$0x3FB6]  }
0x2f: {  	lr =	sadd.s32 s0, s3;
	s0 =	sld [smem:$0x3FAD]  }
0x30: {  	s3 =	sld [smem:$0x3FB0]  }
0x31: {  	[smem:$0x3FB9] =	sst s10  }
0x32: {  	s10 =	sld [smem:$0x3FB7];
	_ =	sdelay $0x3  }
0x33: {  	p0 =	seq.s32 s10, $0x1;
	s10 =	sld [smem:$0x3FB9];
	_ =	sdelay $0x3  }
0x34: {  	[smem:$0x3FB9] =	sst s10  }
0x35: {  	s10 =	sld [smem:$0x3FB8];
	_ =	sdelay $0x3  }
0x36: {  	p1 =	seq.s32 s10, $0x1;
	s10 =	sld [smem:$0x3FB9];
	_ =	sdelay $0x3  }
0x37: {  	[smem:$0x3FB9] =	sst s10  }
0x38: {  	s10 =	sld [smem:$0x3FBA]  }
0x39: {  	_ = 	snop;
	(pc) =	sbr.ind lr, $3  }
0x3a: {  	_ = 	snop  }
0x3b: {  	_ = 	snop  }
0x3c: {  	p2 =	seq.s32 s10, $0x1;
	s10 =	sld [smem:$0x3FB9]  }
0x3d: {  	_ =	shalt  }
0x3e: {  	_ =	shalt  }
0x3f: {  	_ =	shalt  }
0x40: {  	_ =	shalt  }
0x41: {  	_ =	shalt  }
0x42: {  	_ =	shalt  }
0x43: {  	_ =	shalt  }
0x44: {  	_ =	shalt  }
0x45: {  	_ =	shalt  }
0x46: {  	_ =	shalt  }
0x47: {  	_ =	shalt  }
0x48: {  	_ =	shalt  }
0x49: {  	_ =	shalt  }
0x4a: {  	_ =	shalt  }
0x4b: {  	_ =	shalt  }
0x4c: {  	_ =	shalt  }
0x4d: {  	_ =	shalt  }
0x4e: {  	_ =	shalt  }
0x4f: {  	_ =	shalt  }
0x50: {  	_ =	shalt  }
0x51: {  	_ =	shalt  }
0x52: {  	_ =	shalt  }
0x53: {  	_ =	shalt  }
0x54: {  	_ =	shalt  }
0x55: {  	_ =	shalt  }
0x56: {  	_ =	shalt  }
0x57: {  	_ =	shalt  }
0x58: {  	_ =	shalt  }
0x59: {  	_ =	shalt  }
0x5a: {  	_ =	shalt  }
0x5b: {  	_ =	shalt  }
0x5c: {  	_ =	shalt  }
0x5d: {  	_ =	shalt  }
0x5e: {  	_ =	shalt  }
0x5f: {  	_ =	shalt  }
0x60: {  	_ =	shalt  }
0x61: {  	_ =	shalt  }
0x62: {  	_ =	shalt  }
0x63: {  	_ =	shalt  }
0x64: {  	_ =	shalt  }
0x65: {  	_ =	shalt  }
0x66: {  	_ =	shalt  }
0x67: {  	_ =	shalt  }
0x68: {  	_ =	shalt  }
0x69: {  	_ =	shalt  }
0x6a: {  	_ =	shalt  }
0x6b: {  	_ =	shalt  }
0x6c: {  	_ =	shalt  }
0x6d: {  	_ =	shalt  }
0x6e: {  	_ =	shalt  }
0x6f: {  	_ =	shalt  }
0x70: {  	_ =	shalt  }
0x71: {  	_ =	shalt  }
0x72: {  	_ =	shalt  }
0x73: {  	_ =	shalt  }
0x74: {  	_ =	shalt  }
0x75: {  	_ =	shalt  }
0x76: {  	_ =	shalt  }
0x77: {  	_ =	shalt  }
0x78: {  	_ =	shalt  }
0x79: {  	_ =	shalt  }
0x7a: {  	_ =	shalt  }
0x7b: {  	_ =	shalt  }
0x7c: {  	_ =	shalt  }
0x7d: {  	_ =	shalt  }
0x7e: {  	_ =	shalt  }
0x7f: {  	_ =	shalt  }
0x80: {  	_ =	shalt  }
0x81: {  	_ =	shalt  }
0x82: {  	_ =	shalt  }
0x83: {  	_ =	shalt  }
0x84: {  	_ =	shalt  }
0x85: {  	_ =	shalt  }
0x86: {  	_ =	shalt  }
0x87: {  	_ =	shalt  }
.Lfunc_end0:
.L_simem_size_0:
called_computation_lowered:
.L_overlay_start_0:
0x88: {  	s2 =	sld [smem:$0x3FD9]  }
0x89: {  	s3 =	sld [smem:$0x3FFE];
	_ =	sdelay $0x1  }
0x8a: {  	s1 =	srdreg.scid  }
0x8b: {  	s0 =	sand.u32 $0x1, s1  }
0x8c: {  	s17 =	sshll.u32 s0, $0xA;
	s2 =	sadd.s32 s3, s2  }
0x8d: {  	s2 =	sadd.s32 s2, s17  }
0x8e: {  	[smem:$0x3FC5] =	sst s2  }
0x8f: {  	_ = 	snop  }
0x90: {  	s2 =	sld [smem:$0x3FC9]  }
0x91: {  	s18 =	sld [smem:$0x3FD0];
	(tm) =	ssettm $0x1  }
0x92: {  	s4 =	sld [smem:$0x3FFB];
	_ =	sdelay $0x3  }
0x93: {  	_ =	strace s4  }
0x94: {  	s4 =	sld [smem:$0x3FFC];
	_ =	sdelay $0x3  }
0x95: {  	_ =	strace s4  }
0x96: {  	s4 =	sld [smem:$0x3FFD];
	_ =	sdelay $0x3  }
0x97: {  	_ =	strace s4  }
0x98: {  	_ =	strace $0x8FFFFFFF  }
0x99: {  	s19 =	sld [smem:$0x3FDB];
	_ =	sdelay $0x1  }
0x9a: {  	s5 =	simm.s32 $_scs_section_size  }
0x9b: {  	s6 =	simm.s32 $_size__tile_overlayer_lowered;
	s7 =	simm.s32 $_tile_overlayer_lowered  }
0x9c: {  	s22 =	simm.s32 $0x1BFF;
	s21 =	sshll.u32 s7, $0x1;
	s4 =	sadd.s32 s5, s19  }
0x9d: {  	s8 =	simm.s32 $0x0;
	s20 =	sshll.u32 s6, $0x1;
	s6 =	sadd.s32 s21, s4  }
0x9e: {  	[timem:s8], [sflag:s22] =	dma.local [hbm:s6], s20  }
0x9f: {  	_ =	swait.ge [sflag:s22], s20  }
0xa0: {  	s5 =	ssub.s32 $0x0, s20;
	[sflag:s22] =	ssyncset.done $0x0  }
0xa1: {  	[sflag:s22] =	ssyncadd.s32 s5;
	_ =	sdelay $0x1  }
0xa2: {  	s23 =	simm.s32 $0x1B8B  }
0xa3: {  	_ =	swait.ge [sflag:s23], $0x1  }
0xa4: {  	[sflag:s23] =	ssyncset.done $0x0  }
0xa5: {  	s25 =	simm.s32 $0x1B8E;
	s24 =	sld [smem:$0x3FFE];
	[sflag:s23] =	ssyncadd.s32 $0xFFFFFFFF  }
0xa6: {  	s26 =	simm.s32 $execute0_lowered;
	[smem:$0x3FD2] =	sst s25  }
0xa7: {  	s6 =	sshll.u32 s26, $0x1;
	_ =	strace $0x80000046;
	[dreg:$0x1] =	wrdreg $0xFFFFFFFF  }
0xa8: {  	s28 =	simm.s32 $_size_execute0_lowered;
	s4 =	sadd.s32 s4, s6;
	[dreg:$0x0] =	wrdreg $0x0  }
0xa9: {  	s6 =	sshll.u32 s28, $0x1;
	[dreg:$0x2] =	wrdreg s4  }
0xaa: {  	[dreg:$0x3] =	wrdreg s6  }
0xab: {  	[dreg:$0x4] =	wrdreg $0xC0  }
0xac: {  	_ =	task [dreg:s8], $0x5FFFF  }
0xad: {  	[dreg:$0x1] =	wrdreg $0xFFFFFFFF  }
0xae: {  	[dreg:$0x0] =	wrdreg $0x60  }
0xaf: {  	[dreg:$0x2] =	wrdreg s2  }
0xb0: {  	[dreg:$0x3] =	wrdreg s24  }
0xb1: {  	[dreg:$0x4] =	wrdreg s18  }
0xb2: {  	[dreg:$0x5] =	wrdreg $0x9  }
0xb3: {  	_ =	task.clear_ibuf [dreg:s8], $0x6FFFF;
	_ =	strace $0x90000046  }
0xb4: {  	s29 =	simm.s32 $0x9;
	_ =	strace $0x80000048  }
0xb5: {  	_ =	swait.ge [sflag:s29], $0x1  }
0xb6: {  	[sflag:s29] =	ssyncadd.s32 $0xFFFFFFFF  }
0xb7: {  	_ =	strace $0x90000048  }
0xb8: {  	_ =	sfence  }
0xb9: {  	s30 =	sld [smem:$0x0];
	_ =	sdelay $0x2  }
0xba: {  	s31 =	sshll.u32 s1, $0xD;
	s1 =	sshrl.u32 s1, $0x2  }
0xbb: {  	s3 =	sand.u32 $0x4000, s31;
	s1 =	sadd.s32 s1, s30  }
0xbc: {  	s0 =	sor.u32 s3, s0;
	s1 =	sshll.u32 s1, $0x11  }
0xbd: {  	s0 =	sor.u32 s1, s0  }
0xbe: {  	s0 =	sadd.s32 $0x8F2B, s0  }
0xbf: {  	[sflag:s0] =	ssyncadd.remote.s32 $0x1  }
0xc0: {  	_ =	sfence.sel $0xFFFF  }
0xc1: {  	[dreg:$0x0] =	wrdreg $0xFFFFFFFF;
	(pc) =	sbr.abs _section_cstart, $3  }
0xc2: {  	[dreg:$0x1] =	wrdreg $0xFFFFFFFF  }
0xc3: {  	_ =	task.clear_ibuf [dreg:s8], $0x2FFFF;
	_ =	strace $0x9FFFFFFF  }
0xc4: {  	(tm) =	ssettm $0x7FFFFFFF  }
0xc5: {  	_ =	shalt  }
tec
execute0_lowered:
.L_overlay_start_1:
0x0: {  	(tag) =	ssettag $0x1  }
0x1: {  	s1 =	rddreg [dreg:$0x0]  }
0x2: {  	s0 =	rddreg [dreg:$0x1]  }
0x3: {  	s2 =	rddreg [dreg:$0x2];
	s3 =	srdreg.scid  }
0x4: {  	s4 =	simm.s32 $0x0;
	s5 =	stileid.u32;
	s18 =	simm.s32 $0x1000  }
0x5: {  	s19 =	simm.s32 $0x20000;
	s21 =	simm.s32 $0x1;
	s3 =	sand.u32 $0x1, s3  }
0x6: {  	[smem:$0x7FF] =	sst s4;
	s23 =	sadd.s32 $0xA00, s0;
	s0 =	sadd.s32 $0x800, s0  }
0x7: {  	s22 =	sshll.u32 s3, $0x4;
	_ =	strace $0x80000047;
	[dreg:$0x4] =	wrdreg s23  }
0x8: {  	s3 =	ssub.s32 $0x2, s3;
	[dreg:$0x5] =	wrdreg s0;
	s23 =	simm.s32 $0x8000  }
0x9: {  	s4 =	sor.u32 s5, s22;
	s24 =	sshrl.u32 s3, $0x1;
	s22 =	simm.s32 $0x400  }
0xa: {  	s6 =	sshll.u32 s4, $0x9;
	s25 =	ssub.s32 s3, s24;
	s26 =	sshll.u32 s4, $0xC  }
0xb: {  	s29 =	sshll.u32 s4, $0x7;
	s11 =	sshll.u32 s4, $0xA;
	s6 =	sadd.s32 s1, s6  }
0xc: {  	s24 =	simm.s32 $0x4000;
	s0 =	smax.u32 s25, $0x1;
	[dreg:$0x6] =	wrdreg s6  }
0xd: {  	s9 =	sor.u32 $0x80000, s26;
	s28 =	sadd.s32 $0x8000, s6;
	[dreg:$0xa] =	wrdreg s0  }
0xe: {  	s30 =	sadd.s32 s29, s2;
	s31 =	sadd.s32 $0x1F0000, s6;
	[dreg:$0x7] =	wrdreg s28  }
0xf: {  	s10 =	sor.u32 $0xC0000, s26;
	s3 =	sadd.s32 $0x3E0000, s30;
	[dreg:$0x8] =	wrdreg s31  }
0x10: {  	s25 =	simm.s32 $0x2;
	[dreg:$0x9] =	wrdreg s3;
	s3 =	simm.s32 $0x0  }
.LBB2_1:
0x11: {  	[dreg:$0xb] =	wrdreg s3;
	s0 =	simm.s32 $0x0  }
0x12: {  	s17 =	rddreg [dreg:$0x4];
	s4 =	simm.s32 $0xC000;
	s20 =	simm.s32 $0x5  }
0x13: {  	[tilespmem:s4], [sflag:$0x5] =	stream.linear.gather [hbm4b:s17+s0], $0x800, $0x38;
	[tilespmem:$0xD000] =	vst v63  }
0x14: {  	_ =	swait.ge [sflag:s20], $0x800  }
0x15: {  	[sflag:s20] =	ssyncset.done $0x0  }
0x16: {  	s5 =	simm.s32 $0xC800;
	s26 =	rddreg [dreg:$0x5];
	[sflag:s20] =	ssyncadd.s32 $0xFFFFF800  }
0x17: {  	[tilespmem:s5], [sflag:$0x5] =	stream.linear.gather [hbm4b:s26+s0], $0x800, $0x38;
	[tilespmem:$0xD000] =	vst v63  }
0x18: {  	_ =	swait.ge [sflag:s20], $0x800  }
0x19: {  	[sflag:s20] =	ssyncset.done $0x0  }
0x1a: {  	s28 =	rddreg [dreg:$0x6];
	[sflag:s20] =	ssyncadd.s32 $0xFFFFF800  }
0x1b: {  	[tilespmem:s0], [sflag:$0x1] =	stream.strided.gather [hbm4b:s28+s18], $0x2000, s19, s18, $0x38;
	[tilespmem:$0xD000] =	vst v63  }
0x1c: {  	s31 =	simm.s32 $0x2000;
	s30 =	simm.s32 $0x0;
	s29 =	rddreg [dreg:$0x7]  }
0x1d: {  	[tilespmem:s31], [sflag:$0x2] =	stream.strided.gather [hbm4b:s29+s18], $0x2000, s19, s18, $0x38;
	[tilespmem:$0xD000] =	vst v63  }
.LBB2_2:
0x1e: {  	_ =	swait.ge [sflag:s21], $0x2000  }
0x1f: {  	p0 =	seq.s32 s30, $0x0;
	[sflag:s21] =	ssyncset.done $0x0  }
0x20: {  	s3 =	simm.s32 @!p0 $0x3;
	[sflag:s21] =	ssyncadd.s32 $0xFFFFE000  }
0x21: {  	s0 =	sshll.u32 s30, $0x6;
	s4 =	simm.s32 $0x0;
	_ =	swait.ge @!p0 [sflag:s3], $0x4000  }
0x22: {  	s5 =	simm.s32 $0x0;
	s4 =	sand.u32 $0x3, s4;
	[sflag:s3] =	ssyncset.done @!p0 $0x0  }
0x23: {  	s5 =	sand.u32 $0x3FFFFF80, s5;
	s8 =	sshll.u32 s4, $0xA;
	[sflag:s3] =	ssyncadd.s32 @!p0 $0xFFFFC000  }
0x24: {  	s17 =	sadd.s32 s5, s8;
	v19 =	vld [tilespmem:s0+$0xC000]  }
0x25: {  	v0 =	vld [tilespmem:s17+$0x0];
	_ =	sdelay $0x1  }
0x26: {  	v20 =	vld [tilespmem:s0+$0xC800]  }
0x27: {  	s12 =	simm.s32 $0x0  }
0x28: {  	v3 =	vmov s12  }
0x29: {  	v4 =	vor.u32 $0x1, v3;
	v1 =	vperm.xlane v19, v3;
	v6 =	vcvt.s32.f32 v0  }
0x2a: {  	v2 =	vperm.xlane v19, v4  }
0x2b: {  	v0 =	vperm.xlane v20, v3;
	v3 =	vmul.f32 v6, v1  }
0x2c: {  	v5 =	vperm.xlane v20, v4;
	v4 =	vmul.f32 v6, v2  }
0x2d: {  	s13 =	simm.s32 $0x0;
	s4 =	sshll.u32 s4, $0x8;
	v3 =	vadd.f32 v3, v0  }
0x2e: {  	s3 =	sor.u32 s4, s13;
	v4 =	vadd.f32 v4, v5  }
0x2f: {  	[tilespmem:s3+$0x4000] =	vst v3  }
0x30: {  	[tilespmem:s3+$0x4080] =	vst v4  }
0x31: {  	s14 =	simm.s32 $0x1;
	v3 =	vld [tilespmem:s17+$0x10]  }
0x32: {  	s15 =	simm.s32 $0x20;
	s4 =	sand.u32 $0x3, s14  }
0x33: {  	s5 =	sand.u32 $0x3FFFFF80, s15;
	s6 =	sshll.u32 s4, $0xA  }
0x34: {  	s5 =	sadd.s32 s5, s6  }
0x35: {  	v6 =	vld [tilespmem:s5+$0x0]  }
0x36: {  	v3 =	vcvt.s32.f32 v3  }
0x37: {  	s16 =	simm.s32 $0x0  }
0x38: {  	v8 =	vmov s16;
	v7 =	vmul.f32 v3, v1  }
0x39: {  	v9 =	vor.u32 $0x1, v8;
	v3 =	vmul.f32 v3, v2  }
0x3a: {  	v4 =	vperm.xlane v19, v8;
	v10 =	vcvt.s32.f32 v6;
	v6 =	vadd.f32 v7, v0  }
0x3b: {  	v7 =	vperm.xlane v19, v9;
	v11 =	vadd.f32 v3, v5  }
0x3c: {  	v3 =	vperm.xlane v20, v8;
	v8 =	vmul.f32 v10, v4;
	[tilespmem:s3+$0x4010] =	vst v6  }
0x3d: {  	v6 =	vperm.xlane v20, v9;
	v9 =	vmul.f32 v10, v7;
	[tilespmem:s3+$0x4090] =	vst v11  }
0x3e: {  	s20 =	simm.s32 $0x0;
	s4 =	sshll.u32 s4, $0x8;
	v8 =	vadd.f32 v8, v3;
	v10 =	vld [tilespmem:s17+$0x20]  }
0x3f: {  	s15 =	sor.u32 s4, s20;
	v9 =	vadd.f32 v9, v6  }
0x40: {  	[tilespmem:s15+$0x4000] =	vst v8  }
0x41: {  	[tilespmem:s15+$0x4080] =	vst v9  }
0x42: {  	s26 =	simm.s32 $0x2;
	v8 =	vld [tilespmem:s5+$0x10]  }
0x43: {  	s29 =	simm.s32 $0x40;
	s4 =	sand.u32 $0x3, s26;
	v9 =	vcvt.s32.f32 v10  }
0x44: {  	s6 =	sand.u32 $0x3FFFFF80, s29;
	s7 =	sshll.u32 s4, $0xA  }
0x45: {  	s8 =	sadd.s32 s6, s7;
	v10 =	vmul.f32 v9, v1  }
0x46: {  	v11 =	vld [tilespmem:s8+$0x0];
	v9 =	vmul.f32 v9, v2  }
0x47: {  	v12 =	vcvt.s32.f32 v8;
	v8 =	vadd.f32 v10, v0  }
0x48: {  	s7 =	simm.s32 $0x0;
	v9 =	vadd.f32 v9, v5  }
0x49: {  	v13 =	vmov s7;
	v10 =	vmul.f32 v12, v4;
	[tilespmem:s3+$0x4020] =	vst v8  }
0x4a: {  	v14 =	vor.u32 $0x1, v13;
	v12 =	vmul.f32 v12, v7;
	[tilespmem:s3+$0x40A0] =	vst v9  }
0x4b: {  	v15 =	vcvt.s32.f32 v11;
	v8 =	vperm.xlane v19, v13;
	v16 =	vld [tilespmem:s17+$0x30];
	v11 =	vadd.f32 v10, v3  }
0x4c: {  	v10 =	vperm.xlane v19, v14;
	v12 =	vadd.f32 v12, v6  }
0x4d: {  	v9 =	vperm.xlane v20, v13;
	v13 =	vmul.f32 v15, v8;
	[tilespmem:s15+$0x4010] =	vst v11  }
0x4e: {  	v11 =	vperm.xlane v20, v14;
	v14 =	vmul.f32 v15, v10;
	[tilespmem:s15+$0x4090] =	vst v12  }
0x4f: {  	s12 =	simm.s32 $0x0;
	s4 =	sshll.u32 s4, $0x8;
	v12 =	vadd.f32 v13, v9;
	v13 =	vld [tilespmem:s5+$0x20]  }
0x50: {  	s6 =	sor.u32 s4, s12;
	v14 =	vadd.f32 v14, v11;
	v15 =	vcvt.s32.f32 v16  }
0x51: {  	s13 =	simm.s32 $0x3;
	[tilespmem:s6+$0x4000] =	vst v12  }
0x52: {  	s14 =	simm.s32 $0x60;
	s4 =	sand.u32 $0x3, s13;
	[tilespmem:s6+$0x4080] =	vst v14;
	v12 =	vmul.f32 v15, v1  }
0x53: {  	s12 =	sshll.u32 s4, $0xA;
	s7 =	sand.u32 $0x3FFFFF80, s14;
	v15 =	vmul.f32 v15, v2;
	v14 =	vld [tilespmem:s8+$0x10]  }
0x54: {  	s13 =	sadd.s32 s7, s12;
	v13 =	vcvt.s32.f32 v13;
	v12 =	vadd.f32 v12, v0  }
0x55: {  	v17 =	vld [tilespmem:s13+$0x0];
	v15 =	vadd.f32 v15, v5  }
0x56: {  	v16 =	vmul.f32 v13, v4;
	[tilespmem:s3+$0x4030] =	vst v12  }
0x57: {  	v12 =	vmul.f32 v13, v7;
	[tilespmem:s3+$0x40B0] =	vst v15  }
0x58: {  	v13 =	vcvt.s32.f32 v14;
	v14 =	vadd.f32 v16, v3;
	v16 =	vld [tilespmem:s17+$0x40]  }
0x59: {  	s16 =	simm.s32 $0x0;
	v18 =	vadd.f32 v12, v6  }
0x5a: {  	v17 =	vcvt.s32.f32 v17;
	v15 =	vmov s16;
	v21 =	vmul.f32 v13, v8;
	[tilespmem:s15+$0x4020] =	vst v14  }
0x5b: {  	v22 =	vor.u32 $0x1, v15;
	v12 =	vperm.xlane v19, v15;
	v13 =	vmul.f32 v13, v10;
	[tilespmem:s15+$0x40A0] =	vst v18  }
0x5c: {  	v14 =	vperm.xlane v20, v15;
	v15 =	vperm.xlane v19, v22;
	v18 =	vadd.f32 v21, v9;
	v21 =	vld [tilespmem:s5+$0x30]  }
0x5d: {  	v24 =	vmul.f32 v17, v12;
	v23 =	vadd.f32 v13, v11;
	v16 =	vcvt.s32.f32 v16  }
0x5e: {  	v13 =	vperm.xlane v20, v22;
	v17 =	vmul.f32 v17, v15;
	[tilespmem:s6+$0x4010] =	vst v18  }
0x5f: {  	s20 =	simm.s32 $0x0;
	s4 =	sshll.u32 s4, $0x8;
	[tilespmem:s6+$0x4090] =	vst v23;
	v18 =	vadd.f32 v24, v14;
	v22 =	vmul.f32 v16, v1  }
0x60: {  	s12 =	sor.u32 s4, s20;
	v17 =	vadd.f32 v17, v13;
	v23 =	vld [tilespmem:s8+$0x20];
	v16 =	vmul.f32 v16, v2  }
0x61: {  	[tilespmem:s12+$0x4000] =	vst v18;
	v21 =	vcvt.s32.f32 v21;
	v18 =	vadd.f32 v22, v0  }
0x62: {  	[tilespmem:s12+$0x4080] =	vst v17;
	v16 =	vadd.f32 v16, v5  }
0x63: {  	s26 =	simm.s32 $0x4;
	v22 =	vld [tilespmem:s13+$0x10];
	v17 =	vmul.f32 v21, v4;
	[tilespmem:s3+$0x4040] =	vst v18  }
0x64: {  	s29 =	simm.s32 $0x80;
	s4 =	sand.u32 $0x3, s26;
	v18 =	vmul.f32 v21, v7;
	[tilespmem:s3+$0x40C0] =	vst v16  }
0x65: {  	s7 =	sand.u32 $0x3FFFFF80, s29;
	s14 =	sshll.u32 s4, $0xA;
	v16 =	vcvt.s32.f32 v23;
	v21 =	vld [tilespmem:s17+$0x50];
	v17 =	vadd.f32 v17, v3  }
0x66: {  	s14 =	sadd.s32 s7, s14;
	v18 =	vadd.f32 v18, v6  }
0x67: {  	s16 =	simm.s32 $0x2;
	v24 =	vld [tilespmem:s14+$0x0];
	v23 =	vmul.f32 v16, v8;
	[tilespmem:s15+$0x4030] =	vst v17  }
0x68: {  	v25 =	vmov s16;
	v17 =	vmul.f32 v16, v10;
	[tilespmem:s15+$0x40B0] =	vst v18;
	v18 =	vcvt.s32.f32 v22  }
0x69: {  	v16 =	vperm.xlane v20, v25;
	v22 =	vadd.f32 v23, v9;
	v23 =	vld [tilespmem:s5+$0x40]  }
0x6a: {  	v26 =	vadd.f32 v17, v11;
	v27 =	vmul.f32 v18, v12;
	v21 =	vcvt.s32.f32 v21  }
0x6b: {  	v17 =	vperm.xlane v19, v25;
	[tilespmem:s6+$0x4020] =	vst v22;
	v22 =	vor.u32 $0x1, v25;
	v25 =	vmul.f32 v18, v15  }
0x6c: {  	v24 =	vcvt.s32.f32 v24;
	[tilespmem:s6+$0x40A0] =	vst v26;
	v26 =	vadd.f32 v27, v14;
	v27 =	vmul.f32 v21, v1  }
0x6d: {  	s20 =	simm.s32 $0x400;
	s26 =	simm.s32 $0x5;
	v18 =	vperm.xlane v19, v22;
	v29 =	vmul.f32 v21, v2;
	v25 =	vadd.f32 v25, v13  }
0x6e: {  	s29 =	simm.s32 $0xA0;
	s4 =	sshll.u32 s4, $0x8;
	s28 =	sand.u32 $0x3, s26;
	v30 =	vmul.f32 v24, v17;
	v28 =	vld [tilespmem:s8+$0x30];
	[tilespmem:s12+$0x4010] =	vst v26;
	v23 =	vcvt.s32.f32 v23;
	v26 =	vadd.f32 v27, v0  }
0x6f: {  	s7 =	sor.u32 s4, s20;
	s26 =	sshll.u32 s28, $0xA;
	s4 =	sand.u32 $0x3FFFFF80, s29;
	v21 =	vperm.xlane v20, v22;
	v22 =	vmul.f32 v24, v18;
	v24 =	vadd.f32 v29, v5;
	[tilespmem:s12+$0x4090] =	vst v25  }
0x70: {  	s4 =	sadd.s32 s4, s26;
	v25 =	vadd.f32 v30, v16;
	v27 =	vld [tilespmem:s13+$0x20];
	v29 =	vmul.f32 v23, v4;
	[tilespmem:s3+$0x4050] =	vst v26  }
0x71: {  	v32 =	vld [tilespmem:s4+$0x0];
	v22 =	vadd.f32 v22, v21;
	v23 =	vmul.f32 v23, v7;
	[tilespmem:s3+$0x40D0] =	vst v24  }
0x72: {  	[tilespmem:s7+$0x4000] =	vst v25;
	v26 =	vld [tilespmem:s17+$0x60];
	v25 =	vadd.f32 v29, v3  }
0x73: {  	v24 =	vcvt.s32.f32 v28;
	[tilespmem:s7+$0x4080] =	vst v22;
	v22 =	vadd.f32 v23, v6  }
0x74: {  	v28 =	vld [tilespmem:s14+$0x10];
	[tilespmem:s15+$0x4040] =	vst v25  }
0x75: {  	v23 =	vmul.f32 v24, v8;
	[tilespmem:s15+$0x40C0] =	vst v22;
	v25 =	vcvt.s32.f32 v27  }
0x76: {  	v32 =	vcvt.s32.f32 v32;
	v22 =	vmul.f32 v24, v10;
	v24 =	vld [tilespmem:s5+$0x50]  }
0x77: {  	s16 =	simm.s32 $0x2;
	v23 =	vadd.f32 v23, v9;
	v26 =	vcvt.s32.f32 v26;
	v29 =	vmul.f32 v25, v12  }
0x78: {  	v27 =	vmov s16;
	v30 =	vadd.f32 v22, v11;
	v25 =	vmul.f32 v25, v15  }
0x79: {  	[tilespmem:s6+$0x4030] =	vst v23;
	v31 =	vcvt.s32.f32 v28;
	v28 =	vadd.f32 v29, v14;
	v29 =	vmul.f32 v26, v1  }
0x7a: {  	v22 =	vperm.xlane v20, v27;
	[tilespmem:s6+$0x40B0] =	vst v30;
	v33 =	vmul.f32 v26, v2;
	v25 =	vadd.f32 v25, v13  }
0x7b: {  	v34 =	vmul.f32 v31, v17;
	v26 =	vcvt.s32.f32 v24;
	[tilespmem:s12+$0x4020] =	vst v28;
	v24 =	vadd.f32 v29, v0;
	v28 =	vld [tilespmem:s8+$0x40]  }
0x7c: {  	v23 =	vperm.xlane v19, v27;
	v30 =	vor.u32 $0x1, v27;
	v31 =	vmul.f32 v31, v18;
	[tilespmem:s12+$0x40A0] =	vst v25  }
0x7d: {  	s31 =	sshll.u32 s30, $0x1;
	s26 =	simm.s32 $0x1;
	s16 =	simm.s32 $0x6;
	v25 =	vadd.f32 v33, v5;
	v33 =	vadd.f32 v34, v16;
	v29 =	vld [tilespmem:s13+$0x30];
	v27 =	vmul.f32 v26, v4;
	[tilespmem:s3+$0x4060] =	vst v24  }
.LBB2_3:
0x7e: {  	v24 =	vperm.xlane v19, v30;
	v31 =	vadd.f32 v31, v21;
	v26 =	vmul.f32 v26, v7  }
0x7f: {  	p1 =	sne.s32 s16, $0x1F;
	[tilespmem:s3+$0x40E0] =	vst v25;
	v34 =	vmovc v13;
	v13 =	vmovc v21;
	v25 =	vmov v0;
	v0 =	vmov v3;
	v3 =	vmov v9  }
0x80: {  	v9 =	vmovc v14;
	v35 =	vmul.f32 v32, v23;
	[tilespmem:s7+$0x4010] =	vst v33;
	v28 =	vcvt.s32.f32 v28;
	v27 =	vadd.f32 v27, v0;
	v33 =	vld [tilespmem:s17+$0x70];
	s17 =	smov.u32 s5;
	s5 =	smov.u32 s8;
	s8 =	smov.u32 s13  }
0x81: {  	v21 =	vperm.xlane v20, v30;
	s26 =	sshll.u32 s26, $0xC;
	s13 =	smov.u32 s14;
	s14 =	smov.u32 s4;
	v30 =	vmul.f32 v32, v24;
	[tilespmem:s7+$0x4090] =	vst v31;
	v36 =	vadd.f32 v26, v6  }
0x82: {  	v14 =	vmovc v16;
	v16 =	vmov v22;
	s4 =	sshra.s32 s26, $0x2;
	s26 =	sshll.u32 s28, $0x8;
	v31 =	vadd.f32 v35, v22;
	v32 =	vld [tilespmem:s13+$0x20];
	v35 =	vmul.f32 v28, v8;
	[tilespmem:s15+$0x4050] =	vst v27  }
0x83: {  	s29 =	sor.u32 s26, s4;
	v28 =	vmul.f32 v28, v10;
	v22 =	vadd.f32 v30, v21;
	v27 =	vcvt.s32.f32 v29;
	[tilespmem:s15+$0x40D0] =	vst v36;
	v26 =	vmovc v1  }
0x84: {  	v1 =	vmovc v4;
	v4 =	vmovc v8;
	v8 =	vmov v12;
	v12 =	vmov v17;
	[tilespmem:s29+$0x4000] =	vst v31;
	v29 =	vadd.f32 v35, v3;
	v30 =	vld [tilespmem:s17+$0x60]  }
0x85: {  	v17 =	vmovc v23;
	v28 =	vadd.f32 v28, v11;
	[tilespmem:s29+$0x4080] =	vst v22;
	v22 =	vmul.f32 v27, v8;
	v31 =	vcvt.s32.f32 v33  }
0x86: {  	s26 =	sshrl.u32 s16, $0x2;
	v27 =	vmul.f32 v27, v15;
	v23 =	vld [tilespmem:s14+$0x10];
	[tilespmem:s6+$0x4040] =	vst v29  }
0x87: {  	s20 =	sshll.u32 s16, $0x5;
	s28 =	sand.u32 $0x3, s16;
	s4 =	sshll.u32 s26, $0x1;
	v29 =	vcvt.s32.f32 v32;
	v22 =	vadd.f32 v22, v9;
	[tilespmem:s6+$0x40C0] =	vst v28;
	v28 =	vmul.f32 v31, v2;
	v2 =	vmovc v7  }
0x88: {  	s20 =	sand.u32 $0x3FFFFF80, s20;
	v32 =	vmov s4;
	s4 =	sshll.u32 s28, $0xA;
	v27 =	vadd.f32 v27, v34;
	v26 =	vmul.f32 v31, v26;
	v7 =	vmovc v10;
	v10 =	vmovc v15;
	v33 =	vld [tilespmem:s5+$0x50]  }
0x89: {  	v15 =	vmovc v18;
	s4 =	sadd.s32 s20, s4;
	v31 =	vmul.f32 v29, v12;
	[tilespmem:s12+$0x4030] =	vst v22;
	v30 =	vcvt.s32.f32 v30;
	v5 =	vadd.f32 v28, v5  }
0x8a: {  	v22 =	vperm.xlane v20, v32;
	v28 =	vmul.f32 v29, v15;
	v25 =	vadd.f32 v26, v25;
	v35 =	vld [tilespmem:s4+$0x0];
	[tilespmem:s12+$0x40B0] =	vst v27  }
.Ltmp0:
0x8b: {  	v18 =	vmovc v24;
	v27 =	vcvt.s32.f32 v23;
	v26 =	vadd.f32 v31, v14;
	v29 =	vmul.f32 v30, v1;
	[tilespmem:s3+$0x40F0] =	vst v5;
	(pc) =	sbr.rel @p1 .LBB2_3-.Ltmp0, $4  }
0x8c: {  	v23 =	vperm.xlane v19, v32;
	v24 =	vadd.f32 v28, v13;
	v36 =	vmul.f32 v30, v2;
	v28 =	vld [tilespmem:s8+$0x40];
	[tilespmem:s3+$0x4070] =	vst v25;
	s3 =	smov.u32 s15;
	s15 =	smov.u32 s6;
	s6 =	smov.u32 s12  }
0x8d: {  	s12 =	smov.u32 s7;
	v37 =	vmul.f32 v27, v17;
	[tilespmem:s7+$0x4020] =	vst v26;
	v26 =	vcvt.s32.f32 v33;
	v38 =	vadd.f32 v29, v0;
	v5 =	vmovc v6;
	s7 =	smov.u32 s29  }
0x8e: {  	v30 =	vor.u32 $0x1, v32;
	v31 =	vmul.f32 v27, v18;
	v6 =	vmovc v11;
	[tilespmem:s12+$0x40A0] =	vst v24;
	v25 =	vadd.f32 v36, v5  }
0x8f: {  	s16 =	sadd.s32 $0x1, s16;
	v11 =	vmovc v34;
	v32 =	vcvt.s32.f32 v35;
	v33 =	vadd.f32 v37, v16;
	v29 =	vld [tilespmem:s13+$0x30];
	v27 =	vmul.f32 v26, v4;
	[tilespmem:s3+$0x4060] =	vst v38  }
0x90: {  	v24 =	vperm.xlane v19, v30  }
0x91: {  	v34 =	vmul.f32 v32, v23  }
0x92: {  	v19 =	vperm.xlane v20, v30;
	s16 =	sshll.u32 s26, $0xC;
	v20 =	vmul.f32 v32, v24  }
0x93: {  	s20 =	sshll.u32 s28, $0x8;
	s16 =	sshra.s32 s16, $0x2;
	v30 =	vadd.f32 v34, v22  }
0x94: {  	s28 =	sor.u32 s20, s16;
	v20 =	vadd.f32 v20, v19  }
0x95: {  	[tilespmem:s28+$0x4000] =	vst v30  }
0x96: {  	[tilespmem:s28+$0x4080] =	vst v20  }
0x97: {  	v20 =	vld [tilespmem:s4+$0x10];
	_ =	sdelay $0x4  }
0x98: {  	v20 =	vcvt.s32.f32 v20;
	_ =	sdelay $0x1  }
0x99: {  	v30 =	vmul.f32 v20, v23  }
0x9a: {  	v31 =	vadd.f32 v31, v21;
	v20 =	vmul.f32 v20, v24  }
0x9b: {  	[tilespmem:s7+$0x4010] =	vst v33;
	v30 =	vadd.f32 v30, v22  }
0x9c: {  	[tilespmem:s7+$0x4090] =	vst v31;
	v20 =	vadd.f32 v20, v19  }
0x9d: {  	v31 =	vld [tilespmem:s14+$0x20];
	[tilespmem:s28+$0x4010] =	vst v30  }
0x9e: {  	[tilespmem:s28+$0x4090] =	vst v20  }
0x9f: {  	v20 =	vld [tilespmem:s4+$0x20];
	_ =	sdelay $0x2  }
0xa0: {  	v30 =	vcvt.s32.f32 v31;
	_ =	sdelay $0x1  }
0xa1: {  	v31 =	vmul.f32 v30, v17;
	v20 =	vcvt.s32.f32 v20  }
0xa2: {  	v30 =	vmul.f32 v30, v18  }
0xa3: {  	v31 =	vadd.f32 v31, v16;
	v55 =	vmul.f32 v20, v23  }
0xa4: {  	v30 =	vadd.f32 v30, v21;
	v20 =	vmul.f32 v20, v24  }
0xa5: {  	[tilespmem:s7+$0x4020] =	vst v31;
	v31 =	vadd.f32 v55, v22  }
0xa6: {  	[tilespmem:s7+$0x40A0] =	vst v30;
	v20 =	vadd.f32 v20, v19  }
0xa7: {  	v30 =	vld [tilespmem:s14+$0x30];
	[tilespmem:s28+$0x4020] =	vst v31  }
0xa8: {  	[tilespmem:s28+$0x40A0] =	vst v20  }
0xa9: {  	v20 =	vld [tilespmem:s4+$0x30]  }
0xaa: {  	v29 =	vcvt.s32.f32 v29;
	_ =	sdelay $0x1  }
0xab: {  	v31 =	vmul.f32 v29, v12;
	v30 =	vcvt.s32.f32 v30  }
0xac: {  	v29 =	vmul.f32 v29, v15  }
0xad: {  	v31 =	vadd.f32 v31, v14;
	v56 =	vmul.f32 v30, v17;
	v20 =	vcvt.s32.f32 v20  }
0xae: {  	v29 =	vadd.f32 v29, v13;
	v30 =	vmul.f32 v30, v18  }
0xaf: {  	[tilespmem:s12+$0x4030] =	vst v31;
	v31 =	vadd.f32 v56, v16;
	v57 =	vmul.f32 v20, v23  }
0xb0: {  	[tilespmem:s12+$0x40B0] =	vst v29;
	v29 =	vadd.f32 v30, v21;
	v20 =	vmul.f32 v20, v24  }
0xb1: {  	v30 =	vld [tilespmem:s13+$0x40];
	[tilespmem:s7+$0x4030] =	vst v31;
	v31 =	vadd.f32 v57, v22  }
0xb2: {  	[tilespmem:s7+$0x40B0] =	vst v29;
	v20 =	vadd.f32 v20, v19  }
0xb3: {  	v29 =	vld [tilespmem:s14+$0x40];
	[tilespmem:s28+$0x4030] =	vst v31  }
0xb4: {  	v28 =	vcvt.s32.f32 v28;
	[tilespmem:s28+$0x40B0] =	vst v20  }
0xb5: {  	v20 =	vld [tilespmem:s4+$0x40]  }
0xb6: {  	v30 =	vcvt.s32.f32 v30;
	v31 =	vmul.f32 v28, v8  }
0xb7: {  	v28 =	vmul.f32 v28, v10  }
0xb8: {  	v58 =	vmul.f32 v30, v12;
	v29 =	vcvt.s32.f32 v29;
	v31 =	vadd.f32 v31, v9  }
0xb9: {  	v30 =	vmul.f32 v30, v15;
	v28 =	vadd.f32 v28, v11  }
0xba: {  	v59 =	vmul.f32 v29, v17;
	[tilespmem:s6+$0x4040] =	vst v31;
	v31 =	vadd.f32 v58, v14;
	v20 =	vcvt.s32.f32 v20  }
0xbb: {  	v29 =	vmul.f32 v29, v18;
	[tilespmem:s6+$0x40C0] =	vst v28;
	v28 =	vadd.f32 v30, v13  }
0xbc: {  	v30 =	vld [tilespmem:s8+$0x50];
	[tilespmem:s12+$0x4040] =	vst v31;
	v31 =	vadd.f32 v59, v16;
	v60 =	vmul.f32 v20, v23  }
0xbd: {  	[tilespmem:s12+$0x40C0] =	vst v28;
	v28 =	vadd.f32 v29, v21;
	v20 =	vmul.f32 v20, v24  }
0xbe: {  	v29 =	vld [tilespmem:s13+$0x50];
	[tilespmem:s7+$0x4040] =	vst v31;
	v31 =	vadd.f32 v60, v22  }
0xbf: {  	[tilespmem:s7+$0x40C0] =	vst v28;
	v20 =	vadd.f32 v20, v19  }
0xc0: {  	v28 =	vld [tilespmem:s14+$0x50];
	[tilespmem:s28+$0x4040] =	vst v31  }
0xc1: {  	v30 =	vcvt.s32.f32 v30;
	[tilespmem:s28+$0x40C0] =	vst v20  }
0xc2: {  	v20 =	vmul.f32 v26, v7;
	v26 =	vld [tilespmem:s4+$0x50]  }
0xc3: {  	v27 =	vadd.f32 v27, v3;
	v31 =	vmul.f32 v30, v8;
	v29 =	vcvt.s32.f32 v29  }
0xc4: {  	v30 =	vmul.f32 v30, v10;
	v20 =	vadd.f32 v20, v6  }
0xc5: {  	[tilespmem:s15+$0x4050] =	vst v27;
	v27 =	vadd.f32 v31, v9;
	v31 =	vmul.f32 v29, v12;
	v28 =	vcvt.s32.f32 v28  }
0xc6: {  	v29 =	vmul.f32 v29, v15;
	[tilespmem:s15+$0x40D0] =	vst v20;
	v20 =	vadd.f32 v30, v11  }
0xc7: {  	[tilespmem:s6+$0x4050] =	vst v27;
	v27 =	vadd.f32 v31, v14;
	v31 =	vmul.f32 v28, v17;
	v30 =	vld [tilespmem:s5+$0x60];
	v26 =	vcvt.s32.f32 v26  }
0xc8: {  	v28 =	vmul.f32 v28, v18;
	[tilespmem:s6+$0x40D0] =	vst v20;
	v20 =	vadd.f32 v29, v13  }
0xc9: {  	[tilespmem:s12+$0x4050] =	vst v27;
	v27 =	vadd.f32 v31, v16;
	v29 =	vld [tilespmem:s8+$0x60];
	v31 =	vmul.f32 v26, v23  }
0xca: {  	[tilespmem:s12+$0x40D0] =	vst v20;
	v20 =	vadd.f32 v28, v21;
	v26 =	vmul.f32 v26, v24  }
0xcb: {  	[tilespmem:s7+$0x4050] =	vst v27;
	v28 =	vld [tilespmem:s13+$0x60];
	v27 =	vadd.f32 v31, v22  }
0xcc: {  	v30 =	vcvt.s32.f32 v30;
	[tilespmem:s7+$0x40D0] =	vst v20;
	v20 =	vadd.f32 v26, v19  }
0xcd: {  	v26 =	vld [tilespmem:s14+$0x60];
	[tilespmem:s28+$0x4050] =	vst v27  }
0xce: {  	v27 =	vmul.f32 v30, v4;
	v29 =	vcvt.s32.f32 v29;
	[tilespmem:s28+$0x40D0] =	vst v20  }
0xcf: {  	v20 =	vmul.f32 v30, v7;
	v30 =	vld [tilespmem:s4+$0x60]  }
0xd0: {  	v27 =	vadd.f32 v27, v3;
	v31 =	vmul.f32 v29, v8;
	v28 =	vcvt.s32.f32 v28  }
0xd1: {  	[tilespmem:s3+$0x40E0] =	vst v25;
	v20 =	vadd.f32 v20, v6;
	v25 =	vmul.f32 v29, v10  }
0xd2: {  	v29 =	vld [tilespmem:s17+$0x70];
	[tilespmem:s15+$0x4060] =	vst v27;
	v27 =	vadd.f32 v31, v9;
	v31 =	vmul.f32 v28, v12;
	v26 =	vcvt.s32.f32 v26  }
0xd3: {  	[tilespmem:s15+$0x40E0] =	vst v20;
	v20 =	vadd.f32 v25, v11;
	v25 =	vmul.f32 v28, v15  }
0xd4: {  	v28 =	vld [tilespmem:s5+$0x70];
	[tilespmem:s6+$0x4060] =	vst v27;
	v27 =	vadd.f32 v31, v14;
	v31 =	vmul.f32 v26, v17;
	v30 =	vcvt.s32.f32 v30  }
0xd5: {  	[tilespmem:s6+$0x40E0] =	vst v20;
	v20 =	vadd.f32 v25, v13;
	v25 =	vmul.f32 v26, v18  }
0xd6: {  	v26 =	vld [tilespmem:s8+$0x70];
	[tilespmem:s12+$0x4060] =	vst v27;
	v27 =	vadd.f32 v31, v16;
	v31 =	vmul.f32 v30, v23  }
0xd7: {  	v29 =	vcvt.s32.f32 v29;
	[tilespmem:s12+$0x40E0] =	vst v20;
	v20 =	vadd.f32 v25, v21;
	v25 =	vmul.f32 v30, v24  }
0xd8: {  	v30 =	vld [tilespmem:s13+$0x70];
	[tilespmem:s7+$0x4060] =	vst v27;
	v27 =	vadd.f32 v31, v22  }
0xd9: {  	v2 =	vmul.f32 v29, v2;
	v28 =	vcvt.s32.f32 v28;
	[tilespmem:s7+$0x40E0] =	vst v20;
	v20 =	vadd.f32 v25, v19  }
0xda: {  	v1 =	vmul.f32 v29, v1;
	v25 =	vld [tilespmem:s14+$0x70];
	[tilespmem:s28+$0x4060] =	vst v27  }
0xdb: {  	v2 =	vadd.f32 v2, v5;
	v5 =	vmul.f32 v28, v7;
	v7 =	vcvt.s32.f32 v26;
	[tilespmem:s28+$0x40E0] =	vst v20  }
0xdc: {  	v0 =	vadd.f32 v1, v0;
	v1 =	vmul.f32 v28, v4;
	v4 =	vld [tilespmem:s4+$0x70]  }
0xdd: {  	[tilespmem:s3+$0x40F0] =	vst v2;
	v2 =	vadd.f32 v5, v6;
	v5 =	vmul.f32 v7, v10;
	v6 =	vcvt.s32.f32 v30  }
0xde: {  	[tilespmem:s3+$0x4070] =	vst v0;
	v0 =	vadd.f32 v1, v3;
	v1 =	vmul.f32 v7, v8  }
0xdf: {  	[tilespmem:s15+$0x40F0] =	vst v2;
	v2 =	vadd.f32 v5, v11;
	v3 =	vmul.f32 v6, v15;
	v5 =	vcvt.s32.f32 v25  }
0xe0: {  	[tilespmem:s15+$0x4070] =	vst v0;
	v0 =	vadd.f32 v1, v9;
	v1 =	vmul.f32 v6, v12  }
0xe1: {  	[tilespmem:s6+$0x40F0] =	vst v2;
	v2 =	vadd.f32 v3, v13;
	v3 =	vmul.f32 v5, v18;
	v4 =	vcvt.s32.f32 v4  }
0xe2: {  	[tilespmem:s6+$0x4070] =	vst v0;
	v0 =	vadd.f32 v1, v14;
	v1 =	vmul.f32 v5, v17  }
0xe3: {  	[tilespmem:s12+$0x40F0] =	vst v2;
	v2 =	vadd.f32 v3, v21;
	v3 =	vmul.f32 v4, v24  }
0xe4: {  	[tilespmem:s12+$0x4070] =	vst v0;
	v0 =	vadd.f32 v1, v16;
	v1 =	vmul.f32 v4, v23  }
0xe5: {  	[tilespmem:s7+$0x40F0] =	vst v2;
	v2 =	vadd.f32 v3, v19  }
0xe6: {  	s5 =	simm.s32 $0x0;
	[tilespmem:s7+$0x4070] =	vst v0;
	v0 =	vadd.f32 v1, v22  }
0xe7: {  	s3 =	sand.u32 $0x3, s5;
	s6 =	simm.s32 $0x0;
	[tilespmem:s28+$0x40F0] =	vst v2  }
0xe8: {  	s4 =	sand.u32 $0x3FFFFF80, s6;
	s7 =	sshll.u32 s3, $0xA;
	[tilespmem:s28+$0x4070] =	vst v0  }
0xe9: {  	s15 =	sadd.s32 s4, s7;
	v19 =	vld [tilespmem:s0+$0xC010]  }
0xea: {  	v0 =	vld [tilespmem:s15+$0x1000];
	_ =	sdelay $0x1  }
0xeb: {  	v20 =	vld [tilespmem:s0+$0xC810]  }
0xec: {  	s8 =	simm.s32 $0x0  }
0xed: {  	v3 =	vmov s8  }
0xee: {  	v4 =	vor.u32 $0x1, v3;
	v1 =	vperm.xlane v19, v3;
	v6 =	vcvt.s32.f32 v0  }
0xef: {  	v2 =	vperm.xlane v19, v4  }
0xf0: {  	v0 =	vperm.xlane v20, v3;
	v3 =	vmul.f32 v6, v1  }
0xf1: {  	v5 =	vperm.xlane v20, v4;
	v4 =	vmul.f32 v6, v2  }
0xf2: {  	s12 =	simm.s32 $0x0;
	s3 =	sshll.u32 s3, $0x8;
	v3 =	vadd.f32 v3, v0  }
0xf3: {  	s0 =	sor.u32 s3, s12;
	v4 =	vadd.f32 v4, v5  }
0xf4: {  	[tilespmem:s0+$0x6000] =	vst v3  }
0xf5: {  	[tilespmem:s0+$0x6080] =	vst v4  }
0xf6: {  	s13 =	simm.s32 $0x1;
	v3 =	vld [tilespmem:s15+$0x1010]  }
0xf7: {  	s14 =	simm.s32 $0x20;
	s3 =	sand.u32 $0x3, s13  }
0xf8: {  	s4 =	sand.u32 $0x3FFFFF80, s14;
	s16 =	sshll.u32 s3, $0xA  }
0xf9: {  	s5 =	sadd.s32 s4, s16  }
0xfa: {  	v6 =	vld [tilespmem:s5+$0x1000]  }
0xfb: {  	v3 =	vcvt.s32.f32 v3  }
0xfc: {  	s17 =	simm.s32 $0x0  }
0xfd: {  	v8 =	vmov s17;
	v7 =	vmul.f32 v3, v1  }
0xfe: {  	v9 =	vor.u32 $0x1, v8;
	v3 =	vmul.f32 v3, v2  }
0xff: {  	v4 =	vperm.xlane v19, v8;
	v10 =	vcvt.s32.f32 v6;
	v6 =	vadd.f32 v7, v0  }
0x100: {  	v7 =	vperm.xlane v19, v9;
	v11 =	vadd.f32 v3, v5  }
0x101: {  	v3 =	vperm.xlane v20, v8;
	v8 =	vmul.f32 v10, v4;
	[tilespmem:s0+$0x6010] =	vst v6  }
0x102: {  	v6 =	vperm.xlane v20, v9;
	v9 =	vmul.f32 v10, v7;
	[tilespmem:s0+$0x6090] =	vst v11  }
0x103: {  	s20 =	simm.s32 $0x0;
	s3 =	sshll.u32 s3, $0x8;
	v8 =	vadd.f32 v8, v3;
	v10 =	vld [tilespmem:s15+$0x1020]  }
0x104: {  	s3 =	sor.u32 s3, s20;
	v9 =	vadd.f32 v9, v6  }
0x105: {  	[tilespmem:s3+$0x6000] =	vst v8  }
0x106: {  	[tilespmem:s3+$0x6080] =	vst v9  }
0x107: {  	s26 =	simm.s32 $0x2;
	v8 =	vld [tilespmem:s5+$0x1010]  }
0x108: {  	s28 =	simm.s32 $0x40;
	s4 =	sand.u32 $0x3, s26;
	v9 =	vcvt.s32.f32 v10  }
0x109: {  	s6 =	sand.u32 $0x3FFFFF80, s28;
	s29 =	sshll.u32 s4, $0xA  }
0x10a: {  	s8 =	sadd.s32 s6, s29;
	v10 =	vmul.f32 v9, v1  }
0x10b: {  	v11 =	vld [tilespmem:s8+$0x1000];
	v9 =	vmul.f32 v9, v2  }
0x10c: {  	v12 =	vcvt.s32.f32 v8;
	v8 =	vadd.f32 v10, v0  }
0x10d: {  	s7 =	simm.s32 $0x0;
	v9 =	vadd.f32 v9, v5  }
0x10e: {  	v13 =	vmov s7;
	v10 =	vmul.f32 v12, v4;
	[tilespmem:s0+$0x6020] =	vst v8  }
0x10f: {  	v14 =	vor.u32 $0x1, v13;
	v12 =	vmul.f32 v12, v7;
	[tilespmem:s0+$0x60A0] =	vst v9  }
0x110: {  	v15 =	vcvt.s32.f32 v11;
	v8 =	vperm.xlane v19, v13;
	v16 =	vld [tilespmem:s15+$0x1030];
	v11 =	vadd.f32 v10, v3  }
0x111: {  	v10 =	vperm.xlane v19, v14;
	v12 =	vadd.f32 v12, v6  }
0x112: {  	v9 =	vperm.xlane v20, v13;
	v13 =	vmul.f32 v15, v8;
	[tilespmem:s3+$0x6010] =	vst v11  }
0x113: {  	v11 =	vperm.xlane v20, v14;
	v14 =	vmul.f32 v15, v10;
	[tilespmem:s3+$0x6090] =	vst v12  }
0x114: {  	s12 =	simm.s32 $0x0;
	s4 =	sshll.u32 s4, $0x8;
	v12 =	vadd.f32 v13, v9;
	v13 =	vld [tilespmem:s5+$0x1020]  }
0x115: {  	s6 =	sor.u32 s4, s12;
	v14 =	vadd.f32 v14, v11;
	v15 =	vcvt.s32.f32 v16  }
0x116: {  	s13 =	simm.s32 $0x3;
	[tilespmem:s6+$0x6000] =	vst v12  }
0x117: {  	s14 =	simm.s32 $0x60;
	s4 =	sand.u32 $0x3, s13;
	[tilespmem:s6+$0x6080] =	vst v14;
	v12 =	vmul.f32 v15, v1  }
0x118: {  	s7 =	sand.u32 $0x3FFFFF80, s14;
	s16 =	sshll.u32 s4, $0xA;
	v15 =	vmul.f32 v15, v2;
	v14 =	vld [tilespmem:s8+$0x1010]  }
0x119: {  	s13 =	sadd.s32 s7, s16;
	v13 =	vcvt.s32.f32 v13;
	v12 =	vadd.f32 v12, v0  }
0x11a: {  	v17 =	vld [tilespmem:s13+$0x1000];
	v15 =	vadd.f32 v15, v5  }
0x11b: {  	v16 =	vmul.f32 v13, v4;
	[tilespmem:s0+$0x6030] =	vst v12  }
0x11c: {  	v12 =	vmul.f32 v13, v7;
	[tilespmem:s0+$0x60B0] =	vst v15  }
0x11d: {  	v13 =	vcvt.s32.f32 v14;
	v14 =	vadd.f32 v16, v3;
	v16 =	vld [tilespmem:s15+$0x1040]  }
0x11e: {  	s17 =	simm.s32 $0x0;
	v18 =	vadd.f32 v12, v6  }
0x11f: {  	v17 =	vcvt.s32.f32 v17;
	v15 =	vmov s17;
	v21 =	vmul.f32 v13, v8;
	[tilespmem:s3+$0x6020] =	vst v14  }
0x120: {  	v22 =	vor.u32 $0x1, v15;
	v12 =	vperm.xlane v19, v15;
	v13 =	vmul.f32 v13, v10;
	[tilespmem:s3+$0x60A0] =	vst v18  }
0x121: {  	v14 =	vperm.xlane v20, v15;
	v15 =	vperm.xlane v19, v22;
	v18 =	vadd.f32 v21, v9;
	v21 =	vld [tilespmem:s5+$0x1030]  }
0x122: {  	v24 =	vmul.f32 v17, v12;
	v23 =	vadd.f32 v13, v11;
	v16 =	vcvt.s32.f32 v16  }
0x123: {  	v13 =	vperm.xlane v20, v22;
	v17 =	vmul.f32 v17, v15;
	[tilespmem:s6+$0x6010] =	vst v18  }
0x124: {  	s20 =	simm.s32 $0x0;
	s4 =	sshll.u32 s4, $0x8;
	[tilespmem:s6+$0x6090] =	vst v23;
	v18 =	vadd.f32 v24, v14;
	v22 =	vmul.f32 v16, v1  }
0x125: {  	s12 =	sor.u32 s4, s20;
	v17 =	vadd.f32 v17, v13;
	v23 =	vld [tilespmem:s8+$0x1020];
	v16 =	vmul.f32 v16, v2  }
0x126: {  	[tilespmem:s12+$0x6000] =	vst v18;
	v21 =	vcvt.s32.f32 v21;
	v18 =	vadd.f32 v22, v0  }
0x127: {  	[tilespmem:s12+$0x6080] =	vst v17;
	v16 =	vadd.f32 v16, v5  }
0x128: {  	s26 =	simm.s32 $0x4;
	v22 =	vld [tilespmem:s13+$0x1010];
	v17 =	vmul.f32 v21, v4;
	[tilespmem:s0+$0x6040] =	vst v18  }
0x129: {  	s28 =	simm.s32 $0x80;
	s4 =	sand.u32 $0x3, s26;
	v18 =	vmul.f32 v21, v7;
	[tilespmem:s0+$0x60C0] =	vst v16  }
0x12a: {  	s7 =	sand.u32 $0x3FFFFF80, s28;
	s29 =	sshll.u32 s4, $0xA;
	v16 =	vcvt.s32.f32 v23;
	v21 =	vld [tilespmem:s15+$0x1050];
	v17 =	vadd.f32 v17, v3  }
0x12b: {  	s14 =	sadd.s32 s7, s29;
	v18 =	vadd.f32 v18, v6  }
0x12c: {  	s16 =	simm.s32 $0x2;
	v24 =	vld [tilespmem:s14+$0x1000];
	v23 =	vmul.f32 v16, v8;
	[tilespmem:s3+$0x6030] =	vst v17  }
0x12d: {  	v25 =	vmov s16;
	v17 =	vmul.f32 v16, v10;
	[tilespmem:s3+$0x60B0] =	vst v18;
	v18 =	vcvt.s32.f32 v22  }
0x12e: {  	v16 =	vperm.xlane v20, v25;
	v22 =	vadd.f32 v23, v9;
	v23 =	vld [tilespmem:s5+$0x1040]  }
0x12f: {  	v26 =	vadd.f32 v17, v11;
	v27 =	vmul.f32 v18, v12;
	v21 =	vcvt.s32.f32 v21  }
0x130: {  	v17 =	vperm.xlane v19, v25;
	[tilespmem:s6+$0x6020] =	vst v22;
	v22 =	vor.u32 $0x1, v25;
	v25 =	vmul.f32 v18, v15  }
0x131: {  	v24 =	vcvt.s32.f32 v24;
	[tilespmem:s6+$0x60A0] =	vst v26;
	v26 =	vadd.f32 v27, v14;
	v27 =	vmul.f32 v21, v1  }
0x132: {  	s20 =	simm.s32 $0x5;
	s4 =	sshll.u32 s4, $0x8;
	s17 =	simm.s32 $0x400;
	v18 =	vperm.xlane v19, v22;
	v29 =	vmul.f32 v21, v2;
	v25 =	vadd.f32 v25, v13  }
0x133: {  	s26 =	simm.s32 $0xA0;
	s7 =	sor.u32 s4, s17;
	s17 =	sand.u32 $0x3, s20;
	v30 =	vmul.f32 v24, v17;
	v28 =	vld [tilespmem:s8+$0x1030];
	[tilespmem:s12+$0x6010] =	vst v26;
	v23 =	vcvt.s32.f32 v23;
	v26 =	vadd.f32 v27, v0  }
0x134: {  	s4 =	sand.u32 $0x3FFFFF80, s26;
	s29 =	sshll.u32 s17, $0xA;
	v21 =	vperm.xlane v20, v22;
	v22 =	vmul.f32 v24, v18;
	v24 =	vadd.f32 v29, v5;
	[tilespmem:s12+$0x6090] =	vst v25  }
0x135: {  	s4 =	sadd.s32 s4, s29;
	v25 =	vadd.f32 v30, v16;
	v27 =	vld [tilespmem:s13+$0x1020];
	v29 =	vmul.f32 v23, v4;
	[tilespmem:s0+$0x6050] =	vst v26  }
0x136: {  	v31 =	vld [tilespmem:s4+$0x1000];
	v22 =	vadd.f32 v22, v21;
	v23 =	vmul.f32 v23, v7;
	[tilespmem:s0+$0x60D0] =	vst v24  }
0x137: {  	[tilespmem:s7+$0x6000] =	vst v25;
	v26 =	vld [tilespmem:s15+$0x1060];
	v25 =	vadd.f32 v29, v3  }
0x138: {  	v24 =	vcvt.s32.f32 v28;
	[tilespmem:s7+$0x6080] =	vst v22;
	v22 =	vadd.f32 v23, v6  }
0x139: {  	v28 =	vld [tilespmem:s14+$0x1010];
	[tilespmem:s3+$0x6040] =	vst v25  }
0x13a: {  	v23 =	vmul.f32 v24, v8;
	[tilespmem:s3+$0x60C0] =	vst v22;
	v25 =	vcvt.s32.f32 v27  }
0x13b: {  	v31 =	vcvt.s32.f32 v31;
	v22 =	vmul.f32 v24, v10;
	v24 =	vld [tilespmem:s5+$0x1050]  }
0x13c: {  	s28 =	simm.s32 $0x2;
	v23 =	vadd.f32 v23, v9;
	v26 =	vcvt.s32.f32 v26;
	v29 =	vmul.f32 v25, v12  }
0x13d: {  	v27 =	vmov s28;
	v30 =	vadd.f32 v22, v11;
	v25 =	vmul.f32 v25, v15  }
0x13e: {  	[tilespmem:s6+$0x6030] =	vst v23;
	v61 =	vcvt.s32.f32 v28;
	v28 =	vadd.f32 v29, v14;
	v29 =	vmul.f32 v26, v1  }
0x13f: {  	v22 =	vperm.xlane v20, v27;
	[tilespmem:s6+$0x60B0] =	vst v30;
	v62 =	vmul.f32 v26, v2;
	v25 =	vadd.f32 v25, v13  }
0x140: {  	v63 =	vmul.f32 v61, v17;
	v26 =	vcvt.s32.f32 v24;
	[tilespmem:s12+$0x6020] =	vst v28;
	v24 =	vadd.f32 v29, v0;
	v28 =	vld [tilespmem:s8+$0x1040]  }
0x141: {  	v23 =	vperm.xlane v19, v27;
	v30 =	vor.u32 $0x1, v27;
	v32 =	vmul.f32 v61, v18;
	[tilespmem:s12+$0x60A0] =	vst v25  }
0x142: {  	s16 =	simm.s32 $0x6;
	s26 =	simm.s32 $0x1;
	v25 =	vadd.f32 v62, v5;
	v33 =	vadd.f32 v63, v16;
	v29 =	vld [tilespmem:s13+$0x1030];
	v27 =	vmul.f32 v26, v4;
	[tilespmem:s0+$0x6060] =	vst v24  }
.LBB2_5:
0x143: {  	v24 =	vperm.xlane v19, v30;
	v32 =	vadd.f32 v32, v21;
	v26 =	vmul.f32 v26, v7  }
0x144: {  	p1 =	sne.s32 s16, $0x1F;
	[tilespmem:s0+$0x60E0] =	vst v25;
	v34 =	vmovc v13;
	v13 =	vmovc v21;
	v25 =	vmov v0;
	v0 =	vmov v3;
	v3 =	vmov v9  }
0x145: {  	v9 =	vmovc v14;
	v35 =	vmul.f32 v31, v23;
	[tilespmem:s7+$0x6010] =	vst v33;
	v28 =	vcvt.s32.f32 v28;
	v27 =	vadd.f32 v27, v0;
	v33 =	vld [tilespmem:s15+$0x1070];
	s15 =	smov.u32 s5;
	s5 =	smov.u32 s8;
	s8 =	smov.u32 s13  }
0x146: {  	v21 =	vperm.xlane v20, v30;
	s20 =	sshll.u32 s26, $0xC;
	s13 =	smov.u32 s14;
	s14 =	smov.u32 s4;
	v30 =	vmul.f32 v31, v24;
	[tilespmem:s7+$0x6090] =	vst v32;
	v36 =	vadd.f32 v26, v6  }
0x147: {  	s17 =	sshll.u32 s17, $0x8;
	v14 =	vmovc v16;
	v16 =	vmov v22;
	s4 =	sshra.s32 s20, $0x2;
	v31 =	vadd.f32 v35, v22;
	v32 =	vld [tilespmem:s13+$0x1020];
	v35 =	vmul.f32 v28, v8;
	[tilespmem:s3+$0x6050] =	vst v27  }
0x148: {  	s28 =	sor.u32 s17, s4;
	v28 =	vmul.f32 v28, v10;
	v22 =	vadd.f32 v30, v21;
	v27 =	vcvt.s32.f32 v29;
	[tilespmem:s3+$0x60D0] =	vst v36;
	v26 =	vmovc v1  }
0x149: {  	v1 =	vmovc v4;
	v4 =	vmovc v8;
	v8 =	vmov v12;
	v12 =	vmov v17;
	[tilespmem:s28+$0x6000] =	vst v31;
	v29 =	vadd.f32 v35, v3;
	v30 =	vld [tilespmem:s15+$0x1060]  }
0x14a: {  	v17 =	vmovc v23;
	v28 =	vadd.f32 v28, v11;
	[tilespmem:s28+$0x6080] =	vst v22;
	v22 =	vmul.f32 v27, v8;
	v31 =	vcvt.s32.f32 v33  }
0x14b: {  	s26 =	sshrl.u32 s16, $0x2;
	v27 =	vmul.f32 v27, v15;
	v23 =	vld [tilespmem:s14+$0x1010];
	[tilespmem:s6+$0x6040] =	vst v29  }
0x14c: {  	s20 =	sshll.u32 s16, $0x5;
	s17 =	sand.u32 $0x3, s16;
	s4 =	sshll.u32 s26, $0x1;
	v29 =	vcvt.s32.f32 v32;
	v22 =	vadd.f32 v22, v9;
	[tilespmem:s6+$0x60C0] =	vst v28;
	v28 =	vmul.f32 v31, v2;
	v2 =	vmovc v7  }
0x14d: {  	s20 =	sand.u32 $0x3FFFFF80, s20;
	v32 =	vmov s4;
	s4 =	sshll.u32 s17, $0xA;
	v27 =	vadd.f32 v27, v34;
	v26 =	vmul.f32 v31, v26;
	v7 =	vmovc v10;
	v10 =	vmovc v15;
	v33 =	vld [tilespmem:s5+$0x1050]  }
0x14e: {  	v15 =	vmovc v18;
	s4 =	sadd.s32 s20, s4;
	v31 =	vmul.f32 v29, v12;
	[tilespmem:s12+$0x6030] =	vst v22;
	v30 =	vcvt.s32.f32 v30;
	v5 =	vadd.f32 v28, v5  }
0x14f: {  	v22 =	vperm.xlane v20, v32;
	v28 =	vmul.f32 v29, v15;
	v25 =	vadd.f32 v26, v25;
	v35 =	vld [tilespmem:s4+$0x1000];
	[tilespmem:s12+$0x60B0] =	vst v27  }
.Ltmp1:
0x150: {  	v18 =	vmovc v24;
	v27 =	vcvt.s32.f32 v23;
	v26 =	vadd.f32 v31, v14;
	v29 =	vmul.f32 v30, v1;
	[tilespmem:s0+$0x60F0] =	vst v5;
	(pc) =	sbr.rel @p1 .LBB2_5-.Ltmp1, $4  }
0x151: {  	v23 =	vperm.xlane v19, v32;
	v24 =	vadd.f32 v28, v13;
	v31 =	vmul.f32 v30, v2;
	v28 =	vld [tilespmem:s8+$0x1040];
	[tilespmem:s0+$0x6070] =	vst v25;
	s0 =	smov.u32 s3;
	s3 =	smov.u32 s6;
	s6 =	smov.u32 s12  }
0x152: {  	s12 =	smov.u32 s7;
	v36 =	vmul.f32 v27, v17;
	[tilespmem:s7+$0x6020] =	vst v26;
	v26 =	vcvt.s32.f32 v33;
	v37 =	vadd.f32 v29, v0;
	v5 =	vmovc v6;
	s7 =	smov.u32 s28  }
0x153: {  	v30 =	vor.u32 $0x1, v32;
	v32 =	vmul.f32 v27, v18;
	v6 =	vmovc v11;
	[tilespmem:s12+$0x60A0] =	vst v24;
	v25 =	vadd.f32 v31, v5  }
0x154: {  	s16 =	sadd.s32 $0x1, s16;
	v11 =	vmovc v34;
	v31 =	vcvt.s32.f32 v35;
	v33 =	vadd.f32 v36, v16;
	v29 =	vld [tilespmem:s13+$0x1030];
	v27 =	vmul.f32 v26, v4;
	[tilespmem:s0+$0x6060] =	vst v37  }
0x155: {  	v24 =	vperm.xlane v19, v30  }
0x156: {  	v34 =	vmul.f32 v31, v23  }
0x157: {  	v19 =	vperm.xlane v20, v30;
	s16 =	sshll.u32 s26, $0xC;
	v20 =	vmul.f32 v31, v24  }
0x158: {  	s17 =	sshll.u32 s17, $0x8;
	s16 =	sshra.s32 s16, $0x2;
	v30 =	vadd.f32 v34, v22  }
0x159: {  	s17 =	sor.u32 s17, s16;
	v20 =	vadd.f32 v20, v19  }
0x15a: {  	[tilespmem:s17+$0x6000] =	vst v30  }
0x15b: {  	[tilespmem:s17+$0x6080] =	vst v20  }
0x15c: {  	v20 =	vld [tilespmem:s4+$0x1010];
	_ =	sdelay $0x4  }
0x15d: {  	v20 =	vcvt.s32.f32 v20;
	_ =	sdelay $0x1  }
0x15e: {  	v30 =	vmul.f32 v20, v23  }
0x15f: {  	v31 =	vadd.f32 v32, v21;
	v20 =	vmul.f32 v20, v24  }
0x160: {  	[tilespmem:s7+$0x6010] =	vst v33;
	v30 =	vadd.f32 v30, v22  }
0x161: {  	[tilespmem:s7+$0x6090] =	vst v31;
	v20 =	vadd.f32 v20, v19  }
0x162: {  	v31 =	vld [tilespmem:s14+$0x1020];
	[tilespmem:s17+$0x6010] =	vst v30  }
0x163: {  	[tilespmem:s17+$0x6090] =	vst v20  }
0x164: {  	v20 =	vld [tilespmem:s4+$0x1020];
	_ =	sdelay $0x2  }
0x165: {  	v30 =	vcvt.s32.f32 v31;
	_ =	sdelay $0x1  }
0x166: {  	v31 =	vmul.f32 v30, v17;
	v20 =	vcvt.s32.f32 v20  }
0x167: {  	v30 =	vmul.f32 v30, v18  }
0x168: {  	v31 =	vadd.f32 v31, v16;
	v55 =	vmul.f32 v20, v23  }
0x169: {  	v30 =	vadd.f32 v30, v21;
	v20 =	vmul.f32 v20, v24  }
0x16a: {  	[tilespmem:s7+$0x6020] =	vst v31;
	v31 =	vadd.f32 v55, v22  }
0x16b: {  	[tilespmem:s7+$0x60A0] =	vst v30;
	v20 =	vadd.f32 v20, v19  }
0x16c: {  	v30 =	vld [tilespmem:s14+$0x1030];
	[tilespmem:s17+$0x6020] =	vst v31  }
0x16d: {  	[tilespmem:s17+$0x60A0] =	vst v20  }
0x16e: {  	v20 =	vld [tilespmem:s4+$0x1030]  }
0x16f: {  	v29 =	vcvt.s32.f32 v29;
	_ =	sdelay $0x1  }
0x170: {  	v31 =	vmul.f32 v29, v12;
	v30 =	vcvt.s32.f32 v30  }
0x171: {  	v29 =	vmul.f32 v29, v15  }
0x172: {  	v31 =	vadd.f32 v31, v14;
	v56 =	vmul.f32 v30, v17;
	v20 =	vcvt.s32.f32 v20  }
0x173: {  	v29 =	vadd.f32 v29, v13;
	v30 =	vmul.f32 v30, v18  }
0x174: {  	[tilespmem:s12+$0x6030] =	vst v31;
	v31 =	vadd.f32 v56, v16;
	v57 =	vmul.f32 v20, v23  }
0x175: {  	[tilespmem:s12+$0x60B0] =	vst v29;
	v29 =	vadd.f32 v30, v21;
	v20 =	vmul.f32 v20, v24  }
0x176: {  	v30 =	vld [tilespmem:s13+$0x1040];
	[tilespmem:s7+$0x6030] =	vst v31;
	v31 =	vadd.f32 v57, v22  }
0x177: {  	[tilespmem:s7+$0x60B0] =	vst v29;
	v20 =	vadd.f32 v20, v19  }
0x178: {  	v29 =	vld [tilespmem:s14+$0x1040];
	[tilespmem:s17+$0x6030] =	vst v31  }
0x179: {  	v28 =	vcvt.s32.f32 v28;
	[tilespmem:s17+$0x60B0] =	vst v20  }
0x17a: {  	v20 =	vld [tilespmem:s4+$0x1040]  }
0x17b: {  	v30 =	vcvt.s32.f32 v30;
	v31 =	vmul.f32 v28, v8  }
0x17c: {  	v28 =	vmul.f32 v28, v10  }
0x17d: {  	v58 =	vmul.f32 v30, v12;
	v29 =	vcvt.s32.f32 v29;
	v31 =	vadd.f32 v31, v9  }
0x17e: {  	v30 =	vmul.f32 v30, v15;
	v28 =	vadd.f32 v28, v11  }
0x17f: {  	v59 =	vmul.f32 v29, v17;
	[tilespmem:s6+$0x6040] =	vst v31;
	v31 =	vadd.f32 v58, v14;
	v20 =	vcvt.s32.f32 v20  }
0x180: {  	v29 =	vmul.f32 v29, v18;
	[tilespmem:s6+$0x60C0] =	vst v28;
	v28 =	vadd.f32 v30, v13  }
0x181: {  	v30 =	vld [tilespmem:s8+$0x1050];
	[tilespmem:s12+$0x6040] =	vst v31;
	v31 =	vadd.f32 v59, v16;
	v60 =	vmul.f32 v20, v23  }
0x182: {  	[tilespmem:s12+$0x60C0] =	vst v28;
	v28 =	vadd.f32 v29, v21;
	v20 =	vmul.f32 v20, v24  }
0x183: {  	v29 =	vld [tilespmem:s13+$0x1050];
	[tilespmem:s7+$0x6040] =	vst v31;
	v31 =	vadd.f32 v60, v22  }
0x184: {  	[tilespmem:s7+$0x60C0] =	vst v28;
	v20 =	vadd.f32 v20, v19  }
0x185: {  	v28 =	vld [tilespmem:s14+$0x1050];
	[tilespmem:s17+$0x6040] =	vst v31  }
0x186: {  	v30 =	vcvt.s32.f32 v30;
	[tilespmem:s17+$0x60C0] =	vst v20  }
0x187: {  	v20 =	vmul.f32 v26, v7;
	v26 =	vld [tilespmem:s4+$0x1050]  }
0x188: {  	v27 =	vadd.f32 v27, v3;
	v31 =	vmul.f32 v30, v8;
	v29 =	vcvt.s32.f32 v29  }
0x189: {  	v30 =	vmul.f32 v30, v10;
	v20 =	vadd.f32 v20, v6  }
0x18a: {  	[tilespmem:s3+$0x6050] =	vst v27;
	v27 =	vadd.f32 v31, v9;
	v31 =	vmul.f32 v29, v12;
	v28 =	vcvt.s32.f32 v28  }
0x18b: {  	v29 =	vmul.f32 v29, v15;
	[tilespmem:s3+$0x60D0] =	vst v20;
	v20 =	vadd.f32 v30, v11  }
0x18c: {  	[tilespmem:s6+$0x6050] =	vst v27;
	v27 =	vadd.f32 v31, v14;
	v31 =	vmul.f32 v28, v17;
	v30 =	vld [tilespmem:s5+$0x1060];
	v26 =	vcvt.s32.f32 v26  }
0x18d: {  	v28 =	vmul.f32 v28, v18;
	[tilespmem:s6+$0x60D0] =	vst v20;
	v20 =	vadd.f32 v29, v13  }
0x18e: {  	[tilespmem:s12+$0x6050] =	vst v27;
	v27 =	vadd.f32 v31, v16;
	v29 =	vld [tilespmem:s8+$0x1060];
	v31 =	vmul.f32 v26, v23  }
0x18f: {  	[tilespmem:s12+$0x60D0] =	vst v20;
	v20 =	vadd.f32 v28, v21;
	v26 =	vmul.f32 v26, v24  }
0x190: {  	[tilespmem:s7+$0x6050] =	vst v27;
	v28 =	vld [tilespmem:s13+$0x1060];
	v27 =	vadd.f32 v31, v22  }
0x191: {  	v30 =	vcvt.s32.f32 v30;
	[tilespmem:s7+$0x60D0] =	vst v20;
	v20 =	vadd.f32 v26, v19  }
0x192: {  	v26 =	vld [tilespmem:s14+$0x1060];
	[tilespmem:s17+$0x6050] =	vst v27  }
0x193: {  	v27 =	vmul.f32 v30, v4;
	v29 =	vcvt.s32.f32 v29;
	[tilespmem:s17+$0x60D0] =	vst v20  }
0x194: {  	v20 =	vmul.f32 v30, v7;
	v30 =	vld [tilespmem:s4+$0x1060]  }
0x195: {  	v27 =	vadd.f32 v27, v3;
	v31 =	vmul.f32 v29, v8;
	v28 =	vcvt.s32.f32 v28  }
0x196: {  	[tilespmem:s0+$0x60E0] =	vst v25;
	v20 =	vadd.f32 v20, v6;
	v25 =	vmul.f32 v29, v10  }
0x197: {  	v29 =	vld [tilespmem:s15+$0x1070];
	[tilespmem:s3+$0x6060] =	vst v27;
	v27 =	vadd.f32 v31, v9;
	v31 =	vmul.f32 v28, v12;
	v26 =	vcvt.s32.f32 v26  }
0x198: {  	[tilespmem:s3+$0x60E0] =	vst v20;
	v20 =	vadd.f32 v25, v11;
	v25 =	vmul.f32 v28, v15  }
0x199: {  	v28 =	vld [tilespmem:s5+$0x1070];
	[tilespmem:s6+$0x6060] =	vst v27;
	v27 =	vadd.f32 v31, v14;
	v31 =	vmul.f32 v26, v17;
	v30 =	vcvt.s32.f32 v30  }
0x19a: {  	[tilespmem:s6+$0x60E0] =	vst v20;
	v20 =	vadd.f32 v25, v13;
	v25 =	vmul.f32 v26, v18  }
0x19b: {  	v26 =	vld [tilespmem:s8+$0x1070];
	[tilespmem:s12+$0x6060] =	vst v27;
	v27 =	vadd.f32 v31, v16;
	v31 =	vmul.f32 v30, v23  }
0x19c: {  	v29 =	vcvt.s32.f32 v29;
	[tilespmem:s12+$0x60E0] =	vst v20;
	v20 =	vadd.f32 v25, v21;
	v25 =	vmul.f32 v30, v24  }
0x19d: {  	v30 =	vld [tilespmem:s13+$0x1070];
	[tilespmem:s7+$0x6060] =	vst v27;
	v27 =	vadd.f32 v31, v22  }
0x19e: {  	v2 =	vmul.f32 v29, v2;
	v28 =	vcvt.s32.f32 v28;
	[tilespmem:s7+$0x60E0] =	vst v20;
	v20 =	vadd.f32 v25, v19  }
0x19f: {  	v1 =	vmul.f32 v29, v1;
	v25 =	vld [tilespmem:s14+$0x1070];
	[tilespmem:s17+$0x6060] =	vst v27  }
0x1a0: {  	v2 =	vadd.f32 v2, v5;
	v5 =	vmul.f32 v28, v7;
	v7 =	vcvt.s32.f32 v26;
	[tilespmem:s17+$0x60E0] =	vst v20  }
0x1a1: {  	v0 =	vadd.f32 v1, v0;
	v1 =	vmul.f32 v28, v4;
	v4 =	vld [tilespmem:s4+$0x1070]  }
0x1a2: {  	[tilespmem:s0+$0x60F0] =	vst v2;
	v2 =	vadd.f32 v5, v6;
	v5 =	vmul.f32 v7, v10;
	v6 =	vcvt.s32.f32 v30  }
0x1a3: {  	[tilespmem:s0+$0x6070] =	vst v0;
	v0 =	vadd.f32 v1, v3;
	v1 =	vmul.f32 v7, v8  }
0x1a4: {  	[tilespmem:s3+$0x60F0] =	vst v2;
	v2 =	vadd.f32 v5, v11;
	v3 =	vmul.f32 v6, v15;
	v5 =	vcvt.s32.f32 v25  }
0x1a5: {  	[tilespmem:s3+$0x6070] =	vst v0;
	v0 =	vadd.f32 v1, v9;
	v1 =	vmul.f32 v6, v12  }
0x1a6: {  	[tilespmem:s6+$0x60F0] =	vst v2;
	v2 =	vadd.f32 v3, v13;
	v3 =	vmul.f32 v5, v18;
	v4 =	vcvt.s32.f32 v4  }
0x1a7: {  	[tilespmem:s6+$0x6070] =	vst v0;
	v0 =	vadd.f32 v1, v14;
	v1 =	vmul.f32 v5, v17  }
0x1a8: {  	[tilespmem:s12+$0x60F0] =	vst v2;
	v2 =	vadd.f32 v3, v21;
	v3 =	vmul.f32 v4, v24  }
0x1a9: {  	[tilespmem:s12+$0x6070] =	vst v0;
	v0 =	vadd.f32 v1, v16;
	v1 =	vmul.f32 v4, v23  }
0x1aa: {  	s6 =	sshll.u32 s30, $0x14;
	[tilespmem:s7+$0x60F0] =	vst v2;
	v2 =	vadd.f32 v3, v19  }
0x1ab: {  	s0 =	sor.u32 s11, s6;
	[tilespmem:s7+$0x6070] =	vst v0;
	v0 =	vadd.f32 v1, v22  }
0x1ac: {  	s0 =	sshrl.u32 s0, $0x3;
	[tilespmem:s17+$0x60F0] =	vst v2  }
0x1ad: {  	p1 =	seq.s32 s30, $0x1E;
	s0 =	sadd.s32 s2, s0;
	[tilespmem:s17+$0x6070] =	vst v0  }
0x1ae: {  	[hbm4b:s0+s22] =	stream.strided.scatter [tilespmem:s24], [sflag:$0x3], $0x4000, s23, s22, $0x38;
	[tilespmem:$0xD000] =	vst v63  }
0x1af: {  	s0 =	sshll.u32 @!p1 s30, $0x13  }
0x1b0: {  	s0 =	sadd.s32 @!p1 s9, s0  }
0x1b1: {  	s5 =	simm.s32 @!p1 $0x0;
	s0 =	sshrl.u32 @!p1 s0, $0x3  }
0x1b2: {  	s4 =	simm.s32 @!p1 $0x20000;
	s3 =	simm.s32 @!p1 $0x1000;
	s0 =	sadd.s32 @!p1 s1, s0  }
0x1b3: {  	[tilespmem:s5], [sflag:$0x1] =	stream.strided.gather @!p1 [hbm4b:s0+s3], $0x2000, s4, s3, $0x38;
	[tilespmem:$0xD000] =	vst v63  }
0x1b4: {  	_ =	swait.ge [sflag:s25], $0x2000  }
0x1b5: {  	[sflag:s25] =	ssyncset.done $0x0  }
0x1b6: {  	s31 =	sor.u32 $0x1, s31;
	s3 =	simm.s32 @!p0 $0x4;
	[sflag:s25] =	ssyncadd.s32 $0xFFFFE000  }
0x1b7: {  	s8 =	simm.s32 $0x0;
	s12 =	simm.s32 $0x0;
	_ =	swait.ge @!p0 [sflag:s3], $0x4000  }
0x1b8: {  	s0 =	sshll.u32 s31, $0x5;
	s4 =	sand.u32 $0x3, s8;
	[sflag:s3] =	ssyncset.done @!p0 $0x0  }
0x1b9: {  	s5 =	sand.u32 $0x3FFFFF80, s12;
	s13 =	sshll.u32 s4, $0xA;
	[sflag:s3] =	ssyncadd.s32 @!p0 $0xFFFFC000  }
0x1ba: {  	s17 =	sadd.s32 s5, s13;
	v19 =	vld [tilespmem:s0+$0xC000]  }
0x1bb: {  	v0 =	vld [tilespmem:s17+$0x2000];
	_ =	sdelay $0x1  }
0x1bc: {  	v20 =	vld [tilespmem:s0+$0xC800]  }
0x1bd: {  	s14 =	simm.s32 $0x0  }
0x1be: {  	v3 =	vmov s14  }
0x1bf: {  	v4 =	vor.u32 $0x1, v3;
	v1 =	vperm.xlane v19, v3;
	v6 =	vcvt.s32.f32 v0  }
0x1c0: {  	v2 =	vperm.xlane v19, v4  }
0x1c1: {  	v0 =	vperm.xlane v20, v3;
	v3 =	vmul.f32 v6, v1  }
0x1c2: {  	v5 =	vperm.xlane v20, v4;
	v4 =	vmul.f32 v6, v2  }
0x1c3: {  	s15 =	simm.s32 $0x0;
	s4 =	sshll.u32 s4, $0x8;
	v3 =	vadd.f32 v3, v0  }
0x1c4: {  	s3 =	sor.u32 s4, s15;
	v4 =	vadd.f32 v4, v5  }
0x1c5: {  	[tilespmem:s3+$0x8000] =	vst v3  }
0x1c6: {  	[tilespmem:s3+$0x8080] =	vst v4  }
0x1c7: {  	s16 =	simm.s32 $0x1;
	v3 =	vld [tilespmem:s17+$0x2010]  }
0x1c8: {  	s20 =	simm.s32 $0x20;
	s4 =	sand.u32 $0x3, s16  }
0x1c9: {  	s5 =	sand.u32 $0x3FFFFF80, s20;
	s26 =	sshll.u32 s4, $0xA  }
0x1ca: {  	s5 =	sadd.s32 s5, s26  }
0x1cb: {  	v6 =	vld [tilespmem:s5+$0x2000]  }
0x1cc: {  	v3 =	vcvt.s32.f32 v3  }
0x1cd: {  	s29 =	simm.s32 $0x0  }
0x1ce: {  	v8 =	vmov s29;
	v7 =	vmul.f32 v3, v1  }
0x1cf: {  	v9 =	vor.u32 $0x1, v8;
	v3 =	vmul.f32 v3, v2  }
0x1d0: {  	v4 =	vperm.xlane v19, v8;
	v10 =	vcvt.s32.f32 v6;
	v6 =	vadd.f32 v7, v0  }
0x1d1: {  	v7 =	vperm.xlane v19, v9;
	v11 =	vadd.f32 v3, v5  }
0x1d2: {  	v3 =	vperm.xlane v20, v8;
	v8 =	vmul.f32 v10, v4;
	[tilespmem:s3+$0x8010] =	vst v6  }
0x1d3: {  	v6 =	vperm.xlane v20, v9;
	v9 =	vmul.f32 v10, v7;
	[tilespmem:s3+$0x8090] =	vst v11  }
0x1d4: {  	s7 =	simm.s32 $0x0;
	s4 =	sshll.u32 s4, $0x8;
	v8 =	vadd.f32 v8, v3;
	v10 =	vld [tilespmem:s17+$0x2020]  }
0x1d5: {  	s15 =	sor.u32 s4, s7;
	v9 =	vadd.f32 v9, v6  }
0x1d6: {  	[tilespmem:s15+$0x8000] =	vst v8  }
0x1d7: {  	[tilespmem:s15+$0x8080] =	vst v9  }
0x1d8: {  	s8 =	simm.s32 $0x2;
	v8 =	vld [tilespmem:s5+$0x2010]  }
0x1d9: {  	s12 =	simm.s32 $0x40;
	s4 =	sand.u32 $0x3, s8;
	v9 =	vcvt.s32.f32 v10  }
0x1da: {  	s6 =	sand.u32 $0x3FFFFF80, s12;
	s13 =	sshll.u32 s4, $0xA  }
0x1db: {  	s8 =	sadd.s32 s6, s13;
	v10 =	vmul.f32 v9, v1  }
0x1dc: {  	v11 =	vld [tilespmem:s8+$0x2000];
	v9 =	vmul.f32 v9, v2  }
0x1dd: {  	v12 =	vcvt.s32.f32 v8;
	v8 =	vadd.f32 v10, v0  }
0x1de: {  	s14 =	simm.s32 $0x0;
	v9 =	vadd.f32 v9, v5  }
0x1df: {  	v13 =	vmov s14;
	v10 =	vmul.f32 v12, v4;
	[tilespmem:s3+$0x8020] =	vst v8  }
0x1e0: {  	v14 =	vor.u32 $0x1, v13;
	v12 =	vmul.f32 v12, v7;
	[tilespmem:s3+$0x80A0] =	vst v9  }
0x1e1: {  	v15 =	vcvt.s32.f32 v11;
	v8 =	vperm.xlane v19, v13;
	v16 =	vld [tilespmem:s17+$0x2030];
	v11 =	vadd.f32 v10, v3  }
0x1e2: {  	v10 =	vperm.xlane v19, v14;
	v12 =	vadd.f32 v12, v6  }
0x1e3: {  	v9 =	vperm.xlane v20, v13;
	v13 =	vmul.f32 v15, v8;
	[tilespmem:s15+$0x8010] =	vst v11  }
0x1e4: {  	v11 =	vperm.xlane v20, v14;
	v14 =	vmul.f32 v15, v10;
	[tilespmem:s15+$0x8090] =	vst v12  }
0x1e5: {  	s16 =	simm.s32 $0x0;
	s4 =	sshll.u32 s4, $0x8;
	v12 =	vadd.f32 v13, v9;
	v13 =	vld [tilespmem:s5+$0x2020]  }
0x1e6: {  	s6 =	sor.u32 s4, s16;
	v14 =	vadd.f32 v14, v11;
	v15 =	vcvt.s32.f32 v16  }
0x1e7: {  	s20 =	simm.s32 $0x3;
	[tilespmem:s6+$0x8000] =	vst v12  }
0x1e8: {  	s26 =	simm.s32 $0x60;
	s4 =	sand.u32 $0x3, s20;
	[tilespmem:s6+$0x8080] =	vst v14;
	v12 =	vmul.f32 v15, v1  }
0x1e9: {  	s7 =	sand.u32 $0x3FFFFF80, s26;
	s29 =	sshll.u32 s4, $0xA;
	v15 =	vmul.f32 v15, v2;
	v14 =	vld [tilespmem:s8+$0x2010]  }
0x1ea: {  	s13 =	sadd.s32 s7, s29;
	v13 =	vcvt.s32.f32 v13;
	v12 =	vadd.f32 v12, v0  }
0x1eb: {  	v17 =	vld [tilespmem:s13+$0x2000];
	v15 =	vadd.f32 v15, v5  }
0x1ec: {  	v16 =	vmul.f32 v13, v4;
	[tilespmem:s3+$0x8030] =	vst v12  }
0x1ed: {  	v12 =	vmul.f32 v13, v7;
	[tilespmem:s3+$0x80B0] =	vst v15  }
0x1ee: {  	v13 =	vcvt.s32.f32 v14;
	v14 =	vadd.f32 v16, v3;
	v16 =	vld [tilespmem:s17+$0x2040]  }
0x1ef: {  	s12 =	simm.s32 $0x0;
	v18 =	vadd.f32 v12, v6  }
0x1f0: {  	v17 =	vcvt.s32.f32 v17;
	v15 =	vmov s12;
	v21 =	vmul.f32 v13, v8;
	[tilespmem:s15+$0x8020] =	vst v14  }
0x1f1: {  	v22 =	vor.u32 $0x1, v15;
	v12 =	vperm.xlane v19, v15;
	v13 =	vmul.f32 v13, v10;
	[tilespmem:s15+$0x80A0] =	vst v18  }
0x1f2: {  	v14 =	vperm.xlane v20, v15;
	v15 =	vperm.xlane v19, v22;
	v18 =	vadd.f32 v21, v9;
	v21 =	vld [tilespmem:s5+$0x2030]  }
0x1f3: {  	v24 =	vmul.f32 v17, v12;
	v23 =	vadd.f32 v13, v11;
	v16 =	vcvt.s32.f32 v16  }
0x1f4: {  	v13 =	vperm.xlane v20, v22;
	v17 =	vmul.f32 v17, v15;
	[tilespmem:s6+$0x8010] =	vst v18  }
0x1f5: {  	s14 =	simm.s32 $0x0;
	s4 =	sshll.u32 s4, $0x8;
	[tilespmem:s6+$0x8090] =	vst v23;
	v18 =	vadd.f32 v24, v14;
	v22 =	vmul.f32 v16, v1  }
0x1f6: {  	s12 =	sor.u32 s4, s14;
	v17 =	vadd.f32 v17, v13;
	v23 =	vld [tilespmem:s8+$0x2020];
	v16 =	vmul.f32 v16, v2  }
0x1f7: {  	[tilespmem:s12+$0x8000] =	vst v18;
	v21 =	vcvt.s32.f32 v21;
	v18 =	vadd.f32 v22, v0  }
0x1f8: {  	[tilespmem:s12+$0x8080] =	vst v17;
	v16 =	vadd.f32 v16, v5  }
0x1f9: {  	s16 =	simm.s32 $0x4;
	v22 =	vld [tilespmem:s13+$0x2010];
	v17 =	vmul.f32 v21, v4;
	[tilespmem:s3+$0x8040] =	vst v18  }
0x1fa: {  	s20 =	simm.s32 $0x80;
	s4 =	sand.u32 $0x3, s16;
	v18 =	vmul.f32 v21, v7;
	[tilespmem:s3+$0x80C0] =	vst v16  }
0x1fb: {  	s7 =	sand.u32 $0x3FFFFF80, s20;
	s26 =	sshll.u32 s4, $0xA;
	v16 =	vcvt.s32.f32 v23;
	v21 =	vld [tilespmem:s17+$0x2050];
	v17 =	vadd.f32 v17, v3  }
0x1fc: {  	s14 =	sadd.s32 s7, s26;
	v18 =	vadd.f32 v18, v6  }
0x1fd: {  	s29 =	simm.s32 $0x2;
	v24 =	vld [tilespmem:s14+$0x2000];
	v23 =	vmul.f32 v16, v8;
	[tilespmem:s15+$0x8030] =	vst v17  }
0x1fe: {  	v25 =	vmov s29;
	v17 =	vmul.f32 v16, v10;
	[tilespmem:s15+$0x80B0] =	vst v18;
	v18 =	vcvt.s32.f32 v22  }
0x1ff: {  	v16 =	vperm.xlane v20, v25;
	v22 =	vadd.f32 v23, v9;
	v23 =	vld [tilespmem:s5+$0x2040]  }
0x200: {  	v26 =	vadd.f32 v17, v11;
	v27 =	vmul.f32 v18, v12;
	v21 =	vcvt.s32.f32 v21  }
0x201: {  	v17 =	vperm.xlane v19, v25;
	[tilespmem:s6+$0x8020] =	vst v22;
	v22 =	vor.u32 $0x1, v25;
	v25 =	vmul.f32 v18, v15  }
0x202: {  	s20 =	simm.s32 $0x5;
	v24 =	vcvt.s32.f32 v24;
	[tilespmem:s6+$0x80A0] =	vst v26;
	v26 =	vadd.f32 v27, v14;
	v27 =	vmul.f32 v21, v1  }
0x203: {  	s28 =	sand.u32 $0x3, s20;
	v18 =	vperm.xlane v19, v22;
	v29 =	vmul.f32 v21, v2;
	v25 =	vadd.f32 v25, v13  }
0x204: {  	s16 =	simm.s32 $0x400;
	s4 =	sshll.u32 s4, $0x8;
	s26 =	simm.s32 $0xA0;
	v30 =	vmul.f32 v24, v17;
	v28 =	vld [tilespmem:s8+$0x2030];
	[tilespmem:s12+$0x8010] =	vst v26;
	v23 =	vcvt.s32.f32 v23;
	v26 =	vadd.f32 v27, v0  }
0x205: {  	s20 =	sshll.u32 s28, $0xA;
	s7 =	sor.u32 s4, s16;
	s4 =	sand.u32 $0x3FFFFF80, s26;
	v21 =	vperm.xlane v20, v22;
	v22 =	vmul.f32 v24, v18;
	v24 =	vadd.f32 v29, v5;
	[tilespmem:s12+$0x8090] =	vst v25  }
0x206: {  	s4 =	sadd.s32 s4, s20;
	v25 =	vadd.f32 v30, v16;
	v27 =	vld [tilespmem:s13+$0x2020];
	v29 =	vmul.f32 v23, v4;
	[tilespmem:s3+$0x8050] =	vst v26  }
0x207: {  	v31 =	vld [tilespmem:s4+$0x2000];
	v22 =	vadd.f32 v22, v21;
	v23 =	vmul.f32 v23, v7;
	[tilespmem:s3+$0x80D0] =	vst v24  }
0x208: {  	[tilespmem:s7+$0x8000] =	vst v25;
	v26 =	vld [tilespmem:s17+$0x2060];
	v25 =	vadd.f32 v29, v3  }
0x209: {  	v24 =	vcvt.s32.f32 v28;
	[tilespmem:s7+$0x8080] =	vst v22;
	v22 =	vadd.f32 v23, v6  }
0x20a: {  	v28 =	vld [tilespmem:s14+$0x2010];
	[tilespmem:s15+$0x8040] =	vst v25  }
0x20b: {  	v23 =	vmul.f32 v24, v8;
	[tilespmem:s15+$0x80C0] =	vst v22;
	v25 =	vcvt.s32.f32 v27  }
0x20c: {  	v31 =	vcvt.s32.f32 v31;
	v22 =	vmul.f32 v24, v10;
	v24 =	vld [tilespmem:s5+$0x2050]  }
0x20d: {  	s29 =	simm.s32 $0x2;
	v23 =	vadd.f32 v23, v9;
	v26 =	vcvt.s32.f32 v26;
	v29 =	vmul.f32 v25, v12  }
0x20e: {  	v27 =	vmov s29;
	v30 =	vadd.f32 v22, v11;
	v25 =	vmul.f32 v25, v15  }
0x20f: {  	[tilespmem:s6+$0x8030] =	vst v23;
	v61 =	vcvt.s32.f32 v28;
	v28 =	vadd.f32 v29, v14;
	v29 =	vmul.f32 v26, v1  }
0x210: {  	v22 =	vperm.xlane v20, v27;
	[tilespmem:s6+$0x80B0] =	vst v30;
	v62 =	vmul.f32 v26, v2;
	v25 =	vadd.f32 v25, v13  }
0x211: {  	v63 =	vmul.f32 v61, v17;
	v26 =	vcvt.s32.f32 v24;
	[tilespmem:s12+$0x8020] =	vst v28;
	v24 =	vadd.f32 v29, v0;
	v28 =	vld [tilespmem:s8+$0x2040]  }
0x212: {  	v23 =	vperm.xlane v19, v27;
	v30 =	vor.u32 $0x1, v27;
	v32 =	vmul.f32 v61, v18;
	[tilespmem:s12+$0x80A0] =	vst v25  }
0x213: {  	s16 =	simm.s32 $0x6;
	s26 =	simm.s32 $0x1;
	v25 =	vadd.f32 v62, v5;
	v33 =	vadd.f32 v63, v16;
	v29 =	vld [tilespmem:s13+$0x2030];
	v27 =	vmul.f32 v26, v4;
	[tilespmem:s3+$0x8060] =	vst v24  }
.LBB2_7:
0x214: {  	v24 =	vperm.xlane v19, v30;
	v32 =	vadd.f32 v32, v21;
	v26 =	vmul.f32 v26, v7  }
0x215: {  	p0 =	sne.s32 s16, $0x1F;
	[tilespmem:s3+$0x80E0] =	vst v25;
	v34 =	vmovc v13;
	v13 =	vmovc v21;
	v25 =	vmov v0;
	v0 =	vmov v3;
	v3 =	vmov v9  }
0x216: {  	v9 =	vmovc v14;
	v35 =	vmul.f32 v31, v23;
	[tilespmem:s7+$0x8010] =	vst v33;
	v28 =	vcvt.s32.f32 v28;
	v27 =	vadd.f32 v27, v0;
	v33 =	vld [tilespmem:s17+$0x2070];
	s17 =	smov.u32 s5;
	s5 =	smov.u32 s8;
	s8 =	smov.u32 s13  }
0x217: {  	v21 =	vperm.xlane v20, v30;
	s20 =	sshll.u32 s26, $0xC;
	s13 =	smov.u32 s14;
	s14 =	smov.u32 s4;
	v30 =	vmul.f32 v31, v24;
	[tilespmem:s7+$0x8090] =	vst v32;
	v36 =	vadd.f32 v26, v6  }
0x218: {  	v14 =	vmovc v16;
	v16 =	vmov v22;
	s4 =	sshra.s32 s20, $0x2;
	s20 =	sshll.u32 s28, $0x8;
	v31 =	vadd.f32 v35, v22;
	v32 =	vld [tilespmem:s13+$0x2020];
	v35 =	vmul.f32 v28, v8;
	[tilespmem:s15+$0x8050] =	vst v27  }
0x219: {  	s29 =	sor.u32 s20, s4;
	v28 =	vmul.f32 v28, v10;
	v22 =	vadd.f32 v30, v21;
	v27 =	vcvt.s32.f32 v29;
	[tilespmem:s15+$0x80D0] =	vst v36;
	v26 =	vmovc v1  }
0x21a: {  	v1 =	vmovc v4;
	v4 =	vmovc v8;
	v8 =	vmov v12;
	v12 =	vmov v17;
	[tilespmem:s29+$0x8000] =	vst v31;
	v29 =	vadd.f32 v35, v3;
	v30 =	vld [tilespmem:s17+$0x2060]  }
0x21b: {  	v17 =	vmovc v23;
	v28 =	vadd.f32 v28, v11;
	[tilespmem:s29+$0x8080] =	vst v22;
	v22 =	vmul.f32 v27, v8;
	v31 =	vcvt.s32.f32 v33  }
0x21c: {  	s26 =	sshrl.u32 s16, $0x2;
	v27 =	vmul.f32 v27, v15;
	v23 =	vld [tilespmem:s14+$0x2010];
	[tilespmem:s6+$0x8040] =	vst v29  }
0x21d: {  	s28 =	sand.u32 $0x3, s16;
	s4 =	sshll.u32 s26, $0x1;
	s20 =	sshll.u32 s16, $0x5;
	v29 =	vcvt.s32.f32 v32;
	v22 =	vadd.f32 v22, v9;
	[tilespmem:s6+$0x80C0] =	vst v28;
	v28 =	vmul.f32 v31, v2;
	v2 =	vmovc v7  }
0x21e: {  	s20 =	sand.u32 $0x3FFFFF80, s20;
	v32 =	vmov s4;
	s4 =	sshll.u32 s28, $0xA;
	v27 =	vadd.f32 v27, v34;
	v26 =	vmul.f32 v31, v26;
	v7 =	vmovc v10;
	v10 =	vmovc v15;
	v33 =	vld [tilespmem:s5+$0x2050]  }
0x21f: {  	v15 =	vmovc v18;
	s4 =	sadd.s32 s20, s4;
	v31 =	vmul.f32 v29, v12;
	[tilespmem:s12+$0x8030] =	vst v22;
	v30 =	vcvt.s32.f32 v30;
	v5 =	vadd.f32 v28, v5  }
0x220: {  	v22 =	vperm.xlane v20, v32;
	v28 =	vmul.f32 v29, v15;
	v25 =	vadd.f32 v26, v25;
	v35 =	vld [tilespmem:s4+$0x2000];
	[tilespmem:s12+$0x80B0] =	vst v27  }
.Ltmp2:
0x221: {  	v18 =	vmovc v24;
	v27 =	vcvt.s32.f32 v23;
	v26 =	vadd.f32 v31, v14;
	v29 =	vmul.f32 v30, v1;
	[tilespmem:s3+$0x80F0] =	vst v5;
	(pc) =	sbr.rel @p0 .LBB2_7-.Ltmp2, $4  }
0x222: {  	v23 =	vperm.xlane v19, v32;
	v24 =	vadd.f32 v28, v13;
	v31 =	vmul.f32 v30, v2;
	v28 =	vld [tilespmem:s8+$0x2040];
	[tilespmem:s3+$0x8070] =	vst v25;
	s3 =	smov.u32 s15;
	s15 =	smov.u32 s6;
	s6 =	smov.u32 s12  }
0x223: {  	s12 =	smov.u32 s7;
	v36 =	vmul.f32 v27, v17;
	[tilespmem:s7+$0x8020] =	vst v26;
	v26 =	vcvt.s32.f32 v33;
	v37 =	vadd.f32 v29, v0;
	v5 =	vmovc v6;
	s7 =	smov.u32 s29  }
0x224: {  	v30 =	vor.u32 $0x1, v32;
	v32 =	vmul.f32 v27, v18;
	v6 =	vmovc v11;
	[tilespmem:s12+$0x80A0] =	vst v24;
	v25 =	vadd.f32 v31, v5  }
0x225: {  	s16 =	sadd.s32 $0x1, s16;
	v11 =	vmovc v34;
	v31 =	vcvt.s32.f32 v35;
	v33 =	vadd.f32 v36, v16;
	v29 =	vld [tilespmem:s13+$0x2030];
	v27 =	vmul.f32 v26, v4;
	[tilespmem:s3+$0x8060] =	vst v37  }
0x226: {  	v24 =	vperm.xlane v19, v30  }
0x227: {  	v34 =	vmul.f32 v31, v23  }
0x228: {  	v19 =	vperm.xlane v20, v30;
	s16 =	sshll.u32 s26, $0xC;
	v20 =	vmul.f32 v31, v24  }
0x229: {  	s20 =	sshll.u32 s28, $0x8;
	s16 =	sshra.s32 s16, $0x2;
	v30 =	vadd.f32 v34, v22  }
0x22a: {  	s28 =	sor.u32 s20, s16;
	v20 =	vadd.f32 v20, v19  }
0x22b: {  	[tilespmem:s28+$0x8000] =	vst v30  }
0x22c: {  	[tilespmem:s28+$0x8080] =	vst v20  }
0x22d: {  	v20 =	vld [tilespmem:s4+$0x2010];
	_ =	sdelay $0x4  }
0x22e: {  	v20 =	vcvt.s32.f32 v20;
	_ =	sdelay $0x1  }
0x22f: {  	v30 =	vmul.f32 v20, v23  }
0x230: {  	v31 =	vadd.f32 v32, v21;
	v20 =	vmul.f32 v20, v24  }
0x231: {  	[tilespmem:s7+$0x8010] =	vst v33;
	v30 =	vadd.f32 v30, v22  }
0x232: {  	[tilespmem:s7+$0x8090] =	vst v31;
	v20 =	vadd.f32 v20, v19  }
0x233: {  	v31 =	vld [tilespmem:s14+$0x2020];
	[tilespmem:s28+$0x8010] =	vst v30  }
0x234: {  	[tilespmem:s28+$0x8090] =	vst v20  }
0x235: {  	v20 =	vld [tilespmem:s4+$0x2020];
	_ =	sdelay $0x2  }
0x236: {  	v30 =	vcvt.s32.f32 v31;
	_ =	sdelay $0x1  }
0x237: {  	v31 =	vmul.f32 v30, v17;
	v20 =	vcvt.s32.f32 v20  }
0x238: {  	v30 =	vmul.f32 v30, v18  }
0x239: {  	v31 =	vadd.f32 v31, v16;
	v55 =	vmul.f32 v20, v23  }
0x23a: {  	v30 =	vadd.f32 v30, v21;
	v20 =	vmul.f32 v20, v24  }
0x23b: {  	[tilespmem:s7+$0x8020] =	vst v31;
	v31 =	vadd.f32 v55, v22  }
0x23c: {  	[tilespmem:s7+$0x80A0] =	vst v30;
	v20 =	vadd.f32 v20, v19  }
0x23d: {  	v30 =	vld [tilespmem:s14+$0x2030];
	[tilespmem:s28+$0x8020] =	vst v31  }
0x23e: {  	[tilespmem:s28+$0x80A0] =	vst v20  }
0x23f: {  	v20 =	vld [tilespmem:s4+$0x2030]  }
0x240: {  	v29 =	vcvt.s32.f32 v29;
	_ =	sdelay $0x1  }
0x241: {  	v31 =	vmul.f32 v29, v12;
	v30 =	vcvt.s32.f32 v30  }
0x242: {  	v29 =	vmul.f32 v29, v15  }
0x243: {  	v31 =	vadd.f32 v31, v14;
	v56 =	vmul.f32 v30, v17;
	v20 =	vcvt.s32.f32 v20  }
0x244: {  	v29 =	vadd.f32 v29, v13;
	v30 =	vmul.f32 v30, v18  }
0x245: {  	[tilespmem:s12+$0x8030] =	vst v31;
	v31 =	vadd.f32 v56, v16;
	v57 =	vmul.f32 v20, v23  }
0x246: {  	[tilespmem:s12+$0x80B0] =	vst v29;
	v29 =	vadd.f32 v30, v21;
	v20 =	vmul.f32 v20, v24  }
0x247: {  	v30 =	vld [tilespmem:s13+$0x2040];
	[tilespmem:s7+$0x8030] =	vst v31;
	v31 =	vadd.f32 v57, v22  }
0x248: {  	[tilespmem:s7+$0x80B0] =	vst v29;
	v20 =	vadd.f32 v20, v19  }
0x249: {  	v29 =	vld [tilespmem:s14+$0x2040];
	[tilespmem:s28+$0x8030] =	vst v31  }
0x24a: {  	v28 =	vcvt.s32.f32 v28;
	[tilespmem:s28+$0x80B0] =	vst v20  }
0x24b: {  	v20 =	vld [tilespmem:s4+$0x2040]  }
0x24c: {  	v30 =	vcvt.s32.f32 v30;
	v31 =	vmul.f32 v28, v8  }
0x24d: {  	v28 =	vmul.f32 v28, v10  }
0x24e: {  	v58 =	vmul.f32 v30, v12;
	v29 =	vcvt.s32.f32 v29;
	v31 =	vadd.f32 v31, v9  }
0x24f: {  	v30 =	vmul.f32 v30, v15;
	v28 =	vadd.f32 v28, v11  }
0x250: {  	v59 =	vmul.f32 v29, v17;
	[tilespmem:s6+$0x8040] =	vst v31;
	v31 =	vadd.f32 v58, v14;
	v20 =	vcvt.s32.f32 v20  }
0x251: {  	v29 =	vmul.f32 v29, v18;
	[tilespmem:s6+$0x80C0] =	vst v28;
	v28 =	vadd.f32 v30, v13  }
0x252: {  	v30 =	vld [tilespmem:s8+$0x2050];
	[tilespmem:s12+$0x8040] =	vst v31;
	v31 =	vadd.f32 v59, v16;
	v60 =	vmul.f32 v20, v23  }
0x253: {  	[tilespmem:s12+$0x80C0] =	vst v28;
	v28 =	vadd.f32 v29, v21;
	v20 =	vmul.f32 v20, v24  }
0x254: {  	v29 =	vld [tilespmem:s13+$0x2050];
	[tilespmem:s7+$0x8040] =	vst v31;
	v31 =	vadd.f32 v60, v22  }
0x255: {  	[tilespmem:s7+$0x80C0] =	vst v28;
	v20 =	vadd.f32 v20, v19  }
0x256: {  	v28 =	vld [tilespmem:s14+$0x2050];
	[tilespmem:s28+$0x8040] =	vst v31  }
0x257: {  	v30 =	vcvt.s32.f32 v30;
	[tilespmem:s28+$0x80C0] =	vst v20  }
0x258: {  	v20 =	vmul.f32 v26, v7;
	v26 =	vld [tilespmem:s4+$0x2050]  }
0x259: {  	v27 =	vadd.f32 v27, v3;
	v31 =	vmul.f32 v30, v8;
	v29 =	vcvt.s32.f32 v29  }
0x25a: {  	v30 =	vmul.f32 v30, v10;
	v20 =	vadd.f32 v20, v6  }
0x25b: {  	[tilespmem:s15+$0x8050] =	vst v27;
	v27 =	vadd.f32 v31, v9;
	v31 =	vmul.f32 v29, v12;
	v28 =	vcvt.s32.f32 v28  }
0x25c: {  	v29 =	vmul.f32 v29, v15;
	[tilespmem:s15+$0x80D0] =	vst v20;
	v20 =	vadd.f32 v30, v11  }
0x25d: {  	[tilespmem:s6+$0x8050] =	vst v27;
	v27 =	vadd.f32 v31, v14;
	v31 =	vmul.f32 v28, v17;
	v30 =	vld [tilespmem:s5+$0x2060];
	v26 =	vcvt.s32.f32 v26  }
0x25e: {  	v28 =	vmul.f32 v28, v18;
	[tilespmem:s6+$0x80D0] =	vst v20;
	v20 =	vadd.f32 v29, v13  }
0x25f: {  	[tilespmem:s12+$0x8050] =	vst v27;
	v27 =	vadd.f32 v31, v16;
	v29 =	vld [tilespmem:s8+$0x2060];
	v31 =	vmul.f32 v26, v23  }
0x260: {  	[tilespmem:s12+$0x80D0] =	vst v20;
	v20 =	vadd.f32 v28, v21;
	v26 =	vmul.f32 v26, v24  }
0x261: {  	[tilespmem:s7+$0x8050] =	vst v27;
	v28 =	vld [tilespmem:s13+$0x2060];
	v27 =	vadd.f32 v31, v22  }
0x262: {  	v30 =	vcvt.s32.f32 v30;
	[tilespmem:s7+$0x80D0] =	vst v20;
	v20 =	vadd.f32 v26, v19  }
0x263: {  	v26 =	vld [tilespmem:s14+$0x2060];
	[tilespmem:s28+$0x8050] =	vst v27  }
0x264: {  	v27 =	vmul.f32 v30, v4;
	v29 =	vcvt.s32.f32 v29;
	[tilespmem:s28+$0x80D0] =	vst v20  }
0x265: {  	v20 =	vmul.f32 v30, v7;
	v30 =	vld [tilespmem:s4+$0x2060]  }
0x266: {  	v27 =	vadd.f32 v27, v3;
	v31 =	vmul.f32 v29, v8;
	v28 =	vcvt.s32.f32 v28  }
0x267: {  	[tilespmem:s3+$0x80E0] =	vst v25;
	v20 =	vadd.f32 v20, v6;
	v25 =	vmul.f32 v29, v10  }
0x268: {  	v29 =	vld [tilespmem:s17+$0x2070];
	[tilespmem:s15+$0x8060] =	vst v27;
	v27 =	vadd.f32 v31, v9;
	v31 =	vmul.f32 v28, v12;
	v26 =	vcvt.s32.f32 v26  }
0x269: {  	[tilespmem:s15+$0x80E0] =	vst v20;
	v20 =	vadd.f32 v25, v11;
	v25 =	vmul.f32 v28, v15  }
0x26a: {  	v28 =	vld [tilespmem:s5+$0x2070];
	[tilespmem:s6+$0x8060] =	vst v27;
	v27 =	vadd.f32 v31, v14;
	v31 =	vmul.f32 v26, v17;
	v30 =	vcvt.s32.f32 v30  }
0x26b: {  	[tilespmem:s6+$0x80E0] =	vst v20;
	v20 =	vadd.f32 v25, v13;
	v25 =	vmul.f32 v26, v18  }
0x26c: {  	v26 =	vld [tilespmem:s8+$0x2070];
	[tilespmem:s12+$0x8060] =	vst v27;
	v27 =	vadd.f32 v31, v16;
	v31 =	vmul.f32 v30, v23  }
0x26d: {  	v29 =	vcvt.s32.f32 v29;
	[tilespmem:s12+$0x80E0] =	vst v20;
	v20 =	vadd.f32 v25, v21;
	v25 =	vmul.f32 v30, v24  }
0x26e: {  	v30 =	vld [tilespmem:s13+$0x2070];
	[tilespmem:s7+$0x8060] =	vst v27;
	v27 =	vadd.f32 v31, v22  }
0x26f: {  	v2 =	vmul.f32 v29, v2;
	v28 =	vcvt.s32.f32 v28;
	[tilespmem:s7+$0x80E0] =	vst v20;
	v20 =	vadd.f32 v25, v19  }
0x270: {  	v1 =	vmul.f32 v29, v1;
	v25 =	vld [tilespmem:s14+$0x2070];
	[tilespmem:s28+$0x8060] =	vst v27  }
0x271: {  	v2 =	vadd.f32 v2, v5;
	v5 =	vmul.f32 v28, v7;
	v7 =	vcvt.s32.f32 v26;
	[tilespmem:s28+$0x80E0] =	vst v20  }
0x272: {  	v0 =	vadd.f32 v1, v0;
	v1 =	vmul.f32 v28, v4;
	v4 =	vld [tilespmem:s4+$0x2070]  }
0x273: {  	[tilespmem:s3+$0x80F0] =	vst v2;
	v2 =	vadd.f32 v5, v6;
	v5 =	vmul.f32 v7, v10;
	v6 =	vcvt.s32.f32 v30  }
0x274: {  	[tilespmem:s3+$0x8070] =	vst v0;
	v0 =	vadd.f32 v1, v3;
	v1 =	vmul.f32 v7, v8  }
0x275: {  	[tilespmem:s15+$0x80F0] =	vst v2;
	v2 =	vadd.f32 v5, v11;
	v3 =	vmul.f32 v6, v15;
	v5 =	vcvt.s32.f32 v25  }
0x276: {  	[tilespmem:s15+$0x8070] =	vst v0;
	v0 =	vadd.f32 v1, v9;
	v1 =	vmul.f32 v6, v12  }
0x277: {  	[tilespmem:s6+$0x80F0] =	vst v2;
	v2 =	vadd.f32 v3, v13;
	v3 =	vmul.f32 v5, v18;
	v4 =	vcvt.s32.f32 v4  }
0x278: {  	[tilespmem:s6+$0x8070] =	vst v0;
	v0 =	vadd.f32 v1, v14;
	v1 =	vmul.f32 v5, v17  }
0x279: {  	[tilespmem:s12+$0x80F0] =	vst v2;
	v2 =	vadd.f32 v3, v21;
	v3 =	vmul.f32 v4, v24  }
0x27a: {  	[tilespmem:s12+$0x8070] =	vst v0;
	v0 =	vadd.f32 v1, v16;
	v1 =	vmul.f32 v4, v23  }
0x27b: {  	[tilespmem:s7+$0x80F0] =	vst v2;
	v2 =	vadd.f32 v3, v19  }
0x27c: {  	s5 =	simm.s32 $0x0;
	[tilespmem:s7+$0x8070] =	vst v0;
	v0 =	vadd.f32 v1, v22  }
0x27d: {  	s3 =	sand.u32 $0x3, s5;
	s6 =	simm.s32 $0x0;
	[tilespmem:s28+$0x80F0] =	vst v2  }
0x27e: {  	s4 =	sand.u32 $0x3FFFFF80, s6;
	s7 =	sshll.u32 s3, $0xA;
	[tilespmem:s28+$0x8070] =	vst v0  }
0x27f: {  	s15 =	sadd.s32 s4, s7;
	v19 =	vld [tilespmem:s0+$0xC010]  }
0x280: {  	v0 =	vld [tilespmem:s15+$0x3000];
	_ =	sdelay $0x1  }
0x281: {  	v20 =	vld [tilespmem:s0+$0xC810]  }
0x282: {  	s8 =	simm.s32 $0x0  }
0x283: {  	v3 =	vmov s8  }
0x284: {  	v4 =	vor.u32 $0x1, v3;
	v1 =	vperm.xlane v19, v3;
	v6 =	vcvt.s32.f32 v0  }
0x285: {  	v2 =	vperm.xlane v19, v4  }
0x286: {  	v0 =	vperm.xlane v20, v3;
	v3 =	vmul.f32 v6, v1  }
0x287: {  	v5 =	vperm.xlane v20, v4;
	v4 =	vmul.f32 v6, v2  }
0x288: {  	s12 =	simm.s32 $0x0;
	s3 =	sshll.u32 s3, $0x8;
	v3 =	vadd.f32 v3, v0  }
0x289: {  	s0 =	sor.u32 s3, s12;
	v4 =	vadd.f32 v4, v5  }
0x28a: {  	[tilespmem:s0+$0xA000] =	vst v3  }
0x28b: {  	[tilespmem:s0+$0xA080] =	vst v4  }
0x28c: {  	s13 =	simm.s32 $0x1;
	v3 =	vld [tilespmem:s15+$0x3010]  }
0x28d: {  	s14 =	simm.s32 $0x20;
	s3 =	sand.u32 $0x3, s13  }
0x28e: {  	s4 =	sand.u32 $0x3FFFFF80, s14;
	s16 =	sshll.u32 s3, $0xA  }
0x28f: {  	s5 =	sadd.s32 s4, s16  }
0x290: {  	v6 =	vld [tilespmem:s5+$0x3000]  }
0x291: {  	v3 =	vcvt.s32.f32 v3  }
0x292: {  	s17 =	simm.s32 $0x0  }
0x293: {  	v8 =	vmov s17;
	v7 =	vmul.f32 v3, v1  }
0x294: {  	v9 =	vor.u32 $0x1, v8;
	v3 =	vmul.f32 v3, v2  }
0x295: {  	v4 =	vperm.xlane v19, v8;
	v10 =	vcvt.s32.f32 v6;
	v6 =	vadd.f32 v7, v0  }
0x296: {  	v7 =	vperm.xlane v19, v9;
	v11 =	vadd.f32 v3, v5  }
0x297: {  	v3 =	vperm.xlane v20, v8;
	v8 =	vmul.f32 v10, v4;
	[tilespmem:s0+$0xA010] =	vst v6  }
0x298: {  	v6 =	vperm.xlane v20, v9;
	v9 =	vmul.f32 v10, v7;
	[tilespmem:s0+$0xA090] =	vst v11  }
0x299: {  	s20 =	simm.s32 $0x0;
	s3 =	sshll.u32 s3, $0x8;
	v8 =	vadd.f32 v8, v3;
	v10 =	vld [tilespmem:s15+$0x3020]  }
0x29a: {  	s3 =	sor.u32 s3, s20;
	v9 =	vadd.f32 v9, v6  }
0x29b: {  	[tilespmem:s3+$0xA000] =	vst v8  }
0x29c: {  	[tilespmem:s3+$0xA080] =	vst v9  }
0x29d: {  	s26 =	simm.s32 $0x2;
	v8 =	vld [tilespmem:s5+$0x3010]  }
0x29e: {  	s28 =	simm.s32 $0x40;
	s4 =	sand.u32 $0x3, s26;
	v9 =	vcvt.s32.f32 v10  }
0x29f: {  	s6 =	sand.u32 $0x3FFFFF80, s28;
	s29 =	sshll.u32 s4, $0xA  }
0x2a0: {  	s8 =	sadd.s32 s6, s29;
	v10 =	vmul.f32 v9, v1  }
0x2a1: {  	v11 =	vld [tilespmem:s8+$0x3000];
	v9 =	vmul.f32 v9, v2  }
0x2a2: {  	v12 =	vcvt.s32.f32 v8;
	v8 =	vadd.f32 v10, v0  }
0x2a3: {  	s7 =	simm.s32 $0x0;
	v9 =	vadd.f32 v9, v5  }
0x2a4: {  	v13 =	vmov s7;
	v10 =	vmul.f32 v12, v4;
	[tilespmem:s0+$0xA020] =	vst v8  }
0x2a5: {  	v14 =	vor.u32 $0x1, v13;
	v12 =	vmul.f32 v12, v7;
	[tilespmem:s0+$0xA0A0] =	vst v9  }
0x2a6: {  	v15 =	vcvt.s32.f32 v11;
	v8 =	vperm.xlane v19, v13;
	v16 =	vld [tilespmem:s15+$0x3030];
	v11 =	vadd.f32 v10, v3  }
0x2a7: {  	v10 =	vperm.xlane v19, v14;
	v12 =	vadd.f32 v12, v6  }
0x2a8: {  	v9 =	vperm.xlane v20, v13;
	v13 =	vmul.f32 v15, v8;
	[tilespmem:s3+$0xA010] =	vst v11  }
0x2a9: {  	v11 =	vperm.xlane v20, v14;
	v14 =	vmul.f32 v15, v10;
	[tilespmem:s3+$0xA090] =	vst v12  }
0x2aa: {  	s12 =	simm.s32 $0x0;
	s4 =	sshll.u32 s4, $0x8;
	v12 =	vadd.f32 v13, v9;
	v13 =	vld [tilespmem:s5+$0x3020]  }
0x2ab: {  	s6 =	sor.u32 s4, s12;
	v14 =	vadd.f32 v14, v11;
	v15 =	vcvt.s32.f32 v16  }
0x2ac: {  	s13 =	simm.s32 $0x3;
	[tilespmem:s6+$0xA000] =	vst v12  }
0x2ad: {  	s14 =	simm.s32 $0x60;
	s4 =	sand.u32 $0x3, s13;
	[tilespmem:s6+$0xA080] =	vst v14;
	v12 =	vmul.f32 v15, v1  }
0x2ae: {  	s7 =	sand.u32 $0x3FFFFF80, s14;
	s16 =	sshll.u32 s4, $0xA;
	v15 =	vmul.f32 v15, v2;
	v14 =	vld [tilespmem:s8+$0x3010]  }
0x2af: {  	s13 =	sadd.s32 s7, s16;
	v13 =	vcvt.s32.f32 v13;
	v12 =	vadd.f32 v12, v0  }
0x2b0: {  	v17 =	vld [tilespmem:s13+$0x3000];
	v15 =	vadd.f32 v15, v5  }
0x2b1: {  	v16 =	vmul.f32 v13, v4;
	[tilespmem:s0+$0xA030] =	vst v12  }
0x2b2: {  	v12 =	vmul.f32 v13, v7;
	[tilespmem:s0+$0xA0B0] =	vst v15  }
0x2b3: {  	v13 =	vcvt.s32.f32 v14;
	v14 =	vadd.f32 v16, v3;
	v16 =	vld [tilespmem:s15+$0x3040]  }
0x2b4: {  	s17 =	simm.s32 $0x0;
	v18 =	vadd.f32 v12, v6  }
0x2b5: {  	v17 =	vcvt.s32.f32 v17;
	v15 =	vmov s17;
	v21 =	vmul.f32 v13, v8;
	[tilespmem:s3+$0xA020] =	vst v14  }
0x2b6: {  	v22 =	vor.u32 $0x1, v15;
	v12 =	vperm.xlane v19, v15;
	v13 =	vmul.f32 v13, v10;
	[tilespmem:s3+$0xA0A0] =	vst v18  }
0x2b7: {  	v14 =	vperm.xlane v20, v15;
	v15 =	vperm.xlane v19, v22;
	v18 =	vadd.f32 v21, v9;
	v21 =	vld [tilespmem:s5+$0x3030]  }
0x2b8: {  	v24 =	vmul.f32 v17, v12;
	v23 =	vadd.f32 v13, v11;
	v16 =	vcvt.s32.f32 v16  }
0x2b9: {  	v13 =	vperm.xlane v20, v22;
	v17 =	vmul.f32 v17, v15;
	[tilespmem:s6+$0xA010] =	vst v18  }
0x2ba: {  	s20 =	simm.s32 $0x0;
	s4 =	sshll.u32 s4, $0x8;
	[tilespmem:s6+$0xA090] =	vst v23;
	v18 =	vadd.f32 v24, v14;
	v22 =	vmul.f32 v16, v1  }
0x2bb: {  	s12 =	sor.u32 s4, s20;
	v17 =	vadd.f32 v17, v13;
	v23 =	vld [tilespmem:s8+$0x3020];
	v16 =	vmul.f32 v16, v2  }
0x2bc: {  	[tilespmem:s12+$0xA000] =	vst v18;
	v21 =	vcvt.s32.f32 v21;
	v18 =	vadd.f32 v22, v0  }
0x2bd: {  	[tilespmem:s12+$0xA080] =	vst v17;
	v16 =	vadd.f32 v16, v5  }
0x2be: {  	s26 =	simm.s32 $0x4;
	v22 =	vld [tilespmem:s13+$0x3010];
	v17 =	vmul.f32 v21, v4;
	[tilespmem:s0+$0xA040] =	vst v18  }
0x2bf: {  	s28 =	simm.s32 $0x80;
	s4 =	sand.u32 $0x3, s26;
	v18 =	vmul.f32 v21, v7;
	[tilespmem:s0+$0xA0C0] =	vst v16  }
0x2c0: {  	s7 =	sand.u32 $0x3FFFFF80, s28;
	s29 =	sshll.u32 s4, $0xA;
	v16 =	vcvt.s32.f32 v23;
	v21 =	vld [tilespmem:s15+$0x3050];
	v17 =	vadd.f32 v17, v3  }
0x2c1: {  	s14 =	sadd.s32 s7, s29;
	v18 =	vadd.f32 v18, v6  }
0x2c2: {  	s16 =	simm.s32 $0x2;
	v24 =	vld [tilespmem:s14+$0x3000];
	v23 =	vmul.f32 v16, v8;
	[tilespmem:s3+$0xA030] =	vst v17  }
0x2c3: {  	v25 =	vmov s16;
	v17 =	vmul.f32 v16, v10;
	[tilespmem:s3+$0xA0B0] =	vst v18;
	v18 =	vcvt.s32.f32 v22  }
0x2c4: {  	v16 =	vperm.xlane v20, v25;
	v22 =	vadd.f32 v23, v9;
	v23 =	vld [tilespmem:s5+$0x3040]  }
0x2c5: {  	v26 =	vadd.f32 v17, v11;
	v27 =	vmul.f32 v18, v12;
	v21 =	vcvt.s32.f32 v21  }
0x2c6: {  	v17 =	vperm.xlane v19, v25;
	[tilespmem:s6+$0xA020] =	vst v22;
	v22 =	vor.u32 $0x1, v25;
	v25 =	vmul.f32 v18, v15  }
0x2c7: {  	v24 =	vcvt.s32.f32 v24;
	[tilespmem:s6+$0xA0A0] =	vst v26;
	v26 =	vadd.f32 v27, v14;
	v27 =	vmul.f32 v21, v1  }
0x2c8: {  	s20 =	simm.s32 $0x5;
	s4 =	sshll.u32 s4, $0x8;
	s17 =	simm.s32 $0x400;
	v18 =	vperm.xlane v19, v22;
	v29 =	vmul.f32 v21, v2;
	v25 =	vadd.f32 v25, v13  }
0x2c9: {  	s26 =	simm.s32 $0xA0;
	s7 =	sor.u32 s4, s17;
	s17 =	sand.u32 $0x3, s20;
	v30 =	vmul.f32 v24, v17;
	v28 =	vld [tilespmem:s8+$0x3030];
	[tilespmem:s12+$0xA010] =	vst v26;
	v23 =	vcvt.s32.f32 v23;
	v26 =	vadd.f32 v27, v0  }
0x2ca: {  	s4 =	sand.u32 $0x3FFFFF80, s26;
	s29 =	sshll.u32 s17, $0xA;
	v21 =	vperm.xlane v20, v22;
	v22 =	vmul.f32 v24, v18;
	v24 =	vadd.f32 v29, v5;
	[tilespmem:s12+$0xA090] =	vst v25  }
0x2cb: {  	s4 =	sadd.s32 s4, s29;
	v25 =	vadd.f32 v30, v16;
	v27 =	vld [tilespmem:s13+$0x3020];
	v29 =	vmul.f32 v23, v4;
	[tilespmem:s0+$0xA050] =	vst v26  }
0x2cc: {  	v31 =	vld [tilespmem:s4+$0x3000];
	v22 =	vadd.f32 v22, v21;
	v23 =	vmul.f32 v23, v7;
	[tilespmem:s0+$0xA0D0] =	vst v24  }
0x2cd: {  	[tilespmem:s7+$0xA000] =	vst v25;
	v26 =	vld [tilespmem:s15+$0x3060];
	v25 =	vadd.f32 v29, v3  }
0x2ce: {  	v24 =	vcvt.s32.f32 v28;
	[tilespmem:s7+$0xA080] =	vst v22;
	v22 =	vadd.f32 v23, v6  }
0x2cf: {  	v28 =	vld [tilespmem:s14+$0x3010];
	[tilespmem:s3+$0xA040] =	vst v25  }
0x2d0: {  	v23 =	vmul.f32 v24, v8;
	[tilespmem:s3+$0xA0C0] =	vst v22;
	v25 =	vcvt.s32.f32 v27  }
0x2d1: {  	v31 =	vcvt.s32.f32 v31;
	v22 =	vmul.f32 v24, v10;
	v24 =	vld [tilespmem:s5+$0x3050]  }
0x2d2: {  	s28 =	simm.s32 $0x2;
	v23 =	vadd.f32 v23, v9;
	v26 =	vcvt.s32.f32 v26;
	v29 =	vmul.f32 v25, v12  }
0x2d3: {  	v27 =	vmov s28;
	v30 =	vadd.f32 v22, v11;
	v25 =	vmul.f32 v25, v15  }
0x2d4: {  	[tilespmem:s6+$0xA030] =	vst v23;
	v61 =	vcvt.s32.f32 v28;
	v28 =	vadd.f32 v29, v14;
	v29 =	vmul.f32 v26, v1  }
0x2d5: {  	v22 =	vperm.xlane v20, v27;
	[tilespmem:s6+$0xA0B0] =	vst v30;
	v62 =	vmul.f32 v26, v2;
	v25 =	vadd.f32 v25, v13  }
0x2d6: {  	v63 =	vmul.f32 v61, v17;
	v26 =	vcvt.s32.f32 v24;
	[tilespmem:s12+$0xA020] =	vst v28;
	v24 =	vadd.f32 v29, v0;
	v28 =	vld [tilespmem:s8+$0x3040]  }
0x2d7: {  	v23 =	vperm.xlane v19, v27;
	v30 =	vor.u32 $0x1, v27;
	v32 =	vmul.f32 v61, v18;
	[tilespmem:s12+$0xA0A0] =	vst v25  }
0x2d8: {  	s16 =	simm.s32 $0x6;
	s26 =	simm.s32 $0x1;
	v25 =	vadd.f32 v62, v5;
	v33 =	vadd.f32 v63, v16;
	v29 =	vld [tilespmem:s13+$0x3030];
	v27 =	vmul.f32 v26, v4;
	[tilespmem:s0+$0xA060] =	vst v24  }
.LBB2_9:
0x2d9: {  	v24 =	vperm.xlane v19, v30;
	v32 =	vadd.f32 v32, v21;
	v26 =	vmul.f32 v26, v7  }
0x2da: {  	p0 =	sne.s32 s16, $0x1F;
	[tilespmem:s0+$0xA0E0] =	vst v25;
	v34 =	vmovc v13;
	v13 =	vmovc v21;
	v25 =	vmov v0;
	v0 =	vmov v3;
	v3 =	vmov v9  }
0x2db: {  	v9 =	vmovc v14;
	v35 =	vmul.f32 v31, v23;
	[tilespmem:s7+$0xA010] =	vst v33;
	v28 =	vcvt.s32.f32 v28;
	v27 =	vadd.f32 v27, v0;
	v33 =	vld [tilespmem:s15+$0x3070];
	s15 =	smov.u32 s5;
	s5 =	smov.u32 s8;
	s8 =	smov.u32 s13  }
0x2dc: {  	v21 =	vperm.xlane v20, v30;
	s20 =	sshll.u32 s26, $0xC;
	s13 =	smov.u32 s14;
	s14 =	smov.u32 s4;
	v30 =	vmul.f32 v31, v24;
	[tilespmem:s7+$0xA090] =	vst v32;
	v36 =	vadd.f32 v26, v6  }
0x2dd: {  	s17 =	sshll.u32 s17, $0x8;
	v14 =	vmovc v16;
	v16 =	vmov v22;
	s4 =	sshra.s32 s20, $0x2;
	v31 =	vadd.f32 v35, v22;
	v32 =	vld [tilespmem:s13+$0x3020];
	v35 =	vmul.f32 v28, v8;
	[tilespmem:s3+$0xA050] =	vst v27  }
0x2de: {  	s28 =	sor.u32 s17, s4;
	v28 =	vmul.f32 v28, v10;
	v22 =	vadd.f32 v30, v21;
	v27 =	vcvt.s32.f32 v29;
	[tilespmem:s3+$0xA0D0] =	vst v36;
	v26 =	vmovc v1  }
0x2df: {  	v1 =	vmovc v4;
	v4 =	vmovc v8;
	v8 =	vmov v12;
	v12 =	vmov v17;
	[tilespmem:s28+$0xA000] =	vst v31;
	v29 =	vadd.f32 v35, v3;
	v30 =	vld [tilespmem:s15+$0x3060]  }
0x2e0: {  	v17 =	vmovc v23;
	v28 =	vadd.f32 v28, v11;
	[tilespmem:s28+$0xA080] =	vst v22;
	v22 =	vmul.f32 v27, v8;
	v31 =	vcvt.s32.f32 v33  }
0x2e1: {  	s26 =	sshrl.u32 s16, $0x2;
	v27 =	vmul.f32 v27, v15;
	v23 =	vld [tilespmem:s14+$0x3010];
	[tilespmem:s6+$0xA040] =	vst v29  }
0x2e2: {  	s20 =	sshll.u32 s16, $0x5;
	s17 =	sand.u32 $0x3, s16;
	s4 =	sshll.u32 s26, $0x1;
	v29 =	vcvt.s32.f32 v32;
	v22 =	vadd.f32 v22, v9;
	[tilespmem:s6+$0xA0C0] =	vst v28;
	v28 =	vmul.f32 v31, v2;
	v2 =	vmovc v7  }
0x2e3: {  	s20 =	sand.u32 $0x3FFFFF80, s20;
	v32 =	vmov s4;
	s4 =	sshll.u32 s17, $0xA;
	v27 =	vadd.f32 v27, v34;
	v26 =	vmul.f32 v31, v26;
	v7 =	vmovc v10;
	v10 =	vmovc v15;
	v33 =	vld [tilespmem:s5+$0x3050]  }
0x2e4: {  	v15 =	vmovc v18;
	s4 =	sadd.s32 s20, s4;
	v31 =	vmul.f32 v29, v12;
	[tilespmem:s12+$0xA030] =	vst v22;
	v30 =	vcvt.s32.f32 v30;
	v5 =	vadd.f32 v28, v5  }
0x2e5: {  	v22 =	vperm.xlane v20, v32;
	v28 =	vmul.f32 v29, v15;
	v25 =	vadd.f32 v26, v25;
	v35 =	vld [tilespmem:s4+$0x3000];
	[tilespmem:s12+$0xA0B0] =	vst v27  }
.Ltmp3:
0x2e6: {  	v18 =	vmovc v24;
	v27 =	vcvt.s32.f32 v23;
	v26 =	vadd.f32 v31, v14;
	v29 =	vmul.f32 v30, v1;
	[tilespmem:s0+$0xA0F0] =	vst v5;
	(pc) =	sbr.rel @p0 .LBB2_9-.Ltmp3, $4  }
0x2e7: {  	v23 =	vperm.xlane v19, v32;
	v24 =	vadd.f32 v28, v13;
	v31 =	vmul.f32 v30, v2;
	v28 =	vld [tilespmem:s8+$0x3040];
	[tilespmem:s0+$0xA070] =	vst v25;
	s0 =	smov.u32 s3;
	s3 =	smov.u32 s6;
	s6 =	smov.u32 s12  }
0x2e8: {  	s12 =	smov.u32 s7;
	v36 =	vmul.f32 v27, v17;
	[tilespmem:s7+$0xA020] =	vst v26;
	v26 =	vcvt.s32.f32 v33;
	v37 =	vadd.f32 v29, v0;
	v5 =	vmovc v6;
	s7 =	smov.u32 s28  }
0x2e9: {  	v30 =	vor.u32 $0x1, v32;
	v32 =	vmul.f32 v27, v18;
	v6 =	vmovc v11;
	[tilespmem:s12+$0xA0A0] =	vst v24;
	v25 =	vadd.f32 v31, v5  }
0x2ea: {  	s16 =	sadd.s32 $0x1, s16;
	v11 =	vmovc v34;
	v31 =	vcvt.s32.f32 v35;
	v33 =	vadd.f32 v36, v16;
	v29 =	vld [tilespmem:s13+$0x3030];
	v27 =	vmul.f32 v26, v4;
	[tilespmem:s0+$0xA060] =	vst v37  }
0x2eb: {  	v24 =	vperm.xlane v19, v30  }
0x2ec: {  	v34 =	vmul.f32 v31, v23  }
0x2ed: {  	v19 =	vperm.xlane v20, v30;
	s16 =	sshll.u32 s26, $0xC;
	v35 =	vmul.f32 v31, v24  }
0x2ee: {  	s17 =	sshll.u32 s17, $0x8;
	s16 =	sshra.s32 s16, $0x2;
	v36 =	vadd.f32 v34, v22  }
0x2ef: {  	s17 =	sor.u32 s17, s16;
	v20 =	vadd.f32 v35, v19  }
0x2f0: {  	[tilespmem:s17+$0xA000] =	vst v36  }
0x2f1: {  	[tilespmem:s17+$0xA080] =	vst v20  }
0x2f2: {  	v20 =	vld [tilespmem:s4+$0x3010];
	_ =	sdelay $0x4  }
0x2f3: {  	v20 =	vcvt.s32.f32 v20;
	_ =	sdelay $0x1  }
0x2f4: {  	v37 =	vmul.f32 v20, v23  }
0x2f5: {  	v38 =	vadd.f32 v32, v21;
	v20 =	vmul.f32 v20, v24  }
0x2f6: {  	[tilespmem:s7+$0xA010] =	vst v33;
	v30 =	vadd.f32 v37, v22  }
0x2f7: {  	[tilespmem:s7+$0xA090] =	vst v38;
	v20 =	vadd.f32 v20, v19  }
0x2f8: {  	v31 =	vld [tilespmem:s14+$0x3020];
	[tilespmem:s17+$0xA010] =	vst v30  }
0x2f9: {  	[tilespmem:s17+$0xA090] =	vst v20  }
0x2fa: {  	v20 =	vld [tilespmem:s4+$0x3020];
	_ =	sdelay $0x2  }
0x2fb: {  	v39 =	vcvt.s32.f32 v31;
	_ =	sdelay $0x1  }
0x2fc: {  	v31 =	vmul.f32 v39, v17;
	v20 =	vcvt.s32.f32 v20  }
0x2fd: {  	v30 =	vmul.f32 v39, v18  }
0x2fe: {  	v31 =	vadd.f32 v31, v16;
	v40 =	vmul.f32 v20, v23  }
0x2ff: {  	v30 =	vadd.f32 v30, v21;
	v20 =	vmul.f32 v20, v24  }
0x300: {  	[tilespmem:s7+$0xA020] =	vst v31;
	v41 =	vadd.f32 v40, v22  }
0x301: {  	[tilespmem:s7+$0xA0A0] =	vst v30;
	v20 =	vadd.f32 v20, v19  }
0x302: {  	v30 =	vld [tilespmem:s14+$0x3030];
	[tilespmem:s17+$0xA020] =	vst v41  }
0x303: {  	v29 =	vcvt.s32.f32 v29;
	[tilespmem:s17+$0xA0A0] =	vst v20  }
0x304: {  	v20 =	vld [tilespmem:s4+$0x3030]  }
0x305: {  	v42 =	vmul.f32 v29, v12;
	v29 =	vmul.f32 v29, v15;
	_ =	sdelay $0x1  }
0x306: {  	v29 =	vadd.f32 v29, v13;
	v30 =	vcvt.s32.f32 v30  }
0x307: {  	v31 =	vadd.f32 v42, v14  }
0x308: {  	[tilespmem:s12+$0xA0B0] =	vst v29;
	v43 =	vmul.f32 v30, v17;
	v20 =	vcvt.s32.f32 v20  }
0x309: {  	[tilespmem:s12+$0xA030] =	vst v31;
	v30 =	vmul.f32 v30, v18  }
0x30a: {  	v47 =	vld [tilespmem:s13+$0x3040];
	v44 =	vadd.f32 v43, v16;
	v45 =	vmul.f32 v20, v23  }
0x30b: {  	v46 =	vadd.f32 v30, v21;
	v20 =	vmul.f32 v20, v24  }
0x30c: {  	v28 =	vcvt.s32.f32 v28;
	[tilespmem:s7+$0xA030] =	vst v44;
	v48 =	vadd.f32 v45, v22  }
0x30d: {  	[tilespmem:s7+$0xA0B0] =	vst v46;
	v20 =	vadd.f32 v20, v19  }
0x30e: {  	v49 =	vmul.f32 v28, v8;
	v29 =	vld [tilespmem:s14+$0x3040];
	[tilespmem:s17+$0xA030] =	vst v48  }
0x30f: {  	v28 =	vmul.f32 v28, v10;
	v30 =	vcvt.s32.f32 v47;
	[tilespmem:s17+$0xA0B0] =	vst v20  }
0x310: {  	v20 =	vld [tilespmem:s4+$0x3040]  }
0x311: {  	v28 =	vadd.f32 v28, v11;
	v50 =	vmul.f32 v30, v12  }
0x312: {  	v31 =	vadd.f32 v49, v9;
	v30 =	vmul.f32 v30, v15  }
0x313: {  	[tilespmem:s6+$0xA0C0] =	vst v28;
	v51 =	vadd.f32 v50, v14;
	v29 =	vcvt.s32.f32 v29  }
0x314: {  	[tilespmem:s6+$0xA040] =	vst v31;
	v53 =	vadd.f32 v30, v13  }
0x315: {  	v54 =	vld [tilespmem:s8+$0x3050];
	[tilespmem:s12+$0xA040] =	vst v51;
	v52 =	vmul.f32 v29, v17;
	v20 =	vcvt.s32.f32 v20  }
0x316: {  	[tilespmem:s12+$0xA0C0] =	vst v53;
	v29 =	vmul.f32 v29, v18  }
0x317: {  	v58 =	vld [tilespmem:s13+$0x3050];
	v55 =	vadd.f32 v52, v16;
	v56 =	vmul.f32 v20, v23  }
0x318: {  	v57 =	vadd.f32 v29, v21;
	v20 =	vmul.f32 v20, v24  }
0x319: {  	[tilespmem:s7+$0xA040] =	vst v55;
	v59 =	vadd.f32 v56, v22  }
0x31a: {  	v30 =	vcvt.s32.f32 v54;
	[tilespmem:s7+$0xA0C0] =	vst v57;
	v20 =	vadd.f32 v20, v19  }
0x31b: {  	v28 =	vld [tilespmem:s14+$0x3050];
	[tilespmem:s17+$0xA040] =	vst v59  }
0x31c: {  	v62 =	vmul.f32 v30, v8;
	v29 =	vcvt.s32.f32 v58;
	[tilespmem:s17+$0xA0C0] =	vst v20  }
0x31d: {  	v30 =	vmul.f32 v30, v10;
	v61 =	vld [tilespmem:s4+$0x3050]  }
0x31e: {  	v63 =	vadd.f32 v62, v9;
	v33 =	vmul.f32 v29, v12  }
0x31f: {  	v34 =	vadd.f32 v30, v11;
	v29 =	vmul.f32 v29, v15  }
0x320: {  	[tilespmem:s6+$0xA050] =	vst v63;
	v36 =	vadd.f32 v33, v14;
	v28 =	vcvt.s32.f32 v28  }
0x321: {  	v60 =	vmul.f32 v26, v7;
	[tilespmem:s6+$0xA0D0] =	vst v34;
	v38 =	vadd.f32 v29, v13  }
0x322: {  	v27 =	vadd.f32 v27, v3;
	v39 =	vld [tilespmem:s8+$0x3060];
	[tilespmem:s12+$0xA050] =	vst v36;
	v37 =	vmul.f32 v28, v17;
	v26 =	vcvt.s32.f32 v61  }
0x323: {  	[tilespmem:s12+$0xA0D0] =	vst v38;
	v20 =	vadd.f32 v60, v6;
	v28 =	vmul.f32 v28, v18  }
0x324: {  	[tilespmem:s3+$0xA050] =	vst v27;
	v43 =	vld [tilespmem:s13+$0x3060];
	v40 =	vadd.f32 v37, v16;
	v41 =	vmul.f32 v26, v23  }
0x325: {  	[tilespmem:s3+$0xA0D0] =	vst v20;
	v42 =	vadd.f32 v28, v21;
	v26 =	vmul.f32 v26, v24  }
0x326: {  	v35 =	vld [tilespmem:s5+$0x3060];
	[tilespmem:s7+$0xA050] =	vst v40;
	v44 =	vadd.f32 v41, v22  }
0x327: {  	v29 =	vcvt.s32.f32 v39;
	[tilespmem:s7+$0xA0D0] =	vst v42;
	v45 =	vadd.f32 v26, v19  }
0x328: {  	v46 =	vld [tilespmem:s14+$0x3060];
	[tilespmem:s17+$0xA050] =	vst v44  }
0x329: {  	v50 =	vmul.f32 v29, v8;
	v28 =	vcvt.s32.f32 v43;
	[tilespmem:s17+$0xA0D0] =	vst v45  }
0x32a: {  	v51 =	vmul.f32 v29, v10;
	v49 =	vld [tilespmem:s4+$0x3060]  }
0x32b: {  	v53 =	vadd.f32 v50, v9;
	v54 =	vmul.f32 v28, v12;
	v30 =	vcvt.s32.f32 v35  }
0x32c: {  	[tilespmem:s0+$0xA0E0] =	vst v25;
	v55 =	vadd.f32 v51, v11;
	v56 =	vmul.f32 v28, v15  }
0x32d: {  	v52 =	vld [tilespmem:s15+$0x3070];
	[tilespmem:s6+$0xA060] =	vst v53;
	v58 =	vadd.f32 v54, v14;
	v47 =	vmul.f32 v30, v4;
	v26 =	vcvt.s32.f32 v46  }
0x32e: {  	[tilespmem:s6+$0xA0E0] =	vst v55;
	v60 =	vadd.f32 v56, v13;
	v48 =	vmul.f32 v30, v7  }
0x32f: {  	v62 =	vld [tilespmem:s8+$0x3070];
	[tilespmem:s12+$0xA060] =	vst v58;
	v27 =	vadd.f32 v47, v3;
	v59 =	vmul.f32 v26, v17;
	v30 =	vcvt.s32.f32 v49  }
0x330: {  	[tilespmem:s12+$0xA0E0] =	vst v60;
	v20 =	vadd.f32 v48, v6;
	v61 =	vmul.f32 v26, v18  }
0x331: {  	v36 =	vld [tilespmem:s13+$0x3070];
	[tilespmem:s3+$0xA060] =	vst v27;
	v63 =	vadd.f32 v59, v16;
	v33 =	vmul.f32 v30, v23  }
0x332: {  	v29 =	vcvt.s32.f32 v52;
	[tilespmem:s3+$0xA0E0] =	vst v20;
	v34 =	vadd.f32 v61, v21;
	v35 =	vmul.f32 v30, v24  }
0x333: {  	v57 =	vld [tilespmem:s5+$0x3070];
	[tilespmem:s7+$0xA060] =	vst v63;
	v37 =	vadd.f32 v33, v22  }
0x334: {  	v2 =	vmul.f32 v29, v2;
	v41 =	vcvt.s32.f32 v62;
	[tilespmem:s7+$0xA0E0] =	vst v34;
	v38 =	vadd.f32 v35, v19  }
0x335: {  	v1 =	vmul.f32 v29, v1;
	v39 =	vld [tilespmem:s14+$0x3070];
	[tilespmem:s17+$0xA060] =	vst v37  }
0x336: {  	v2 =	vadd.f32 v2, v5;
	v48 =	vmul.f32 v41, v8;
	v46 =	vcvt.s32.f32 v36;
	[tilespmem:s17+$0xA0E0] =	vst v38  }
0x337: {  	v0 =	vadd.f32 v1, v0;
	v45 =	vmul.f32 v41, v10;
	v43 =	vld [tilespmem:s4+$0x3070]  }
0x338: {  	[tilespmem:s0+$0xA0F0] =	vst v2;
	v52 =	vadd.f32 v48, v9;
	v50 =	vmul.f32 v46, v15;
	v28 =	vcvt.s32.f32 v57  }
0x339: {  	[tilespmem:s0+$0xA070] =	vst v0;
	v53 =	vmul.f32 v46, v12;
	v49 =	vadd.f32 v45, v11  }
0x33a: {  	[tilespmem:s6+$0xA070] =	vst v52;
	v54 =	vadd.f32 v50, v13;
	v40 =	vmul.f32 v28, v7;
	v51 =	vcvt.s32.f32 v39  }
0x33b: {  	v56 =	vadd.f32 v53, v14;
	[tilespmem:s6+$0xA0F0] =	vst v49;
	v42 =	vmul.f32 v28, v4  }
0x33c: {  	[tilespmem:s12+$0xA0F0] =	vst v54;
	v44 =	vadd.f32 v40, v6;
	v55 =	vmul.f32 v51, v18;
	v4 =	vcvt.s32.f32 v43  }
0x33d: {  	[tilespmem:s12+$0xA070] =	vst v56;
	v47 =	vadd.f32 v42, v3;
	v57 =	vmul.f32 v51, v17  }
0x33e: {  	[tilespmem:s3+$0xA0F0] =	vst v44;
	v58 =	vadd.f32 v55, v21;
	v59 =	vmul.f32 v4, v24  }
0x33f: {  	[tilespmem:s3+$0xA070] =	vst v47;
	v60 =	vadd.f32 v57, v16;
	v61 =	vmul.f32 v4, v23  }
.Ltmp4:
0x340: {  	s31 =	sshll.u32 s31, $0x13;
	[tilespmem:s7+$0xA0F0] =	vst v58;
	v62 =	vadd.f32 v59, v19;
	(pc) =	sbr.rel @p1 .LBB2_12-.Ltmp4, $4  }
0x341: {  	s0 =	sor.u32 s11, s31;
	[tilespmem:s7+$0xA070] =	vst v60;
	v63 =	vadd.f32 v61, v22  }
0x342: {  	s0 =	sshrl.u32 s0, $0x3;
	[tilespmem:s17+$0xA0F0] =	vst v62  }
0x343: {  	s0 =	sadd.s32 s2, s0;
	[tilespmem:s17+$0xA070] =	vst v63  }
0x344: {  	[hbm4b:s0+s22] =	stream.strided.scatter [tilespmem:s23], [sflag:$0x4], $0x4000, s23, s22, $0x38;
	[tilespmem:$0xD000] =	vst v63  }
.Ltmp5:
0x345: {  	s0 =	sshll.u32 s30, $0x13;
	(pc) =	sbr.rel .LBB2_2-.Ltmp5, $4  }
0x346: {  	s0 =	sadd.s32 s10, s0  }
0x347: {  	s0 =	sshrl.u32 s0, $0x3  }
0x348: {  	s3 =	simm.s32 $0x2000;
	s30 =	sadd.s32 $0x1, s30;
	s0 =	sadd.s32 s1, s0  }
0x349: {  	[tilespmem:s3], [sflag:$0x2] =	stream.strided.gather [hbm4b:s0+s18], $0x2000, s19, s18, $0x38;
	[tilespmem:$0xD000] =	vst v63  }
.LBB2_12:
0x34a: {  	s0 =	simm.s32 $0x0;
	s3 =	rddreg [dreg:$0x8]  }
0x34b: {  	[tilespmem:s0], [sflag:$0x1] =	stream.linear.gather [hbm4b:s3+s0], $0x1000, $0x38;
	[tilespmem:$0xD000] =	vst v63  }
0x34c: {  	_ =	swait.ge [sflag:s21], $0x1000  }
0x34d: {  	[sflag:s21] =	ssyncset.done $0x0  }
0x34e: {  	s29 =	simm.s32 $0x3;
	[sflag:s21] =	ssyncadd.s32 $0xFFFFF000  }
0x34f: {  	_ =	swait.ge [sflag:s29], $0x4000  }
0x350: {  	s13 =	simm.s32 $0x0;
	s0 =	sand.u32 $0x3, s0;
	[sflag:s29] =	ssyncset.done $0x0  }
0x351: {  	s3 =	sand.u32 $0x3FFFFF80, s13;
	s4 =	sshll.u32 s0, $0xA;
	[sflag:s29] =	ssyncadd.s32 $0xFFFFC000  }
0x352: {  	s15 =	sadd.s32 s3, s4;
	v19 =	vld [tilespmem:$0xC7C0]  }
0x353: {  	v0 =	vld [tilespmem:s15+$0x0];
	_ =	sdelay $0x1  }
0x354: {  	v20 =	vld [tilespmem:$0xCFC0]  }
0x355: {  	s14 =	simm.s32 $0x0  }
0x356: {  	v3 =	vmov s14  }
0x357: {  	v4 =	vor.u32 $0x1, v3;
	v1 =	vperm.xlane v19, v3;
	v6 =	vcvt.s32.f32 v0  }
0x358: {  	v2 =	vperm.xlane v19, v4  }
0x359: {  	v0 =	vperm.xlane v20, v3;
	v3 =	vmul.f32 v6, v1  }
0x35a: {  	v5 =	vperm.xlane v20, v4;
	v4 =	vmul.f32 v6, v2  }
0x35b: {  	s16 =	simm.s32 $0x0;
	s0 =	sshll.u32 s0, $0x8;
	v3 =	vadd.f32 v3, v0  }
0x35c: {  	s0 =	sor.u32 s0, s16;
	v4 =	vadd.f32 v4, v5  }
0x35d: {  	[tilespmem:s0+$0x4000] =	vst v3  }
0x35e: {  	[tilespmem:s0+$0x4080] =	vst v4  }
0x35f: {  	s17 =	simm.s32 $0x1;
	v3 =	vld [tilespmem:s15+$0x10]  }
0x360: {  	s20 =	simm.s32 $0x20;
	s3 =	sand.u32 $0x3, s17  }
0x361: {  	s4 =	sand.u32 $0x3FFFFF80, s20;
	s5 =	sshll.u32 s3, $0xA  }
0x362: {  	s5 =	sadd.s32 s4, s5  }
0x363: {  	v6 =	vld [tilespmem:s5+$0x0]  }
0x364: {  	v3 =	vcvt.s32.f32 v3  }
0x365: {  	s26 =	simm.s32 $0x0  }
0x366: {  	v8 =	vmov s26;
	v7 =	vmul.f32 v3, v1  }
0x367: {  	v9 =	vor.u32 $0x1, v8;
	v3 =	vmul.f32 v3, v2  }
0x368: {  	v4 =	vperm.xlane v19, v8;
	v10 =	vcvt.s32.f32 v6;
	v6 =	vadd.f32 v7, v0  }
0x369: {  	v7 =	vperm.xlane v19, v9;
	v11 =	vadd.f32 v3, v5  }
0x36a: {  	v3 =	vperm.xlane v20, v8;
	v8 =	vmul.f32 v10, v4;
	[tilespmem:s0+$0x4010] =	vst v6  }
0x36b: {  	v6 =	vperm.xlane v20, v9;
	v9 =	vmul.f32 v10, v7;
	[tilespmem:s0+$0x4090] =	vst v11  }
0x36c: {  	s28 =	simm.s32 $0x0;
	s3 =	sshll.u32 s3, $0x8;
	v8 =	vadd.f32 v8, v3;
	v10 =	vld [tilespmem:s15+$0x20]  }
0x36d: {  	s3 =	sor.u32 s3, s28;
	v9 =	vadd.f32 v9, v6  }
0x36e: {  	[tilespmem:s3+$0x4000] =	vst v8  }
0x36f: {  	[tilespmem:s3+$0x4080] =	vst v9  }
0x370: {  	s30 =	simm.s32 $0x2;
	v8 =	vld [tilespmem:s5+$0x10]  }
0x371: {  	s6 =	simm.s32 $0x40;
	s4 =	sand.u32 $0x3, s30;
	v9 =	vcvt.s32.f32 v10  }
0x372: {  	s6 =	sand.u32 $0x3FFFFF80, s6;
	s7 =	sshll.u32 s4, $0xA  }
0x373: {  	s8 =	sadd.s32 s6, s7;
	v10 =	vmul.f32 v9, v1  }
0x374: {  	v11 =	vld [tilespmem:s8+$0x0];
	v9 =	vmul.f32 v9, v2  }
0x375: {  	v12 =	vcvt.s32.f32 v8;
	v8 =	vadd.f32 v10, v0  }
0x376: {  	s31 =	simm.s32 $0x0;
	v9 =	vadd.f32 v9, v5  }
0x377: {  	v13 =	vmov s31;
	v10 =	vmul.f32 v12, v4;
	[tilespmem:s0+$0x4020] =	vst v8  }
0x378: {  	v14 =	vor.u32 $0x1, v13;
	v12 =	vmul.f32 v12, v7;
	[tilespmem:s0+$0x40A0] =	vst v9  }
0x379: {  	v15 =	vcvt.s32.f32 v11;
	v8 =	vperm.xlane v19, v13;
	v16 =	vld [tilespmem:s15+$0x30];
	v11 =	vadd.f32 v10, v3  }
0x37a: {  	v10 =	vperm.xlane v19, v14;
	v12 =	vadd.f32 v12, v6  }
0x37b: {  	v9 =	vperm.xlane v20, v13;
	v13 =	vmul.f32 v15, v8;
	[tilespmem:s3+$0x4010] =	vst v11  }
0x37c: {  	v11 =	vperm.xlane v20, v14;
	v14 =	vmul.f32 v15, v10;
	[tilespmem:s3+$0x4090] =	vst v12  }
0x37d: {  	s4 =	sshll.u32 s4, $0x8;
	s7 =	simm.s32 $0x0;
	v12 =	vadd.f32 v13, v9;
	v13 =	vld [tilespmem:s5+$0x20]  }
0x37e: {  	s6 =	sor.u32 s4, s7;
	v14 =	vadd.f32 v14, v11;
	v15 =	vcvt.s32.f32 v16  }
0x37f: {  	s12 =	simm.s32 $0x3;
	[tilespmem:s6+$0x4000] =	vst v12  }
0x380: {  	s13 =	simm.s32 $0x60;
	s4 =	sand.u32 $0x3, s12;
	[tilespmem:s6+$0x4080] =	vst v14;
	v12 =	vmul.f32 v15, v1  }
0x381: {  	s7 =	sand.u32 $0x3FFFFF80, s13;
	s12 =	sshll.u32 s4, $0xA;
	v15 =	vmul.f32 v15, v2;
	v14 =	vld [tilespmem:s8+$0x10]  }
0x382: {  	s13 =	sadd.s32 s7, s12;
	v13 =	vcvt.s32.f32 v13;
	v12 =	vadd.f32 v12, v0  }
0x383: {  	v17 =	vld [tilespmem:s13+$0x0];
	v15 =	vadd.f32 v15, v5  }
0x384: {  	v16 =	vmul.f32 v13, v4;
	[tilespmem:s0+$0x4030] =	vst v12  }
0x385: {  	v12 =	vmul.f32 v13, v7;
	[tilespmem:s0+$0x40B0] =	vst v15  }
0x386: {  	v13 =	vcvt.s32.f32 v14;
	v14 =	vadd.f32 v16, v3;
	v16 =	vld [tilespmem:s15+$0x40]  }
0x387: {  	s14 =	simm.s32 $0x0;
	v18 =	vadd.f32 v12, v6  }
0x388: {  	v17 =	vcvt.s32.f32 v17;
	v15 =	vmov s14;
	v21 =	vmul.f32 v13, v8;
	[tilespmem:s3+$0x4020] =	vst v14  }
0x389: {  	v22 =	vor.u32 $0x1, v15;
	v12 =	vperm.xlane v19, v15;
	v13 =	vmul.f32 v13, v10;
	[tilespmem:s3+$0x40A0] =	vst v18  }
0x38a: {  	v14 =	vperm.xlane v20, v15;
	v15 =	vperm.xlane v19, v22;
	v18 =	vadd.f32 v21, v9;
	v21 =	vld [tilespmem:s5+$0x30]  }
0x38b: {  	v24 =	vmul.f32 v17, v12;
	v23 =	vadd.f32 v13, v11;
	v16 =	vcvt.s32.f32 v16  }
0x38c: {  	v13 =	vperm.xlane v20, v22;
	v17 =	vmul.f32 v17, v15;
	[tilespmem:s6+$0x4010] =	vst v18  }
0x38d: {  	s16 =	simm.s32 $0x0;
	s4 =	sshll.u32 s4, $0x8;
	[tilespmem:s6+$0x4090] =	vst v23;
	v18 =	vadd.f32 v24, v14;
	v22 =	vmul.f32 v16, v1  }
0x38e: {  	s12 =	sor.u32 s4, s16;
	v17 =	vadd.f32 v17, v13;
	v23 =	vld [tilespmem:s8+$0x20];
	v16 =	vmul.f32 v16, v2  }
0x38f: {  	[tilespmem:s12+$0x4000] =	vst v18;
	v21 =	vcvt.s32.f32 v21;
	v18 =	vadd.f32 v22, v0  }
0x390: {  	[tilespmem:s12+$0x4080] =	vst v17;
	v16 =	vadd.f32 v16, v5  }
0x391: {  	s17 =	simm.s32 $0x4;
	v22 =	vld [tilespmem:s13+$0x10];
	v17 =	vmul.f32 v21, v4;
	[tilespmem:s0+$0x4040] =	vst v18  }
0x392: {  	s20 =	simm.s32 $0x80;
	s4 =	sand.u32 $0x3, s17;
	v18 =	vmul.f32 v21, v7;
	[tilespmem:s0+$0x40C0] =	vst v16  }
0x393: {  	s7 =	sand.u32 $0x3FFFFF80, s20;
	s14 =	sshll.u32 s4, $0xA;
	v16 =	vcvt.s32.f32 v23;
	v21 =	vld [tilespmem:s15+$0x50];
	v17 =	vadd.f32 v17, v3  }
0x394: {  	s14 =	sadd.s32 s7, s14;
	v18 =	vadd.f32 v18, v6  }
0x395: {  	s26 =	simm.s32 $0x2;
	v24 =	vld [tilespmem:s14+$0x0];
	v23 =	vmul.f32 v16, v8;
	[tilespmem:s3+$0x4030] =	vst v17  }
0x396: {  	v25 =	vmov s26;
	v17 =	vmul.f32 v16, v10;
	[tilespmem:s3+$0x40B0] =	vst v18;
	v18 =	vcvt.s32.f32 v22  }
0x397: {  	v16 =	vperm.xlane v20, v25;
	v22 =	vadd.f32 v23, v9;
	v23 =	vld [tilespmem:s5+$0x40]  }
0x398: {  	v26 =	vadd.f32 v17, v11;
	v27 =	vmul.f32 v18, v12;
	v21 =	vcvt.s32.f32 v21  }
0x399: {  	v17 =	vperm.xlane v19, v25;
	[tilespmem:s6+$0x4020] =	vst v22;
	v22 =	vor.u32 $0x1, v25;
	v25 =	vmul.f32 v18, v15  }
0x39a: {  	v24 =	vcvt.s32.f32 v24;
	[tilespmem:s6+$0x40A0] =	vst v26;
	v26 =	vadd.f32 v27, v14;
	v27 =	vmul.f32 v21, v1  }
0x39b: {  	s31 =	simm.s32 $0xA0;
	s30 =	simm.s32 $0x5;
	v18 =	vperm.xlane v19, v22;
	v29 =	vmul.f32 v21, v2;
	v25 =	vadd.f32 v25, v13  }
0x39c: {  	s28 =	simm.s32 $0x400;
	s17 =	sand.u32 $0x3, s30;
	s4 =	sshll.u32 s4, $0x8;
	v30 =	vmul.f32 v24, v17;
	v28 =	vld [tilespmem:s8+$0x30];
	[tilespmem:s12+$0x4010] =	vst v26;
	v23 =	vcvt.s32.f32 v23;
	v26 =	vadd.f32 v27, v0  }
0x39d: {  	s20 =	sshll.u32 s17, $0xA;
	s7 =	sor.u32 s4, s28;
	s4 =	sand.u32 $0x3FFFFF80, s31;
	v21 =	vperm.xlane v20, v22;
	v22 =	vmul.f32 v24, v18;
	v24 =	vadd.f32 v29, v5;
	[tilespmem:s12+$0x4090] =	vst v25  }
0x39e: {  	s4 =	sadd.s32 s4, s20;
	v25 =	vadd.f32 v30, v16;
	v27 =	vld [tilespmem:s13+$0x20];
	v29 =	vmul.f32 v23, v4;
	[tilespmem:s0+$0x4050] =	vst v26  }
0x39f: {  	v31 =	vld [tilespmem:s4+$0x0];
	v22 =	vadd.f32 v22, v21;
	v23 =	vmul.f32 v23, v7;
	[tilespmem:s0+$0x40D0] =	vst v24  }
0x3a0: {  	[tilespmem:s7+$0x4000] =	vst v25;
	v26 =	vld [tilespmem:s15+$0x60];
	v25 =	vadd.f32 v29, v3  }
0x3a1: {  	v24 =	vcvt.s32.f32 v28;
	[tilespmem:s7+$0x4080] =	vst v22;
	v22 =	vadd.f32 v23, v6  }
0x3a2: {  	v28 =	vld [tilespmem:s14+$0x10];
	[tilespmem:s3+$0x4040] =	vst v25  }
0x3a3: {  	v23 =	vmul.f32 v24, v8;
	[tilespmem:s3+$0x40C0] =	vst v22;
	v25 =	vcvt.s32.f32 v27  }
0x3a4: {  	v31 =	vcvt.s32.f32 v31;
	v22 =	vmul.f32 v24, v10;
	v24 =	vld [tilespmem:s5+$0x50]  }
0x3a5: {  	s16 =	simm.s32 $0x2;
	v23 =	vadd.f32 v23, v9;
	v26 =	vcvt.s32.f32 v26;
	v29 =	vmul.f32 v25, v12  }
0x3a6: {  	v27 =	vmov s16;
	v30 =	vadd.f32 v22, v11;
	v25 =	vmul.f32 v25, v15  }
0x3a7: {  	[tilespmem:s6+$0x4030] =	vst v23;
	v32 =	vcvt.s32.f32 v28;
	v28 =	vadd.f32 v29, v14;
	v29 =	vmul.f32 v26, v1  }
0x3a8: {  	v22 =	vperm.xlane v20, v27;
	[tilespmem:s6+$0x40B0] =	vst v30;
	v33 =	vmul.f32 v26, v2;
	v25 =	vadd.f32 v25, v13  }
0x3a9: {  	v34 =	vmul.f32 v32, v17;
	v26 =	vcvt.s32.f32 v24;
	[tilespmem:s12+$0x4020] =	vst v28;
	v24 =	vadd.f32 v29, v0;
	v28 =	vld [tilespmem:s8+$0x40]  }
0x3aa: {  	v23 =	vperm.xlane v19, v27;
	v30 =	vor.u32 $0x1, v27;
	v32 =	vmul.f32 v32, v18;
	[tilespmem:s12+$0x40A0] =	vst v25  }
0x3ab: {  	s26 =	simm.s32 $0x1;
	s16 =	simm.s32 $0x6;
	v25 =	vadd.f32 v33, v5;
	v33 =	vadd.f32 v34, v16;
	v29 =	vld [tilespmem:s13+$0x30];
	v27 =	vmul.f32 v26, v4;
	[tilespmem:s0+$0x4060] =	vst v24  }
.LBB2_13:
0x3ac: {  	v24 =	vperm.xlane v19, v30;
	v32 =	vadd.f32 v32, v21;
	v26 =	vmul.f32 v26, v7  }
0x3ad: {  	p0 =	sne.s32 s16, $0x1F;
	[tilespmem:s0+$0x40E0] =	vst v25;
	v34 =	vmovc v13;
	v13 =	vmovc v21;
	v25 =	vmov v0;
	v0 =	vmov v3;
	v3 =	vmov v9  }
0x3ae: {  	v9 =	vmovc v14;
	v35 =	vmul.f32 v31, v23;
	[tilespmem:s7+$0x4010] =	vst v33;
	v28 =	vcvt.s32.f32 v28;
	v27 =	vadd.f32 v27, v0;
	v33 =	vld [tilespmem:s15+$0x70];
	s15 =	smov.u32 s5;
	s5 =	smov.u32 s8;
	s8 =	smov.u32 s13  }
0x3af: {  	v21 =	vperm.xlane v20, v30;
	s20 =	sshll.u32 s26, $0xC;
	s13 =	smov.u32 s14;
	s14 =	smov.u32 s4;
	v30 =	vmul.f32 v31, v24;
	[tilespmem:s7+$0x4090] =	vst v32;
	v36 =	vadd.f32 v26, v6  }
0x3b0: {  	s17 =	sshll.u32 s17, $0x8;
	v14 =	vmovc v16;
	v16 =	vmov v22;
	s4 =	sshra.s32 s20, $0x2;
	v31 =	vadd.f32 v35, v22;
	v32 =	vld [tilespmem:s13+$0x20];
	v35 =	vmul.f32 v28, v8;
	[tilespmem:s3+$0x4050] =	vst v27  }
0x3b1: {  	s28 =	sor.u32 s17, s4;
	v28 =	vmul.f32 v28, v10;
	v22 =	vadd.f32 v30, v21;
	v27 =	vcvt.s32.f32 v29;
	[tilespmem:s3+$0x40D0] =	vst v36;
	v26 =	vmovc v1  }
0x3b2: {  	v1 =	vmovc v4;
	v4 =	vmovc v8;
	v8 =	vmov v12;
	v12 =	vmov v17;
	[tilespmem:s28+$0x4000] =	vst v31;
	v29 =	vadd.f32 v35, v3;
	v30 =	vld [tilespmem:s15+$0x60]  }
0x3b3: {  	v17 =	vmovc v23;
	v28 =	vadd.f32 v28, v11;
	[tilespmem:s28+$0x4080] =	vst v22;
	v22 =	vmul.f32 v27, v8;
	v31 =	vcvt.s32.f32 v33  }
0x3b4: {  	s26 =	sshrl.u32 s16, $0x2;
	v27 =	vmul.f32 v27, v15;
	v23 =	vld [tilespmem:s14+$0x10];
	[tilespmem:s6+$0x4040] =	vst v29  }
0x3b5: {  	s20 =	sshll.u32 s16, $0x5;
	s17 =	sand.u32 $0x3, s16;
	s4 =	sshll.u32 s26, $0x1;
	v29 =	vcvt.s32.f32 v32;
	v22 =	vadd.f32 v22, v9;
	[tilespmem:s6+$0x40C0] =	vst v28;
	v28 =	vmul.f32 v31, v2;
	v2 =	vmovc v7  }
0x3b6: {  	s20 =	sand.u32 $0x3FFFFF80, s20;
	v32 =	vmov s4;
	s4 =	sshll.u32 s17, $0xA;
	v27 =	vadd.f32 v27, v34;
	v26 =	vmul.f32 v31, v26;
	v7 =	vmovc v10;
	v10 =	vmovc v15;
	v33 =	vld [tilespmem:s5+$0x50]  }
0x3b7: {  	v15 =	vmovc v18;
	s4 =	sadd.s32 s20, s4;
	v31 =	vmul.f32 v29, v12;
	[tilespmem:s12+$0x4030] =	vst v22;
	v30 =	vcvt.s32.f32 v30;
	v5 =	vadd.f32 v28, v5  }
0x3b8: {  	v22 =	vperm.xlane v20, v32;
	v28 =	vmul.f32 v29, v15;
	v25 =	vadd.f32 v26, v25;
	v35 =	vld [tilespmem:s4+$0x0];
	[tilespmem:s12+$0x40B0] =	vst v27  }
.Ltmp6:
0x3b9: {  	v18 =	vmovc v24;
	v27 =	vcvt.s32.f32 v23;
	v26 =	vadd.f32 v31, v14;
	v29 =	vmul.f32 v30, v1;
	[tilespmem:s0+$0x40F0] =	vst v5;
	(pc) =	sbr.rel @p0 .LBB2_13-.Ltmp6, $4  }
0x3ba: {  	v23 =	vperm.xlane v19, v32;
	v24 =	vadd.f32 v28, v13;
	v31 =	vmul.f32 v30, v2;
	v28 =	vld [tilespmem:s8+$0x40];
	[tilespmem:s0+$0x4070] =	vst v25;
	s0 =	smov.u32 s3;
	s3 =	smov.u32 s6;
	s6 =	smov.u32 s12  }
0x3bb: {  	s12 =	smov.u32 s7;
	v36 =	vmul.f32 v27, v17;
	[tilespmem:s7+$0x4020] =	vst v26;
	v26 =	vcvt.s32.f32 v33;
	v37 =	vadd.f32 v29, v0;
	v5 =	vmovc v6;
	s7 =	smov.u32 s28  }
0x3bc: {  	v30 =	vor.u32 $0x1, v32;
	v32 =	vmul.f32 v27, v18;
	v6 =	vmovc v11;
	[tilespmem:s12+$0x40A0] =	vst v24;
	v25 =	vadd.f32 v31, v5  }
0x3bd: {  	s16 =	sadd.s32 $0x1, s16;
	v11 =	vmovc v34;
	v31 =	vcvt.s32.f32 v35;
	v33 =	vadd.f32 v36, v16;
	v29 =	vld [tilespmem:s13+$0x30];
	v27 =	vmul.f32 v26, v4;
	[tilespmem:s0+$0x4060] =	vst v37  }
0x3be: {  	v24 =	vperm.xlane v19, v30  }
0x3bf: {  	v34 =	vmul.f32 v31, v23  }
0x3c0: {  	v19 =	vperm.xlane v20, v30;
	s16 =	sshll.u32 s26, $0xC;
	v35 =	vmul.f32 v31, v24  }
0x3c1: {  	s17 =	sshll.u32 s17, $0x8;
	s16 =	sshra.s32 s16, $0x2;
	v36 =	vadd.f32 v34, v22  }
0x3c2: {  	s17 =	sor.u32 s17, s16;
	v20 =	vadd.f32 v35, v19  }
0x3c3: {  	[tilespmem:s17+$0x4000] =	vst v36  }
0x3c4: {  	[tilespmem:s17+$0x4080] =	vst v20  }
0x3c5: {  	v20 =	vld [tilespmem:s4+$0x10];
	_ =	sdelay $0x4  }
0x3c6: {  	v20 =	vcvt.s32.f32 v20;
	_ =	sdelay $0x1  }
0x3c7: {  	v37 =	vmul.f32 v20, v23  }
0x3c8: {  	v38 =	vadd.f32 v32, v21;
	v20 =	vmul.f32 v20, v24  }
0x3c9: {  	[tilespmem:s7+$0x4010] =	vst v33;
	v30 =	vadd.f32 v37, v22  }
0x3ca: {  	[tilespmem:s7+$0x4090] =	vst v38;
	v20 =	vadd.f32 v20, v19  }
0x3cb: {  	v31 =	vld [tilespmem:s14+$0x20];
	[tilespmem:s17+$0x4010] =	vst v30  }
0x3cc: {  	[tilespmem:s17+$0x4090] =	vst v20  }
0x3cd: {  	v20 =	vld [tilespmem:s4+$0x20];
	_ =	sdelay $0x2  }
0x3ce: {  	v39 =	vcvt.s32.f32 v31;
	_ =	sdelay $0x1  }
0x3cf: {  	v31 =	vmul.f32 v39, v17;
	v20 =	vcvt.s32.f32 v20  }
0x3d0: {  	v30 =	vmul.f32 v39, v18  }
0x3d1: {  	v31 =	vadd.f32 v31, v16;
	v40 =	vmul.f32 v20, v23  }
0x3d2: {  	v30 =	vadd.f32 v30, v21;
	v20 =	vmul.f32 v20, v24  }
0x3d3: {  	[tilespmem:s7+$0x4020] =	vst v31;
	v41 =	vadd.f32 v40, v22  }
0x3d4: {  	[tilespmem:s7+$0x40A0] =	vst v30;
	v20 =	vadd.f32 v20, v19  }
0x3d5: {  	v30 =	vld [tilespmem:s14+$0x30];
	[tilespmem:s17+$0x4020] =	vst v41  }
0x3d6: {  	v29 =	vcvt.s32.f32 v29;
	[tilespmem:s17+$0x40A0] =	vst v20  }
0x3d7: {  	v20 =	vld [tilespmem:s4+$0x30]  }
0x3d8: {  	v42 =	vmul.f32 v29, v12;
	v29 =	vmul.f32 v29, v15;
	_ =	sdelay $0x1  }
0x3d9: {  	v29 =	vadd.f32 v29, v13;
	v30 =	vcvt.s32.f32 v30  }
0x3da: {  	v31 =	vadd.f32 v42, v14  }
0x3db: {  	[tilespmem:s12+$0x40B0] =	vst v29;
	v43 =	vmul.f32 v30, v17;
	v20 =	vcvt.s32.f32 v20  }
0x3dc: {  	[tilespmem:s12+$0x4030] =	vst v31;
	v30 =	vmul.f32 v30, v18  }
0x3dd: {  	v47 =	vld [tilespmem:s13+$0x40];
	v44 =	vadd.f32 v43, v16;
	v45 =	vmul.f32 v20, v23  }
0x3de: {  	v46 =	vadd.f32 v30, v21;
	v20 =	vmul.f32 v20, v24  }
0x3df: {  	v28 =	vcvt.s32.f32 v28;
	[tilespmem:s7+$0x4030] =	vst v44;
	v48 =	vadd.f32 v45, v22  }
0x3e0: {  	[tilespmem:s7+$0x40B0] =	vst v46;
	v20 =	vadd.f32 v20, v19  }
0x3e1: {  	v49 =	vmul.f32 v28, v8;
	v29 =	vld [tilespmem:s14+$0x40];
	[tilespmem:s17+$0x4030] =	vst v48  }
0x3e2: {  	v28 =	vmul.f32 v28, v10;
	v30 =	vcvt.s32.f32 v47;
	[tilespmem:s17+$0x40B0] =	vst v20  }
0x3e3: {  	v20 =	vld [tilespmem:s4+$0x40]  }
0x3e4: {  	v28 =	vadd.f32 v28, v11;
	v50 =	vmul.f32 v30, v12  }
0x3e5: {  	v31 =	vadd.f32 v49, v9;
	v30 =	vmul.f32 v30, v15  }
0x3e6: {  	[tilespmem:s6+$0x40C0] =	vst v28;
	v51 =	vadd.f32 v50, v14;
	v29 =	vcvt.s32.f32 v29  }
0x3e7: {  	[tilespmem:s6+$0x4040] =	vst v31;
	v53 =	vadd.f32 v30, v13  }
0x3e8: {  	v54 =	vld [tilespmem:s8+$0x50];
	[tilespmem:s12+$0x4040] =	vst v51;
	v52 =	vmul.f32 v29, v17;
	v20 =	vcvt.s32.f32 v20  }
0x3e9: {  	[tilespmem:s12+$0x40C0] =	vst v53;
	v29 =	vmul.f32 v29, v18  }
0x3ea: {  	v58 =	vld [tilespmem:s13+$0x50];
	v55 =	vadd.f32 v52, v16;
	v56 =	vmul.f32 v20, v23  }
0x3eb: {  	v57 =	vadd.f32 v29, v21;
	v20 =	vmul.f32 v20, v24  }
0x3ec: {  	[tilespmem:s7+$0x4040] =	vst v55;
	v59 =	vadd.f32 v56, v22  }
0x3ed: {  	v30 =	vcvt.s32.f32 v54;
	[tilespmem:s7+$0x40C0] =	vst v57;
	v20 =	vadd.f32 v20, v19  }
0x3ee: {  	v28 =	vld [tilespmem:s14+$0x50];
	[tilespmem:s17+$0x4040] =	vst v59  }
0x3ef: {  	v62 =	vmul.f32 v30, v8;
	v29 =	vcvt.s32.f32 v58;
	[tilespmem:s17+$0x40C0] =	vst v20  }
0x3f0: {  	v30 =	vmul.f32 v30, v10;
	v61 =	vld [tilespmem:s4+$0x50]  }
0x3f1: {  	v63 =	vadd.f32 v62, v9;
	v33 =	vmul.f32 v29, v12  }
0x3f2: {  	v34 =	vadd.f32 v30, v11;
	v29 =	vmul.f32 v29, v15  }
0x3f3: {  	[tilespmem:s6+$0x4050] =	vst v63;
	v36 =	vadd.f32 v33, v14;
	v28 =	vcvt.s32.f32 v28  }
0x3f4: {  	v60 =	vmul.f32 v26, v7;
	[tilespmem:s6+$0x40D0] =	vst v34;
	v38 =	vadd.f32 v29, v13  }
0x3f5: {  	v27 =	vadd.f32 v27, v3;
	v39 =	vld [tilespmem:s8+$0x60];
	[tilespmem:s12+$0x4050] =	vst v36;
	v37 =	vmul.f32 v28, v17;
	v26 =	vcvt.s32.f32 v61  }
0x3f6: {  	[tilespmem:s12+$0x40D0] =	vst v38;
	v20 =	vadd.f32 v60, v6;
	v28 =	vmul.f32 v28, v18  }
0x3f7: {  	[tilespmem:s3+$0x4050] =	vst v27;
	v43 =	vld [tilespmem:s13+$0x60];
	v40 =	vadd.f32 v37, v16;
	v41 =	vmul.f32 v26, v23  }
0x3f8: {  	[tilespmem:s3+$0x40D0] =	vst v20;
	v42 =	vadd.f32 v28, v21;
	v26 =	vmul.f32 v26, v24  }
0x3f9: {  	v35 =	vld [tilespmem:s5+$0x60];
	[tilespmem:s7+$0x4050] =	vst v40;
	v44 =	vadd.f32 v41, v22  }
0x3fa: {  	v29 =	vcvt.s32.f32 v39;
	[tilespmem:s7+$0x40D0] =	vst v42;
	v45 =	vadd.f32 v26, v19  }
0x3fb: {  	v46 =	vld [tilespmem:s14+$0x60];
	[tilespmem:s17+$0x4050] =	vst v44  }
0x3fc: {  	v50 =	vmul.f32 v29, v8;
	v28 =	vcvt.s32.f32 v43;
	[tilespmem:s17+$0x40D0] =	vst v45  }
0x3fd: {  	v51 =	vmul.f32 v29, v10;
	v49 =	vld [tilespmem:s4+$0x60]  }
0x3fe: {  	v53 =	vadd.f32 v50, v9;
	v54 =	vmul.f32 v28, v12;
	v30 =	vcvt.s32.f32 v35  }
0x3ff: {  	[tilespmem:s0+$0x40E0] =	vst v25;
	v55 =	vadd.f32 v51, v11;
	v56 =	vmul.f32 v28, v15  }
0x400: {  	v52 =	vld [tilespmem:s15+$0x70];
	[tilespmem:s6+$0x4060] =	vst v53;
	v58 =	vadd.f32 v54, v14;
	v47 =	vmul.f32 v30, v4;
	v26 =	vcvt.s32.f32 v46  }
0x401: {  	[tilespmem:s6+$0x40E0] =	vst v55;
	v60 =	vadd.f32 v56, v13;
	v48 =	vmul.f32 v30, v7  }
0x402: {  	v62 =	vld [tilespmem:s8+$0x70];
	[tilespmem:s12+$0x4060] =	vst v58;
	v27 =	vadd.f32 v47, v3;
	v59 =	vmul.f32 v26, v17;
	v30 =	vcvt.s32.f32 v49  }
0x403: {  	[tilespmem:s12+$0x40E0] =	vst v60;
	v20 =	vadd.f32 v48, v6;
	v61 =	vmul.f32 v26, v18  }
0x404: {  	v36 =	vld [tilespmem:s13+$0x70];
	[tilespmem:s3+$0x4060] =	vst v27;
	v63 =	vadd.f32 v59, v16;
	v33 =	vmul.f32 v30, v23  }
0x405: {  	v29 =	vcvt.s32.f32 v52;
	[tilespmem:s3+$0x40E0] =	vst v20;
	v34 =	vadd.f32 v61, v21;
	v35 =	vmul.f32 v30, v24  }
0x406: {  	v57 =	vld [tilespmem:s5+$0x70];
	[tilespmem:s7+$0x4060] =	vst v63;
	v37 =	vadd.f32 v33, v22  }
0x407: {  	v2 =	vmul.f32 v29, v2;
	v41 =	vcvt.s32.f32 v62;
	[tilespmem:s7+$0x40E0] =	vst v34;
	v38 =	vadd.f32 v35, v19  }
0x408: {  	v1 =	vmul.f32 v29, v1;
	v39 =	vld [tilespmem:s14+$0x70];
	[tilespmem:s17+$0x4060] =	vst v37  }
0x409: {  	v2 =	vadd.f32 v2, v5;
	v48 =	vmul.f32 v41, v8;
	v46 =	vcvt.s32.f32 v36;
	[tilespmem:s17+$0x40E0] =	vst v38  }
0x40a: {  	v0 =	vadd.f32 v1, v0;
	v45 =	vmul.f32 v41, v10;
	v43 =	vld [tilespmem:s4+$0x70]  }
0x40b: {  	[tilespmem:s0+$0x40F0] =	vst v2;
	v52 =	vadd.f32 v48, v9;
	v50 =	vmul.f32 v46, v15;
	v28 =	vcvt.s32.f32 v57  }
0x40c: {  	[tilespmem:s0+$0x4070] =	vst v0;
	v53 =	vmul.f32 v46, v12;
	v49 =	vadd.f32 v45, v11  }
0x40d: {  	[tilespmem:s6+$0x4070] =	vst v52;
	v54 =	vadd.f32 v50, v13;
	v40 =	vmul.f32 v28, v7;
	v51 =	vcvt.s32.f32 v39  }
0x40e: {  	v56 =	vadd.f32 v53, v14;
	[tilespmem:s6+$0x40F0] =	vst v49;
	v42 =	vmul.f32 v28, v4  }
0x40f: {  	[tilespmem:s12+$0x40F0] =	vst v54;
	v44 =	vadd.f32 v40, v6;
	v55 =	vmul.f32 v51, v18;
	v4 =	vcvt.s32.f32 v43  }
0x410: {  	[tilespmem:s12+$0x4070] =	vst v56;
	v47 =	vadd.f32 v42, v3;
	v57 =	vmul.f32 v51, v17  }
0x411: {  	[tilespmem:s3+$0x40F0] =	vst v44;
	v58 =	vadd.f32 v55, v21;
	v59 =	vmul.f32 v4, v24  }
0x412: {  	[tilespmem:s3+$0x4070] =	vst v47;
	v60 =	vadd.f32 v57, v16;
	v61 =	vmul.f32 v4, v23  }
0x413: {  	[tilespmem:s7+$0x40F0] =	vst v58;
	v62 =	vadd.f32 v59, v19  }
0x414: {  	[tilespmem:s7+$0x4070] =	vst v60;
	v63 =	vadd.f32 v61, v22  }
0x415: {  	[tilespmem:s17+$0x40F0] =	vst v62  }
0x416: {  	[tilespmem:s17+$0x4070] =	vst v63  }
0x417: {  	s28 =	simm.s32 $0x4;
	s0 =	rddreg [dreg:$0x9]  }
0x418: {  	[hbm4b:s0+s22] =	stream.strided.scatter [tilespmem:s24], [sflag:$0x3], $0x2000, s23, s22, $0x38;
	[tilespmem:$0xD000] =	vst v63  }
0x419: {  	_ =	swait.ge [sflag:s28], $0x4000  }
0x41a: {  	[sflag:s28] =	ssyncset.done $0x0  }
0x41b: {  	[sflag:s28] =	ssyncadd.s32 $0xFFFFC000  }
0x41c: {  	_ =	swait.ge [sflag:s29], $0x2000  }
0x41d: {  	s30 =	rddreg [dreg:$0xb]  }
0x41e: {  	s31 =	rddreg [dreg:$0xa];
	s3 =	sadd.s32 $0x1, s30  }
0x41f: {  	p0 =	sne.s32 s3, s31  }
.Ltmp7:
0x420: {  	_ = 	snop;
	(pc) =	sbr.rel @p0 .LBB2_1-.Ltmp7, $3  }
0x421: {  	_ =	sdelay $0x1  }
0x422: {  	[sflag:s29] =	ssyncset.done $0x0  }
0x423: {  	[sflag:s29] =	ssyncadd.s32 $0xFFFFE000  }
0x424: {  	_ =	sfence.sel $0x180000  }
0x425: {  	[bflag:$0x0] =	sbarrier.arrive $0xFFFF  }
0x426: {  	_ =	strace $0x90000047  }
0x427: {  	s0 =	stileid.u32;
	[bflag:$0x2] =	sbarrier.arrive $0xFFFF  }
0x428: {  	p0 =	sne.s32 s0, $0x0;
	s0 =	rddreg [dreg:$0x3]  }
0x429: {  	s0 =	sadd.s32 @!p0 $0x100000, s0  }
0x42a: {  	[sflag:s0] =	ssyncadd.tile.s32 @!p0 $0x1;
	_ =	shalt  }
.Lfunc_end2:
_tile_overlayer_lowered:
.L_overlay_start_2:
0x42b: {  	(tag) =	ssettag $0x2  }
0x42c: {  	s0 =	rddreg [dreg:$0x0];
	s2 =	stileid.u32  }
0x42d: {  	s1 =	rddreg [dreg:$0x1];
	p0 =	sne.s32 s2, $0x0  }
0x42e: {  	s3 =	rddreg [dreg:$0x2];
	[bflag:$0x3] =	sbarrier.arrive $0xFFFF;
	s2 =	simm.s32 @!p0 $0x1C05  }
0x42f: {  	[timem:s3], [sflag:s2] =	dma.local @!p0 [hbm:s0], s1  }
0x430: {  	s0 =	simm.s32 @!p0 $0x5  }
0x431: {  	_ =	swait.ge @!p0 [sflag:s0], s1  }
0x432: {  	s1 =	ssub.s32 @!p0 $0x0, s1;
	[sflag:s0] =	ssyncset.done @!p0 $0x0  }
0x433: {  	[sflag:s0] =	ssyncadd.s32 @!p0 s1  }
0x434: {  	[bflag:$0x3] =	sbarrier.arrive $0xFFFF  }
0x435: {  	_ =	shalt  }

</sc_bundles>
